<compile_context>
chip_gen: v7x
topology: tpu7x:2x2x1
jax: 0.10.2.dev20260603
libtpu: 0.0.44.dev20260713+nightly
codegen_flags: <defaults>
</compile_context>

<pallas_src>
import functools

import jax
import jax.numpy as jnp
from jax import lax
from jax.experimental import pallas as pl
from jax.experimental.pallas import tpu as pltpu
from jax.experimental.pallas import tpu_sc as plsc

TILE = 256
NW = 32
LANES = 16


def _plan_permute_body(ids_hbm, x_hbm, xs_hbm, pos_hbm, te_hbm, nt_hbm,
                       ids_v, pos_v, d0, d1, d2, d3, tok_v, rows_v,
                       tmp16, sem0, sem1, *, n, e_num, t_max, k):
    wid = lax.axis_index("s") * 2 + lax.axis_index("c")
    chunk = n // NW
    nvec = chunk // LANES
    base = wid * chunk

    pltpu.sync_copy(ids_hbm, ids_v)

    lane = lax.iota(jnp.int32, LANES)
    zeros = jnp.zeros((LANES,), jnp.int32)

    def hist_step(v, carry):
        hist, mypre = carry
        ids = ids_v[pl.ds(v * LANES, LANES)]
        mypre = jnp.where(v == wid * nvec, hist, mypre)
        for e in range(e_num):
            cnt = jnp.sum((ids == e).astype(jnp.int32))
            hist = hist + jnp.where(lane == e, cnt, 0)
        return hist, mypre

    hist, mypre = lax.fori_loop(0, n // LANES, hist_step, (zeros, zeros))

    padded = ((hist + (TILE - 1)) // TILE) * TILE
    end = plsc.cumsum(padded)
    off = end - padded
    start = off + mypre

    dscratch = (d0, d1, d2, d3)
    for v in range(nvec):
        ids = ids_v[pl.ds((wid * nvec + v) * LANES, LANES)]
        dest = jnp.zeros((LANES,), jnp.int32)
        for e in range(e_num):
            m = ids == e
            mi = m.astype(jnp.int32)
            rank = plsc.cumsum(mi) - mi
            se = jnp.sum(jnp.where(lane == e, start, 0))
            dest = jnp.where(m, se + rank, dest)
            cnt = jnp.sum(mi)
            start = start + jnp.where(lane == e, cnt, 0)
        gi = base + v * LANES + lane
        lidx = (gi % 2) * (chunk // 2) + (gi // 2 - wid * (chunk // 2))
        plsc.store_scatter(pos_v, [lidx], dest)
        dscratch[v // 2][pl.ds((v % 2) * LANES, LANES)] = dest

    pltpu.sync_copy(pos_v.at[pl.ds(0, chunk // 2)],
                    pos_hbm.at[0, pl.ds(wid * (chunk // 2), chunk // 2)])
    pltpu.sync_copy(pos_v.at[pl.ds(chunk // 2, chunk // 2)],
                    pos_hbm.at[1, pl.ds(wid * (chunk // 2), chunk // 2)])

    @pl.when(wid == 0)
    def _():
        nt = jnp.sum(jnp.where(lane == e_num - 1, end, 0)) // TILE
        nt_hbm_v = jnp.full((LANES,), nt, jnp.int32)
        tmp16[...] = nt_hbm_v
        pltpu.sync_copy(tmp16, nt_hbm)
        for tv in range(t_max // LANES + (1 if t_max % LANES else 0)):
            t = lane + tv * LANES
            acc = jnp.zeros((LANES,), jnp.int32)
            for e in range(e_num):
                se = jnp.sum(jnp.where(lane == e, end, 0))
                acc = acc + (t * TILE >= se).astype(jnp.int32)
            acc = jnp.minimum(acc, e_num - 1)
            tmp16[...] = acc
            pltpu.sync_copy(tmp16, te_hbm.at[pl.ds(tv * LANES, LANES)])

    rows_per_chunk = 32
    for c in range(chunk // rows_per_chunk):
        for v in range(2):
            gi = base + c * rows_per_chunk + v * LANES + lane
            tok_v[pl.ds(v * LANES, LANES)] = gi // k
        pltpu.async_copy(x_hbm.at[tok_v], rows_v, sem0).wait()
        pltpu.async_copy(rows_v, xs_hbm.at[dscratch[c]], sem1).wait()


def _unsort_body(pos_hbm, ys_hbm, yu_hbm, idx_v, rows_v, sem0, *, n):
    wid = lax.axis_index("s") * 2 + lax.axis_index("c")
    ntok = n // NW
    kk = wid // (NW // 2)
    tbase = (wid % (NW // 2)) * ntok
    rows_per_chunk = 32
    for c in range(ntok // rows_per_chunk):
        pltpu.sync_copy(pos_hbm.at[kk, pl.ds(tbase + c * rows_per_chunk,
                                             rows_per_chunk)], idx_v)
        pltpu.async_copy(ys_hbm.at[idx_v], rows_v, sem0).wait()
        pltpu.sync_copy(rows_v, yu_hbm.at[kk, pl.ds(tbase + c * rows_per_chunk,
                                                    rows_per_chunk)])


def _ffn_body(te_ref, nt_ref, xs_ref, g_ref, u_ref, d_ref, ys_ref, dw_ref):
    t = pl.program_id(0)

    @pl.when(t < nt_ref[0])
    def _():
        new_e = jnp.logical_or(t == 0,
                               te_ref[t] != te_ref[jnp.maximum(t - 1, 0)])

        @pl.when(new_e)
        def _cvt():
            dw_ref[...] = d_ref[0].astype(jnp.bfloat16)

        x = xs_ref[...].astype(jnp.bfloat16)
        gw = g_ref[0]
        uw = u_ref[0]
        dw = dw_ref[...]
        g = jax.lax.dot_general(x, gw, (((1,), (1,)), ((), ())),
                                preferred_element_type=jnp.float32)
        u = jax.lax.dot_general(x, uw, (((1,), (1,)), ((), ())),
                                preferred_element_type=jnp.float32)
        h = (g * jax.lax.logistic(g) * u).astype(jnp.bfloat16)
        y = jax.lax.dot_general(h, dw, (((1,), (1,)), ((), ())),
                                preferred_element_type=jnp.float32)
        ys_ref[...] = y


def _combine_body(w_ref, y0_ref, y1_ref, o_ref):
    w = w_ref[...]
    o_ref[...] = w[:, 0:1] * y0_ref[0] + w[:, 1:2] * y1_ref[0]


def kernel(input_tensor, expert_ids, weights, gate_w, up_w, down_w):
    B, H = input_tensor.shape
    E, M, _ = gate_w.shape
    K = expert_ids.shape[1]
    N = B * K
    T_MAX = (N + E * (TILE - 1) + TILE - 1) // TILE
    ROWS = T_MAX * TILE

    g16 = gate_w.astype(jnp.bfloat16)
    u16 = up_w.astype(jnp.bfloat16)
    ids_flat = expert_ids.reshape(-1).astype(jnp.int32)

    mesh = plsc.VectorSubcoreMesh(core_axis_name="c", subcore_axis_name="s")

    plan = pl.kernel(
        functools.partial(_plan_permute_body, n=N, e_num=E, t_max=T_MAX,
                          k=K),
        out_type=(
            jax.ShapeDtypeStruct((ROWS, H), jnp.float32),
            jax.ShapeDtypeStruct((K, B), jnp.int32),
            jax.ShapeDtypeStruct(((T_MAX + LANES - 1) // LANES * LANES,),
                                 jnp.int32),
            jax.ShapeDtypeStruct((LANES,), jnp.int32),
        ),
        mesh=mesh,
        scratch_types=[
            pltpu.VMEM((N,), jnp.int32),
            pltpu.VMEM((N // NW,), jnp.int32),
            pltpu.VMEM((32,), jnp.int32),
            pltpu.VMEM((32,), jnp.int32),
            pltpu.VMEM((32,), jnp.int32),
            pltpu.VMEM((32,), jnp.int32),
            pltpu.VMEM((32,), jnp.int32),
            pltpu.VMEM((32, H), jnp.float32),
            pltpu.VMEM((LANES,), jnp.int32),
            pltpu.SemaphoreType.DMA,
            pltpu.SemaphoreType.DMA,
        ],
        compiler_params=pltpu.CompilerParams(needs_layout_passes=False),
    )
    xs, pos, te, nt = plan(ids_flat, input_tensor)

    grid_spec = pltpu.PrefetchScalarGridSpec(
        num_scalar_prefetch=2,
        grid=(T_MAX,),
        in_specs=[
            pl.BlockSpec((TILE, H),
                         lambda t, te, nt: (jnp.minimum(t, nt[0] - 1), 0)),
            pl.BlockSpec((1, M, H), lambda t, te, nt: (te[t], 0, 0)),
            pl.BlockSpec((1, M, H), lambda t, te, nt: (te[t], 0, 0)),
            pl.BlockSpec((1, H, M), lambda t, te, nt: (te[t], 0, 0)),
        ],
        out_specs=pl.BlockSpec((TILE, H),
                               lambda t, te, nt: (jnp.minimum(t, nt[0] - 1), 0)),
        scratch_shapes=[pltpu.VMEM((H, M), jnp.bfloat16)],
    )
    ys = pl.pallas_call(
        _ffn_body,
        grid_spec=grid_spec,
        out_shape=jax.ShapeDtypeStruct((ROWS, H), jnp.float32),
        compiler_params=pltpu.CompilerParams(vmem_limit_bytes=67108864),
    )(te, nt, xs, g16, u16, down_w)

    unsort = pl.kernel(
        functools.partial(_unsort_body, n=N),
        out_type=jax.ShapeDtypeStruct((K, B, H), jnp.float32),
        mesh=mesh,
        scratch_types=[
            pltpu.VMEM((32,), jnp.int32),
            pltpu.VMEM((32, H), jnp.float32),
            pltpu.SemaphoreType.DMA,
        ],
        compiler_params=pltpu.CompilerParams(needs_layout_passes=False),
    )
    yu = unsort(pos, ys)

    BT = 512
    out = pl.pallas_call(
        _combine_body,
        grid=(B // BT,),
        in_specs=[
            pl.BlockSpec((BT, K), lambda bb: (bb, 0)),
            pl.BlockSpec((1, BT, H), lambda bb: (0, bb, 0)),
            pl.BlockSpec((1, BT, H), lambda bb: (1, bb, 0)),
        ],
        out_specs=pl.BlockSpec((BT, H), lambda bb: (bb, 0)),
        out_shape=jax.ShapeDtypeStruct((B, H), jnp.float32),
    )(weights, yu, yu)
    return out

# --- scband reference (transcript-rebuilt; emitter-appended) ---
"""Pipeline reference for scband-kexperts-cpu-49237505081840 (READ-ONLY COPY).

The authoritative reference and input builder live on the scoring server;
editing this copy changes nothing except your own understanding.
"""

import jax, jax.numpy as jnp
import numpy as np

E = 8       # n_routed_experts
K = 2       # num_experts_per_tok
H = 2048    # hidden_size
M = 1408    # moe_intermediate_size
B = 2048    # tokens (batch=1 * seq_len=2048)


def setup_inputs(seed: int = 0) -> dict:
    key = jax.random.key(seed)
    ks = jax.random.split(key, 6)
    input_tensor = jax.random.normal(ks[0], (B, H), dtype=jnp.float32)
    expert_ids = jax.random.randint(ks[1], (B, K), 0, E, dtype=jnp.int64)
    weights = jax.random.uniform(ks[2], (B, K), dtype=jnp.float32)
    # learned expert parameters (gate_proj, up_proj, down_proj per expert)
    gate_w = jax.random.normal(ks[3], (E, M, H), dtype=jnp.float32) * 0.02
    up_w = jax.random.normal(ks[4], (E, M, H), dtype=jnp.float32) * 0.02
    down_w = jax.random.normal(ks[5], (E, H, M), dtype=jnp.float32) * 0.02
    return {
        "input_tensor": input_tensor,
        "expert_ids": expert_ids,
        "weights": weights,
        "gate_w": gate_w,
        "up_w": up_w,
        "down_w": down_w,
    }


def reference(input_tensor, expert_ids, weights, gate_w, up_w, down_w):
    # Faithful math of the CPU MoE kernel: for each token t and each of its
    # top-k experts e = expert_ids[t, k]:
    #   h = silu(gate_w[e] @ x_t) * (up_w[e] @ x_t)
    #   y_e = down_w[e] @ h
    #   out_t = sum_k weights[t, k] * y_e
    # Implemented densely over all experts, then gathered per (token, k).
    g = jnp.einsum('bh,emh->ebm', input_tensor, gate_w)   # [E, B, M]
    u = jnp.einsum('bh,emh->ebm', input_tensor, up_w)     # [E, B, M]
    h = jax.nn.silu(g) * u                                # [E, B, M]
    out_e = jnp.einsum('ebm,ehm->ebh', h, down_w)         # [E, B, H]
    tok = jnp.arange(input_tensor.shape[0])
    gathered = out_e[expert_ids.T, tok[None, :]]          # [K, B, H] gather
    out = jnp.sum(weights.T[:, :, None] * gathered, axis=0)  # [B, H]
    return out

if __name__ == "__main__":
    import jax
    _d = setup_inputs()
    print(jax.jit(kernel)(*tuple(_d.values())))

</pallas_src>

<mosaic_0001>
#map = affine_map<(d0, d1) -> (0, 0)>
#map1 = affine_map<(d0, d1) -> (0, 0, 0)>
module attributes {stable_mosaic.version = 14 : i64} {
  func.func @_unsort_body(%arg0: i32, %arg1: i32, %arg2: memref<2x2048xi32, #tpu.memory_space<hbm>>, %arg3: memref<6144x2048xf32, #tpu.memory_space<hbm>>, %arg4: memref<2x2048x2048xf32, #tpu.memory_space<hbm>>, %arg5: memref<32xi32, #tpu.memory_space<vmem>>, %arg6: memref<32x2048xf32, #tpu.memory_space<vmem>>, %arg7: memref<!tpu.dma_semaphore, #tpu.memory_space<semaphore_mem>>) attributes {dimension_semantics = [#tpu.dimension_semantics<core_parallel>, #tpu.dimension_semantics<subcore_parallel>], iteration_bounds = array<i64: 2, 16>, scalar_prefetch = 0 : i64, scratch_operands = 3 : i64, tpu.core_type = #tpu.core_type<sc_vector_subcore>, window_params = [{transform_indices = #map}, {transform_indices = #map}, {transform_indices = #map1}]} {
    %mul3A = arith.constant 2 : i32
    %mul3A_0 = arith.muli %arg1, %mul3A : i32
    %add3A = arith.addi %mul3A_0, %arg0 : i32
    %jit3A = arith.constant 16 : i32
    %div3A = arith.divsi %add3A, %jit3A : i32
    %sign3A = arith.constant 0 : i32
    %sign3A_1 = arith.cmpi sgt, %add3A, %sign3A : i32
    %sign3A_2 = arith.extui %sign3A_1 : i1 to i32
    %sign3A_3 = arith.constant 0 : i32
    %sign3A_4 = arith.cmpi slt, %add3A, %sign3A_3 : i32
    %sign3A_5 = arith.extui %sign3A_4 : i1 to i32
    %sign3A_6 = arith.subi %sign3A_2, %sign3A_5 : i32
    %sign3A_7 = arith.constant 0 : i32
    %sign3A_8 = arith.cmpi sgt, %jit3A, %sign3A_7 : i32
    %sign3A_9 = arith.extui %sign3A_8 : i1 to i32
    %sign3A_10 = arith.constant 0 : i32
    %sign3A_11 = arith.cmpi slt, %jit3A, %sign3A_10 : i32
    %sign3A_12 = arith.extui %sign3A_11 : i1 to i32
    %sign3A_13 = arith.subi %sign3A_9, %sign3A_12 : i32
    %ne3A = arith.cmpi ne, %sign3A_6, %sign3A_13 : i32
    %rem3A = arith.remsi %add3A, %jit3A : i32
    %ne3A_14 = arith.constant 0 : i32
    %ne3A_15 = arith.cmpi ne, %rem3A, %ne3A_14 : i32
    %and3A = arith.andi %ne3A, %ne3A_15 : i1
    %sub3A = arith.constant 1 : i32
    %sub3A_16 = arith.subi %div3A, %sub3A : i32
    %select_n3A = arith.select %and3A, %sub3A_16, %div3A : i32
    %jit3A_17 = arith.constant 16 : i32
    %eq3A = arith.constant 0 : i32
    %eq3A_18 = arith.cmpi eq, %jit3A_17, %eq3A : i32
    %jit3A_19 = arith.constant 1 : i32
    %select_n3A_20 = arith.select %eq3A_18, %jit3A_19, %jit3A_17 : i32
    %rem3A_21 = arith.remsi %add3A, %select_n3A_20 : i32
    %ne3A_22 = arith.constant 0 : i32
    %ne3A_23 = arith.cmpi ne, %rem3A_21, %ne3A_22 : i32
    %lt3A = arith.constant 0 : i32
    %lt3A_24 = arith.cmpi slt, %rem3A_21, %lt3A : i32
    %lt3A_25 = arith.constant 0 : i32
    %lt3A_26 = arith.cmpi slt, %select_n3A_20, %lt3A_25 : i32
    %ne3A_27 = arith.xori %lt3A_24, %lt3A_26 : i1
    %and3A_28 = arith.andi %ne3A_27, %ne3A_23 : i1
    %add3A_29 = arith.addi %rem3A_21, %select_n3A_20 : i32
    %select_n3A_30 = arith.select %and3A_28, %add3A_29, %rem3A_21 : i32
    %mul3A_31 = arith.constant 128 : i32
    %mul3A_32 = arith.muli %select_n3A_30, %mul3A_31 : i32
    %add3A_33 = arith.constant 0 : i32
    %add3A_34 = arith.addi %mul3A_32, %add3A_33 : i32
    "tpu.region"() ({
      %run_scoped3A = tpu.sem_alloc : memref<!tpu.dma_semaphore, #tpu.memory_space<semaphore_mem>>
      %dma_start3A_71 = tpu.memref_slice %arg2[%select_n3A, %add3A_34] : memref<2x2048xi32, #tpu.memory_space<hbm>> -> memref<1x32xi32, #tpu.memory_space<hbm>>
      %dma_start3A_72 = tpu.memref_squeeze %dma_start3A_71 : memref<1x32xi32, #tpu.memory_space<hbm>> -> memref<32xi32, #tpu.memory_space<hbm>>
      %dma_start3A_73 = tpu.memref_slice %arg2[%select_n3A, %add3A_34] : memref<2x2048xi32, #tpu.memory_space<hbm>> -> memref<1x32xi32, #tpu.memory_space<hbm>>
      %dma_start3A_74 = tpu.memref_squeeze %dma_start3A_73 : memref<1x32xi32, #tpu.memory_space<hbm>> -> memref<32xi32, #tpu.memory_space<hbm>>
      tpu.enqueue_dma source(%dma_start3A_74 : memref<32xi32, #tpu.memory_space<hbm>>) target(%arg5 : memref<32xi32, #tpu.memory_space<vmem>>) target_semaphore(%run_scoped3A : memref<!tpu.dma_semaphore, #tpu.memory_space<semaphore_mem>>)
      %dma_wait3A_75 = tpu.memref_slice %arg2[%select_n3A, %add3A_34] : memref<2x2048xi32, #tpu.memory_space<hbm>> -> memref<1x32xi32, #tpu.memory_space<hbm>>
      %dma_wait3A_76 = tpu.memref_squeeze %dma_wait3A_75 : memref<1x32xi32, #tpu.memory_space<hbm>> -> memref<32xi32, #tpu.memory_space<hbm>>
      %dma_wait3A_77 = tpu.memref_slice %arg2[%select_n3A, %add3A_34] : memref<2x2048xi32, #tpu.memory_space<hbm>> -> memref<1x32xi32, #tpu.memory_space<hbm>>
      %dma_wait3A_78 = tpu.memref_squeeze %dma_wait3A_77 : memref<1x32xi32, #tpu.memory_space<hbm>> -> memref<32xi32, #tpu.memory_space<hbm>>
      tpu.wait_dma2 semaphore(%run_scoped3A : memref<!tpu.dma_semaphore, #tpu.memory_space<semaphore_mem>>) src(%dma_wait3A_78 : memref<32xi32, #tpu.memory_space<hbm>>) dst(%arg5 : memref<32xi32, #tpu.memory_space<vmem>>)
      tpu.yield
    }) : () -> ()
    %dma_start3A = arith.constant 0 : i32
    %dma_start3A_35 = arith.constant 0 : i32
    %dma_start3A_36 = tpu.memref_slice %arg3[%dma_start3A, %dma_start3A_35] : memref<6144x2048xf32, #tpu.memory_space<hbm>> -> memref<6144x2048xf32, #tpu.memory_space<hbm>>
    tpu.enqueue_indirect_dma source(%dma_start3A_36 : memref<6144x2048xf32, #tpu.memory_space<hbm>>) target(%arg6 : memref<32x2048xf32, #tpu.memory_space<vmem>>) offsets(%arg5 : memref<32xi32, #tpu.memory_space<vmem>>) semaphore(%arg7 : memref<!tpu.dma_semaphore, #tpu.memory_space<semaphore_mem>>)
    %dma_wait3A = arith.constant 0 : i32
    %dma_wait3A_37 = arith.constant 0 : i32
    %dma_wait3A_38 = tpu.memref_slice %arg3[%dma_wait3A, %dma_wait3A_37] : memref<6144x2048xf32, #tpu.memory_space<hbm>> -> memref<6144x2048xf32, #tpu.memory_space<hbm>>
    tpu.wait_indirect_dma semaphore(%arg7 : memref<!tpu.dma_semaphore, #tpu.memory_space<semaphore_mem>>) src(%dma_wait3A_38 : memref<6144x2048xf32, #tpu.memory_space<hbm>>) dst(%arg6 : memref<32x2048xf32, #tpu.memory_space<vmem>>)
    %add3A_39 = arith.constant 0 : i32
    %add3A_40 = arith.addi %mul3A_32, %add3A_39 : i32
    "tpu.region"() ({
      %run_scoped3A = tpu.sem_alloc : memref<!tpu.dma_semaphore, #tpu.memory_space<semaphore_mem>>
      %dma_start3A_71 = arith.constant 0 : i32
      %dma_start3A_72 = tpu.memref_slice %arg4[%select_n3A, %add3A_40, %dma_start3A_71] : memref<2x2048x2048xf32, #tpu.memory_space<hbm>> -> memref<1x32x2048xf32, #tpu.memory_space<hbm>>
      %dma_start3A_73 = tpu.memref_squeeze %dma_start3A_72 : memref<1x32x2048xf32, #tpu.memory_space<hbm>> -> memref<32x2048xf32, #tpu.memory_space<hbm>>
      %dma_start3A_74 = arith.constant 0 : i32
      %dma_start3A_75 = tpu.memref_slice %arg4[%select_n3A, %add3A_40, %dma_start3A_74] : memref<2x2048x2048xf32, #tpu.memory_space<hbm>> -> memref<1x32x2048xf32, #tpu.memory_space<hbm>>
      %dma_start3A_76 = tpu.memref_squeeze %dma_start3A_75 : memref<1x32x2048xf32, #tpu.memory_space<hbm>> -> memref<32x2048xf32, #tpu.memory_space<hbm>>
      tpu.enqueue_dma source(%arg6 : memref<32x2048xf32, #tpu.memory_space<vmem>>) target(%dma_start3A_76 : memref<32x2048xf32, #tpu.memory_space<hbm>>) target_semaphore(%run_scoped3A : memref<!tpu.dma_semaphore, #tpu.memory_space<semaphore_mem>>)
      %dma_wait3A_77 = arith.constant 0 : i32
      %dma_wait3A_78 = tpu.memref_slice %arg4[%select_n3A, %add3A_40, %dma_wait3A_77] : memref<2x2048x2048xf32, #tpu.memory_space<hbm>> -> memref<1x32x2048xf32, #tpu.memory_space<hbm>>
      %dma_wait3A_79 = tpu.memref_squeeze %dma_wait3A_78 : memref<1x32x2048xf32, #tpu.memory_space<hbm>> -> memref<32x2048xf32, #tpu.memory_space<hbm>>
      %dma_wait3A_80 = arith.constant 0 : i32
      %dma_wait3A_81 = tpu.memref_slice %arg4[%select_n3A, %add3A_40, %dma_wait3A_80] : memref<2x2048x2048xf32, #tpu.memory_space<hbm>> -> memref<1x32x2048xf32, #tpu.memory_space<hbm>>
      %dma_wait3A_82 = tpu.memref_squeeze %dma_wait3A_81 : memref<1x32x2048xf32, #tpu.memory_space<hbm>> -> memref<32x2048xf32, #tpu.memory_space<hbm>>
      tpu.wait_dma2 semaphore(%run_scoped3A : memref<!tpu.dma_semaphore, #tpu.memory_space<semaphore_mem>>) src(%arg6 : memref<32x2048xf32, #tpu.memory_space<vmem>>) dst(%dma_wait3A_82 : memref<32x2048xf32, #tpu.memory_space<hbm>>)
      tpu.yield
    }) : () -> ()
    %add3A_41 = arith.constant 32 : i32
    %add3A_42 = arith.addi %mul3A_32, %add3A_41 : i32
    "tpu.region"() ({
      %run_scoped3A = tpu.sem_alloc : memref<!tpu.dma_semaphore, #tpu.memory_space<semaphore_mem>>
      %dma_start3A_71 = tpu.memref_slice %arg2[%select_n3A, %add3A_42] : memref<2x2048xi32, #tpu.memory_space<hbm>> -> memref<1x32xi32, #tpu.memory_space<hbm>>
      %dma_start3A_72 = tpu.memref_squeeze %dma_start3A_71 : memref<1x32xi32, #tpu.memory_space<hbm>> -> memref<32xi32, #tpu.memory_space<hbm>>
      %dma_start3A_73 = tpu.memref_slice %arg2[%select_n3A, %add3A_42] : memref<2x2048xi32, #tpu.memory_space<hbm>> -> memref<1x32xi32, #tpu.memory_space<hbm>>
      %dma_start3A_74 = tpu.memref_squeeze %dma_start3A_73 : memref<1x32xi32, #tpu.memory_space<hbm>> -> memref<32xi32, #tpu.memory_space<hbm>>
      tpu.enqueue_dma source(%dma_start3A_74 : memref<32xi32, #tpu.memory_space<hbm>>) target(%arg5 : memref<32xi32, #tpu.memory_space<vmem>>) target_semaphore(%run_scoped3A : memref<!tpu.dma_semaphore, #tpu.memory_space<semaphore_mem>>)
      %dma_wait3A_75 = tpu.memref_slice %arg2[%select_n3A, %add3A_42] : memref<2x2048xi32, #tpu.memory_space<hbm>> -> memref<1x32xi32, #tpu.memory_space<hbm>>
      %dma_wait3A_76 = tpu.memref_squeeze %dma_wait3A_75 : memref<1x32xi32, #tpu.memory_space<hbm>> -> memref<32xi32, #tpu.memory_space<hbm>>
      %dma_wait3A_77 = tpu.memref_slice %arg2[%select_n3A, %add3A_42] : memref<2x2048xi32, #tpu.memory_space<hbm>> -> memref<1x32xi32, #tpu.memory_space<hbm>>
      %dma_wait3A_78 = tpu.memref_squeeze %dma_wait3A_77 : memref<1x32xi32, #tpu.memory_space<hbm>> -> memref<32xi32, #tpu.memory_space<hbm>>
      tpu.wait_dma2 semaphore(%run_scoped3A : memref<!tpu.dma_semaphore, #tpu.memory_space<semaphore_mem>>) src(%dma_wait3A_78 : memref<32xi32, #tpu.memory_space<hbm>>) dst(%arg5 : memref<32xi32, #tpu.memory_space<vmem>>)
      tpu.yield
    }) : () -> ()
    %dma_start3A_43 = arith.constant 0 : i32
    %dma_start3A_44 = arith.constant 0 : i32
    %dma_start3A_45 = tpu.memref_slice %arg3[%dma_start3A_43, %dma_start3A_44] : memref<6144x2048xf32, #tpu.memory_space<hbm>> -> memref<6144x2048xf32, #tpu.memory_space<hbm>>
    tpu.enqueue_indirect_dma source(%dma_start3A_45 : memref<6144x2048xf32, #tpu.memory_space<hbm>>) target(%arg6 : memref<32x2048xf32, #tpu.memory_space<vmem>>) offsets(%arg5 : memref<32xi32, #tpu.memory_space<vmem>>) semaphore(%arg7 : memref<!tpu.dma_semaphore, #tpu.memory_space<semaphore_mem>>)
    %dma_wait3A_46 = arith.constant 0 : i32
    %dma_wait3A_47 = arith.constant 0 : i32
    %dma_wait3A_48 = tpu.memref_slice %arg3[%dma_wait3A_46, %dma_wait3A_47] : memref<6144x2048xf32, #tpu.memory_space<hbm>> -> memref<6144x2048xf32, #tpu.memory_space<hbm>>
    tpu.wait_indirect_dma semaphore(%arg7 : memref<!tpu.dma_semaphore, #tpu.memory_space<semaphore_mem>>) src(%dma_wait3A_48 : memref<6144x2048xf32, #tpu.memory_space<hbm>>) dst(%arg6 : memref<32x2048xf32, #tpu.memory_space<vmem>>)
    %add3A_49 = arith.constant 32 : i32
    %add3A_50 = arith.addi %mul3A_32, %add3A_49 : i32
    "tpu.region"() ({
      %run_scoped3A = tpu.sem_alloc : memref<!tpu.dma_semaphore, #tpu.memory_space<semaphore_mem>>
      %dma_start3A_71 = arith.constant 0 : i32
      %dma_start3A_72 = tpu.memref_slice %arg4[%select_n3A, %add3A_50, %dma_start3A_71] : memref<2x2048x2048xf32, #tpu.memory_space<hbm>> -> memref<1x32x2048xf32, #tpu.memory_space<hbm>>
      %dma_start3A_73 = tpu.memref_squeeze %dma_start3A_72 : memref<1x32x2048xf32, #tpu.memory_space<hbm>> -> memref<32x2048xf32, #tpu.memory_space<hbm>>
      %dma_start3A_74 = arith.constant 0 : i32
      %dma_start3A_75 = tpu.memref_slice %arg4[%select_n3A, %add3A_50, %dma_start3A_74] : memref<2x2048x2048xf32, #tpu.memory_space<hbm>> -> memref<1x32x2048xf32, #tpu.memory_space<hbm>>
      %dma_start3A_76 = tpu.memref_squeeze %dma_start3A_75 : memref<1x32x2048xf32, #tpu.memory_space<hbm>> -> memref<32x2048xf32, #tpu.memory_space<hbm>>
      tpu.enqueue_dma source(%arg6 : memref<32x2048xf32, #tpu.memory_space<vmem>>) target(%dma_start3A_76 : memref<32x2048xf32, #tpu.memory_space<hbm>>) target_semaphore(%run_scoped3A : memref<!tpu.dma_semaphore, #tpu.memory_space<semaphore_mem>>)
      %dma_wait3A_77 = arith.constant 0 : i32
      %dma_wait3A_78 = tpu.memref_slice %arg4[%select_n3A, %add3A_50, %dma_wait3A_77] : memref<2x2048x2048xf32, #tpu.memory_space<hbm>> -> memref<1x32x2048xf32, #tpu.memory_space<hbm>>
      %dma_wait3A_79 = tpu.memref_squeeze %dma_wait3A_78 : memref<1x32x2048xf32, #tpu.memory_space<hbm>> -> memref<32x2048xf32, #tpu.memory_space<hbm>>
      %dma_wait3A_80 = arith.constant 0 : i32
      %dma_wait3A_81 = tpu.memref_slice %arg4[%select_n3A, %add3A_50, %dma_wait3A_80] : memref<2x2048x2048xf32, #tpu.memory_space<hbm>> -> memref<1x32x2048xf32, #tpu.memory_space<hbm>>
      %dma_wait3A_82 = tpu.memref_squeeze %dma_wait3A_81 : memref<1x32x2048xf32, #tpu.memory_space<hbm>> -> memref<32x2048xf32, #tpu.memory_space<hbm>>
      tpu.wait_dma2 semaphore(%run_scoped3A : memref<!tpu.dma_semaphore, #tpu.memory_space<semaphore_mem>>) src(%arg6 : memref<32x2048xf32, #tpu.memory_space<vmem>>) dst(%dma_wait3A_82 : memref<32x2048xf32, #tpu.memory_space<hbm>>)
      tpu.yield
    }) : () -> ()
    %add3A_51 = arith.constant 64 : i32
    %add3A_52 = arith.addi %mul3A_32, %add3A_51 : i32
    "tpu.region"() ({
      %run_scoped3A = tpu.sem_alloc : memref<!tpu.dma_semaphore, #tpu.memory_space<semaphore_mem>>
      %dma_start3A_71 = tpu.memref_slice %arg2[%select_n3A, %add3A_52] : memref<2x2048xi32, #tpu.memory_space<hbm>> -> memref<1x32xi32, #tpu.memory_space<hbm>>
      %dma_start3A_72 = tpu.memref_squeeze %dma_start3A_71 : memref<1x32xi32, #tpu.memory_space<hbm>> -> memref<32xi32, #tpu.memory_space<hbm>>
      %dma_start3A_73 = tpu.memref_slice %arg2[%select_n3A, %add3A_52] : memref<2x2048xi32, #tpu.memory_space<hbm>> -> memref<1x32xi32, #tpu.memory_space<hbm>>
      %dma_start3A_74 = tpu.memref_squeeze %dma_start3A_73 : memref<1x32xi32, #tpu.memory_space<hbm>> -> memref<32xi32, #tpu.memory_space<hbm>>
      tpu.enqueue_dma source(%dma_start3A_74 : memref<32xi32, #tpu.memory_space<hbm>>) target(%arg5 : memref<32xi32, #tpu.memory_space<vmem>>) target_semaphore(%run_scoped3A : memref<!tpu.dma_semaphore, #tpu.memory_space<semaphore_mem>>)
      %dma_wait3A_75 = tpu.memref_slice %arg2[%select_n3A, %add3A_52] : memref<2x2048xi32, #tpu.memory_space<hbm>> -> memref<1x32xi32, #tpu.memory_space<hbm>>
      %dma_wait3A_76 = tpu.memref_squeeze %dma_wait3A_75 : memref<1x32xi32, #tpu.memory_space<hbm>> -> memref<32xi32, #tpu.memory_space<hbm>>
      %dma_wait3A_77 = tpu.memref_slice %arg2[%select_n3A, %add3A_52] : memref<2x2048xi32, #tpu.memory_space<hbm>> -> memref<1x32xi32, #tpu.memory_space<hbm>>
      %dma_wait3A_78 = tpu.memref_squeeze %dma_wait3A_77 : memref<1x32xi32, #tpu.memory_space<hbm>> -> memref<32xi32, #tpu.memory_space<hbm>>
      tpu.wait_dma2 semaphore(%run_scoped3A : memref<!tpu.dma_semaphore, #tpu.memory_space<semaphore_mem>>) src(%dma_wait3A_78 : memref<32xi32, #tpu.memory_space<hbm>>) dst(%arg5 : memref<32xi32, #tpu.memory_space<vmem>>)
      tpu.yield
    }) : () -> ()
    %dma_start3A_53 = arith.constant 0 : i32
    %dma_start3A_54 = arith.constant 0 : i32
    %dma_start3A_55 = tpu.memref_slice %arg3[%dma_start3A_53, %dma_start3A_54] : memref<6144x2048xf32, #tpu.memory_space<hbm>> -> memref<6144x2048xf32, #tpu.memory_space<hbm>>
    tpu.enqueue_indirect_dma source(%dma_start3A_55 : memref<6144x2048xf32, #tpu.memory_space<hbm>>) target(%arg6 : memref<32x2048xf32, #tpu.memory_space<vmem>>) offsets(%arg5 : memref<32xi32, #tpu.memory_space<vmem>>) semaphore(%arg7 : memref<!tpu.dma_semaphore, #tpu.memory_space<semaphore_mem>>)
    %dma_wait3A_56 = arith.constant 0 : i32
    %dma_wait3A_57 = arith.constant 0 : i32
    %dma_wait3A_58 = tpu.memref_slice %arg3[%dma_wait3A_56, %dma_wait3A_57] : memref<6144x2048xf32, #tpu.memory_space<hbm>> -> memref<6144x2048xf32, #tpu.memory_space<hbm>>
    tpu.wait_indirect_dma semaphore(%arg7 : memref<!tpu.dma_semaphore, #tpu.memory_space<semaphore_mem>>) src(%dma_wait3A_58 : memref<6144x2048xf32, #tpu.memory_space<hbm>>) dst(%arg6 : memref<32x2048xf32, #tpu.memory_space<vmem>>)
    %add3A_59 = arith.constant 64 : i32
    %add3A_60 = arith.addi %mul3A_32, %add3A_59 : i32
    "tpu.region"() ({
      %run_scoped3A = tpu.sem_alloc : memref<!tpu.dma_semaphore, #tpu.memory_space<semaphore_mem>>
      %dma_start3A_71 = arith.constant 0 : i32
      %dma_start3A_72 = tpu.memref_slice %arg4[%select_n3A, %add3A_60, %dma_start3A_71] : memref<2x2048x2048xf32, #tpu.memory_space<hbm>> -> memref<1x32x2048xf32, #tpu.memory_space<hbm>>
      %dma_start3A_73 = tpu.memref_squeeze %dma_start3A_72 : memref<1x32x2048xf32, #tpu.memory_space<hbm>> -> memref<32x2048xf32, #tpu.memory_space<hbm>>
      %dma_start3A_74 = arith.constant 0 : i32
      %dma_start3A_75 = tpu.memref_slice %arg4[%select_n3A, %add3A_60, %dma_start3A_74] : memref<2x2048x2048xf32, #tpu.memory_space<hbm>> -> memref<1x32x2048xf32, #tpu.memory_space<hbm>>
      %dma_start3A_76 = tpu.memref_squeeze %dma_start3A_75 : memref<1x32x2048xf32, #tpu.memory_space<hbm>> -> memref<32x2048xf32, #tpu.memory_space<hbm>>
      tpu.enqueue_dma source(%arg6 : memref<32x2048xf32, #tpu.memory_space<vmem>>) target(%dma_start3A_76 : memref<32x2048xf32, #tpu.memory_space<hbm>>) target_semaphore(%run_scoped3A : memref<!tpu.dma_semaphore, #tpu.memory_space<semaphore_mem>>)
      %dma_wait3A_77 = arith.constant 0 : i32
      %dma_wait3A_78 = tpu.memref_slice %arg4[%select_n3A, %add3A_60, %dma_wait3A_77] : memref<2x2048x2048xf32, #tpu.memory_space<hbm>> -> memref<1x32x2048xf32, #tpu.memory_space<hbm>>
      %dma_wait3A_79 = tpu.memref_squeeze %dma_wait3A_78 : memref<1x32x2048xf32, #tpu.memory_space<hbm>> -> memref<32x2048xf32, #tpu.memory_space<hbm>>
      %dma_wait3A_80 = arith.constant 0 : i32
      %dma_wait3A_81 = tpu.memref_slice %arg4[%select_n3A, %add3A_60, %dma_wait3A_80] : memref<2x2048x2048xf32, #tpu.memory_space<hbm>> -> memref<1x32x2048xf32, #tpu.memory_space<hbm>>
      %dma_wait3A_82 = tpu.memref_squeeze %dma_wait3A_81 : memref<1x32x2048xf32, #tpu.memory_space<hbm>> -> memref<32x2048xf32, #tpu.memory_space<hbm>>
      tpu.wait_dma2 semaphore(%run_scoped3A : memref<!tpu.dma_semaphore, #tpu.memory_space<semaphore_mem>>) src(%arg6 : memref<32x2048xf32, #tpu.memory_space<vmem>>) dst(%dma_wait3A_82 : memref<32x2048xf32, #tpu.memory_space<hbm>>)
      tpu.yield
    }) : () -> ()
    %add3A_61 = arith.constant 96 : i32
    %add3A_62 = arith.addi %mul3A_32, %add3A_61 : i32
    "tpu.region"() ({
      %run_scoped3A = tpu.sem_alloc : memref<!tpu.dma_semaphore, #tpu.memory_space<semaphore_mem>>
      %dma_start3A_71 = tpu.memref_slice %arg2[%select_n3A, %add3A_62] : memref<2x2048xi32, #tpu.memory_space<hbm>> -> memref<1x32xi32, #tpu.memory_space<hbm>>
      %dma_start3A_72 = tpu.memref_squeeze %dma_start3A_71 : memref<1x32xi32, #tpu.memory_space<hbm>> -> memref<32xi32, #tpu.memory_space<hbm>>
      %dma_start3A_73 = tpu.memref_slice %arg2[%select_n3A, %add3A_62] : memref<2x2048xi32, #tpu.memory_space<hbm>> -> memref<1x32xi32, #tpu.memory_space<hbm>>
      %dma_start3A_74 = tpu.memref_squeeze %dma_start3A_73 : memref<1x32xi32, #tpu.memory_space<hbm>> -> memref<32xi32, #tpu.memory_space<hbm>>
      tpu.enqueue_dma source(%dma_start3A_74 : memref<32xi32, #tpu.memory_space<hbm>>) target(%arg5 : memref<32xi32, #tpu.memory_space<vmem>>) target_semaphore(%run_scoped3A : memref<!tpu.dma_semaphore, #tpu.memory_space<semaphore_mem>>)
      %dma_wait3A_75 = tpu.memref_slice %arg2[%select_n3A, %add3A_62] : memref<2x2048xi32, #tpu.memory_space<hbm>> -> memref<1x32xi32, #tpu.memory_space<hbm>>
      %dma_wait3A_76 = tpu.memref_squeeze %dma_wait3A_75 : memref<1x32xi32, #tpu.memory_space<hbm>> -> memref<32xi32, #tpu.memory_space<hbm>>
      %dma_wait3A_77 = tpu.memref_slice %arg2[%select_n3A, %add3A_62] : memref<2x2048xi32, #tpu.memory_space<hbm>> -> memref<1x32xi32, #tpu.memory_space<hbm>>
      %dma_wait3A_78 = tpu.memref_squeeze %dma_wait3A_77 : memref<1x32xi32, #tpu.memory_space<hbm>> -> memref<32xi32, #tpu.memory_space<hbm>>
      tpu.wait_dma2 semaphore(%run_scoped3A : memref<!tpu.dma_semaphore, #tpu.memory_space<semaphore_mem>>) src(%dma_wait3A_78 : memref<32xi32, #tpu.memory_space<hbm>>) dst(%arg5 : memref<32xi32, #tpu.memory_space<vmem>>)
      tpu.yield
    }) : () -> ()
    %dma_start3A_63 = arith.constant 0 : i32
    %dma_start3A_64 = arith.constant 0 : i32
    %dma_start3A_65 = tpu.memref_slice %arg3[%dma_start3A_63, %dma_start3A_64] : memref<6144x2048xf32, #tpu.memory_space<hbm>> -> memref<6144x2048xf32, #tpu.memory_space<hbm>>
    tpu.enqueue_indirect_dma source(%dma_start3A_65 : memref<6144x2048xf32, #tpu.memory_space<hbm>>) target(%arg6 : memref<32x2048xf32, #tpu.memory_space<vmem>>) offsets(%arg5 : memref<32xi32, #tpu.memory_space<vmem>>) semaphore(%arg7 : memref<!tpu.dma_semaphore, #tpu.memory_space<semaphore_mem>>)
    %dma_wait3A_66 = arith.constant 0 : i32
    %dma_wait3A_67 = arith.constant 0 : i32
    %dma_wait3A_68 = tpu.memref_slice %arg3[%dma_wait3A_66, %dma_wait3A_67] : memref<6144x2048xf32, #tpu.memory_space<hbm>> -> memref<6144x2048xf32, #tpu.memory_space<hbm>>
    tpu.wait_indirect_dma semaphore(%arg7 : memref<!tpu.dma_semaphore, #tpu.memory_space<semaphore_mem>>) src(%dma_wait3A_68 : memref<6144x2048xf32, #tpu.memory_space<hbm>>) dst(%arg6 : memref<32x2048xf32, #tpu.memory_space<vmem>>)
    %add3A_69 = arith.constant 96 : i32
    %add3A_70 = arith.addi %mul3A_32, %add3A_69 : i32
    "tpu.region"() ({
      %run_scoped3A = tpu.sem_alloc : memref<!tpu.dma_semaphore, #tpu.memory_space<semaphore_mem>>
      %dma_start3A_71 = arith.constant 0 : i32
      %dma_start3A_72 = tpu.memref_slice %arg4[%select_n3A, %add3A_70, %dma_start3A_71] : memref<2x2048x2048xf32, #tpu.memory_space<hbm>> -> memref<1x32x2048xf32, #tpu.memory_space<hbm>>
      %dma_start3A_73 = tpu.memref_squeeze %dma_start3A_72 : memref<1x32x2048xf32, #tpu.memory_space<hbm>> -> memref<32x2048xf32, #tpu.memory_space<hbm>>
      %dma_start3A_74 = arith.constant 0 : i32
      %dma_start3A_75 = tpu.memref_slice %arg4[%select_n3A, %add3A_70, %dma_start3A_74] : memref<2x2048x2048xf32, #tpu.memory_space<hbm>> -> memref<1x32x2048xf32, #tpu.memory_space<hbm>>
      %dma_start3A_76 = tpu.memref_squeeze %dma_start3A_75 : memref<1x32x2048xf32, #tpu.memory_space<hbm>> -> memref<32x2048xf32, #tpu.memory_space<hbm>>
      tpu.enqueue_dma source(%arg6 : memref<32x2048xf32, #tpu.memory_space<vmem>>) target(%dma_start3A_76 : memref<32x2048xf32, #tpu.memory_space<hbm>>) target_semaphore(%run_scoped3A : memref<!tpu.dma_semaphore, #tpu.memory_space<semaphore_mem>>)
      %dma_wait3A_77 = arith.constant 0 : i32
      %dma_wait3A_78 = tpu.memref_slice %arg4[%select_n3A, %add3A_70, %dma_wait3A_77] : memref<2x2048x2048xf32, #tpu.memory_space<hbm>> -> memref<1x32x2048xf32, #tpu.memory_space<hbm>>
      %dma_wait3A_79 = tpu.memref_squeeze %dma_wait3A_78 : memref<1x32x2048xf32, #tpu.memory_space<hbm>> -> memref<32x2048xf32, #tpu.memory_space<hbm>>
      %dma_wait3A_80 = arith.constant 0 : i32
      %dma_wait3A_81 = tpu.memref_slice %arg4[%select_n3A, %add3A_70, %dma_wait3A_80] : memref<2x2048x2048xf32, #tpu.memory_space<hbm>> -> memref<1x32x2048xf32, #tpu.memory_space<hbm>>
      %dma_wait3A_82 = tpu.memref_squeeze %dma_wait3A_81 : memref<1x32x2048xf32, #tpu.memory_space<hbm>> -> memref<32x2048xf32, #tpu.memory_space<hbm>>
      tpu.wait_dma2 semaphore(%run_scoped3A : memref<!tpu.dma_semaphore, #tpu.memory_space<semaphore_mem>>) src(%arg6 : memref<32x2048xf32, #tpu.memory_space<vmem>>) dst(%dma_wait3A_82 : memref<32x2048xf32, #tpu.memory_space<hbm>>)
      tpu.yield
    }) : () -> ()
    return
  }
}

#map = affine_map<(d0, d1) -> (0)>
#map1 = affine_map<(d0, d1) -> (0, 0)>
module attributes {stable_mosaic.version = 14 : i64} {
  func.func @_plan_permute_body(%arg0: i32, %arg1: i32, %arg2: memref<4096xi32, #tpu.memory_space<hbm>>, %arg3: memref<2048x2048xf32, #tpu.memory_space<hbm>>, %arg4: memref<6144x2048xf32, #tpu.memory_space<hbm>>, %arg5: memref<2x2048xi32, #tpu.memory_space<hbm>>, %arg6: memref<32xi32, #tpu.memory_space<hbm>>, %arg7: memref<16xi32, #tpu.memory_space<hbm>>, %arg8: memref<4096xi32, #tpu.memory_space<vmem>>, %arg9: memref<128xi32, #tpu.memory_space<vmem>>, %arg10: memref<32xi32, #tpu.memory_space<vmem>>, %arg11: memref<32xi32, #tpu.memory_space<vmem>>, %arg12: memref<32xi32, #tpu.memory_space<vmem>>, %arg13: memref<32xi32, #tpu.memory_space<vmem>>, %arg14: memref<32xi32, #tpu.memory_space<vmem>>, %arg15: memref<32x2048xf32, #tpu.memory_space<vmem>>, %arg16: memref<16xi32, #tpu.memory_space<vmem>>, %arg17: memref<!tpu.dma_semaphore, #tpu.memory_space<semaphore_mem>>, %arg18: memref<!tpu.dma_semaphore, #tpu.memory_space<semaphore_mem>>) attributes {dimension_semantics = [#tpu.dimension_semantics<core_parallel>, #tpu.dimension_semantics<subcore_parallel>], iteration_bounds = array<i64: 2, 16>, scalar_prefetch = 0 : i64, scratch_operands = 11 : i64, tpu.core_type = #tpu.core_type<sc_vector_subcore>, window_params = [{transform_indices = #map}, {transform_indices = #map1}, {transform_indices = #map1}, {transform_indices = #map1}, {transform_indices = #map}, {transform_indices = #map}]} {
    %mul3A = arith.constant 2 : i32
    %mul3A_0 = arith.muli %arg1, %mul3A : i32
    %add3A = arith.addi %mul3A_0, %arg0 : i32
    %mul3A_1 = arith.constant 128 : i32
    %mul3A_2 = arith.muli %add3A, %mul3A_1 : i32
    "tpu.region"() ({
      %run_scoped3A_3131 = tpu.sem_alloc : memref<!tpu.dma_semaphore, #tpu.memory_space<semaphore_mem>>
      tpu.enqueue_dma source(%arg2 : memref<4096xi32, #tpu.memory_space<hbm>>) target(%arg8 : memref<4096xi32, #tpu.memory_space<vmem>>) target_semaphore(%run_scoped3A_3131 : memref<!tpu.dma_semaphore, #tpu.memory_space<semaphore_mem>>)
      tpu.wait_dma2 semaphore(%run_scoped3A_3131 : memref<!tpu.dma_semaphore, #tpu.memory_space<semaphore_mem>>) src(%arg2 : memref<4096xi32, #tpu.memory_space<hbm>>) dst(%arg8 : memref<4096xi32, #tpu.memory_space<vmem>>)
      tpu.yield
    }) : () -> ()
    %iota3A = tpu.iota {dimensions = array<i32: 0>} : vector<16xi32>
    %broadcast_in_dim3A = arith.constant 0 : i32
    %broadcast_in_dim3A_3 = vector.broadcast %broadcast_in_dim3A : i32 to vector<16xi32>
    %scan3A = arith.constant 0 : i32
    %scan3A_4 = arith.constant 256 : i32
    %scan3A_5 = arith.addi %scan3A, %scan3A_4 : i32
    %scan3A_6 = arith.constant 1 : i32
    %scan3A_7:2 = scf.for %scan3A_3131 = %scan3A to %scan3A_5 step %scan3A_6 iter_args(%scan3A_3132 = %broadcast_in_dim3A_3, %scan3A_3133 = %broadcast_in_dim3A_3) -> (vector<16xi32>, vector<16xi32>)  : i32 {
      %mul3A_3134 = arith.constant 16 : i32
      %mul3A_3135 = arith.muli %scan3A_3131, %mul3A_3134 : i32
      %get3A_3136 = arith.index_cast %mul3A_3135 : i32 to index
      %get3A_3137 = tpu.vector_load %arg8[%get3A_3136] {strides = array<i32>} : memref<4096xi32, #tpu.memory_space<vmem>>, vector<16xi32>,
      %mul3A_3138 = arith.constant 8 : i32
      %mul3A_3139 = arith.muli %add3A, %mul3A_3138 : i32
      %eq3A_3140 = arith.cmpi eq, %scan3A_3131, %mul3A_3139 : i32
      %select_n3A_3141 = arith.select %eq3A_3140, %scan3A_3132, %scan3A_3133 : vector<16xi32>
      %eq3A_3142 = arith.constant 0 : i32
      %eq3A_3143 = vector.broadcast %eq3A_3142 : i32 to vector<16xi32>
      %eq3A_3144 = arith.cmpi eq, %get3A_3137, %eq3A_3143 : vector<16xi32>
      %convert_element_type3A_3145 = arith.extui %eq3A_3144 : vector<16xi1> to vector<16xi32>
      %reduce_sum3A_3146 = arith.constant true
      %reduce_sum3A_3147 = vector.broadcast %reduce_sum3A_3146 : i1 to vector<16xi1>
      %reduce_sum3A_3148 = tpu.scan <sum>, %convert_element_type3A_3145 masked %reduce_sum3A_3147 : vector<16xi32>, vector<16xi1> -> vector<16xi32>
      %reduce_sum3A_3149 = vector.extract %reduce_sum3A_3148[15] : i32 from vector<16xi32>
      %eq3A_3150 = arith.constant 0 : i32
      %eq3A_3151 = vector.broadcast %eq3A_3150 : i32 to vector<16xi32>
      %eq3A_3152 = arith.cmpi eq, %iota3A, %eq3A_3151 : vector<16xi32>
      %jit3A_3153 = arith.constant 0 : i32
      %broadcast_in_dim3A_3154 = vector.broadcast %reduce_sum3A_3149 : i32 to vector<16xi32>
      %broadcast_in_dim3A_3155 = vector.broadcast %jit3A_3153 : i32 to vector<16xi32>
      %select_n3A_3156 = arith.select %eq3A_3152, %broadcast_in_dim3A_3154, %broadcast_in_dim3A_3155 : vector<16xi1>, vector<16xi32>
      %add3A_3157 = arith.addi %scan3A_3132, %select_n3A_3156 : vector<16xi32>
      %eq3A_3158 = arith.constant 1 : i32
      %eq3A_3159 = vector.broadcast %eq3A_3158 : i32 to vector<16xi32>
      %eq3A_3160 = arith.cmpi eq, %get3A_3137, %eq3A_3159 : vector<16xi32>
      %convert_element_type3A_3161 = arith.extui %eq3A_3160 : vector<16xi1> to vector<16xi32>
      %reduce_sum3A_3162 = arith.constant true
      %reduce_sum3A_3163 = vector.broadcast %reduce_sum3A_3162 : i1 to vector<16xi1>
      %reduce_sum3A_3164 = tpu.scan <sum>, %convert_element_type3A_3161 masked %reduce_sum3A_3163 : vector<16xi32>, vector<16xi1> -> vector<16xi32>
      %reduce_sum3A_3165 = vector.extract %reduce_sum3A_3164[15] : i32 from vector<16xi32>
      %eq3A_3166 = arith.constant 1 : i32
      %eq3A_3167 = vector.broadcast %eq3A_3166 : i32 to vector<16xi32>
      %eq3A_3168 = arith.cmpi eq, %iota3A, %eq3A_3167 : vector<16xi32>
      %jit3A_3169 = arith.constant 0 : i32
      %broadcast_in_dim3A_3170 = vector.broadcast %reduce_sum3A_3165 : i32 to vector<16xi32>
      %broadcast_in_dim3A_3171 = vector.broadcast %jit3A_3169 : i32 to vector<16xi32>
      %select_n3A_3172 = arith.select %eq3A_3168, %broadcast_in_dim3A_3170, %broadcast_in_dim3A_3171 : vector<16xi1>, vector<16xi32>
      %add3A_3173 = arith.addi %add3A_3157, %select_n3A_3172 : vector<16xi32>
      %eq3A_3174 = arith.constant 2 : i32
      %eq3A_3175 = vector.broadcast %eq3A_3174 : i32 to vector<16xi32>
      %eq3A_3176 = arith.cmpi eq, %get3A_3137, %eq3A_3175 : vector<16xi32>
      %convert_element_type3A_3177 = arith.extui %eq3A_3176 : vector<16xi1> to vector<16xi32>
      %reduce_sum3A_3178 = arith.constant true
      %reduce_sum3A_3179 = vector.broadcast %reduce_sum3A_3178 : i1 to vector<16xi1>
      %reduce_sum3A_3180 = tpu.scan <sum>, %convert_element_type3A_3177 masked %reduce_sum3A_3179 : vector<16xi32>, vector<16xi1> -> vector<16xi32>
      %reduce_sum3A_3181 = vector.extract %reduce_sum3A_3180[15] : i32 from vector<16xi32>
      %eq3A_3182 = arith.constant 2 : i32
      %eq3A_3183 = vector.broadcast %eq3A_3182 : i32 to vector<16xi32>
      %eq3A_3184 = arith.cmpi eq, %iota3A, %eq3A_3183 : vector<16xi32>
      %jit3A_3185 = arith.constant 0 : i32
      %broadcast_in_dim3A_3186 = vector.broadcast %reduce_sum3A_3181 : i32 to vector<16xi32>
      %broadcast_in_dim3A_3187 = vector.broadcast %jit3A_3185 : i32 to vector<16xi32>
      %select_n3A_3188 = arith.select %eq3A_3184, %broadcast_in_dim3A_3186, %broadcast_in_dim3A_3187 : vector<16xi1>, vector<16xi32>
      %add3A_3189 = arith.addi %add3A_3173, %select_n3A_3188 : vector<16xi32>
      %eq3A_3190 = arith.constant 3 : i32
      %eq3A_3191 = vector.broadcast %eq3A_3190 : i32 to vector<16xi32>
      %eq3A_3192 = arith.cmpi eq, %get3A_3137, %eq3A_3191 : vector<16xi32>
      %convert_element_type3A_3193 = arith.extui %eq3A_3192 : vector<16xi1> to vector<16xi32>
      %reduce_sum3A_3194 = arith.constant true
      %reduce_sum3A_3195 = vector.broadcast %reduce_sum3A_3194 : i1 to vector<16xi1>
      %reduce_sum3A_3196 = tpu.scan <sum>, %convert_element_type3A_3193 masked %reduce_sum3A_3195 : vector<16xi32>, vector<16xi1> -> vector<16xi32>
      %reduce_sum3A_3197 = vector.extract %reduce_sum3A_3196[15] : i32 from vector<16xi32>
      %eq3A_3198 = arith.constant 3 : i32
      %eq3A_3199 = vector.broadcast %eq3A_3198 : i32 to vector<16xi32>
      %eq3A_3200 = arith.cmpi eq, %iota3A, %eq3A_3199 : vector<16xi32>
      %jit3A_3201 = arith.constant 0 : i32
      %broadcast_in_dim3A_3202 = vector.broadcast %reduce_sum3A_3197 : i32 to vector<16xi32>
      %broadcast_in_dim3A_3203 = vector.broadcast %jit3A_3201 : i32 to vector<16xi32>
      %select_n3A_3204 = arith.select %eq3A_3200, %broadcast_in_dim3A_3202, %broadcast_in_dim3A_3203 : vector<16xi1>, vector<16xi32>
      %add3A_3205 = arith.addi %add3A_3189, %select_n3A_3204 : vector<16xi32>
      %eq3A_3206 = arith.constant 4 : i32
      %eq3A_3207 = vector.broadcast %eq3A_3206 : i32 to vector<16xi32>
      %eq3A_3208 = arith.cmpi eq, %get3A_3137, %eq3A_3207 : vector<16xi32>
      %convert_element_type3A_3209 = arith.extui %eq3A_3208 : vector<16xi1> to vector<16xi32>
      %reduce_sum3A_3210 = arith.constant true
      %reduce_sum3A_3211 = vector.broadcast %reduce_sum3A_3210 : i1 to vector<16xi1>
      %reduce_sum3A_3212 = tpu.scan <sum>, %convert_element_type3A_3209 masked %reduce_sum3A_3211 : vector<16xi32>, vector<16xi1> -> vector<16xi32>
      %reduce_sum3A_3213 = vector.extract %reduce_sum3A_3212[15] : i32 from vector<16xi32>
      %eq3A_3214 = arith.constant 4 : i32
      %eq3A_3215 = vector.broadcast %eq3A_3214 : i32 to vector<16xi32>
      %eq3A_3216 = arith.cmpi eq, %iota3A, %eq3A_3215 : vector<16xi32>
      %jit3A_3217 = arith.constant 0 : i32
      %broadcast_in_dim3A_3218 = vector.broadcast %reduce_sum3A_3213 : i32 to vector<16xi32>
      %broadcast_in_dim3A_3219 = vector.broadcast %jit3A_3217 : i32 to vector<16xi32>
      %select_n3A_3220 = arith.select %eq3A_3216, %broadcast_in_dim3A_3218, %broadcast_in_dim3A_3219 : vector<16xi1>, vector<16xi32>
      %add3A_3221 = arith.addi %add3A_3205, %select_n3A_3220 : vector<16xi32>
      %eq3A_3222 = arith.constant 5 : i32
      %eq3A_3223 = vector.broadcast %eq3A_3222 : i32 to vector<16xi32>
      %eq3A_3224 = arith.cmpi eq, %get3A_3137, %eq3A_3223 : vector<16xi32>
      %convert_element_type3A_3225 = arith.extui %eq3A_3224 : vector<16xi1> to vector<16xi32>
      %reduce_sum3A_3226 = arith.constant true
      %reduce_sum3A_3227 = vector.broadcast %reduce_sum3A_3226 : i1 to vector<16xi1>
      %reduce_sum3A_3228 = tpu.scan <sum>, %convert_element_type3A_3225 masked %reduce_sum3A_3227 : vector<16xi32>, vector<16xi1> -> vector<16xi32>
      %reduce_sum3A_3229 = vector.extract %reduce_sum3A_3228[15] : i32 from vector<16xi32>
      %eq3A_3230 = arith.constant 5 : i32
      %eq3A_3231 = vector.broadcast %eq3A_3230 : i32 to vector<16xi32>
      %eq3A_3232 = arith.cmpi eq, %iota3A, %eq3A_3231 : vector<16xi32>
      %jit3A_3233 = arith.constant 0 : i32
      %broadcast_in_dim3A_3234 = vector.broadcast %reduce_sum3A_3229 : i32 to vector<16xi32>
      %broadcast_in_dim3A_3235 = vector.broadcast %jit3A_3233 : i32 to vector<16xi32>
      %select_n3A_3236 = arith.select %eq3A_3232, %broadcast_in_dim3A_3234, %broadcast_in_dim3A_3235 : vector<16xi1>, vector<16xi32>
      %add3A_3237 = arith.addi %add3A_3221, %select_n3A_3236 : vector<16xi32>
      %eq3A_3238 = arith.constant 6 : i32
      %eq3A_3239 = vector.broadcast %eq3A_3238 : i32 to vector<16xi32>
      %eq3A_3240 = arith.cmpi eq, %get3A_3137, %eq3A_3239 : vector<16xi32>
      %convert_element_type3A_3241 = arith.extui %eq3A_3240 : vector<16xi1> to vector<16xi32>
      %reduce_sum3A_3242 = arith.constant true
      %reduce_sum3A_3243 = vector.broadcast %reduce_sum3A_3242 : i1 to vector<16xi1>
      %reduce_sum3A_3244 = tpu.scan <sum>, %convert_element_type3A_3241 masked %reduce_sum3A_3243 : vector<16xi32>, vector<16xi1> -> vector<16xi32>
      %reduce_sum3A_3245 = vector.extract %reduce_sum3A_3244[15] : i32 from vector<16xi32>
      %eq3A_3246 = arith.constant 6 : i32
      %eq3A_3247 = vector.broadcast %eq3A_3246 : i32 to vector<16xi32>
      %eq3A_3248 = arith.cmpi eq, %iota3A, %eq3A_3247 : vector<16xi32>
      %jit3A_3249 = arith.constant 0 : i32
      %broadcast_in_dim3A_3250 = vector.broadcast %reduce_sum3A_3245 : i32 to vector<16xi32>
      %broadcast_in_dim3A_3251 = vector.broadcast %jit3A_3249 : i32 to vector<16xi32>
      %select_n3A_3252 = arith.select %eq3A_3248, %broadcast_in_dim3A_3250, %broadcast_in_dim3A_3251 : vector<16xi1>, vector<16xi32>
      %add3A_3253 = arith.addi %add3A_3237, %select_n3A_3252 : vector<16xi32>
      %eq3A_3254 = arith.constant 7 : i32
      %eq3A_3255 = vector.broadcast %eq3A_3254 : i32 to vector<16xi32>
      %eq3A_3256 = arith.cmpi eq, %get3A_3137, %eq3A_3255 : vector<16xi32>
      %convert_element_type3A_3257 = arith.extui %eq3A_3256 : vector<16xi1> to vector<16xi32>
      %reduce_sum3A_3258 = arith.constant true
      %reduce_sum3A_3259 = vector.broadcast %reduce_sum3A_3258 : i1 to vector<16xi1>
      %reduce_sum3A_3260 = tpu.scan <sum>, %convert_element_type3A_3257 masked %reduce_sum3A_3259 : vector<16xi32>, vector<16xi1> -> vector<16xi32>
      %reduce_sum3A_3261 = vector.extract %reduce_sum3A_3260[15] : i32 from vector<16xi32>
      %eq3A_3262 = arith.constant 7 : i32
      %eq3A_3263 = vector.broadcast %eq3A_3262 : i32 to vector<16xi32>
      %eq3A_3264 = arith.cmpi eq, %iota3A, %eq3A_3263 : vector<16xi32>
      %jit3A_3265 = arith.constant 0 : i32
      %broadcast_in_dim3A_3266 = vector.broadcast %reduce_sum3A_3261 : i32 to vector<16xi32>
      %broadcast_in_dim3A_3267 = vector.broadcast %jit3A_3265 : i32 to vector<16xi32>
      %select_n3A_3268 = arith.select %eq3A_3264, %broadcast_in_dim3A_3266, %broadcast_in_dim3A_3267 : vector<16xi1>, vector<16xi32>
      %add3A_3269 = arith.addi %add3A_3253, %select_n3A_3268 : vector<16xi32>
      scf.yield %add3A_3269, %select_n3A_3141 : vector<16xi32>, vector<16xi32>
    }
    %scan3A_8 = arith.constant 256 : i32
    %add3A_9 = arith.constant 255 : i32
    %add3A_10 = vector.broadcast %add3A_9 : i32 to vector<16xi32>
    %add3A_11 = arith.addi %scan3A_7#0, %add3A_10 : vector<16xi32>
    %jit3A = arith.constant 256 : i32
    %div3A = vector.broadcast %jit3A : i32 to vector<16xi32>
    %div3A_12 = arith.divsi %add3A_11, %div3A : vector<16xi32>
    %sign3A = arith.constant 0 : i32
    %sign3A_13 = vector.broadcast %sign3A : i32 to vector<16xi32>
    %sign3A_14 = arith.cmpi sgt, %add3A_11, %sign3A_13 : vector<16xi32>
    %sign3A_15 = arith.extui %sign3A_14 : vector<16xi1> to vector<16xi32>
    %sign3A_16 = arith.constant 0 : i32
    %sign3A_17 = vector.broadcast %sign3A_16 : i32 to vector<16xi32>
    %sign3A_18 = arith.cmpi slt, %add3A_11, %sign3A_17 : vector<16xi32>
    %sign3A_19 = arith.extui %sign3A_18 : vector<16xi1> to vector<16xi32>
    %sign3A_20 = arith.subi %sign3A_15, %sign3A_19 : vector<16xi32>
    %sign3A_21 = arith.constant 0 : i32
    %sign3A_22 = arith.cmpi sgt, %jit3A, %sign3A_21 : i32
    %sign3A_23 = arith.extui %sign3A_22 : i1 to i32
    %sign3A_24 = arith.constant 0 : i32
    %sign3A_25 = arith.cmpi slt, %jit3A, %sign3A_24 : i32
    %sign3A_26 = arith.extui %sign3A_25 : i1 to i32
    %sign3A_27 = arith.subi %sign3A_23, %sign3A_26 : i32
    %ne3A = vector.broadcast %sign3A_27 : i32 to vector<16xi32>
    %ne3A_28 = arith.cmpi ne, %sign3A_20, %ne3A : vector<16xi32>
    %rem3A = vector.broadcast %jit3A : i32 to vector<16xi32>
    %rem3A_29 = arith.remsi %add3A_11, %rem3A : vector<16xi32>
    %ne3A_30 = arith.constant 0 : i32
    %ne3A_31 = vector.broadcast %ne3A_30 : i32 to vector<16xi32>
    %ne3A_32 = arith.cmpi ne, %rem3A_29, %ne3A_31 : vector<16xi32>
    %and3A = arith.andi %ne3A_28, %ne3A_32 : vector<16xi1>
    %sub3A = arith.constant 1 : i32
    %sub3A_33 = vector.broadcast %sub3A : i32 to vector<16xi32>
    %sub3A_34 = arith.subi %div3A_12, %sub3A_33 : vector<16xi32>
    %select_n3A = arith.select %and3A, %sub3A_34, %div3A_12 : vector<16xi1>, vector<16xi32>
    %mul3A_35 = arith.constant 256 : i32
    %mul3A_36 = vector.broadcast %mul3A_35 : i32 to vector<16xi32>
    %mul3A_37 = arith.muli %select_n3A, %mul3A_36 : vector<16xi32>
    %broadcast_in_dim3A_38 = arith.constant true
    %broadcast_in_dim3A_39 = vector.broadcast %broadcast_in_dim3A_38 : i1 to vector<16xi1>
    %masked_cumsum3A = tpu.scan <sum>, %mul3A_37 masked %broadcast_in_dim3A_39 : vector<16xi32>, vector<16xi1> -> vector<16xi32>
    %sub3A_40 = arith.subi %masked_cumsum3A, %mul3A_37 : vector<16xi32>
    %add3A_41 = arith.addi %sub3A_40, %scan3A_7#1 : vector<16xi32>
    %mul3A_42 = arith.constant 8 : i32
    %mul3A_43 = arith.muli %add3A, %mul3A_42 : i32
    %add3A_44 = arith.constant 0 : i32
    %add3A_45 = arith.addi %mul3A_43, %add3A_44 : i32
    %mul3A_46 = arith.constant 16 : i32
    %mul3A_47 = arith.muli %add3A_45, %mul3A_46 : i32
    %get3A = arith.index_cast %mul3A_47 : i32 to index
    %get3A_48 = tpu.vector_load %arg8[%get3A] {strides = array<i32>} : memref<4096xi32, #tpu.memory_space<vmem>>, vector<16xi32>,
    %broadcast_in_dim3A_49 = arith.constant 0 : i32
    %broadcast_in_dim3A_50 = vector.broadcast %broadcast_in_dim3A_49 : i32 to vector<16xi32>
    %eq3A = arith.constant 0 : i32
    %eq3A_51 = vector.broadcast %eq3A : i32 to vector<16xi32>
    %eq3A_52 = arith.cmpi eq, %get3A_48, %eq3A_51 : vector<16xi32>
    %convert_element_type3A = arith.extui %eq3A_52 : vector<16xi1> to vector<16xi32>
    %broadcast_in_dim3A_53 = arith.constant true
    %broadcast_in_dim3A_54 = vector.broadcast %broadcast_in_dim3A_53 : i1 to vector<16xi1>
    %masked_cumsum3A_55 = tpu.scan <sum>, %convert_element_type3A masked %broadcast_in_dim3A_54 : vector<16xi32>, vector<16xi1> -> vector<16xi32>
    %sub3A_56 = arith.subi %masked_cumsum3A_55, %convert_element_type3A : vector<16xi32>
    %eq3A_57 = arith.constant 0 : i32
    %eq3A_58 = vector.broadcast %eq3A_57 : i32 to vector<16xi32>
    %eq3A_59 = arith.cmpi eq, %iota3A, %eq3A_58 : vector<16xi32>
    %jit3A_60 = arith.constant 0 : i32
    %broadcast_in_dim3A_61 = vector.broadcast %jit3A_60 : i32 to vector<16xi32>
    %select_n3A_62 = arith.select %eq3A_59, %add3A_41, %broadcast_in_dim3A_61 : vector<16xi1>, vector<16xi32>
    %reduce_sum3A = arith.constant true
    %reduce_sum3A_63 = vector.broadcast %reduce_sum3A : i1 to vector<16xi1>
    %reduce_sum3A_64 = tpu.scan <sum>, %select_n3A_62 masked %reduce_sum3A_63 : vector<16xi32>, vector<16xi1> -> vector<16xi32>
    %reduce_sum3A_65 = vector.extract %reduce_sum3A_64[15] : i32 from vector<16xi32>
    %add3A_66 = vector.broadcast %reduce_sum3A_65 : i32 to vector<16xi32>
    %add3A_67 = arith.addi %add3A_66, %sub3A_56 : vector<16xi32>
    %select_n3A_68 = arith.select %eq3A_52, %add3A_67, %broadcast_in_dim3A_50 : vector<16xi1>, vector<16xi32>
    %reduce_sum3A_69 = arith.constant true
    %reduce_sum3A_70 = vector.broadcast %reduce_sum3A_69 : i1 to vector<16xi1>
    %reduce_sum3A_71 = tpu.scan <sum>, %convert_element_type3A masked %reduce_sum3A_70 : vector<16xi32>, vector<16xi1> -> vector<16xi32>
    %reduce_sum3A_72 = vector.extract %reduce_sum3A_71[15] : i32 from vector<16xi32>
    %eq3A_73 = arith.constant 0 : i32
    %eq3A_74 = vector.broadcast %eq3A_73 : i32 to vector<16xi32>
    %eq3A_75 = arith.cmpi eq, %iota3A, %eq3A_74 : vector<16xi32>
    %jit3A_76 = arith.constant 0 : i32
    %broadcast_in_dim3A_77 = vector.broadcast %reduce_sum3A_72 : i32 to vector<16xi32>
    %broadcast_in_dim3A_78 = vector.broadcast %jit3A_76 : i32 to vector<16xi32>
    %select_n3A_79 = arith.select %eq3A_75, %broadcast_in_dim3A_77, %broadcast_in_dim3A_78 : vector<16xi1>, vector<16xi32>
    %add3A_80 = arith.addi %add3A_41, %select_n3A_79 : vector<16xi32>
    %eq3A_81 = arith.constant 1 : i32
    %eq3A_82 = vector.broadcast %eq3A_81 : i32 to vector<16xi32>
    %eq3A_83 = arith.cmpi eq, %get3A_48, %eq3A_82 : vector<16xi32>
    %convert_element_type3A_84 = arith.extui %eq3A_83 : vector<16xi1> to vector<16xi32>
    %broadcast_in_dim3A_85 = arith.constant true
    %broadcast_in_dim3A_86 = vector.broadcast %broadcast_in_dim3A_85 : i1 to vector<16xi1>
    %masked_cumsum3A_87 = tpu.scan <sum>, %convert_element_type3A_84 masked %broadcast_in_dim3A_86 : vector<16xi32>, vector<16xi1> -> vector<16xi32>
    %sub3A_88 = arith.subi %masked_cumsum3A_87, %convert_element_type3A_84 : vector<16xi32>
    %eq3A_89 = arith.constant 1 : i32
    %eq3A_90 = vector.broadcast %eq3A_89 : i32 to vector<16xi32>
    %eq3A_91 = arith.cmpi eq, %iota3A, %eq3A_90 : vector<16xi32>
    %jit3A_92 = arith.constant 0 : i32
    %broadcast_in_dim3A_93 = vector.broadcast %jit3A_92 : i32 to vector<16xi32>
    %select_n3A_94 = arith.select %eq3A_91, %add3A_80, %broadcast_in_dim3A_93 : vector<16xi1>, vector<16xi32>
    %reduce_sum3A_95 = arith.constant true
    %reduce_sum3A_96 = vector.broadcast %reduce_sum3A_95 : i1 to vector<16xi1>
    %reduce_sum3A_97 = tpu.scan <sum>, %select_n3A_94 masked %reduce_sum3A_96 : vector<16xi32>, vector<16xi1> -> vector<16xi32>
    %reduce_sum3A_98 = vector.extract %reduce_sum3A_97[15] : i32 from vector<16xi32>
    %add3A_99 = vector.broadcast %reduce_sum3A_98 : i32 to vector<16xi32>
    %add3A_100 = arith.addi %add3A_99, %sub3A_88 : vector<16xi32>
    %select_n3A_101 = arith.select %eq3A_83, %add3A_100, %select_n3A_68 : vector<16xi1>, vector<16xi32>
    %reduce_sum3A_102 = arith.constant true
    %reduce_sum3A_103 = vector.broadcast %reduce_sum3A_102 : i1 to vector<16xi1>
    %reduce_sum3A_104 = tpu.scan <sum>, %convert_element_type3A_84 masked %reduce_sum3A_103 : vector<16xi32>, vector<16xi1> -> vector<16xi32>
    %reduce_sum3A_105 = vector.extract %reduce_sum3A_104[15] : i32 from vector<16xi32>
    %eq3A_106 = arith.constant 1 : i32
    %eq3A_107 = vector.broadcast %eq3A_106 : i32 to vector<16xi32>
    %eq3A_108 = arith.cmpi eq, %iota3A, %eq3A_107 : vector<16xi32>
    %jit3A_109 = arith.constant 0 : i32
    %broadcast_in_dim3A_110 = vector.broadcast %reduce_sum3A_105 : i32 to vector<16xi32>
    %broadcast_in_dim3A_111 = vector.broadcast %jit3A_109 : i32 to vector<16xi32>
    %select_n3A_112 = arith.select %eq3A_108, %broadcast_in_dim3A_110, %broadcast_in_dim3A_111 : vector<16xi1>, vector<16xi32>
    %add3A_113 = arith.addi %add3A_80, %select_n3A_112 : vector<16xi32>
    %eq3A_114 = arith.constant 2 : i32
    %eq3A_115 = vector.broadcast %eq3A_114 : i32 to vector<16xi32>
    %eq3A_116 = arith.cmpi eq, %get3A_48, %eq3A_115 : vector<16xi32>
    %convert_element_type3A_117 = arith.extui %eq3A_116 : vector<16xi1> to vector<16xi32>
    %broadcast_in_dim3A_118 = arith.constant true
    %broadcast_in_dim3A_119 = vector.broadcast %broadcast_in_dim3A_118 : i1 to vector<16xi1>
    %masked_cumsum3A_120 = tpu.scan <sum>, %convert_element_type3A_117 masked %broadcast_in_dim3A_119 : vector<16xi32>, vector<16xi1> -> vector<16xi32>
    %sub3A_121 = arith.subi %masked_cumsum3A_120, %convert_element_type3A_117 : vector<16xi32>
    %eq3A_122 = arith.constant 2 : i32
    %eq3A_123 = vector.broadcast %eq3A_122 : i32 to vector<16xi32>
    %eq3A_124 = arith.cmpi eq, %iota3A, %eq3A_123 : vector<16xi32>
    %jit3A_125 = arith.constant 0 : i32
    %broadcast_in_dim3A_126 = vector.broadcast %jit3A_125 : i32 to vector<16xi32>
    %select_n3A_127 = arith.select %eq3A_124, %add3A_113, %broadcast_in_dim3A_126 : vector<16xi1>, vector<16xi32>
    %reduce_sum3A_128 = arith.constant true
    %reduce_sum3A_129 = vector.broadcast %reduce_sum3A_128 : i1 to vector<16xi1>
    %reduce_sum3A_130 = tpu.scan <sum>, %select_n3A_127 masked %reduce_sum3A_129 : vector<16xi32>, vector<16xi1> -> vector<16xi32>
    %reduce_sum3A_131 = vector.extract %reduce_sum3A_130[15] : i32 from vector<16xi32>
    %add3A_132 = vector.broadcast %reduce_sum3A_131 : i32 to vector<16xi32>
    %add3A_133 = arith.addi %add3A_132, %sub3A_121 : vector<16xi32>
    %select_n3A_134 = arith.select %eq3A_116, %add3A_133, %select_n3A_101 : vector<16xi1>, vector<16xi32>
    %reduce_sum3A_135 = arith.constant true
    %reduce_sum3A_136 = vector.broadcast %reduce_sum3A_135 : i1 to vector<16xi1>
    %reduce_sum3A_137 = tpu.scan <sum>, %convert_element_type3A_117 masked %reduce_sum3A_136 : vector<16xi32>, vector<16xi1> -> vector<16xi32>
    %reduce_sum3A_138 = vector.extract %reduce_sum3A_137[15] : i32 from vector<16xi32>
    %eq3A_139 = arith.constant 2 : i32
    %eq3A_140 = vector.broadcast %eq3A_139 : i32 to vector<16xi32>
    %eq3A_141 = arith.cmpi eq, %iota3A, %eq3A_140 : vector<16xi32>
    %jit3A_142 = arith.constant 0 : i32
    %broadcast_in_dim3A_143 = vector.broadcast %reduce_sum3A_138 : i32 to vector<16xi32>
    %broadcast_in_dim3A_144 = vector.broadcast %jit3A_142 : i32 to vector<16xi32>
    %select_n3A_145 = arith.select %eq3A_141, %broadcast_in_dim3A_143, %broadcast_in_dim3A_144 : vector<16xi1>, vector<16xi32>
    %add3A_146 = arith.addi %add3A_113, %select_n3A_145 : vector<16xi32>
    %eq3A_147 = arith.constant 3 : i32
    %eq3A_148 = vector.broadcast %eq3A_147 : i32 to vector<16xi32>
    %eq3A_149 = arith.cmpi eq, %get3A_48, %eq3A_148 : vector<16xi32>
    %convert_element_type3A_150 = arith.extui %eq3A_149 : vector<16xi1> to vector<16xi32>
    %broadcast_in_dim3A_151 = arith.constant true
    %broadcast_in_dim3A_152 = vector.broadcast %broadcast_in_dim3A_151 : i1 to vector<16xi1>
    %masked_cumsum3A_153 = tpu.scan <sum>, %convert_element_type3A_150 masked %broadcast_in_dim3A_152 : vector<16xi32>, vector<16xi1> -> vector<16xi32>
    %sub3A_154 = arith.subi %masked_cumsum3A_153, %convert_element_type3A_150 : vector<16xi32>
    %eq3A_155 = arith.constant 3 : i32
    %eq3A_156 = vector.broadcast %eq3A_155 : i32 to vector<16xi32>
    %eq3A_157 = arith.cmpi eq, %iota3A, %eq3A_156 : vector<16xi32>
    %jit3A_158 = arith.constant 0 : i32
    %broadcast_in_dim3A_159 = vector.broadcast %jit3A_158 : i32 to vector<16xi32>
    %select_n3A_160 = arith.select %eq3A_157, %add3A_146, %broadcast_in_dim3A_159 : vector<16xi1>, vector<16xi32>
    %reduce_sum3A_161 = arith.constant true
    %reduce_sum3A_162 = vector.broadcast %reduce_sum3A_161 : i1 to vector<16xi1>
    %reduce_sum3A_163 = tpu.scan <sum>, %select_n3A_160 masked %reduce_sum3A_162 : vector<16xi32>, vector<16xi1> -> vector<16xi32>
    %reduce_sum3A_164 = vector.extract %reduce_sum3A_163[15] : i32 from vector<16xi32>
    %add3A_165 = vector.broadcast %reduce_sum3A_164 : i32 to vector<16xi32>
    %add3A_166 = arith.addi %add3A_165, %sub3A_154 : vector<16xi32>
    %select_n3A_167 = arith.select %eq3A_149, %add3A_166, %select_n3A_134 : vector<16xi1>, vector<16xi32>
    %reduce_sum3A_168 = arith.constant true
    %reduce_sum3A_169 = vector.broadcast %reduce_sum3A_168 : i1 to vector<16xi1>
    %reduce_sum3A_170 = tpu.scan <sum>, %convert_element_type3A_150 masked %reduce_sum3A_169 : vector<16xi32>, vector<16xi1> -> vector<16xi32>
    %reduce_sum3A_171 = vector.extract %reduce_sum3A_170[15] : i32 from vector<16xi32>
    %eq3A_172 = arith.constant 3 : i32
    %eq3A_173 = vector.broadcast %eq3A_172 : i32 to vector<16xi32>
    %eq3A_174 = arith.cmpi eq, %iota3A, %eq3A_173 : vector<16xi32>
    %jit3A_175 = arith.constant 0 : i32
    %broadcast_in_dim3A_176 = vector.broadcast %reduce_sum3A_171 : i32 to vector<16xi32>
    %broadcast_in_dim3A_177 = vector.broadcast %jit3A_175 : i32 to vector<16xi32>
    %select_n3A_178 = arith.select %eq3A_174, %broadcast_in_dim3A_176, %broadcast_in_dim3A_177 : vector<16xi1>, vector<16xi32>
    %add3A_179 = arith.addi %add3A_146, %select_n3A_178 : vector<16xi32>
    %eq3A_180 = arith.constant 4 : i32
    %eq3A_181 = vector.broadcast %eq3A_180 : i32 to vector<16xi32>
    %eq3A_182 = arith.cmpi eq, %get3A_48, %eq3A_181 : vector<16xi32>
    %convert_element_type3A_183 = arith.extui %eq3A_182 : vector<16xi1> to vector<16xi32>
    %broadcast_in_dim3A_184 = arith.constant true
    %broadcast_in_dim3A_185 = vector.broadcast %broadcast_in_dim3A_184 : i1 to vector<16xi1>
    %masked_cumsum3A_186 = tpu.scan <sum>, %convert_element_type3A_183 masked %broadcast_in_dim3A_185 : vector<16xi32>, vector<16xi1> -> vector<16xi32>
    %sub3A_187 = arith.subi %masked_cumsum3A_186, %convert_element_type3A_183 : vector<16xi32>
    %eq3A_188 = arith.constant 4 : i32
    %eq3A_189 = vector.broadcast %eq3A_188 : i32 to vector<16xi32>
    %eq3A_190 = arith.cmpi eq, %iota3A, %eq3A_189 : vector<16xi32>
    %jit3A_191 = arith.constant 0 : i32
    %broadcast_in_dim3A_192 = vector.broadcast %jit3A_191 : i32 to vector<16xi32>
    %select_n3A_193 = arith.select %eq3A_190, %add3A_179, %broadcast_in_dim3A_192 : vector<16xi1>, vector<16xi32>
    %reduce_sum3A_194 = arith.constant true
    %reduce_sum3A_195 = vector.broadcast %reduce_sum3A_194 : i1 to vector<16xi1>
    %reduce_sum3A_196 = tpu.scan <sum>, %select_n3A_193 masked %reduce_sum3A_195 : vector<16xi32>, vector<16xi1> -> vector<16xi32>
    %reduce_sum3A_197 = vector.extract %reduce_sum3A_196[15] : i32 from vector<16xi32>
    %add3A_198 = vector.broadcast %reduce_sum3A_197 : i32 to vector<16xi32>
    %add3A_199 = arith.addi %add3A_198, %sub3A_187 : vector<16xi32>
    %select_n3A_200 = arith.select %eq3A_182, %add3A_199, %select_n3A_167 : vector<16xi1>, vector<16xi32>
    %reduce_sum3A_201 = arith.constant true
    %reduce_sum3A_202 = vector.broadcast %reduce_sum3A_201 : i1 to vector<16xi1>
    %reduce_sum3A_203 = tpu.scan <sum>, %convert_element_type3A_183 masked %reduce_sum3A_202 : vector<16xi32>, vector<16xi1> -> vector<16xi32>
    %reduce_sum3A_204 = vector.extract %reduce_sum3A_203[15] : i32 from vector<16xi32>
    %eq3A_205 = arith.constant 4 : i32
    %eq3A_206 = vector.broadcast %eq3A_205 : i32 to vector<16xi32>
    %eq3A_207 = arith.cmpi eq, %iota3A, %eq3A_206 : vector<16xi32>
    %jit3A_208 = arith.constant 0 : i32
    %broadcast_in_dim3A_209 = vector.broadcast %reduce_sum3A_204 : i32 to vector<16xi32>
    %broadcast_in_dim3A_210 = vector.broadcast %jit3A_208 : i32 to vector<16xi32>
    %select_n3A_211 = arith.select %eq3A_207, %broadcast_in_dim3A_209, %broadcast_in_dim3A_210 : vector<16xi1>, vector<16xi32>
    %add3A_212 = arith.addi %add3A_179, %select_n3A_211 : vector<16xi32>
    %eq3A_213 = arith.constant 5 : i32
    %eq3A_214 = vector.broadcast %eq3A_213 : i32 to vector<16xi32>
    %eq3A_215 = arith.cmpi eq, %get3A_48, %eq3A_214 : vector<16xi32>
    %convert_element_type3A_216 = arith.extui %eq3A_215 : vector<16xi1> to vector<16xi32>
    %broadcast_in_dim3A_217 = arith.constant true
    %broadcast_in_dim3A_218 = vector.broadcast %broadcast_in_dim3A_217 : i1 to vector<16xi1>
    %masked_cumsum3A_219 = tpu.scan <sum>, %convert_element_type3A_216 masked %broadcast_in_dim3A_218 : vector<16xi32>, vector<16xi1> -> vector<16xi32>
    %sub3A_220 = arith.subi %masked_cumsum3A_219, %convert_element_type3A_216 : vector<16xi32>
    %eq3A_221 = arith.constant 5 : i32
    %eq3A_222 = vector.broadcast %eq3A_221 : i32 to vector<16xi32>
    %eq3A_223 = arith.cmpi eq, %iota3A, %eq3A_222 : vector<16xi32>
    %jit3A_224 = arith.constant 0 : i32
    %broadcast_in_dim3A_225 = vector.broadcast %jit3A_224 : i32 to vector<16xi32>
    %select_n3A_226 = arith.select %eq3A_223, %add3A_212, %broadcast_in_dim3A_225 : vector<16xi1>, vector<16xi32>
    %reduce_sum3A_227 = arith.constant true
    %reduce_sum3A_228 = vector.broadcast %reduce_sum3A_227 : i1 to vector<16xi1>
    %reduce_sum3A_229 = tpu.scan <sum>, %select_n3A_226 masked %reduce_sum3A_228 : vector<16xi32>, vector<16xi1> -> vector<16xi32>
    %reduce_sum3A_230 = vector.extract %reduce_sum3A_229[15] : i32 from vector<16xi32>
    %add3A_231 = vector.broadcast %reduce_sum3A_230 : i32 to vector<16xi32>
    %add3A_232 = arith.addi %add3A_231, %sub3A_220 : vector<16xi32>
    %select_n3A_233 = arith.select %eq3A_215, %add3A_232, %select_n3A_200 : vector<16xi1>, vector<16xi32>
    %reduce_sum3A_234 = arith.constant true
    %reduce_sum3A_235 = vector.broadcast %reduce_sum3A_234 : i1 to vector<16xi1>
    %reduce_sum3A_236 = tpu.scan <sum>, %convert_element_type3A_216 masked %reduce_sum3A_235 : vector<16xi32>, vector<16xi1> -> vector<16xi32>
    %reduce_sum3A_237 = vector.extract %reduce_sum3A_236[15] : i32 from vector<16xi32>
    %eq3A_238 = arith.constant 5 : i32
    %eq3A_239 = vector.broadcast %eq3A_238 : i32 to vector<16xi32>
    %eq3A_240 = arith.cmpi eq, %iota3A, %eq3A_239 : vector<16xi32>
    %jit3A_241 = arith.constant 0 : i32
    %broadcast_in_dim3A_242 = vector.broadcast %reduce_sum3A_237 : i32 to vector<16xi32>
    %broadcast_in_dim3A_243 = vector.broadcast %jit3A_241 : i32 to vector<16xi32>
    %select_n3A_244 = arith.select %eq3A_240, %broadcast_in_dim3A_242, %broadcast_in_dim3A_243 : vector<16xi1>, vector<16xi32>
    %add3A_245 = arith.addi %add3A_212, %select_n3A_244 : vector<16xi32>
    %eq3A_246 = arith.constant 6 : i32
    %eq3A_247 = vector.broadcast %eq3A_246 : i32 to vector<16xi32>
    %eq3A_248 = arith.cmpi eq, %get3A_48, %eq3A_247 : vector<16xi32>
    %convert_element_type3A_249 = arith.extui %eq3A_248 : vector<16xi1> to vector<16xi32>
    %broadcast_in_dim3A_250 = arith.constant true
    %broadcast_in_dim3A_251 = vector.broadcast %broadcast_in_dim3A_250 : i1 to vector<16xi1>
    %masked_cumsum3A_252 = tpu.scan <sum>, %convert_element_type3A_249 masked %broadcast_in_dim3A_251 : vector<16xi32>, vector<16xi1> -> vector<16xi32>
    %sub3A_253 = arith.subi %masked_cumsum3A_252, %convert_element_type3A_249 : vector<16xi32>
    %eq3A_254 = arith.constant 6 : i32
    %eq3A_255 = vector.broadcast %eq3A_254 : i32 to vector<16xi32>
    %eq3A_256 = arith.cmpi eq, %iota3A, %eq3A_255 : vector<16xi32>
    %jit3A_257 = arith.constant 0 : i32
    %broadcast_in_dim3A_258 = vector.broadcast %jit3A_257 : i32 to vector<16xi32>
    %select_n3A_259 = arith.select %eq3A_256, %add3A_245, %broadcast_in_dim3A_258 : vector<16xi1>, vector<16xi32>
    %reduce_sum3A_260 = arith.constant true
    %reduce_sum3A_261 = vector.broadcast %reduce_sum3A_260 : i1 to vector<16xi1>
    %reduce_sum3A_262 = tpu.scan <sum>, %select_n3A_259 masked %reduce_sum3A_261 : vector<16xi32>, vector<16xi1> -> vector<16xi32>
    %reduce_sum3A_263 = vector.extract %reduce_sum3A_262[15] : i32 from vector<16xi32>
    %add3A_264 = vector.broadcast %reduce_sum3A_263 : i32 to vector<16xi32>
    %add3A_265 = arith.addi %add3A_264, %sub3A_253 : vector<16xi32>
    %select_n3A_266 = arith.select %eq3A_248, %add3A_265, %select_n3A_233 : vector<16xi1>, vector<16xi32>
    %reduce_sum3A_267 = arith.constant true
    %reduce_sum3A_268 = vector.broadcast %reduce_sum3A_267 : i1 to vector<16xi1>
    %reduce_sum3A_269 = tpu.scan <sum>, %convert_element_type3A_249 masked %reduce_sum3A_268 : vector<16xi32>, vector<16xi1> -> vector<16xi32>
    %reduce_sum3A_270 = vector.extract %reduce_sum3A_269[15] : i32 from vector<16xi32>
    %eq3A_271 = arith.constant 6 : i32
    %eq3A_272 = vector.broadcast %eq3A_271 : i32 to vector<16xi32>
    %eq3A_273 = arith.cmpi eq, %iota3A, %eq3A_272 : vector<16xi32>
    %jit3A_274 = arith.constant 0 : i32
    %broadcast_in_dim3A_275 = vector.broadcast %reduce_sum3A_270 : i32 to vector<16xi32>
    %broadcast_in_dim3A_276 = vector.broadcast %jit3A_274 : i32 to vector<16xi32>
    %select_n3A_277 = arith.select %eq3A_273, %broadcast_in_dim3A_275, %broadcast_in_dim3A_276 : vector<16xi1>, vector<16xi32>
    %add3A_278 = arith.addi %add3A_245, %select_n3A_277 : vector<16xi32>
    %eq3A_279 = arith.constant 7 : i32
    %eq3A_280 = vector.broadcast %eq3A_279 : i32 to vector<16xi32>
    %eq3A_281 = arith.cmpi eq, %get3A_48, %eq3A_280 : vector<16xi32>
    %convert_element_type3A_282 = arith.extui %eq3A_281 : vector<16xi1> to vector<16xi32>
    %broadcast_in_dim3A_283 = arith.constant true
    %broadcast_in_dim3A_284 = vector.broadcast %broadcast_in_dim3A_283 : i1 to vector<16xi1>
    %masked_cumsum3A_285 = tpu.scan <sum>, %convert_element_type3A_282 masked %broadcast_in_dim3A_284 : vector<16xi32>, vector<16xi1> -> vector<16xi32>
    %sub3A_286 = arith.subi %masked_cumsum3A_285, %convert_element_type3A_282 : vector<16xi32>
    %eq3A_287 = arith.constant 7 : i32
    %eq3A_288 = vector.broadcast %eq3A_287 : i32 to vector<16xi32>
    %eq3A_289 = arith.cmpi eq, %iota3A, %eq3A_288 : vector<16xi32>
    %jit3A_290 = arith.constant 0 : i32
    %broadcast_in_dim3A_291 = vector.broadcast %jit3A_290 : i32 to vector<16xi32>
    %select_n3A_292 = arith.select %eq3A_289, %add3A_278, %broadcast_in_dim3A_291 : vector<16xi1>, vector<16xi32>
    %reduce_sum3A_293 = arith.constant true
    %reduce_sum3A_294 = vector.broadcast %reduce_sum3A_293 : i1 to vector<16xi1>
    %reduce_sum3A_295 = tpu.scan <sum>, %select_n3A_292 masked %reduce_sum3A_294 : vector<16xi32>, vector<16xi1> -> vector<16xi32>
    %reduce_sum3A_296 = vector.extract %reduce_sum3A_295[15] : i32 from vector<16xi32>
    %add3A_297 = vector.broadcast %reduce_sum3A_296 : i32 to vector<16xi32>
    %add3A_298 = arith.addi %add3A_297, %sub3A_286 : vector<16xi32>
    %select_n3A_299 = arith.select %eq3A_281, %add3A_298, %select_n3A_266 : vector<16xi1>, vector<16xi32>
    %reduce_sum3A_300 = arith.constant true
    %reduce_sum3A_301 = vector.broadcast %reduce_sum3A_300 : i1 to vector<16xi1>
    %reduce_sum3A_302 = tpu.scan <sum>, %convert_element_type3A_282 masked %reduce_sum3A_301 : vector<16xi32>, vector<16xi1> -> vector<16xi32>
    %reduce_sum3A_303 = vector.extract %reduce_sum3A_302[15] : i32 from vector<16xi32>
    %eq3A_304 = arith.constant 7 : i32
    %eq3A_305 = vector.broadcast %eq3A_304 : i32 to vector<16xi32>
    %eq3A_306 = arith.cmpi eq, %iota3A, %eq3A_305 : vector<16xi32>
    %jit3A_307 = arith.constant 0 : i32
    %broadcast_in_dim3A_308 = vector.broadcast %reduce_sum3A_303 : i32 to vector<16xi32>
    %broadcast_in_dim3A_309 = vector.broadcast %jit3A_307 : i32 to vector<16xi32>
    %select_n3A_310 = arith.select %eq3A_306, %broadcast_in_dim3A_308, %broadcast_in_dim3A_309 : vector<16xi1>, vector<16xi32>
    %add3A_311 = arith.addi %add3A_278, %select_n3A_310 : vector<16xi32>
    %add3A_312 = arith.constant 0 : i32
    %add3A_313 = arith.addi %mul3A_2, %add3A_312 : i32
    %add3A_314 = vector.broadcast %add3A_313 : i32 to vector<16xi32>
    %add3A_315 = arith.addi %add3A_314, %iota3A : vector<16xi32>
    %jit3A_316 = arith.constant 2 : i32
    %eq3A_317 = arith.constant 0 : i32
    %eq3A_318 = arith.cmpi eq, %jit3A_316, %eq3A_317 : i32
    %jit3A_319 = arith.constant 1 : i32
    %select_n3A_320 = arith.select %eq3A_318, %jit3A_319, %jit3A_316 : i32
    %rem3A_321 = vector.broadcast %select_n3A_320 : i32 to vector<16xi32>
    %rem3A_322 = arith.remsi %add3A_315, %rem3A_321 : vector<16xi32>
    %ne3A_323 = arith.constant 0 : i32
    %ne3A_324 = vector.broadcast %ne3A_323 : i32 to vector<16xi32>
    %ne3A_325 = arith.cmpi ne, %rem3A_322, %ne3A_324 : vector<16xi32>
    %lt3A = arith.constant 0 : i32
    %lt3A_326 = vector.broadcast %lt3A : i32 to vector<16xi32>
    %lt3A_327 = arith.cmpi slt, %rem3A_322, %lt3A_326 : vector<16xi32>
    %lt3A_328 = arith.constant 0 : i32
    %lt3A_329 = arith.cmpi slt, %select_n3A_320, %lt3A_328 : i32
    %ne3A_330 = vector.broadcast %lt3A_329 : i1 to vector<16xi1>
    %ne3A_331 = vector.broadcast %ne3A_330 : vector<16xi1> to vector<16xi1>
    %ne3A_332 = arith.xori %lt3A_327, %ne3A_331 : vector<16xi1>
    %and3A_333 = arith.andi %ne3A_332, %ne3A_325 : vector<16xi1>
    %add3A_334 = vector.broadcast %select_n3A_320 : i32 to vector<16xi32>
    %add3A_335 = arith.addi %rem3A_322, %add3A_334 : vector<16xi32>
    %select_n3A_336 = arith.select %and3A_333, %add3A_335, %rem3A_322 : vector<16xi1>, vector<16xi32>
    %mul3A_337 = arith.constant 64 : i32
    %mul3A_338 = vector.broadcast %mul3A_337 : i32 to vector<16xi32>
    %mul3A_339 = arith.muli %select_n3A_336, %mul3A_338 : vector<16xi32>
    %jit3A_340 = arith.constant 2 : i32
    %div3A_341 = vector.broadcast %jit3A_340 : i32 to vector<16xi32>
    %div3A_342 = arith.divsi %add3A_315, %div3A_341 : vector<16xi32>
    %sign3A_343 = arith.constant 0 : i32
    %sign3A_344 = vector.broadcast %sign3A_343 : i32 to vector<16xi32>
    %sign3A_345 = arith.cmpi sgt, %add3A_315, %sign3A_344 : vector<16xi32>
    %sign3A_346 = arith.extui %sign3A_345 : vector<16xi1> to vector<16xi32>
    %sign3A_347 = arith.constant 0 : i32
    %sign3A_348 = vector.broadcast %sign3A_347 : i32 to vector<16xi32>
    %sign3A_349 = arith.cmpi slt, %add3A_315, %sign3A_348 : vector<16xi32>
    %sign3A_350 = arith.extui %sign3A_349 : vector<16xi1> to vector<16xi32>
    %sign3A_351 = arith.subi %sign3A_346, %sign3A_350 : vector<16xi32>
    %sign3A_352 = arith.constant 0 : i32
    %sign3A_353 = arith.cmpi sgt, %jit3A_340, %sign3A_352 : i32
    %sign3A_354 = arith.extui %sign3A_353 : i1 to i32
    %sign3A_355 = arith.constant 0 : i32
    %sign3A_356 = arith.cmpi slt, %jit3A_340, %sign3A_355 : i32
    %sign3A_357 = arith.extui %sign3A_356 : i1 to i32
    %sign3A_358 = arith.subi %sign3A_354, %sign3A_357 : i32
    %ne3A_359 = vector.broadcast %sign3A_358 : i32 to vector<16xi32>
    %ne3A_360 = arith.cmpi ne, %sign3A_351, %ne3A_359 : vector<16xi32>
    %rem3A_361 = vector.broadcast %jit3A_340 : i32 to vector<16xi32>
    %rem3A_362 = arith.remsi %add3A_315, %rem3A_361 : vector<16xi32>
    %ne3A_363 = arith.constant 0 : i32
    %ne3A_364 = vector.broadcast %ne3A_363 : i32 to vector<16xi32>
    %ne3A_365 = arith.cmpi ne, %rem3A_362, %ne3A_364 : vector<16xi32>
    %and3A_366 = arith.andi %ne3A_360, %ne3A_365 : vector<16xi1>
    %sub3A_367 = arith.constant 1 : i32
    %sub3A_368 = vector.broadcast %sub3A_367 : i32 to vector<16xi32>
    %sub3A_369 = arith.subi %div3A_342, %sub3A_368 : vector<16xi32>
    %select_n3A_370 = arith.select %and3A_366, %sub3A_369, %div3A_342 : vector<16xi1>, vector<16xi32>
    %mul3A_371 = arith.constant 64 : i32
    %mul3A_372 = arith.muli %add3A, %mul3A_371 : i32
    %sub3A_373 = vector.broadcast %mul3A_372 : i32 to vector<16xi32>
    %sub3A_374 = arith.subi %select_n3A_370, %sub3A_373 : vector<16xi32>
    %add3A_375 = arith.addi %mul3A_339, %sub3A_374 : vector<16xi32>
    tpu.vector_store_idx %arg9[%add3A_375], %select_n3A_299 : memref<128xi32, #tpu.memory_space<vmem>>[vector<16xi32>], vector<16xi32>,
    %swap3A = arith.constant 0 : index
    %swap3A_376 = tpu.vector_load %arg10[%swap3A] {strides = array<i32>} : memref<32xi32, #tpu.memory_space<vmem>>, vector<16xi32>,
    tpu.vector_store %arg10[%swap3A], %select_n3A_299 {strides = array<i32>} : memref<32xi32, #tpu.memory_space<vmem>>, vector<16xi32>,
    %mul3A_377 = arith.constant 8 : i32
    %mul3A_378 = arith.muli %add3A, %mul3A_377 : i32
    %add3A_379 = arith.constant 1 : i32
    %add3A_380 = arith.addi %mul3A_378, %add3A_379 : i32
    %mul3A_381 = arith.constant 16 : i32
    %mul3A_382 = arith.muli %add3A_380, %mul3A_381 : i32
    %get3A_383 = arith.index_cast %mul3A_382 : i32 to index
    %get3A_384 = tpu.vector_load %arg8[%get3A_383] {strides = array<i32>} : memref<4096xi32, #tpu.memory_space<vmem>>, vector<16xi32>,
    %broadcast_in_dim3A_385 = arith.constant 0 : i32
    %broadcast_in_dim3A_386 = vector.broadcast %broadcast_in_dim3A_385 : i32 to vector<16xi32>
    %eq3A_387 = arith.constant 0 : i32
    %eq3A_388 = vector.broadcast %eq3A_387 : i32 to vector<16xi32>
    %eq3A_389 = arith.cmpi eq, %get3A_384, %eq3A_388 : vector<16xi32>
    %convert_element_type3A_390 = arith.extui %eq3A_389 : vector<16xi1> to vector<16xi32>
    %broadcast_in_dim3A_391 = arith.constant true
    %broadcast_in_dim3A_392 = vector.broadcast %broadcast_in_dim3A_391 : i1 to vector<16xi1>
    %masked_cumsum3A_393 = tpu.scan <sum>, %convert_element_type3A_390 masked %broadcast_in_dim3A_392 : vector<16xi32>, vector<16xi1> -> vector<16xi32>
    %sub3A_394 = arith.subi %masked_cumsum3A_393, %convert_element_type3A_390 : vector<16xi32>
    %eq3A_395 = arith.constant 0 : i32
    %eq3A_396 = vector.broadcast %eq3A_395 : i32 to vector<16xi32>
    %eq3A_397 = arith.cmpi eq, %iota3A, %eq3A_396 : vector<16xi32>
    %jit3A_398 = arith.constant 0 : i32
    %broadcast_in_dim3A_399 = vector.broadcast %jit3A_398 : i32 to vector<16xi32>
    %select_n3A_400 = arith.select %eq3A_397, %add3A_311, %broadcast_in_dim3A_399 : vector<16xi1>, vector<16xi32>
    %reduce_sum3A_401 = arith.constant true
    %reduce_sum3A_402 = vector.broadcast %reduce_sum3A_401 : i1 to vector<16xi1>
    %reduce_sum3A_403 = tpu.scan <sum>, %select_n3A_400 masked %reduce_sum3A_402 : vector<16xi32>, vector<16xi1> -> vector<16xi32>
    %reduce_sum3A_404 = vector.extract %reduce_sum3A_403[15] : i32 from vector<16xi32>
    %add3A_405 = vector.broadcast %reduce_sum3A_404 : i32 to vector<16xi32>
    %add3A_406 = arith.addi %add3A_405, %sub3A_394 : vector<16xi32>
    %select_n3A_407 = arith.select %eq3A_389, %add3A_406, %broadcast_in_dim3A_386 : vector<16xi1>, vector<16xi32>
    %reduce_sum3A_408 = arith.constant true
    %reduce_sum3A_409 = vector.broadcast %reduce_sum3A_408 : i1 to vector<16xi1>
    %reduce_sum3A_410 = tpu.scan <sum>, %convert_element_type3A_390 masked %reduce_sum3A_409 : vector<16xi32>, vector<16xi1> -> vector<16xi32>
    %reduce_sum3A_411 = vector.extract %reduce_sum3A_410[15] : i32 from vector<16xi32>
    %eq3A_412 = arith.constant 0 : i32
    %eq3A_413 = vector.broadcast %eq3A_412 : i32 to vector<16xi32>
    %eq3A_414 = arith.cmpi eq, %iota3A, %eq3A_413 : vector<16xi32>
    %jit3A_415 = arith.constant 0 : i32
    %broadcast_in_dim3A_416 = vector.broadcast %reduce_sum3A_411 : i32 to vector<16xi32>
    %broadcast_in_dim3A_417 = vector.broadcast %jit3A_415 : i32 to vector<16xi32>
    %select_n3A_418 = arith.select %eq3A_414, %broadcast_in_dim3A_416, %broadcast_in_dim3A_417 : vector<16xi1>, vector<16xi32>
    %add3A_419 = arith.addi %add3A_311, %select_n3A_418 : vector<16xi32>
    %eq3A_420 = arith.constant 1 : i32
    %eq3A_421 = vector.broadcast %eq3A_420 : i32 to vector<16xi32>
    %eq3A_422 = arith.cmpi eq, %get3A_384, %eq3A_421 : vector<16xi32>
    %convert_element_type3A_423 = arith.extui %eq3A_422 : vector<16xi1> to vector<16xi32>
    %broadcast_in_dim3A_424 = arith.constant true
    %broadcast_in_dim3A_425 = vector.broadcast %broadcast_in_dim3A_424 : i1 to vector<16xi1>
    %masked_cumsum3A_426 = tpu.scan <sum>, %convert_element_type3A_423 masked %broadcast_in_dim3A_425 : vector<16xi32>, vector<16xi1> -> vector<16xi32>
    %sub3A_427 = arith.subi %masked_cumsum3A_426, %convert_element_type3A_423 : vector<16xi32>
    %eq3A_428 = arith.constant 1 : i32
    %eq3A_429 = vector.broadcast %eq3A_428 : i32 to vector<16xi32>
    %eq3A_430 = arith.cmpi eq, %iota3A, %eq3A_429 : vector<16xi32>
    %jit3A_431 = arith.constant 0 : i32
    %broadcast_in_dim3A_432 = vector.broadcast %jit3A_431 : i32 to vector<16xi32>
    %select_n3A_433 = arith.select %eq3A_430, %add3A_419, %broadcast_in_dim3A_432 : vector<16xi1>, vector<16xi32>
    %reduce_sum3A_434 = arith.constant true
    %reduce_sum3A_435 = vector.broadcast %reduce_sum3A_434 : i1 to vector<16xi1>
    %reduce_sum3A_436 = tpu.scan <sum>, %select_n3A_433 masked %reduce_sum3A_435 : vector<16xi32>, vector<16xi1> -> vector<16xi32>
    %reduce_sum3A_437 = vector.extract %reduce_sum3A_436[15] : i32 from vector<16xi32>
    %add3A_438 = vector.broadcast %reduce_sum3A_437 : i32 to vector<16xi32>
    %add3A_439 = arith.addi %add3A_438, %sub3A_427 : vector<16xi32>
    %select_n3A_440 = arith.select %eq3A_422, %add3A_439, %select_n3A_407 : vector<16xi1>, vector<16xi32>
    %reduce_sum3A_441 = arith.constant true
    %reduce_sum3A_442 = vector.broadcast %reduce_sum3A_441 : i1 to vector<16xi1>
    %reduce_sum3A_443 = tpu.scan <sum>, %convert_element_type3A_423 masked %reduce_sum3A_442 : vector<16xi32>, vector<16xi1> -> vector<16xi32>
    %reduce_sum3A_444 = vector.extract %reduce_sum3A_443[15] : i32 from vector<16xi32>
    %eq3A_445 = arith.constant 1 : i32
    %eq3A_446 = vector.broadcast %eq3A_445 : i32 to vector<16xi32>
    %eq3A_447 = arith.cmpi eq, %iota3A, %eq3A_446 : vector<16xi32>
    %jit3A_448 = arith.constant 0 : i32
    %broadcast_in_dim3A_449 = vector.broadcast %reduce_sum3A_444 : i32 to vector<16xi32>
    %broadcast_in_dim3A_450 = vector.broadcast %jit3A_448 : i32 to vector<16xi32>
    %select_n3A_451 = arith.select %eq3A_447, %broadcast_in_dim3A_449, %broadcast_in_dim3A_450 : vector<16xi1>, vector<16xi32>
    %add3A_452 = arith.addi %add3A_419, %select_n3A_451 : vector<16xi32>
    %eq3A_453 = arith.constant 2 : i32
    %eq3A_454 = vector.broadcast %eq3A_453 : i32 to vector<16xi32>
    %eq3A_455 = arith.cmpi eq, %get3A_384, %eq3A_454 : vector<16xi32>
    %convert_element_type3A_456 = arith.extui %eq3A_455 : vector<16xi1> to vector<16xi32>
    %broadcast_in_dim3A_457 = arith.constant true
    %broadcast_in_dim3A_458 = vector.broadcast %broadcast_in_dim3A_457 : i1 to vector<16xi1>
    %masked_cumsum3A_459 = tpu.scan <sum>, %convert_element_type3A_456 masked %broadcast_in_dim3A_458 : vector<16xi32>, vector<16xi1> -> vector<16xi32>
    %sub3A_460 = arith.subi %masked_cumsum3A_459, %convert_element_type3A_456 : vector<16xi32>
    %eq3A_461 = arith.constant 2 : i32
    %eq3A_462 = vector.broadcast %eq3A_461 : i32 to vector<16xi32>
    %eq3A_463 = arith.cmpi eq, %iota3A, %eq3A_462 : vector<16xi32>
    %jit3A_464 = arith.constant 0 : i32
    %broadcast_in_dim3A_465 = vector.broadcast %jit3A_464 : i32 to vector<16xi32>
    %select_n3A_466 = arith.select %eq3A_463, %add3A_452, %broadcast_in_dim3A_465 : vector<16xi1>, vector<16xi32>
    %reduce_sum3A_467 = arith.constant true
    %reduce_sum3A_468 = vector.broadcast %reduce_sum3A_467 : i1 to vector<16xi1>
    %reduce_sum3A_469 = tpu.scan <sum>, %select_n3A_466 masked %reduce_sum3A_468 : vector<16xi32>, vector<16xi1> -> vector<16xi32>
    %reduce_sum3A_470 = vector.extract %reduce_sum3A_469[15] : i32 from vector<16xi32>
    %add3A_471 = vector.broadcast %reduce_sum3A_470 : i32 to vector<16xi32>
    %add3A_472 = arith.addi %add3A_471, %sub3A_460 : vector<16xi32>
    %select_n3A_473 = arith.select %eq3A_455, %add3A_472, %select_n3A_440 : vector<16xi1>, vector<16xi32>
    %reduce_sum3A_474 = arith.constant true
    %reduce_sum3A_475 = vector.broadcast %reduce_sum3A_474 : i1 to vector<16xi1>
    %reduce_sum3A_476 = tpu.scan <sum>, %convert_element_type3A_456 masked %reduce_sum3A_475 : vector<16xi32>, vector<16xi1> -> vector<16xi32>
    %reduce_sum3A_477 = vector.extract %reduce_sum3A_476[15] : i32 from vector<16xi32>
    %eq3A_478 = arith.constant 2 : i32
    %eq3A_479 = vector.broadcast %eq3A_478 : i32 to vector<16xi32>
    %eq3A_480 = arith.cmpi eq, %iota3A, %eq3A_479 : vector<16xi32>
    %jit3A_481 = arith.constant 0 : i32
    %broadcast_in_dim3A_482 = vector.broadcast %reduce_sum3A_477 : i32 to vector<16xi32>
    %broadcast_in_dim3A_483 = vector.broadcast %jit3A_481 : i32 to vector<16xi32>
    %select_n3A_484 = arith.select %eq3A_480, %broadcast_in_dim3A_482, %broadcast_in_dim3A_483 : vector<16xi1>, vector<16xi32>
    %add3A_485 = arith.addi %add3A_452, %select_n3A_484 : vector<16xi32>
    %eq3A_486 = arith.constant 3 : i32
    %eq3A_487 = vector.broadcast %eq3A_486 : i32 to vector<16xi32>
    %eq3A_488 = arith.cmpi eq, %get3A_384, %eq3A_487 : vector<16xi32>
    %convert_element_type3A_489 = arith.extui %eq3A_488 : vector<16xi1> to vector<16xi32>
    %broadcast_in_dim3A_490 = arith.constant true
    %broadcast_in_dim3A_491 = vector.broadcast %broadcast_in_dim3A_490 : i1 to vector<16xi1>
    %masked_cumsum3A_492 = tpu.scan <sum>, %convert_element_type3A_489 masked %broadcast_in_dim3A_491 : vector<16xi32>, vector<16xi1> -> vector<16xi32>
    %sub3A_493 = arith.subi %masked_cumsum3A_492, %convert_element_type3A_489 : vector<16xi32>
    %eq3A_494 = arith.constant 3 : i32
    %eq3A_495 = vector.broadcast %eq3A_494 : i32 to vector<16xi32>
    %eq3A_496 = arith.cmpi eq, %iota3A, %eq3A_495 : vector<16xi32>
    %jit3A_497 = arith.constant 0 : i32
    %broadcast_in_dim3A_498 = vector.broadcast %jit3A_497 : i32 to vector<16xi32>
    %select_n3A_499 = arith.select %eq3A_496, %add3A_485, %broadcast_in_dim3A_498 : vector<16xi1>, vector<16xi32>
    %reduce_sum3A_500 = arith.constant true
    %reduce_sum3A_501 = vector.broadcast %reduce_sum3A_500 : i1 to vector<16xi1>
    %reduce_sum3A_502 = tpu.scan <sum>, %select_n3A_499 masked %reduce_sum3A_501 : vector<16xi32>, vector<16xi1> -> vector<16xi32>
    %reduce_sum3A_503 = vector.extract %reduce_sum3A_502[15] : i32 from vector<16xi32>
    %add3A_504 = vector.broadcast %reduce_sum3A_503 : i32 to vector<16xi32>
    %add3A_505 = arith.addi %add3A_504, %sub3A_493 : vector<16xi32>
    %select_n3A_506 = arith.select %eq3A_488, %add3A_505, %select_n3A_473 : vector<16xi1>, vector<16xi32>
    %reduce_sum3A_507 = arith.constant true
    %reduce_sum3A_508 = vector.broadcast %reduce_sum3A_507 : i1 to vector<16xi1>
    %reduce_sum3A_509 = tpu.scan <sum>, %convert_element_type3A_489 masked %reduce_sum3A_508 : vector<16xi32>, vector<16xi1> -> vector<16xi32>
    %reduce_sum3A_510 = vector.extract %reduce_sum3A_509[15] : i32 from vector<16xi32>
    %eq3A_511 = arith.constant 3 : i32
    %eq3A_512 = vector.broadcast %eq3A_511 : i32 to vector<16xi32>
    %eq3A_513 = arith.cmpi eq, %iota3A, %eq3A_512 : vector<16xi32>
    %jit3A_514 = arith.constant 0 : i32
    %broadcast_in_dim3A_515 = vector.broadcast %reduce_sum3A_510 : i32 to vector<16xi32>
    %broadcast_in_dim3A_516 = vector.broadcast %jit3A_514 : i32 to vector<16xi32>
    %select_n3A_517 = arith.select %eq3A_513, %broadcast_in_dim3A_515, %broadcast_in_dim3A_516 : vector<16xi1>, vector<16xi32>
    %add3A_518 = arith.addi %add3A_485, %select_n3A_517 : vector<16xi32>
    %eq3A_519 = arith.constant 4 : i32
    %eq3A_520 = vector.broadcast %eq3A_519 : i32 to vector<16xi32>
    %eq3A_521 = arith.cmpi eq, %get3A_384, %eq3A_520 : vector<16xi32>
    %convert_element_type3A_522 = arith.extui %eq3A_521 : vector<16xi1> to vector<16xi32>
    %broadcast_in_dim3A_523 = arith.constant true
    %broadcast_in_dim3A_524 = vector.broadcast %broadcast_in_dim3A_523 : i1 to vector<16xi1>
    %masked_cumsum3A_525 = tpu.scan <sum>, %convert_element_type3A_522 masked %broadcast_in_dim3A_524 : vector<16xi32>, vector<16xi1> -> vector<16xi32>
    %sub3A_526 = arith.subi %masked_cumsum3A_525, %convert_element_type3A_522 : vector<16xi32>
    %eq3A_527 = arith.constant 4 : i32
    %eq3A_528 = vector.broadcast %eq3A_527 : i32 to vector<16xi32>
    %eq3A_529 = arith.cmpi eq, %iota3A, %eq3A_528 : vector<16xi32>
    %jit3A_530 = arith.constant 0 : i32
    %broadcast_in_dim3A_531 = vector.broadcast %jit3A_530 : i32 to vector<16xi32>
    %select_n3A_532 = arith.select %eq3A_529, %add3A_518, %broadcast_in_dim3A_531 : vector<16xi1>, vector<16xi32>
    %reduce_sum3A_533 = arith.constant true
    %reduce_sum3A_534 = vector.broadcast %reduce_sum3A_533 : i1 to vector<16xi1>
    %reduce_sum3A_535 = tpu.scan <sum>, %select_n3A_532 masked %reduce_sum3A_534 : vector<16xi32>, vector<16xi1> -> vector<16xi32>
    %reduce_sum3A_536 = vector.extract %reduce_sum3A_535[15] : i32 from vector<16xi32>
    %add3A_537 = vector.broadcast %reduce_sum3A_536 : i32 to vector<16xi32>
    %add3A_538 = arith.addi %add3A_537, %sub3A_526 : vector<16xi32>
    %select_n3A_539 = arith.select %eq3A_521, %add3A_538, %select_n3A_506 : vector<16xi1>, vector<16xi32>
    %reduce_sum3A_540 = arith.constant true
    %reduce_sum3A_541 = vector.broadcast %reduce_sum3A_540 : i1 to vector<16xi1>
    %reduce_sum3A_542 = tpu.scan <sum>, %convert_element_type3A_522 masked %reduce_sum3A_541 : vector<16xi32>, vector<16xi1> -> vector<16xi32>
    %reduce_sum3A_543 = vector.extract %reduce_sum3A_542[15] : i32 from vector<16xi32>
    %eq3A_544 = arith.constant 4 : i32
    %eq3A_545 = vector.broadcast %eq3A_544 : i32 to vector<16xi32>
    %eq3A_546 = arith.cmpi eq, %iota3A, %eq3A_545 : vector<16xi32>
    %jit3A_547 = arith.constant 0 : i32
    %broadcast_in_dim3A_548 = vector.broadcast %reduce_sum3A_543 : i32 to vector<16xi32>
    %broadcast_in_dim3A_549 = vector.broadcast %jit3A_547 : i32 to vector<16xi32>
    %select_n3A_550 = arith.select %eq3A_546, %broadcast_in_dim3A_548, %broadcast_in_dim3A_549 : vector<16xi1>, vector<16xi32>
    %add3A_551 = arith.addi %add3A_518, %select_n3A_550 : vector<16xi32>
    %eq3A_552 = arith.constant 5 : i32
    %eq3A_553 = vector.broadcast %eq3A_552 : i32 to vector<16xi32>
    %eq3A_554 = arith.cmpi eq, %get3A_384, %eq3A_553 : vector<16xi32>
    %convert_element_type3A_555 = arith.extui %eq3A_554 : vector<16xi1> to vector<16xi32>
    %broadcast_in_dim3A_556 = arith.constant true
    %broadcast_in_dim3A_557 = vector.broadcast %broadcast_in_dim3A_556 : i1 to vector<16xi1>
    %masked_cumsum3A_558 = tpu.scan <sum>, %convert_element_type3A_555 masked %broadcast_in_dim3A_557 : vector<16xi32>, vector<16xi1> -> vector<16xi32>
    %sub3A_559 = arith.subi %masked_cumsum3A_558, %convert_element_type3A_555 : vector<16xi32>
    %eq3A_560 = arith.constant 5 : i32
    %eq3A_561 = vector.broadcast %eq3A_560 : i32 to vector<16xi32>
    %eq3A_562 = arith.cmpi eq, %iota3A, %eq3A_561 : vector<16xi32>
    %jit3A_563 = arith.constant 0 : i32
    %broadcast_in_dim3A_564 = vector.broadcast %jit3A_563 : i32 to vector<16xi32>
    %select_n3A_565 = arith.select %eq3A_562, %add3A_551, %broadcast_in_dim3A_564 : vector<16xi1>, vector<16xi32>
    %reduce_sum3A_566 = arith.constant true
    %reduce_sum3A_567 = vector.broadcast %reduce_sum3A_566 : i1 to vector<16xi1>
    %reduce_sum3A_568 = tpu.scan <sum>, %select_n3A_565 masked %reduce_sum3A_567 : vector<16xi32>, vector<16xi1> -> vector<16xi32>
    %reduce_sum3A_569 = vector.extract %reduce_sum3A_568[15] : i32 from vector<16xi32>
    %add3A_570 = vector.broadcast %reduce_sum3A_569 : i32 to vector<16xi32>
    %add3A_571 = arith.addi %add3A_570, %sub3A_559 : vector<16xi32>
    %select_n3A_572 = arith.select %eq3A_554, %add3A_571, %select_n3A_539 : vector<16xi1>, vector<16xi32>
    %reduce_sum3A_573 = arith.constant true
    %reduce_sum3A_574 = vector.broadcast %reduce_sum3A_573 : i1 to vector<16xi1>
    %reduce_sum3A_575 = tpu.scan <sum>, %convert_element_type3A_555 masked %reduce_sum3A_574 : vector<16xi32>, vector<16xi1> -> vector<16xi32>
    %reduce_sum3A_576 = vector.extract %reduce_sum3A_575[15] : i32 from vector<16xi32>
    %eq3A_577 = arith.constant 5 : i32
    %eq3A_578 = vector.broadcast %eq3A_577 : i32 to vector<16xi32>
    %eq3A_579 = arith.cmpi eq, %iota3A, %eq3A_578 : vector<16xi32>
    %jit3A_580 = arith.constant 0 : i32
    %broadcast_in_dim3A_581 = vector.broadcast %reduce_sum3A_576 : i32 to vector<16xi32>
    %broadcast_in_dim3A_582 = vector.broadcast %jit3A_580 : i32 to vector<16xi32>
    %select_n3A_583 = arith.select %eq3A_579, %broadcast_in_dim3A_581, %broadcast_in_dim3A_582 : vector<16xi1>, vector<16xi32>
    %add3A_584 = arith.addi %add3A_551, %select_n3A_583 : vector<16xi32>
    %eq3A_585 = arith.constant 6 : i32
    %eq3A_586 = vector.broadcast %eq3A_585 : i32 to vector<16xi32>
    %eq3A_587 = arith.cmpi eq, %get3A_384, %eq3A_586 : vector<16xi32>
    %convert_element_type3A_588 = arith.extui %eq3A_587 : vector<16xi1> to vector<16xi32>
    %broadcast_in_dim3A_589 = arith.constant true
    %broadcast_in_dim3A_590 = vector.broadcast %broadcast_in_dim3A_589 : i1 to vector<16xi1>
    %masked_cumsum3A_591 = tpu.scan <sum>, %convert_element_type3A_588 masked %broadcast_in_dim3A_590 : vector<16xi32>, vector<16xi1> -> vector<16xi32>
    %sub3A_592 = arith.subi %masked_cumsum3A_591, %convert_element_type3A_588 : vector<16xi32>
    %eq3A_593 = arith.constant 6 : i32
    %eq3A_594 = vector.broadcast %eq3A_593 : i32 to vector<16xi32>
    %eq3A_595 = arith.cmpi eq, %iota3A, %eq3A_594 : vector<16xi32>
    %jit3A_596 = arith.constant 0 : i32
    %broadcast_in_dim3A_597 = vector.broadcast %jit3A_596 : i32 to vector<16xi32>
    %select_n3A_598 = arith.select %eq3A_595, %add3A_584, %broadcast_in_dim3A_597 : vector<16xi1>, vector<16xi32>
    %reduce_sum3A_599 = arith.constant true
    %reduce_sum3A_600 = vector.broadcast %reduce_sum3A_599 : i1 to vector<16xi1>
    %reduce_sum3A_601 = tpu.scan <sum>, %select_n3A_598 masked %reduce_sum3A_600 : vector<16xi32>, vector<16xi1> -> vector<16xi32>
    %reduce_sum3A_602 = vector.extract %reduce_sum3A_601[15] : i32 from vector<16xi32>
    %add3A_603 = vector.broadcast %reduce_sum3A_602 : i32 to vector<16xi32>
    %add3A_604 = arith.addi %add3A_603, %sub3A_592 : vector<16xi32>
    %select_n3A_605 = arith.select %eq3A_587, %add3A_604, %select_n3A_572 : vector<16xi1>, vector<16xi32>
    %reduce_sum3A_606 = arith.constant true
    %reduce_sum3A_607 = vector.broadcast %reduce_sum3A_606 : i1 to vector<16xi1>
    %reduce_sum3A_608 = tpu.scan <sum>, %convert_element_type3A_588 masked %reduce_sum3A_607 : vector<16xi32>, vector<16xi1> -> vector<16xi32>
    %reduce_sum3A_609 = vector.extract %reduce_sum3A_608[15] : i32 from vector<16xi32>
    %eq3A_610 = arith.constant 6 : i32
    %eq3A_611 = vector.broadcast %eq3A_610 : i32 to vector<16xi32>
    %eq3A_612 = arith.cmpi eq, %iota3A, %eq3A_611 : vector<16xi32>
    %jit3A_613 = arith.constant 0 : i32
    %broadcast_in_dim3A_614 = vector.broadcast %reduce_sum3A_609 : i32 to vector<16xi32>
    %broadcast_in_dim3A_615 = vector.broadcast %jit3A_613 : i32 to vector<16xi32>
    %select_n3A_616 = arith.select %eq3A_612, %broadcast_in_dim3A_614, %broadcast_in_dim3A_615 : vector<16xi1>, vector<16xi32>
    %add3A_617 = arith.addi %add3A_584, %select_n3A_616 : vector<16xi32>
    %eq3A_618 = arith.constant 7 : i32
    %eq3A_619 = vector.broadcast %eq3A_618 : i32 to vector<16xi32>
    %eq3A_620 = arith.cmpi eq, %get3A_384, %eq3A_619 : vector<16xi32>
    %convert_element_type3A_621 = arith.extui %eq3A_620 : vector<16xi1> to vector<16xi32>
    %broadcast_in_dim3A_622 = arith.constant true
    %broadcast_in_dim3A_623 = vector.broadcast %broadcast_in_dim3A_622 : i1 to vector<16xi1>
    %masked_cumsum3A_624 = tpu.scan <sum>, %convert_element_type3A_621 masked %broadcast_in_dim3A_623 : vector<16xi32>, vector<16xi1> -> vector<16xi32>
    %sub3A_625 = arith.subi %masked_cumsum3A_624, %convert_element_type3A_621 : vector<16xi32>
    %eq3A_626 = arith.constant 7 : i32
    %eq3A_627 = vector.broadcast %eq3A_626 : i32 to vector<16xi32>
    %eq3A_628 = arith.cmpi eq, %iota3A, %eq3A_627 : vector<16xi32>
    %jit3A_629 = arith.constant 0 : i32
    %broadcast_in_dim3A_630 = vector.broadcast %jit3A_629 : i32 to vector<16xi32>
    %select_n3A_631 = arith.select %eq3A_628, %add3A_617, %broadcast_in_dim3A_630 : vector<16xi1>, vector<16xi32>
    %reduce_sum3A_632 = arith.constant true
    %reduce_sum3A_633 = vector.broadcast %reduce_sum3A_632 : i1 to vector<16xi1>
    %reduce_sum3A_634 = tpu.scan <sum>, %select_n3A_631 masked %reduce_sum3A_633 : vector<16xi32>, vector<16xi1> -> vector<16xi32>
    %reduce_sum3A_635 = vector.extract %reduce_sum3A_634[15] : i32 from vector<16xi32>
    %add3A_636 = vector.broadcast %reduce_sum3A_635 : i32 to vector<16xi32>
    %add3A_637 = arith.addi %add3A_636, %sub3A_625 : vector<16xi32>
    %select_n3A_638 = arith.select %eq3A_620, %add3A_637, %select_n3A_605 : vector<16xi1>, vector<16xi32>
    %reduce_sum3A_639 = arith.constant true
    %reduce_sum3A_640 = vector.broadcast %reduce_sum3A_639 : i1 to vector<16xi1>
    %reduce_sum3A_641 = tpu.scan <sum>, %convert_element_type3A_621 masked %reduce_sum3A_640 : vector<16xi32>, vector<16xi1> -> vector<16xi32>
    %reduce_sum3A_642 = vector.extract %reduce_sum3A_641[15] : i32 from vector<16xi32>
    %eq3A_643 = arith.constant 7 : i32
    %eq3A_644 = vector.broadcast %eq3A_643 : i32 to vector<16xi32>
    %eq3A_645 = arith.cmpi eq, %iota3A, %eq3A_644 : vector<16xi32>
    %jit3A_646 = arith.constant 0 : i32
    %broadcast_in_dim3A_647 = vector.broadcast %reduce_sum3A_642 : i32 to vector<16xi32>
    %broadcast_in_dim3A_648 = vector.broadcast %jit3A_646 : i32 to vector<16xi32>
    %select_n3A_649 = arith.select %eq3A_645, %broadcast_in_dim3A_647, %broadcast_in_dim3A_648 : vector<16xi1>, vector<16xi32>
    %add3A_650 = arith.addi %add3A_617, %select_n3A_649 : vector<16xi32>
    %add3A_651 = arith.constant 16 : i32
    %add3A_652 = arith.addi %mul3A_2, %add3A_651 : i32
    %add3A_653 = vector.broadcast %add3A_652 : i32 to vector<16xi32>
    %add3A_654 = arith.addi %add3A_653, %iota3A : vector<16xi32>
    %jit3A_655 = arith.constant 2 : i32
    %eq3A_656 = arith.constant 0 : i32
    %eq3A_657 = arith.cmpi eq, %jit3A_655, %eq3A_656 : i32
    %jit3A_658 = arith.constant 1 : i32
    %select_n3A_659 = arith.select %eq3A_657, %jit3A_658, %jit3A_655 : i32
    %rem3A_660 = vector.broadcast %select_n3A_659 : i32 to vector<16xi32>
    %rem3A_661 = arith.remsi %add3A_654, %rem3A_660 : vector<16xi32>
    %ne3A_662 = arith.constant 0 : i32
    %ne3A_663 = vector.broadcast %ne3A_662 : i32 to vector<16xi32>
    %ne3A_664 = arith.cmpi ne, %rem3A_661, %ne3A_663 : vector<16xi32>
    %lt3A_665 = arith.constant 0 : i32
    %lt3A_666 = vector.broadcast %lt3A_665 : i32 to vector<16xi32>
    %lt3A_667 = arith.cmpi slt, %rem3A_661, %lt3A_666 : vector<16xi32>
    %lt3A_668 = arith.constant 0 : i32
    %lt3A_669 = arith.cmpi slt, %select_n3A_659, %lt3A_668 : i32
    %ne3A_670 = vector.broadcast %lt3A_669 : i1 to vector<16xi1>
    %ne3A_671 = vector.broadcast %ne3A_670 : vector<16xi1> to vector<16xi1>
    %ne3A_672 = arith.xori %lt3A_667, %ne3A_671 : vector<16xi1>
    %and3A_673 = arith.andi %ne3A_672, %ne3A_664 : vector<16xi1>
    %add3A_674 = vector.broadcast %select_n3A_659 : i32 to vector<16xi32>
    %add3A_675 = arith.addi %rem3A_661, %add3A_674 : vector<16xi32>
    %select_n3A_676 = arith.select %and3A_673, %add3A_675, %rem3A_661 : vector<16xi1>, vector<16xi32>
    %mul3A_677 = arith.constant 64 : i32
    %mul3A_678 = vector.broadcast %mul3A_677 : i32 to vector<16xi32>
    %mul3A_679 = arith.muli %select_n3A_676, %mul3A_678 : vector<16xi32>
    %jit3A_680 = arith.constant 2 : i32
    %div3A_681 = vector.broadcast %jit3A_680 : i32 to vector<16xi32>
    %div3A_682 = arith.divsi %add3A_654, %div3A_681 : vector<16xi32>
    %sign3A_683 = arith.constant 0 : i32
    %sign3A_684 = vector.broadcast %sign3A_683 : i32 to vector<16xi32>
    %sign3A_685 = arith.cmpi sgt, %add3A_654, %sign3A_684 : vector<16xi32>
    %sign3A_686 = arith.extui %sign3A_685 : vector<16xi1> to vector<16xi32>
    %sign3A_687 = arith.constant 0 : i32
    %sign3A_688 = vector.broadcast %sign3A_687 : i32 to vector<16xi32>
    %sign3A_689 = arith.cmpi slt, %add3A_654, %sign3A_688 : vector<16xi32>
    %sign3A_690 = arith.extui %sign3A_689 : vector<16xi1> to vector<16xi32>
    %sign3A_691 = arith.subi %sign3A_686, %sign3A_690 : vector<16xi32>
    %sign3A_692 = arith.constant 0 : i32
    %sign3A_693 = arith.cmpi sgt, %jit3A_680, %sign3A_692 : i32
    %sign3A_694 = arith.extui %sign3A_693 : i1 to i32
    %sign3A_695 = arith.constant 0 : i32
    %sign3A_696 = arith.cmpi slt, %jit3A_680, %sign3A_695 : i32
    %sign3A_697 = arith.extui %sign3A_696 : i1 to i32
    %sign3A_698 = arith.subi %sign3A_694, %sign3A_697 : i32
    %ne3A_699 = vector.broadcast %sign3A_698 : i32 to vector<16xi32>
    %ne3A_700 = arith.cmpi ne, %sign3A_691, %ne3A_699 : vector<16xi32>
    %rem3A_701 = vector.broadcast %jit3A_680 : i32 to vector<16xi32>
    %rem3A_702 = arith.remsi %add3A_654, %rem3A_701 : vector<16xi32>
    %ne3A_703 = arith.constant 0 : i32
    %ne3A_704 = vector.broadcast %ne3A_703 : i32 to vector<16xi32>
    %ne3A_705 = arith.cmpi ne, %rem3A_702, %ne3A_704 : vector<16xi32>
    %and3A_706 = arith.andi %ne3A_700, %ne3A_705 : vector<16xi1>
    %sub3A_707 = arith.constant 1 : i32
    %sub3A_708 = vector.broadcast %sub3A_707 : i32 to vector<16xi32>
    %sub3A_709 = arith.subi %div3A_682, %sub3A_708 : vector<16xi32>
    %select_n3A_710 = arith.select %and3A_706, %sub3A_709, %div3A_682 : vector<16xi1>, vector<16xi32>
    %mul3A_711 = arith.constant 64 : i32
    %mul3A_712 = arith.muli %add3A, %mul3A_711 : i32
    %sub3A_713 = vector.broadcast %mul3A_712 : i32 to vector<16xi32>
    %sub3A_714 = arith.subi %select_n3A_710, %sub3A_713 : vector<16xi32>
    %add3A_715 = arith.addi %mul3A_679, %sub3A_714 : vector<16xi32>
    tpu.vector_store_idx %arg9[%add3A_715], %select_n3A_638 : memref<128xi32, #tpu.memory_space<vmem>>[vector<16xi32>], vector<16xi32>,
    %swap3A_716 = arith.constant 16 : index
    %swap3A_717 = tpu.vector_load %arg10[%swap3A_716] {strides = array<i32>} : memref<32xi32, #tpu.memory_space<vmem>>, vector<16xi32>,
    tpu.vector_store %arg10[%swap3A_716], %select_n3A_638 {strides = array<i32>} : memref<32xi32, #tpu.memory_space<vmem>>, vector<16xi32>,
    %mul3A_718 = arith.constant 8 : i32
    %mul3A_719 = arith.muli %add3A, %mul3A_718 : i32
    %add3A_720 = arith.constant 2 : i32
    %add3A_721 = arith.addi %mul3A_719, %add3A_720 : i32
    %mul3A_722 = arith.constant 16 : i32
    %mul3A_723 = arith.muli %add3A_721, %mul3A_722 : i32
    %get3A_724 = arith.index_cast %mul3A_723 : i32 to index
    %get3A_725 = tpu.vector_load %arg8[%get3A_724] {strides = array<i32>} : memref<4096xi32, #tpu.memory_space<vmem>>, vector<16xi32>,
    %broadcast_in_dim3A_726 = arith.constant 0 : i32
    %broadcast_in_dim3A_727 = vector.broadcast %broadcast_in_dim3A_726 : i32 to vector<16xi32>
    %eq3A_728 = arith.constant 0 : i32
    %eq3A_729 = vector.broadcast %eq3A_728 : i32 to vector<16xi32>
    %eq3A_730 = arith.cmpi eq, %get3A_725, %eq3A_729 : vector<16xi32>
    %convert_element_type3A_731 = arith.extui %eq3A_730 : vector<16xi1> to vector<16xi32>
    %broadcast_in_dim3A_732 = arith.constant true
    %broadcast_in_dim3A_733 = vector.broadcast %broadcast_in_dim3A_732 : i1 to vector<16xi1>
    %masked_cumsum3A_734 = tpu.scan <sum>, %convert_element_type3A_731 masked %broadcast_in_dim3A_733 : vector<16xi32>, vector<16xi1> -> vector<16xi32>
    %sub3A_735 = arith.subi %masked_cumsum3A_734, %convert_element_type3A_731 : vector<16xi32>
    %eq3A_736 = arith.constant 0 : i32
    %eq3A_737 = vector.broadcast %eq3A_736 : i32 to vector<16xi32>
    %eq3A_738 = arith.cmpi eq, %iota3A, %eq3A_737 : vector<16xi32>
    %jit3A_739 = arith.constant 0 : i32
    %broadcast_in_dim3A_740 = vector.broadcast %jit3A_739 : i32 to vector<16xi32>
    %select_n3A_741 = arith.select %eq3A_738, %add3A_650, %broadcast_in_dim3A_740 : vector<16xi1>, vector<16xi32>
    %reduce_sum3A_742 = arith.constant true
    %reduce_sum3A_743 = vector.broadcast %reduce_sum3A_742 : i1 to vector<16xi1>
    %reduce_sum3A_744 = tpu.scan <sum>, %select_n3A_741 masked %reduce_sum3A_743 : vector<16xi32>, vector<16xi1> -> vector<16xi32>
    %reduce_sum3A_745 = vector.extract %reduce_sum3A_744[15] : i32 from vector<16xi32>
    %add3A_746 = vector.broadcast %reduce_sum3A_745 : i32 to vector<16xi32>
    %add3A_747 = arith.addi %add3A_746, %sub3A_735 : vector<16xi32>
    %select_n3A_748 = arith.select %eq3A_730, %add3A_747, %broadcast_in_dim3A_727 : vector<16xi1>, vector<16xi32>
    %reduce_sum3A_749 = arith.constant true
    %reduce_sum3A_750 = vector.broadcast %reduce_sum3A_749 : i1 to vector<16xi1>
    %reduce_sum3A_751 = tpu.scan <sum>, %convert_element_type3A_731 masked %reduce_sum3A_750 : vector<16xi32>, vector<16xi1> -> vector<16xi32>
    %reduce_sum3A_752 = vector.extract %reduce_sum3A_751[15] : i32 from vector<16xi32>
    %eq3A_753 = arith.constant 0 : i32
    %eq3A_754 = vector.broadcast %eq3A_753 : i32 to vector<16xi32>
    %eq3A_755 = arith.cmpi eq, %iota3A, %eq3A_754 : vector<16xi32>
    %jit3A_756 = arith.constant 0 : i32
    %broadcast_in_dim3A_757 = vector.broadcast %reduce_sum3A_752 : i32 to vector<16xi32>
    %broadcast_in_dim3A_758 = vector.broadcast %jit3A_756 : i32 to vector<16xi32>
    %select_n3A_759 = arith.select %eq3A_755, %broadcast_in_dim3A_757, %broadcast_in_dim3A_758 : vector<16xi1>, vector<16xi32>
    %add3A_760 = arith.addi %add3A_650, %select_n3A_759 : vector<16xi32>
    %eq3A_761 = arith.constant 1 : i32
    %eq3A_762 = vector.broadcast %eq3A_761 : i32 to vector<16xi32>
    %eq3A_763 = arith.cmpi eq, %get3A_725, %eq3A_762 : vector<16xi32>
    %convert_element_type3A_764 = arith.extui %eq3A_763 : vector<16xi1> to vector<16xi32>
    %broadcast_in_dim3A_765 = arith.constant true
    %broadcast_in_dim3A_766 = vector.broadcast %broadcast_in_dim3A_765 : i1 to vector<16xi1>
    %masked_cumsum3A_767 = tpu.scan <sum>, %convert_element_type3A_764 masked %broadcast_in_dim3A_766 : vector<16xi32>, vector<16xi1> -> vector<16xi32>
    %sub3A_768 = arith.subi %masked_cumsum3A_767, %convert_element_type3A_764 : vector<16xi32>
    %eq3A_769 = arith.constant 1 : i32
    %eq3A_770 = vector.broadcast %eq3A_769 : i32 to vector<16xi32>
    %eq3A_771 = arith.cmpi eq, %iota3A, %eq3A_770 : vector<16xi32>
    %jit3A_772 = arith.constant 0 : i32
    %broadcast_in_dim3A_773 = vector.broadcast %jit3A_772 : i32 to vector<16xi32>
    %select_n3A_774 = arith.select %eq3A_771, %add3A_760, %broadcast_in_dim3A_773 : vector<16xi1>, vector<16xi32>
    %reduce_sum3A_775 = arith.constant true
    %reduce_sum3A_776 = vector.broadcast %reduce_sum3A_775 : i1 to vector<16xi1>
    %reduce_sum3A_777 = tpu.scan <sum>, %select_n3A_774 masked %reduce_sum3A_776 : vector<16xi32>, vector<16xi1> -> vector<16xi32>
    %reduce_sum3A_778 = vector.extract %reduce_sum3A_777[15] : i32 from vector<16xi32>
    %add3A_779 = vector.broadcast %reduce_sum3A_778 : i32 to vector<16xi32>
    %add3A_780 = arith.addi %add3A_779, %sub3A_768 : vector<16xi32>
    %select_n3A_781 = arith.select %eq3A_763, %add3A_780, %select_n3A_748 : vector<16xi1>, vector<16xi32>
    %reduce_sum3A_782 = arith.constant true
    %reduce_sum3A_783 = vector.broadcast %reduce_sum3A_782 : i1 to vector<16xi1>
    %reduce_sum3A_784 = tpu.scan <sum>, %convert_element_type3A_764 masked %reduce_sum3A_783 : vector<16xi32>, vector<16xi1> -> vector<16xi32>
    %reduce_sum3A_785 = vector.extract %reduce_sum3A_784[15] : i32 from vector<16xi32>
    %eq3A_786 = arith.constant 1 : i32
    %eq3A_787 = vector.broadcast %eq3A_786 : i32 to vector<16xi32>
    %eq3A_788 = arith.cmpi eq, %iota3A, %eq3A_787 : vector<16xi32>
    %jit3A_789 = arith.constant 0 : i32
    %broadcast_in_dim3A_790 = vector.broadcast %reduce_sum3A_785 : i32 to vector<16xi32>
    %broadcast_in_dim3A_791 = vector.broadcast %jit3A_789 : i32 to vector<16xi32>
    %select_n3A_792 = arith.select %eq3A_788, %broadcast_in_dim3A_790, %broadcast_in_dim3A_791 : vector<16xi1>, vector<16xi32>
    %add3A_793 = arith.addi %add3A_760, %select_n3A_792 : vector<16xi32>
    %eq3A_794 = arith.constant 2 : i32
    %eq3A_795 = vector.broadcast %eq3A_794 : i32 to vector<16xi32>
    %eq3A_796 = arith.cmpi eq, %get3A_725, %eq3A_795 : vector<16xi32>
    %convert_element_type3A_797 = arith.extui %eq3A_796 : vector<16xi1> to vector<16xi32>
    %broadcast_in_dim3A_798 = arith.constant true
    %broadcast_in_dim3A_799 = vector.broadcast %broadcast_in_dim3A_798 : i1 to vector<16xi1>
    %masked_cumsum3A_800 = tpu.scan <sum>, %convert_element_type3A_797 masked %broadcast_in_dim3A_799 : vector<16xi32>, vector<16xi1> -> vector<16xi32>
    %sub3A_801 = arith.subi %masked_cumsum3A_800, %convert_element_type3A_797 : vector<16xi32>
    %eq3A_802 = arith.constant 2 : i32
    %eq3A_803 = vector.broadcast %eq3A_802 : i32 to vector<16xi32>
    %eq3A_804 = arith.cmpi eq, %iota3A, %eq3A_803 : vector<16xi32>
    %jit3A_805 = arith.constant 0 : i32
    %broadcast_in_dim3A_806 = vector.broadcast %jit3A_805 : i32 to vector<16xi32>
    %select_n3A_807 = arith.select %eq3A_804, %add3A_793, %broadcast_in_dim3A_806 : vector<16xi1>, vector<16xi32>
    %reduce_sum3A_808 = arith.constant true
    %reduce_sum3A_809 = vector.broadcast %reduce_sum3A_808 : i1 to vector<16xi1>
    %reduce_sum3A_810 = tpu.scan <sum>, %select_n3A_807 masked %reduce_sum3A_809 : vector<16xi32>, vector<16xi1> -> vector<16xi32>
    %reduce_sum3A_811 = vector.extract %reduce_sum3A_810[15] : i32 from vector<16xi32>
    %add3A_812 = vector.broadcast %reduce_sum3A_811 : i32 to vector<16xi32>
    %add3A_813 = arith.addi %add3A_812, %sub3A_801 : vector<16xi32>
    %select_n3A_814 = arith.select %eq3A_796, %add3A_813, %select_n3A_781 : vector<16xi1>, vector<16xi32>
    %reduce_sum3A_815 = arith.constant true
    %reduce_sum3A_816 = vector.broadcast %reduce_sum3A_815 : i1 to vector<16xi1>
    %reduce_sum3A_817 = tpu.scan <sum>, %convert_element_type3A_797 masked %reduce_sum3A_816 : vector<16xi32>, vector<16xi1> -> vector<16xi32>
    %reduce_sum3A_818 = vector.extract %reduce_sum3A_817[15] : i32 from vector<16xi32>
    %eq3A_819 = arith.constant 2 : i32
    %eq3A_820 = vector.broadcast %eq3A_819 : i32 to vector<16xi32>
    %eq3A_821 = arith.cmpi eq, %iota3A, %eq3A_820 : vector<16xi32>
    %jit3A_822 = arith.constant 0 : i32
    %broadcast_in_dim3A_823 = vector.broadcast %reduce_sum3A_818 : i32 to vector<16xi32>
    %broadcast_in_dim3A_824 = vector.broadcast %jit3A_822 : i32 to vector<16xi32>
    %select_n3A_825 = arith.select %eq3A_821, %broadcast_in_dim3A_823, %broadcast_in_dim3A_824 : vector<16xi1>, vector<16xi32>
    %add3A_826 = arith.addi %add3A_793, %select_n3A_825 : vector<16xi32>
    %eq3A_827 = arith.constant 3 : i32
    %eq3A_828 = vector.broadcast %eq3A_827 : i32 to vector<16xi32>
    %eq3A_829 = arith.cmpi eq, %get3A_725, %eq3A_828 : vector<16xi32>
    %convert_element_type3A_830 = arith.extui %eq3A_829 : vector<16xi1> to vector<16xi32>
    %broadcast_in_dim3A_831 = arith.constant true
    %broadcast_in_dim3A_832 = vector.broadcast %broadcast_in_dim3A_831 : i1 to vector<16xi1>
    %masked_cumsum3A_833 = tpu.scan <sum>, %convert_element_type3A_830 masked %broadcast_in_dim3A_832 : vector<16xi32>, vector<16xi1> -> vector<16xi32>
    %sub3A_834 = arith.subi %masked_cumsum3A_833, %convert_element_type3A_830 : vector<16xi32>
    %eq3A_835 = arith.constant 3 : i32
    %eq3A_836 = vector.broadcast %eq3A_835 : i32 to vector<16xi32>
    %eq3A_837 = arith.cmpi eq, %iota3A, %eq3A_836 : vector<16xi32>
    %jit3A_838 = arith.constant 0 : i32
    %broadcast_in_dim3A_839 = vector.broadcast %jit3A_838 : i32 to vector<16xi32>
    %select_n3A_840 = arith.select %eq3A_837, %add3A_826, %broadcast_in_dim3A_839 : vector<16xi1>, vector<16xi32>
    %reduce_sum3A_841 = arith.constant true
    %reduce_sum3A_842 = vector.broadcast %reduce_sum3A_841 : i1 to vector<16xi1>
    %reduce_sum3A_843 = tpu.scan <sum>, %select_n3A_840 masked %reduce_sum3A_842 : vector<16xi32>, vector<16xi1> -> vector<16xi32>
    %reduce_sum3A_844 = vector.extract %reduce_sum3A_843[15] : i32 from vector<16xi32>
    %add3A_845 = vector.broadcast %reduce_sum3A_844 : i32 to vector<16xi32>
    %add3A_846 = arith.addi %add3A_845, %sub3A_834 : vector<16xi32>
    %select_n3A_847 = arith.select %eq3A_829, %add3A_846, %select_n3A_814 : vector<16xi1>, vector<16xi32>
    %reduce_sum3A_848 = arith.constant true
    %reduce_sum3A_849 = vector.broadcast %reduce_sum3A_848 : i1 to vector<16xi1>
    %reduce_sum3A_850 = tpu.scan <sum>, %convert_element_type3A_830 masked %reduce_sum3A_849 : vector<16xi32>, vector<16xi1> -> vector<16xi32>
    %reduce_sum3A_851 = vector.extract %reduce_sum3A_850[15] : i32 from vector<16xi32>
    %eq3A_852 = arith.constant 3 : i32
    %eq3A_853 = vector.broadcast %eq3A_852 : i32 to vector<16xi32>
    %eq3A_854 = arith.cmpi eq, %iota3A, %eq3A_853 : vector<16xi32>
    %jit3A_855 = arith.constant 0 : i32
    %broadcast_in_dim3A_856 = vector.broadcast %reduce_sum3A_851 : i32 to vector<16xi32>
    %broadcast_in_dim3A_857 = vector.broadcast %jit3A_855 : i32 to vector<16xi32>
    %select_n3A_858 = arith.select %eq3A_854, %broadcast_in_dim3A_856, %broadcast_in_dim3A_857 : vector<16xi1>, vector<16xi32>
    %add3A_859 = arith.addi %add3A_826, %select_n3A_858 : vector<16xi32>
    %eq3A_860 = arith.constant 4 : i32
    %eq3A_861 = vector.broadcast %eq3A_860 : i32 to vector<16xi32>
    %eq3A_862 = arith.cmpi eq, %get3A_725, %eq3A_861 : vector<16xi32>
    %convert_element_type3A_863 = arith.extui %eq3A_862 : vector<16xi1> to vector<16xi32>
    %broadcast_in_dim3A_864 = arith.constant true
    %broadcast_in_dim3A_865 = vector.broadcast %broadcast_in_dim3A_864 : i1 to vector<16xi1>
    %masked_cumsum3A_866 = tpu.scan <sum>, %convert_element_type3A_863 masked %broadcast_in_dim3A_865 : vector<16xi32>, vector<16xi1> -> vector<16xi32>
    %sub3A_867 = arith.subi %masked_cumsum3A_866, %convert_element_type3A_863 : vector<16xi32>
    %eq3A_868 = arith.constant 4 : i32
    %eq3A_869 = vector.broadcast %eq3A_868 : i32 to vector<16xi32>
    %eq3A_870 = arith.cmpi eq, %iota3A, %eq3A_869 : vector<16xi32>
    %jit3A_871 = arith.constant 0 : i32
    %broadcast_in_dim3A_872 = vector.broadcast %jit3A_871 : i32 to vector<16xi32>
    %select_n3A_873 = arith.select %eq3A_870, %add3A_859, %broadcast_in_dim3A_872 : vector<16xi1>, vector<16xi32>
    %reduce_sum3A_874 = arith.constant true
    %reduce_sum3A_875 = vector.broadcast %reduce_sum3A_874 : i1 to vector<16xi1>
    %reduce_sum3A_876 = tpu.scan <sum>, %select_n3A_873 masked %reduce_sum3A_875 : vector<16xi32>, vector<16xi1> -> vector<16xi32>
    %reduce_sum3A_877 = vector.extract %reduce_sum3A_876[15] : i32 from vector<16xi32>
    %add3A_878 = vector.broadcast %reduce_sum3A_877 : i32 to vector<16xi32>
    %add3A_879 = arith.addi %add3A_878, %sub3A_867 : vector<16xi32>
    %select_n3A_880 = arith.select %eq3A_862, %add3A_879, %select_n3A_847 : vector<16xi1>, vector<16xi32>
    %reduce_sum3A_881 = arith.constant true
    %reduce_sum3A_882 = vector.broadcast %reduce_sum3A_881 : i1 to vector<16xi1>
    %reduce_sum3A_883 = tpu.scan <sum>, %convert_element_type3A_863 masked %reduce_sum3A_882 : vector<16xi32>, vector<16xi1> -> vector<16xi32>
    %reduce_sum3A_884 = vector.extract %reduce_sum3A_883[15] : i32 from vector<16xi32>
    %eq3A_885 = arith.constant 4 : i32
    %eq3A_886 = vector.broadcast %eq3A_885 : i32 to vector<16xi32>
    %eq3A_887 = arith.cmpi eq, %iota3A, %eq3A_886 : vector<16xi32>
    %jit3A_888 = arith.constant 0 : i32
    %broadcast_in_dim3A_889 = vector.broadcast %reduce_sum3A_884 : i32 to vector<16xi32>
    %broadcast_in_dim3A_890 = vector.broadcast %jit3A_888 : i32 to vector<16xi32>
    %select_n3A_891 = arith.select %eq3A_887, %broadcast_in_dim3A_889, %broadcast_in_dim3A_890 : vector<16xi1>, vector<16xi32>
    %add3A_892 = arith.addi %add3A_859, %select_n3A_891 : vector<16xi32>
    %eq3A_893 = arith.constant 5 : i32
    %eq3A_894 = vector.broadcast %eq3A_893 : i32 to vector<16xi32>
    %eq3A_895 = arith.cmpi eq, %get3A_725, %eq3A_894 : vector<16xi32>
    %convert_element_type3A_896 = arith.extui %eq3A_895 : vector<16xi1> to vector<16xi32>
    %broadcast_in_dim3A_897 = arith.constant true
    %broadcast_in_dim3A_898 = vector.broadcast %broadcast_in_dim3A_897 : i1 to vector<16xi1>
    %masked_cumsum3A_899 = tpu.scan <sum>, %convert_element_type3A_896 masked %broadcast_in_dim3A_898 : vector<16xi32>, vector<16xi1> -> vector<16xi32>
    %sub3A_900 = arith.subi %masked_cumsum3A_899, %convert_element_type3A_896 : vector<16xi32>
    %eq3A_901 = arith.constant 5 : i32
    %eq3A_902 = vector.broadcast %eq3A_901 : i32 to vector<16xi32>
    %eq3A_903 = arith.cmpi eq, %iota3A, %eq3A_902 : vector<16xi32>
    %jit3A_904 = arith.constant 0 : i32
    %broadcast_in_dim3A_905 = vector.broadcast %jit3A_904 : i32 to vector<16xi32>
    %select_n3A_906 = arith.select %eq3A_903, %add3A_892, %broadcast_in_dim3A_905 : vector<16xi1>, vector<16xi32>
    %reduce_sum3A_907 = arith.constant true
    %reduce_sum3A_908 = vector.broadcast %reduce_sum3A_907 : i1 to vector<16xi1>
    %reduce_sum3A_909 = tpu.scan <sum>, %select_n3A_906 masked %reduce_sum3A_908 : vector<16xi32>, vector<16xi1> -> vector<16xi32>
    %reduce_sum3A_910 = vector.extract %reduce_sum3A_909[15] : i32 from vector<16xi32>
    %add3A_911 = vector.broadcast %reduce_sum3A_910 : i32 to vector<16xi32>
    %add3A_912 = arith.addi %add3A_911, %sub3A_900 : vector<16xi32>
    %select_n3A_913 = arith.select %eq3A_895, %add3A_912, %select_n3A_880 : vector<16xi1>, vector<16xi32>
    %reduce_sum3A_914 = arith.constant true
    %reduce_sum3A_915 = vector.broadcast %reduce_sum3A_914 : i1 to vector<16xi1>
    %reduce_sum3A_916 = tpu.scan <sum>, %convert_element_type3A_896 masked %reduce_sum3A_915 : vector<16xi32>, vector<16xi1> -> vector<16xi32>
    %reduce_sum3A_917 = vector.extract %reduce_sum3A_916[15] : i32 from vector<16xi32>
    %eq3A_918 = arith.constant 5 : i32
    %eq3A_919 = vector.broadcast %eq3A_918 : i32 to vector<16xi32>
    %eq3A_920 = arith.cmpi eq, %iota3A, %eq3A_919 : vector<16xi32>
    %jit3A_921 = arith.constant 0 : i32
    %broadcast_in_dim3A_922 = vector.broadcast %reduce_sum3A_917 : i32 to vector<16xi32>
    %broadcast_in_dim3A_923 = vector.broadcast %jit3A_921 : i32 to vector<16xi32>
    %select_n3A_924 = arith.select %eq3A_920, %broadcast_in_dim3A_922, %broadcast_in_dim3A_923 : vector<16xi1>, vector<16xi32>
    %add3A_925 = arith.addi %add3A_892, %select_n3A_924 : vector<16xi32>
    %eq3A_926 = arith.constant 6 : i32
    %eq3A_927 = vector.broadcast %eq3A_926 : i32 to vector<16xi32>
    %eq3A_928 = arith.cmpi eq, %get3A_725, %eq3A_927 : vector<16xi32>
    %convert_element_type3A_929 = arith.extui %eq3A_928 : vector<16xi1> to vector<16xi32>
    %broadcast_in_dim3A_930 = arith.constant true
    %broadcast_in_dim3A_931 = vector.broadcast %broadcast_in_dim3A_930 : i1 to vector<16xi1>
    %masked_cumsum3A_932 = tpu.scan <sum>, %convert_element_type3A_929 masked %broadcast_in_dim3A_931 : vector<16xi32>, vector<16xi1> -> vector<16xi32>
    %sub3A_933 = arith.subi %masked_cumsum3A_932, %convert_element_type3A_929 : vector<16xi32>
    %eq3A_934 = arith.constant 6 : i32
    %eq3A_935 = vector.broadcast %eq3A_934 : i32 to vector<16xi32>
    %eq3A_936 = arith.cmpi eq, %iota3A, %eq3A_935 : vector<16xi32>
    %jit3A_937 = arith.constant 0 : i32
    %broadcast_in_dim3A_938 = vector.broadcast %jit3A_937 : i32 to vector<16xi32>
    %select_n3A_939 = arith.select %eq3A_936, %add3A_925, %broadcast_in_dim3A_938 : vector<16xi1>, vector<16xi32>
    %reduce_sum3A_940 = arith.constant true
    %reduce_sum3A_941 = vector.broadcast %reduce_sum3A_940 : i1 to vector<16xi1>
    %reduce_sum3A_942 = tpu.scan <sum>, %select_n3A_939 masked %reduce_sum3A_941 : vector<16xi32>, vector<16xi1> -> vector<16xi32>
    %reduce_sum3A_943 = vector.extract %reduce_sum3A_942[15] : i32 from vector<16xi32>
    %add3A_944 = vector.broadcast %reduce_sum3A_943 : i32 to vector<16xi32>
    %add3A_945 = arith.addi %add3A_944, %sub3A_933 : vector<16xi32>
    %select_n3A_946 = arith.select %eq3A_928, %add3A_945, %select_n3A_913 : vector<16xi1>, vector<16xi32>
    %reduce_sum3A_947 = arith.constant true
    %reduce_sum3A_948 = vector.broadcast %reduce_sum3A_947 : i1 to vector<16xi1>
    %reduce_sum3A_949 = tpu.scan <sum>, %convert_element_type3A_929 masked %reduce_sum3A_948 : vector<16xi32>, vector<16xi1> -> vector<16xi32>
    %reduce_sum3A_950 = vector.extract %reduce_sum3A_949[15] : i32 from vector<16xi32>
    %eq3A_951 = arith.constant 6 : i32
    %eq3A_952 = vector.broadcast %eq3A_951 : i32 to vector<16xi32>
    %eq3A_953 = arith.cmpi eq, %iota3A, %eq3A_952 : vector<16xi32>
    %jit3A_954 = arith.constant 0 : i32
    %broadcast_in_dim3A_955 = vector.broadcast %reduce_sum3A_950 : i32 to vector<16xi32>
    %broadcast_in_dim3A_956 = vector.broadcast %jit3A_954 : i32 to vector<16xi32>
    %select_n3A_957 = arith.select %eq3A_953, %broadcast_in_dim3A_955, %broadcast_in_dim3A_956 : vector<16xi1>, vector<16xi32>
    %add3A_958 = arith.addi %add3A_925, %select_n3A_957 : vector<16xi32>
    %eq3A_959 = arith.constant 7 : i32
    %eq3A_960 = vector.broadcast %eq3A_959 : i32 to vector<16xi32>
    %eq3A_961 = arith.cmpi eq, %get3A_725, %eq3A_960 : vector<16xi32>
    %convert_element_type3A_962 = arith.extui %eq3A_961 : vector<16xi1> to vector<16xi32>
    %broadcast_in_dim3A_963 = arith.constant true
    %broadcast_in_dim3A_964 = vector.broadcast %broadcast_in_dim3A_963 : i1 to vector<16xi1>
    %masked_cumsum3A_965 = tpu.scan <sum>, %convert_element_type3A_962 masked %broadcast_in_dim3A_964 : vector<16xi32>, vector<16xi1> -> vector<16xi32>
    %sub3A_966 = arith.subi %masked_cumsum3A_965, %convert_element_type3A_962 : vector<16xi32>
    %eq3A_967 = arith.constant 7 : i32
    %eq3A_968 = vector.broadcast %eq3A_967 : i32 to vector<16xi32>
    %eq3A_969 = arith.cmpi eq, %iota3A, %eq3A_968 : vector<16xi32>
    %jit3A_970 = arith.constant 0 : i32
    %broadcast_in_dim3A_971 = vector.broadcast %jit3A_970 : i32 to vector<16xi32>
    %select_n3A_972 = arith.select %eq3A_969, %add3A_958, %broadcast_in_dim3A_971 : vector<16xi1>, vector<16xi32>
    %reduce_sum3A_973 = arith.constant true
    %reduce_sum3A_974 = vector.broadcast %reduce_sum3A_973 : i1 to vector<16xi1>
    %reduce_sum3A_975 = tpu.scan <sum>, %select_n3A_972 masked %reduce_sum3A_974 : vector<16xi32>, vector<16xi1> -> vector<16xi32>
    %reduce_sum3A_976 = vector.extract %reduce_sum3A_975[15] : i32 from vector<16xi32>
    %add3A_977 = vector.broadcast %reduce_sum3A_976 : i32 to vector<16xi32>
    %add3A_978 = arith.addi %add3A_977, %sub3A_966 : vector<16xi32>
    %select_n3A_979 = arith.select %eq3A_961, %add3A_978, %select_n3A_946 : vector<16xi1>, vector<16xi32>
    %reduce_sum3A_980 = arith.constant true
    %reduce_sum3A_981 = vector.broadcast %reduce_sum3A_980 : i1 to vector<16xi1>
    %reduce_sum3A_982 = tpu.scan <sum>, %convert_element_type3A_962 masked %reduce_sum3A_981 : vector<16xi32>, vector<16xi1> -> vector<16xi32>
    %reduce_sum3A_983 = vector.extract %reduce_sum3A_982[15] : i32 from vector<16xi32>
    %eq3A_984 = arith.constant 7 : i32
    %eq3A_985 = vector.broadcast %eq3A_984 : i32 to vector<16xi32>
    %eq3A_986 = arith.cmpi eq, %iota3A, %eq3A_985 : vector<16xi32>
    %jit3A_987 = arith.constant 0 : i32
    %broadcast_in_dim3A_988 = vector.broadcast %reduce_sum3A_983 : i32 to vector<16xi32>
    %broadcast_in_dim3A_989 = vector.broadcast %jit3A_987 : i32 to vector<16xi32>
    %select_n3A_990 = arith.select %eq3A_986, %broadcast_in_dim3A_988, %broadcast_in_dim3A_989 : vector<16xi1>, vector<16xi32>
    %add3A_991 = arith.addi %add3A_958, %select_n3A_990 : vector<16xi32>
    %add3A_992 = arith.constant 32 : i32
    %add3A_993 = arith.addi %mul3A_2, %add3A_992 : i32
    %add3A_994 = vector.broadcast %add3A_993 : i32 to vector<16xi32>
    %add3A_995 = arith.addi %add3A_994, %iota3A : vector<16xi32>
    %jit3A_996 = arith.constant 2 : i32
    %eq3A_997 = arith.constant 0 : i32
    %eq3A_998 = arith.cmpi eq, %jit3A_996, %eq3A_997 : i32
    %jit3A_999 = arith.constant 1 : i32
    %select_n3A_1000 = arith.select %eq3A_998, %jit3A_999, %jit3A_996 : i32
    %rem3A_1001 = vector.broadcast %select_n3A_1000 : i32 to vector<16xi32>
    %rem3A_1002 = arith.remsi %add3A_995, %rem3A_1001 : vector<16xi32>
    %ne3A_1003 = arith.constant 0 : i32
    %ne3A_1004 = vector.broadcast %ne3A_1003 : i32 to vector<16xi32>
    %ne3A_1005 = arith.cmpi ne, %rem3A_1002, %ne3A_1004 : vector<16xi32>
    %lt3A_1006 = arith.constant 0 : i32
    %lt3A_1007 = vector.broadcast %lt3A_1006 : i32 to vector<16xi32>
    %lt3A_1008 = arith.cmpi slt, %rem3A_1002, %lt3A_1007 : vector<16xi32>
    %lt3A_1009 = arith.constant 0 : i32
    %lt3A_1010 = arith.cmpi slt, %select_n3A_1000, %lt3A_1009 : i32
    %ne3A_1011 = vector.broadcast %lt3A_1010 : i1 to vector<16xi1>
    %ne3A_1012 = vector.broadcast %ne3A_1011 : vector<16xi1> to vector<16xi1>
    %ne3A_1013 = arith.xori %lt3A_1008, %ne3A_1012 : vector<16xi1>
    %and3A_1014 = arith.andi %ne3A_1013, %ne3A_1005 : vector<16xi1>
    %add3A_1015 = vector.broadcast %select_n3A_1000 : i32 to vector<16xi32>
    %add3A_1016 = arith.addi %rem3A_1002, %add3A_1015 : vector<16xi32>
    %select_n3A_1017 = arith.select %and3A_1014, %add3A_1016, %rem3A_1002 : vector<16xi1>, vector<16xi32>
    %mul3A_1018 = arith.constant 64 : i32
    %mul3A_1019 = vector.broadcast %mul3A_1018 : i32 to vector<16xi32>
    %mul3A_1020 = arith.muli %select_n3A_1017, %mul3A_1019 : vector<16xi32>
    %jit3A_1021 = arith.constant 2 : i32
    %div3A_1022 = vector.broadcast %jit3A_1021 : i32 to vector<16xi32>
    %div3A_1023 = arith.divsi %add3A_995, %div3A_1022 : vector<16xi32>
    %sign3A_1024 = arith.constant 0 : i32
    %sign3A_1025 = vector.broadcast %sign3A_1024 : i32 to vector<16xi32>
    %sign3A_1026 = arith.cmpi sgt, %add3A_995, %sign3A_1025 : vector<16xi32>
    %sign3A_1027 = arith.extui %sign3A_1026 : vector<16xi1> to vector<16xi32>
    %sign3A_1028 = arith.constant 0 : i32
    %sign3A_1029 = vector.broadcast %sign3A_1028 : i32 to vector<16xi32>
    %sign3A_1030 = arith.cmpi slt, %add3A_995, %sign3A_1029 : vector<16xi32>
    %sign3A_1031 = arith.extui %sign3A_1030 : vector<16xi1> to vector<16xi32>
    %sign3A_1032 = arith.subi %sign3A_1027, %sign3A_1031 : vector<16xi32>
    %sign3A_1033 = arith.constant 0 : i32
    %sign3A_1034 = arith.cmpi sgt, %jit3A_1021, %sign3A_1033 : i32
    %sign3A_1035 = arith.extui %sign3A_1034 : i1 to i32
    %sign3A_1036 = arith.constant 0 : i32
    %sign3A_1037 = arith.cmpi slt, %jit3A_1021, %sign3A_1036 : i32
    %sign3A_1038 = arith.extui %sign3A_1037 : i1 to i32
    %sign3A_1039 = arith.subi %sign3A_1035, %sign3A_1038 : i32
    %ne3A_1040 = vector.broadcast %sign3A_1039 : i32 to vector<16xi32>
    %ne3A_1041 = arith.cmpi ne, %sign3A_1032, %ne3A_1040 : vector<16xi32>
    %rem3A_1042 = vector.broadcast %jit3A_1021 : i32 to vector<16xi32>
    %rem3A_1043 = arith.remsi %add3A_995, %rem3A_1042 : vector<16xi32>
    %ne3A_1044 = arith.constant 0 : i32
    %ne3A_1045 = vector.broadcast %ne3A_1044 : i32 to vector<16xi32>
    %ne3A_1046 = arith.cmpi ne, %rem3A_1043, %ne3A_1045 : vector<16xi32>
    %and3A_1047 = arith.andi %ne3A_1041, %ne3A_1046 : vector<16xi1>
    %sub3A_1048 = arith.constant 1 : i32
    %sub3A_1049 = vector.broadcast %sub3A_1048 : i32 to vector<16xi32>
    %sub3A_1050 = arith.subi %div3A_1023, %sub3A_1049 : vector<16xi32>
    %select_n3A_1051 = arith.select %and3A_1047, %sub3A_1050, %div3A_1023 : vector<16xi1>, vector<16xi32>
    %mul3A_1052 = arith.constant 64 : i32
    %mul3A_1053 = arith.muli %add3A, %mul3A_1052 : i32
    %sub3A_1054 = vector.broadcast %mul3A_1053 : i32 to vector<16xi32>
    %sub3A_1055 = arith.subi %select_n3A_1051, %sub3A_1054 : vector<16xi32>
    %add3A_1056 = arith.addi %mul3A_1020, %sub3A_1055 : vector<16xi32>
    tpu.vector_store_idx %arg9[%add3A_1056], %select_n3A_979 : memref<128xi32, #tpu.memory_space<vmem>>[vector<16xi32>], vector<16xi32>,
    %swap3A_1057 = arith.constant 0 : index
    %swap3A_1058 = tpu.vector_load %arg11[%swap3A_1057] {strides = array<i32>} : memref<32xi32, #tpu.memory_space<vmem>>, vector<16xi32>,
    tpu.vector_store %arg11[%swap3A_1057], %select_n3A_979 {strides = array<i32>} : memref<32xi32, #tpu.memory_space<vmem>>, vector<16xi32>,
    %mul3A_1059 = arith.constant 8 : i32
    %mul3A_1060 = arith.muli %add3A, %mul3A_1059 : i32
    %add3A_1061 = arith.constant 3 : i32
    %add3A_1062 = arith.addi %mul3A_1060, %add3A_1061 : i32
    %mul3A_1063 = arith.constant 16 : i32
    %mul3A_1064 = arith.muli %add3A_1062, %mul3A_1063 : i32
    %get3A_1065 = arith.index_cast %mul3A_1064 : i32 to index
    %get3A_1066 = tpu.vector_load %arg8[%get3A_1065] {strides = array<i32>} : memref<4096xi32, #tpu.memory_space<vmem>>, vector<16xi32>,
    %broadcast_in_dim3A_1067 = arith.constant 0 : i32
    %broadcast_in_dim3A_1068 = vector.broadcast %broadcast_in_dim3A_1067 : i32 to vector<16xi32>
    %eq3A_1069 = arith.constant 0 : i32
    %eq3A_1070 = vector.broadcast %eq3A_1069 : i32 to vector<16xi32>
    %eq3A_1071 = arith.cmpi eq, %get3A_1066, %eq3A_1070 : vector<16xi32>
    %convert_element_type3A_1072 = arith.extui %eq3A_1071 : vector<16xi1> to vector<16xi32>
    %broadcast_in_dim3A_1073 = arith.constant true
    %broadcast_in_dim3A_1074 = vector.broadcast %broadcast_in_dim3A_1073 : i1 to vector<16xi1>
    %masked_cumsum3A_1075 = tpu.scan <sum>, %convert_element_type3A_1072 masked %broadcast_in_dim3A_1074 : vector<16xi32>, vector<16xi1> -> vector<16xi32>
    %sub3A_1076 = arith.subi %masked_cumsum3A_1075, %convert_element_type3A_1072 : vector<16xi32>
    %eq3A_1077 = arith.constant 0 : i32
    %eq3A_1078 = vector.broadcast %eq3A_1077 : i32 to vector<16xi32>
    %eq3A_1079 = arith.cmpi eq, %iota3A, %eq3A_1078 : vector<16xi32>
    %jit3A_1080 = arith.constant 0 : i32
    %broadcast_in_dim3A_1081 = vector.broadcast %jit3A_1080 : i32 to vector<16xi32>
    %select_n3A_1082 = arith.select %eq3A_1079, %add3A_991, %broadcast_in_dim3A_1081 : vector<16xi1>, vector<16xi32>
    %reduce_sum3A_1083 = arith.constant true
    %reduce_sum3A_1084 = vector.broadcast %reduce_sum3A_1083 : i1 to vector<16xi1>
    %reduce_sum3A_1085 = tpu.scan <sum>, %select_n3A_1082 masked %reduce_sum3A_1084 : vector<16xi32>, vector<16xi1> -> vector<16xi32>
    %reduce_sum3A_1086 = vector.extract %reduce_sum3A_1085[15] : i32 from vector<16xi32>
    %add3A_1087 = vector.broadcast %reduce_sum3A_1086 : i32 to vector<16xi32>
    %add3A_1088 = arith.addi %add3A_1087, %sub3A_1076 : vector<16xi32>
    %select_n3A_1089 = arith.select %eq3A_1071, %add3A_1088, %broadcast_in_dim3A_1068 : vector<16xi1>, vector<16xi32>
    %reduce_sum3A_1090 = arith.constant true
    %reduce_sum3A_1091 = vector.broadcast %reduce_sum3A_1090 : i1 to vector<16xi1>
    %reduce_sum3A_1092 = tpu.scan <sum>, %convert_element_type3A_1072 masked %reduce_sum3A_1091 : vector<16xi32>, vector<16xi1> -> vector<16xi32>
    %reduce_sum3A_1093 = vector.extract %reduce_sum3A_1092[15] : i32 from vector<16xi32>
    %eq3A_1094 = arith.constant 0 : i32
    %eq3A_1095 = vector.broadcast %eq3A_1094 : i32 to vector<16xi32>
    %eq3A_1096 = arith.cmpi eq, %iota3A, %eq3A_1095 : vector<16xi32>
    %jit3A_1097 = arith.constant 0 : i32
    %broadcast_in_dim3A_1098 = vector.broadcast %reduce_sum3A_1093 : i32 to vector<16xi32>
    %broadcast_in_dim3A_1099 = vector.broadcast %jit3A_1097 : i32 to vector<16xi32>
    %select_n3A_1100 = arith.select %eq3A_1096, %broadcast_in_dim3A_1098, %broadcast_in_dim3A_1099 : vector<16xi1>, vector<16xi32>
    %add3A_1101 = arith.addi %add3A_991, %select_n3A_1100 : vector<16xi32>
    %eq3A_1102 = arith.constant 1 : i32
    %eq3A_1103 = vector.broadcast %eq3A_1102 : i32 to vector<16xi32>
    %eq3A_1104 = arith.cmpi eq, %get3A_1066, %eq3A_1103 : vector<16xi32>
    %convert_element_type3A_1105 = arith.extui %eq3A_1104 : vector<16xi1> to vector<16xi32>
    %broadcast_in_dim3A_1106 = arith.constant true
    %broadcast_in_dim3A_1107 = vector.broadcast %broadcast_in_dim3A_1106 : i1 to vector<16xi1>
    %masked_cumsum3A_1108 = tpu.scan <sum>, %convert_element_type3A_1105 masked %broadcast_in_dim3A_1107 : vector<16xi32>, vector<16xi1> -> vector<16xi32>
    %sub3A_1109 = arith.subi %masked_cumsum3A_1108, %convert_element_type3A_1105 : vector<16xi32>
    %eq3A_1110 = arith.constant 1 : i32
    %eq3A_1111 = vector.broadcast %eq3A_1110 : i32 to vector<16xi32>
    %eq3A_1112 = arith.cmpi eq, %iota3A, %eq3A_1111 : vector<16xi32>
    %jit3A_1113 = arith.constant 0 : i32
    %broadcast_in_dim3A_1114 = vector.broadcast %jit3A_1113 : i32 to vector<16xi32>
    %select_n3A_1115 = arith.select %eq3A_1112, %add3A_1101, %broadcast_in_dim3A_1114 : vector<16xi1>, vector<16xi32>
    %reduce_sum3A_1116 = arith.constant true
    %reduce_sum3A_1117 = vector.broadcast %reduce_sum3A_1116 : i1 to vector<16xi1>
    %reduce_sum3A_1118 = tpu.scan <sum>, %select_n3A_1115 masked %reduce_sum3A_1117 : vector<16xi32>, vector<16xi1> -> vector<16xi32>
    %reduce_sum3A_1119 = vector.extract %reduce_sum3A_1118[15] : i32 from vector<16xi32>
    %add3A_1120 = vector.broadcast %reduce_sum3A_1119 : i32 to vector<16xi32>
    %add3A_1121 = arith.addi %add3A_1120, %sub3A_1109 : vector<16xi32>
    %select_n3A_1122 = arith.select %eq3A_1104, %add3A_1121, %select_n3A_1089 : vector<16xi1>, vector<16xi32>
    %reduce_sum3A_1123 = arith.constant true
    %reduce_sum3A_1124 = vector.broadcast %reduce_sum3A_1123 : i1 to vector<16xi1>
    %reduce_sum3A_1125 = tpu.scan <sum>, %convert_element_type3A_1105 masked %reduce_sum3A_1124 : vector<16xi32>, vector<16xi1> -> vector<16xi32>
    %reduce_sum3A_1126 = vector.extract %reduce_sum3A_1125[15] : i32 from vector<16xi32>
    %eq3A_1127 = arith.constant 1 : i32
    %eq3A_1128 = vector.broadcast %eq3A_1127 : i32 to vector<16xi32>
    %eq3A_1129 = arith.cmpi eq, %iota3A, %eq3A_1128 : vector<16xi32>
    %jit3A_1130 = arith.constant 0 : i32
    %broadcast_in_dim3A_1131 = vector.broadcast %reduce_sum3A_1126 : i32 to vector<16xi32>
    %broadcast_in_dim3A_1132 = vector.broadcast %jit3A_1130 : i32 to vector<16xi32>
    %select_n3A_1133 = arith.select %eq3A_1129, %broadcast_in_dim3A_1131, %broadcast_in_dim3A_1132 : vector<16xi1>, vector<16xi32>
    %add3A_1134 = arith.addi %add3A_1101, %select_n3A_1133 : vector<16xi32>
    %eq3A_1135 = arith.constant 2 : i32
    %eq3A_1136 = vector.broadcast %eq3A_1135 : i32 to vector<16xi32>
    %eq3A_1137 = arith.cmpi eq, %get3A_1066, %eq3A_1136 : vector<16xi32>
    %convert_element_type3A_1138 = arith.extui %eq3A_1137 : vector<16xi1> to vector<16xi32>
    %broadcast_in_dim3A_1139 = arith.constant true
    %broadcast_in_dim3A_1140 = vector.broadcast %broadcast_in_dim3A_1139 : i1 to vector<16xi1>
    %masked_cumsum3A_1141 = tpu.scan <sum>, %convert_element_type3A_1138 masked %broadcast_in_dim3A_1140 : vector<16xi32>, vector<16xi1> -> vector<16xi32>
    %sub3A_1142 = arith.subi %masked_cumsum3A_1141, %convert_element_type3A_1138 : vector<16xi32>
    %eq3A_1143 = arith.constant 2 : i32
    %eq3A_1144 = vector.broadcast %eq3A_1143 : i32 to vector<16xi32>
    %eq3A_1145 = arith.cmpi eq, %iota3A, %eq3A_1144 : vector<16xi32>
    %jit3A_1146 = arith.constant 0 : i32
    %broadcast_in_dim3A_1147 = vector.broadcast %jit3A_1146 : i32 to vector<16xi32>
    %select_n3A_1148 = arith.select %eq3A_1145, %add3A_1134, %broadcast_in_dim3A_1147 : vector<16xi1>, vector<16xi32>
    %reduce_sum3A_1149 = arith.constant true
    %reduce_sum3A_1150 = vector.broadcast %reduce_sum3A_1149 : i1 to vector<16xi1>
    %reduce_sum3A_1151 = tpu.scan <sum>, %select_n3A_1148 masked %reduce_sum3A_1150 : vector<16xi32>, vector<16xi1> -> vector<16xi32>
    %reduce_sum3A_1152 = vector.extract %reduce_sum3A_1151[15] : i32 from vector<16xi32>
    %add3A_1153 = vector.broadcast %reduce_sum3A_1152 : i32 to vector<16xi32>
    %add3A_1154 = arith.addi %add3A_1153, %sub3A_1142 : vector<16xi32>
    %select_n3A_1155 = arith.select %eq3A_1137, %add3A_1154, %select_n3A_1122 : vector<16xi1>, vector<16xi32>
    %reduce_sum3A_1156 = arith.constant true
    %reduce_sum3A_1157 = vector.broadcast %reduce_sum3A_1156 : i1 to vector<16xi1>
    %reduce_sum3A_1158 = tpu.scan <sum>, %convert_element_type3A_1138 masked %reduce_sum3A_1157 : vector<16xi32>, vector<16xi1> -> vector<16xi32>
    %reduce_sum3A_1159 = vector.extract %reduce_sum3A_1158[15] : i32 from vector<16xi32>
    %eq3A_1160 = arith.constant 2 : i32
    %eq3A_1161 = vector.broadcast %eq3A_1160 : i32 to vector<16xi32>
    %eq3A_1162 = arith.cmpi eq, %iota3A, %eq3A_1161 : vector<16xi32>
    %jit3A_1163 = arith.constant 0 : i32
    %broadcast_in_dim3A_1164 = vector.broadcast %reduce_sum3A_1159 : i32 to vector<16xi32>
    %broadcast_in_dim3A_1165 = vector.broadcast %jit3A_1163 : i32 to vector<16xi32>
    %select_n3A_1166 = arith.select %eq3A_1162, %broadcast_in_dim3A_1164, %broadcast_in_dim3A_1165 : vector<16xi1>, vector<16xi32>
    %add3A_1167 = arith.addi %add3A_1134, %select_n3A_1166 : vector<16xi32>
    %eq3A_1168 = arith.constant 3 : i32
    %eq3A_1169 = vector.broadcast %eq3A_1168 : i32 to vector<16xi32>
    %eq3A_1170 = arith.cmpi eq, %get3A_1066, %eq3A_1169 : vector<16xi32>
    %convert_element_type3A_1171 = arith.extui %eq3A_1170 : vector<16xi1> to vector<16xi32>
    %broadcast_in_dim3A_1172 = arith.constant true
    %broadcast_in_dim3A_1173 = vector.broadcast %broadcast_in_dim3A_1172 : i1 to vector<16xi1>
    %masked_cumsum3A_1174 = tpu.scan <sum>, %convert_element_type3A_1171 masked %broadcast_in_dim3A_1173 : vector<16xi32>, vector<16xi1> -> vector<16xi32>
    %sub3A_1175 = arith.subi %masked_cumsum3A_1174, %convert_element_type3A_1171 : vector<16xi32>
    %eq3A_1176 = arith.constant 3 : i32
    %eq3A_1177 = vector.broadcast %eq3A_1176 : i32 to vector<16xi32>
    %eq3A_1178 = arith.cmpi eq, %iota3A, %eq3A_1177 : vector<16xi32>
    %jit3A_1179 = arith.constant 0 : i32
    %broadcast_in_dim3A_1180 = vector.broadcast %jit3A_1179 : i32 to vector<16xi32>
    %select_n3A_1181 = arith.select %eq3A_1178, %add3A_1167, %broadcast_in_dim3A_1180 : vector<16xi1>, vector<16xi32>
    %reduce_sum3A_1182 = arith.constant true
    %reduce_sum3A_1183 = vector.broadcast %reduce_sum3A_1182 : i1 to vector<16xi1>
    %reduce_sum3A_1184 = tpu.scan <sum>, %select_n3A_1181 masked %reduce_sum3A_1183 : vector<16xi32>, vector<16xi1> -> vector<16xi32>
    %reduce_sum3A_1185 = vector.extract %reduce_sum3A_1184[15] : i32 from vector<16xi32>
    %add3A_1186 = vector.broadcast %reduce_sum3A_1185 : i32 to vector<16xi32>
    %add3A_1187 = arith.addi %add3A_1186, %sub3A_1175 : vector<16xi32>
    %select_n3A_1188 = arith.select %eq3A_1170, %add3A_1187, %select_n3A_1155 : vector<16xi1>, vector<16xi32>
    %reduce_sum3A_1189 = arith.constant true
    %reduce_sum3A_1190 = vector.broadcast %reduce_sum3A_1189 : i1 to vector<16xi1>
    %reduce_sum3A_1191 = tpu.scan <sum>, %convert_element_type3A_1171 masked %reduce_sum3A_1190 : vector<16xi32>, vector<16xi1> -> vector<16xi32>
    %reduce_sum3A_1192 = vector.extract %reduce_sum3A_1191[15] : i32 from vector<16xi32>
    %eq3A_1193 = arith.constant 3 : i32
    %eq3A_1194 = vector.broadcast %eq3A_1193 : i32 to vector<16xi32>
    %eq3A_1195 = arith.cmpi eq, %iota3A, %eq3A_1194 : vector<16xi32>
    %jit3A_1196 = arith.constant 0 : i32
    %broadcast_in_dim3A_1197 = vector.broadcast %reduce_sum3A_1192 : i32 to vector<16xi32>
    %broadcast_in_dim3A_1198 = vector.broadcast %jit3A_1196 : i32 to vector<16xi32>
    %select_n3A_1199 = arith.select %eq3A_1195, %broadcast_in_dim3A_1197, %broadcast_in_dim3A_1198 : vector<16xi1>, vector<16xi32>
    %add3A_1200 = arith.addi %add3A_1167, %select_n3A_1199 : vector<16xi32>
    %eq3A_1201 = arith.constant 4 : i32
    %eq3A_1202 = vector.broadcast %eq3A_1201 : i32 to vector<16xi32>
    %eq3A_1203 = arith.cmpi eq, %get3A_1066, %eq3A_1202 : vector<16xi32>
    %convert_element_type3A_1204 = arith.extui %eq3A_1203 : vector<16xi1> to vector<16xi32>
    %broadcast_in_dim3A_1205 = arith.constant true
    %broadcast_in_dim3A_1206 = vector.broadcast %broadcast_in_dim3A_1205 : i1 to vector<16xi1>
    %masked_cumsum3A_1207 = tpu.scan <sum>, %convert_element_type3A_1204 masked %broadcast_in_dim3A_1206 : vector<16xi32>, vector<16xi1> -> vector<16xi32>
    %sub3A_1208 = arith.subi %masked_cumsum3A_1207, %convert_element_type3A_1204 : vector<16xi32>
    %eq3A_1209 = arith.constant 4 : i32
    %eq3A_1210 = vector.broadcast %eq3A_1209 : i32 to vector<16xi32>
    %eq3A_1211 = arith.cmpi eq, %iota3A, %eq3A_1210 : vector<16xi32>
    %jit3A_1212 = arith.constant 0 : i32
    %broadcast_in_dim3A_1213 = vector.broadcast %jit3A_1212 : i32 to vector<16xi32>
    %select_n3A_1214 = arith.select %eq3A_1211, %add3A_1200, %broadcast_in_dim3A_1213 : vector<16xi1>, vector<16xi32>
    %reduce_sum3A_1215 = arith.constant true
    %reduce_sum3A_1216 = vector.broadcast %reduce_sum3A_1215 : i1 to vector<16xi1>
    %reduce_sum3A_1217 = tpu.scan <sum>, %select_n3A_1214 masked %reduce_sum3A_1216 : vector<16xi32>, vector<16xi1> -> vector<16xi32>
    %reduce_sum3A_1218 = vector.extract %reduce_sum3A_1217[15] : i32 from vector<16xi32>
    %add3A_1219 = vector.broadcast %reduce_sum3A_1218 : i32 to vector<16xi32>
    %add3A_1220 = arith.addi %add3A_1219, %sub3A_1208 : vector<16xi32>
    %select_n3A_1221 = arith.select %eq3A_1203, %add3A_1220, %select_n3A_1188 : vector<16xi1>, vector<16xi32>
    %reduce_sum3A_1222 = arith.constant true
    %reduce_sum3A_1223 = vector.broadcast %reduce_sum3A_1222 : i1 to vector<16xi1>
    %reduce_sum3A_1224 = tpu.scan <sum>, %convert_element_type3A_1204 masked %reduce_sum3A_1223 : vector<16xi32>, vector<16xi1> -> vector<16xi32>
    %reduce_sum3A_1225 = vector.extract %reduce_sum3A_1224[15] : i32 from vector<16xi32>
    %eq3A_1226 = arith.constant 4 : i32
    %eq3A_1227 = vector.broadcast %eq3A_1226 : i32 to vector<16xi32>
    %eq3A_1228 = arith.cmpi eq, %iota3A, %eq3A_1227 : vector<16xi32>
    %jit3A_1229 = arith.constant 0 : i32
    %broadcast_in_dim3A_1230 = vector.broadcast %reduce_sum3A_1225 : i32 to vector<16xi32>
    %broadcast_in_dim3A_1231 = vector.broadcast %jit3A_1229 : i32 to vector<16xi32>
    %select_n3A_1232 = arith.select %eq3A_1228, %broadcast_in_dim3A_1230, %broadcast_in_dim3A_1231 : vector<16xi1>, vector<16xi32>
    %add3A_1233 = arith.addi %add3A_1200, %select_n3A_1232 : vector<16xi32>
    %eq3A_1234 = arith.constant 5 : i32
    %eq3A_1235 = vector.broadcast %eq3A_1234 : i32 to vector<16xi32>
    %eq3A_1236 = arith.cmpi eq, %get3A_1066, %eq3A_1235 : vector<16xi32>
    %convert_element_type3A_1237 = arith.extui %eq3A_1236 : vector<16xi1> to vector<16xi32>
    %broadcast_in_dim3A_1238 = arith.constant true
    %broadcast_in_dim3A_1239 = vector.broadcast %broadcast_in_dim3A_1238 : i1 to vector<16xi1>
    %masked_cumsum3A_1240 = tpu.scan <sum>, %convert_element_type3A_1237 masked %broadcast_in_dim3A_1239 : vector<16xi32>, vector<16xi1> -> vector<16xi32>
    %sub3A_1241 = arith.subi %masked_cumsum3A_1240, %convert_element_type3A_1237 : vector<16xi32>
    %eq3A_1242 = arith.constant 5 : i32
    %eq3A_1243 = vector.broadcast %eq3A_1242 : i32 to vector<16xi32>
    %eq3A_1244 = arith.cmpi eq, %iota3A, %eq3A_1243 : vector<16xi32>
    %jit3A_1245 = arith.constant 0 : i32
    %broadcast_in_dim3A_1246 = vector.broadcast %jit3A_1245 : i32 to vector<16xi32>
    %select_n3A_1247 = arith.select %eq3A_1244, %add3A_1233, %broadcast_in_dim3A_1246 : vector<16xi1>, vector<16xi32>
    %reduce_sum3A_1248 = arith.constant true
    %reduce_sum3A_1249 = vector.broadcast %reduce_sum3A_1248 : i1 to vector<16xi1>
    %reduce_sum3A_1250 = tpu.scan <sum>, %select_n3A_1247 masked %reduce_sum3A_1249 : vector<16xi32>, vector<16xi1> -> vector<16xi32>
    %reduce_sum3A_1251 = vector.extract %reduce_sum3A_1250[15] : i32 from vector<16xi32>
    %add3A_1252 = vector.broadcast %reduce_sum3A_1251 : i32 to vector<16xi32>
    %add3A_1253 = arith.addi %add3A_1252, %sub3A_1241 : vector<16xi32>
    %select_n3A_1254 = arith.select %eq3A_1236, %add3A_1253, %select_n3A_1221 : vector<16xi1>, vector<16xi32>
    %reduce_sum3A_1255 = arith.constant true
    %reduce_sum3A_1256 = vector.broadcast %reduce_sum3A_1255 : i1 to vector<16xi1>
    %reduce_sum3A_1257 = tpu.scan <sum>, %convert_element_type3A_1237 masked %reduce_sum3A_1256 : vector<16xi32>, vector<16xi1> -> vector<16xi32>
    %reduce_sum3A_1258 = vector.extract %reduce_sum3A_1257[15] : i32 from vector<16xi32>
    %eq3A_1259 = arith.constant 5 : i32
    %eq3A_1260 = vector.broadcast %eq3A_1259 : i32 to vector<16xi32>
    %eq3A_1261 = arith.cmpi eq, %iota3A, %eq3A_1260 : vector<16xi32>
    %jit3A_1262 = arith.constant 0 : i32
    %broadcast_in_dim3A_1263 = vector.broadcast %reduce_sum3A_1258 : i32 to vector<16xi32>
    %broadcast_in_dim3A_1264 = vector.broadcast %jit3A_1262 : i32 to vector<16xi32>
    %select_n3A_1265 = arith.select %eq3A_1261, %broadcast_in_dim3A_1263, %broadcast_in_dim3A_1264 : vector<16xi1>, vector<16xi32>
    %add3A_1266 = arith.addi %add3A_1233, %select_n3A_1265 : vector<16xi32>
    %eq3A_1267 = arith.constant 6 : i32
    %eq3A_1268 = vector.broadcast %eq3A_1267 : i32 to vector<16xi32>
    %eq3A_1269 = arith.cmpi eq, %get3A_1066, %eq3A_1268 : vector<16xi32>
    %convert_element_type3A_1270 = arith.extui %eq3A_1269 : vector<16xi1> to vector<16xi32>
    %broadcast_in_dim3A_1271 = arith.constant true
    %broadcast_in_dim3A_1272 = vector.broadcast %broadcast_in_dim3A_1271 : i1 to vector<16xi1>
    %masked_cumsum3A_1273 = tpu.scan <sum>, %convert_element_type3A_1270 masked %broadcast_in_dim3A_1272 : vector<16xi32>, vector<16xi1> -> vector<16xi32>
    %sub3A_1274 = arith.subi %masked_cumsum3A_1273, %convert_element_type3A_1270 : vector<16xi32>
    %eq3A_1275 = arith.constant 6 : i32
    %eq3A_1276 = vector.broadcast %eq3A_1275 : i32 to vector<16xi32>
    %eq3A_1277 = arith.cmpi eq, %iota3A, %eq3A_1276 : vector<16xi32>
    %jit3A_1278 = arith.constant 0 : i32
    %broadcast_in_dim3A_1279 = vector.broadcast %jit3A_1278 : i32 to vector<16xi32>
    %select_n3A_1280 = arith.select %eq3A_1277, %add3A_1266, %broadcast_in_dim3A_1279 : vector<16xi1>, vector<16xi32>
    %reduce_sum3A_1281 = arith.constant true
    %reduce_sum3A_1282 = vector.broadcast %reduce_sum3A_1281 : i1 to vector<16xi1>
    %reduce_sum3A_1283 = tpu.scan <sum>, %select_n3A_1280 masked %reduce_sum3A_1282 : vector<16xi32>, vector<16xi1> -> vector<16xi32>
    %reduce_sum3A_1284 = vector.extract %reduce_sum3A_1283[15] : i32 from vector<16xi32>
    %add3A_1285 = vector.broadcast %reduce_sum3A_1284 : i32 to vector<16xi32>
    %add3A_1286 = arith.addi %add3A_1285, %sub3A_1274 : vector<16xi32>
    %select_n3A_1287 = arith.select %eq3A_1269, %add3A_1286, %select_n3A_1254 : vector<16xi1>, vector<16xi32>
    %reduce_sum3A_1288 = arith.constant true
    %reduce_sum3A_1289 = vector.broadcast %reduce_sum3A_1288 : i1 to vector<16xi1>
    %reduce_sum3A_1290 = tpu.scan <sum>, %convert_element_type3A_1270 masked %reduce_sum3A_1289 : vector<16xi32>, vector<16xi1> -> vector<16xi32>
    %reduce_sum3A_1291 = vector.extract %reduce_sum3A_1290[15] : i32 from vector<16xi32>
    %eq3A_1292 = arith.constant 6 : i32
    %eq3A_1293 = vector.broadcast %eq3A_1292 : i32 to vector<16xi32>
    %eq3A_1294 = arith.cmpi eq, %iota3A, %eq3A_1293 : vector<16xi32>
    %jit3A_1295 = arith.constant 0 : i32
    %broadcast_in_dim3A_1296 = vector.broadcast %reduce_sum3A_1291 : i32 to vector<16xi32>
    %broadcast_in_dim3A_1297 = vector.broadcast %jit3A_1295 : i32 to vector<16xi32>
    %select_n3A_1298 = arith.select %eq3A_1294, %broadcast_in_dim3A_1296, %broadcast_in_dim3A_1297 : vector<16xi1>, vector<16xi32>
    %add3A_1299 = arith.addi %add3A_1266, %select_n3A_1298 : vector<16xi32>
    %eq3A_1300 = arith.constant 7 : i32
    %eq3A_1301 = vector.broadcast %eq3A_1300 : i32 to vector<16xi32>
    %eq3A_1302 = arith.cmpi eq, %get3A_1066, %eq3A_1301 : vector<16xi32>
    %convert_element_type3A_1303 = arith.extui %eq3A_1302 : vector<16xi1> to vector<16xi32>
    %broadcast_in_dim3A_1304 = arith.constant true
    %broadcast_in_dim3A_1305 = vector.broadcast %broadcast_in_dim3A_1304 : i1 to vector<16xi1>
    %masked_cumsum3A_1306 = tpu.scan <sum>, %convert_element_type3A_1303 masked %broadcast_in_dim3A_1305 : vector<16xi32>, vector<16xi1> -> vector<16xi32>
    %sub3A_1307 = arith.subi %masked_cumsum3A_1306, %convert_element_type3A_1303 : vector<16xi32>
    %eq3A_1308 = arith.constant 7 : i32
    %eq3A_1309 = vector.broadcast %eq3A_1308 : i32 to vector<16xi32>
    %eq3A_1310 = arith.cmpi eq, %iota3A, %eq3A_1309 : vector<16xi32>
    %jit3A_1311 = arith.constant 0 : i32
    %broadcast_in_dim3A_1312 = vector.broadcast %jit3A_1311 : i32 to vector<16xi32>
    %select_n3A_1313 = arith.select %eq3A_1310, %add3A_1299, %broadcast_in_dim3A_1312 : vector<16xi1>, vector<16xi32>
    %reduce_sum3A_1314 = arith.constant true
    %reduce_sum3A_1315 = vector.broadcast %reduce_sum3A_1314 : i1 to vector<16xi1>
    %reduce_sum3A_1316 = tpu.scan <sum>, %select_n3A_1313 masked %reduce_sum3A_1315 : vector<16xi32>, vector<16xi1> -> vector<16xi32>
    %reduce_sum3A_1317 = vector.extract %reduce_sum3A_1316[15] : i32 from vector<16xi32>
    %add3A_1318 = vector.broadcast %reduce_sum3A_1317 : i32 to vector<16xi32>
    %add3A_1319 = arith.addi %add3A_1318, %sub3A_1307 : vector<16xi32>
    %select_n3A_1320 = arith.select %eq3A_1302, %add3A_1319, %select_n3A_1287 : vector<16xi1>, vector<16xi32>
    %reduce_sum3A_1321 = arith.constant true
    %reduce_sum3A_1322 = vector.broadcast %reduce_sum3A_1321 : i1 to vector<16xi1>
    %reduce_sum3A_1323 = tpu.scan <sum>, %convert_element_type3A_1303 masked %reduce_sum3A_1322 : vector<16xi32>, vector<16xi1> -> vector<16xi32>
    %reduce_sum3A_1324 = vector.extract %reduce_sum3A_1323[15] : i32 from vector<16xi32>
    %eq3A_1325 = arith.constant 7 : i32
    %eq3A_1326 = vector.broadcast %eq3A_1325 : i32 to vector<16xi32>
    %eq3A_1327 = arith.cmpi eq, %iota3A, %eq3A_1326 : vector<16xi32>
    %jit3A_1328 = arith.constant 0 : i32
    %broadcast_in_dim3A_1329 = vector.broadcast %reduce_sum3A_1324 : i32 to vector<16xi32>
    %broadcast_in_dim3A_1330 = vector.broadcast %jit3A_1328 : i32 to vector<16xi32>
    %select_n3A_1331 = arith.select %eq3A_1327, %broadcast_in_dim3A_1329, %broadcast_in_dim3A_1330 : vector<16xi1>, vector<16xi32>
    %add3A_1332 = arith.addi %add3A_1299, %select_n3A_1331 : vector<16xi32>
    %add3A_1333 = arith.constant 48 : i32
    %add3A_1334 = arith.addi %mul3A_2, %add3A_1333 : i32
    %add3A_1335 = vector.broadcast %add3A_1334 : i32 to vector<16xi32>
    %add3A_1336 = arith.addi %add3A_1335, %iota3A : vector<16xi32>
    %jit3A_1337 = arith.constant 2 : i32
    %eq3A_1338 = arith.constant 0 : i32
    %eq3A_1339 = arith.cmpi eq, %jit3A_1337, %eq3A_1338 : i32
    %jit3A_1340 = arith.constant 1 : i32
    %select_n3A_1341 = arith.select %eq3A_1339, %jit3A_1340, %jit3A_1337 : i32
    %rem3A_1342 = vector.broadcast %select_n3A_1341 : i32 to vector<16xi32>
    %rem3A_1343 = arith.remsi %add3A_1336, %rem3A_1342 : vector<16xi32>
    %ne3A_1344 = arith.constant 0 : i32
    %ne3A_1345 = vector.broadcast %ne3A_1344 : i32 to vector<16xi32>
    %ne3A_1346 = arith.cmpi ne, %rem3A_1343, %ne3A_1345 : vector<16xi32>
    %lt3A_1347 = arith.constant 0 : i32
    %lt3A_1348 = vector.broadcast %lt3A_1347 : i32 to vector<16xi32>
    %lt3A_1349 = arith.cmpi slt, %rem3A_1343, %lt3A_1348 : vector<16xi32>
    %lt3A_1350 = arith.constant 0 : i32
    %lt3A_1351 = arith.cmpi slt, %select_n3A_1341, %lt3A_1350 : i32
    %ne3A_1352 = vector.broadcast %lt3A_1351 : i1 to vector<16xi1>
    %ne3A_1353 = vector.broadcast %ne3A_1352 : vector<16xi1> to vector<16xi1>
    %ne3A_1354 = arith.xori %lt3A_1349, %ne3A_1353 : vector<16xi1>
    %and3A_1355 = arith.andi %ne3A_1354, %ne3A_1346 : vector<16xi1>
    %add3A_1356 = vector.broadcast %select_n3A_1341 : i32 to vector<16xi32>
    %add3A_1357 = arith.addi %rem3A_1343, %add3A_1356 : vector<16xi32>
    %select_n3A_1358 = arith.select %and3A_1355, %add3A_1357, %rem3A_1343 : vector<16xi1>, vector<16xi32>
    %mul3A_1359 = arith.constant 64 : i32
    %mul3A_1360 = vector.broadcast %mul3A_1359 : i32 to vector<16xi32>
    %mul3A_1361 = arith.muli %select_n3A_1358, %mul3A_1360 : vector<16xi32>
    %jit3A_1362 = arith.constant 2 : i32
    %div3A_1363 = vector.broadcast %jit3A_1362 : i32 to vector<16xi32>
    %div3A_1364 = arith.divsi %add3A_1336, %div3A_1363 : vector<16xi32>
    %sign3A_1365 = arith.constant 0 : i32
    %sign3A_1366 = vector.broadcast %sign3A_1365 : i32 to vector<16xi32>
    %sign3A_1367 = arith.cmpi sgt, %add3A_1336, %sign3A_1366 : vector<16xi32>
    %sign3A_1368 = arith.extui %sign3A_1367 : vector<16xi1> to vector<16xi32>
    %sign3A_1369 = arith.constant 0 : i32
    %sign3A_1370 = vector.broadcast %sign3A_1369 : i32 to vector<16xi32>
    %sign3A_1371 = arith.cmpi slt, %add3A_1336, %sign3A_1370 : vector<16xi32>
    %sign3A_1372 = arith.extui %sign3A_1371 : vector<16xi1> to vector<16xi32>
    %sign3A_1373 = arith.subi %sign3A_1368, %sign3A_1372 : vector<16xi32>
    %sign3A_1374 = arith.constant 0 : i32
    %sign3A_1375 = arith.cmpi sgt, %jit3A_1362, %sign3A_1374 : i32
    %sign3A_1376 = arith.extui %sign3A_1375 : i1 to i32
    %sign3A_1377 = arith.constant 0 : i32
    %sign3A_1378 = arith.cmpi slt, %jit3A_1362, %sign3A_1377 : i32
    %sign3A_1379 = arith.extui %sign3A_1378 : i1 to i32
    %sign3A_1380 = arith.subi %sign3A_1376, %sign3A_1379 : i32
    %ne3A_1381 = vector.broadcast %sign3A_1380 : i32 to vector<16xi32>
    %ne3A_1382 = arith.cmpi ne, %sign3A_1373, %ne3A_1381 : vector<16xi32>
    %rem3A_1383 = vector.broadcast %jit3A_1362 : i32 to vector<16xi32>
    %rem3A_1384 = arith.remsi %add3A_1336, %rem3A_1383 : vector<16xi32>
    %ne3A_1385 = arith.constant 0 : i32
    %ne3A_1386 = vector.broadcast %ne3A_1385 : i32 to vector<16xi32>
    %ne3A_1387 = arith.cmpi ne, %rem3A_1384, %ne3A_1386 : vector<16xi32>
    %and3A_1388 = arith.andi %ne3A_1382, %ne3A_1387 : vector<16xi1>
    %sub3A_1389 = arith.constant 1 : i32
    %sub3A_1390 = vector.broadcast %sub3A_1389 : i32 to vector<16xi32>
    %sub3A_1391 = arith.subi %div3A_1364, %sub3A_1390 : vector<16xi32>
    %select_n3A_1392 = arith.select %and3A_1388, %sub3A_1391, %div3A_1364 : vector<16xi1>, vector<16xi32>
    %mul3A_1393 = arith.constant 64 : i32
    %mul3A_1394 = arith.muli %add3A, %mul3A_1393 : i32
    %sub3A_1395 = vector.broadcast %mul3A_1394 : i32 to vector<16xi32>
    %sub3A_1396 = arith.subi %select_n3A_1392, %sub3A_1395 : vector<16xi32>
    %add3A_1397 = arith.addi %mul3A_1361, %sub3A_1396 : vector<16xi32>
    tpu.vector_store_idx %arg9[%add3A_1397], %select_n3A_1320 : memref<128xi32, #tpu.memory_space<vmem>>[vector<16xi32>], vector<16xi32>,
    %swap3A_1398 = arith.constant 16 : index
    %swap3A_1399 = tpu.vector_load %arg11[%swap3A_1398] {strides = array<i32>} : memref<32xi32, #tpu.memory_space<vmem>>, vector<16xi32>,
    tpu.vector_store %arg11[%swap3A_1398], %select_n3A_1320 {strides = array<i32>} : memref<32xi32, #tpu.memory_space<vmem>>, vector<16xi32>,
    %mul3A_1400 = arith.constant 8 : i32
    %mul3A_1401 = arith.muli %add3A, %mul3A_1400 : i32
    %add3A_1402 = arith.constant 4 : i32
    %add3A_1403 = arith.addi %mul3A_1401, %add3A_1402 : i32
    %mul3A_1404 = arith.constant 16 : i32
    %mul3A_1405 = arith.muli %add3A_1403, %mul3A_1404 : i32
    %get3A_1406 = arith.index_cast %mul3A_1405 : i32 to index
    %get3A_1407 = tpu.vector_load %arg8[%get3A_1406] {strides = array<i32>} : memref<4096xi32, #tpu.memory_space<vmem>>, vector<16xi32>,
    %broadcast_in_dim3A_1408 = arith.constant 0 : i32
    %broadcast_in_dim3A_1409 = vector.broadcast %broadcast_in_dim3A_1408 : i32 to vector<16xi32>
    %eq3A_1410 = arith.constant 0 : i32
    %eq3A_1411 = vector.broadcast %eq3A_1410 : i32 to vector<16xi32>
    %eq3A_1412 = arith.cmpi eq, %get3A_1407, %eq3A_1411 : vector<16xi32>
    %convert_element_type3A_1413 = arith.extui %eq3A_1412 : vector<16xi1> to vector<16xi32>
    %broadcast_in_dim3A_1414 = arith.constant true
    %broadcast_in_dim3A_1415 = vector.broadcast %broadcast_in_dim3A_1414 : i1 to vector<16xi1>
    %masked_cumsum3A_1416 = tpu.scan <sum>, %convert_element_type3A_1413 masked %broadcast_in_dim3A_1415 : vector<16xi32>, vector<16xi1> -> vector<16xi32>
    %sub3A_1417 = arith.subi %masked_cumsum3A_1416, %convert_element_type3A_1413 : vector<16xi32>
    %eq3A_1418 = arith.constant 0 : i32
    %eq3A_1419 = vector.broadcast %eq3A_1418 : i32 to vector<16xi32>
    %eq3A_1420 = arith.cmpi eq, %iota3A, %eq3A_1419 : vector<16xi32>
    %jit3A_1421 = arith.constant 0 : i32
    %broadcast_in_dim3A_1422 = vector.broadcast %jit3A_1421 : i32 to vector<16xi32>
    %select_n3A_1423 = arith.select %eq3A_1420, %add3A_1332, %broadcast_in_dim3A_1422 : vector<16xi1>, vector<16xi32>
    %reduce_sum3A_1424 = arith.constant true
    %reduce_sum3A_1425 = vector.broadcast %reduce_sum3A_1424 : i1 to vector<16xi1>
    %reduce_sum3A_1426 = tpu.scan <sum>, %select_n3A_1423 masked %reduce_sum3A_1425 : vector<16xi32>, vector<16xi1> -> vector<16xi32>
    %reduce_sum3A_1427 = vector.extract %reduce_sum3A_1426[15] : i32 from vector<16xi32>
    %add3A_1428 = vector.broadcast %reduce_sum3A_1427 : i32 to vector<16xi32>
    %add3A_1429 = arith.addi %add3A_1428, %sub3A_1417 : vector<16xi32>
    %select_n3A_1430 = arith.select %eq3A_1412, %add3A_1429, %broadcast_in_dim3A_1409 : vector<16xi1>, vector<16xi32>
    %reduce_sum3A_1431 = arith.constant true
    %reduce_sum3A_1432 = vector.broadcast %reduce_sum3A_1431 : i1 to vector<16xi1>
    %reduce_sum3A_1433 = tpu.scan <sum>, %convert_element_type3A_1413 masked %reduce_sum3A_1432 : vector<16xi32>, vector<16xi1> -> vector<16xi32>
    %reduce_sum3A_1434 = vector.extract %reduce_sum3A_1433[15] : i32 from vector<16xi32>
    %eq3A_1435 = arith.constant 0 : i32
    %eq3A_1436 = vector.broadcast %eq3A_1435 : i32 to vector<16xi32>
    %eq3A_1437 = arith.cmpi eq, %iota3A, %eq3A_1436 : vector<16xi32>
    %jit3A_1438 = arith.constant 0 : i32
    %broadcast_in_dim3A_1439 = vector.broadcast %reduce_sum3A_1434 : i32 to vector<16xi32>
    %broadcast_in_dim3A_1440 = vector.broadcast %jit3A_1438 : i32 to vector<16xi32>
    %select_n3A_1441 = arith.select %eq3A_1437, %broadcast_in_dim3A_1439, %broadcast_in_dim3A_1440 : vector<16xi1>, vector<16xi32>
    %add3A_1442 = arith.addi %add3A_1332, %select_n3A_1441 : vector<16xi32>
    %eq3A_1443 = arith.constant 1 : i32
    %eq3A_1444 = vector.broadcast %eq3A_1443 : i32 to vector<16xi32>
    %eq3A_1445 = arith.cmpi eq, %get3A_1407, %eq3A_1444 : vector<16xi32>
    %convert_element_type3A_1446 = arith.extui %eq3A_1445 : vector<16xi1> to vector<16xi32>
    %broadcast_in_dim3A_1447 = arith.constant true
    %broadcast_in_dim3A_1448 = vector.broadcast %broadcast_in_dim3A_1447 : i1 to vector<16xi1>
    %masked_cumsum3A_1449 = tpu.scan <sum>, %convert_element_type3A_1446 masked %broadcast_in_dim3A_1448 : vector<16xi32>, vector<16xi1> -> vector<16xi32>
    %sub3A_1450 = arith.subi %masked_cumsum3A_1449, %convert_element_type3A_1446 : vector<16xi32>
    %eq3A_1451 = arith.constant 1 : i32
    %eq3A_1452 = vector.broadcast %eq3A_1451 : i32 to vector<16xi32>
    %eq3A_1453 = arith.cmpi eq, %iota3A, %eq3A_1452 : vector<16xi32>
    %jit3A_1454 = arith.constant 0 : i32
    %broadcast_in_dim3A_1455 = vector.broadcast %jit3A_1454 : i32 to vector<16xi32>
    %select_n3A_1456 = arith.select %eq3A_1453, %add3A_1442, %broadcast_in_dim3A_1455 : vector<16xi1>, vector<16xi32>
    %reduce_sum3A_1457 = arith.constant true
    %reduce_sum3A_1458 = vector.broadcast %reduce_sum3A_1457 : i1 to vector<16xi1>
    %reduce_sum3A_1459 = tpu.scan <sum>, %select_n3A_1456 masked %reduce_sum3A_1458 : vector<16xi32>, vector<16xi1> -> vector<16xi32>
    %reduce_sum3A_1460 = vector.extract %reduce_sum3A_1459[15] : i32 from vector<16xi32>
    %add3A_1461 = vector.broadcast %reduce_sum3A_1460 : i32 to vector<16xi32>
    %add3A_1462 = arith.addi %add3A_1461, %sub3A_1450 : vector<16xi32>
    %select_n3A_1463 = arith.select %eq3A_1445, %add3A_1462, %select_n3A_1430 : vector<16xi1>, vector<16xi32>
    %reduce_sum3A_1464 = arith.constant true
    %reduce_sum3A_1465 = vector.broadcast %reduce_sum3A_1464 : i1 to vector<16xi1>
    %reduce_sum3A_1466 = tpu.scan <sum>, %convert_element_type3A_1446 masked %reduce_sum3A_1465 : vector<16xi32>, vector<16xi1> -> vector<16xi32>
    %reduce_sum3A_1467 = vector.extract %reduce_sum3A_1466[15] : i32 from vector<16xi32>
    %eq3A_1468 = arith.constant 1 : i32
    %eq3A_1469 = vector.broadcast %eq3A_1468 : i32 to vector<16xi32>
    %eq3A_1470 = arith.cmpi eq, %iota3A, %eq3A_1469 : vector<16xi32>
    %jit3A_1471 = arith.constant 0 : i32
    %broadcast_in_dim3A_1472 = vector.broadcast %reduce_sum3A_1467 : i32 to vector<16xi32>
    %broadcast_in_dim3A_1473 = vector.broadcast %jit3A_1471 : i32 to vector<16xi32>
    %select_n3A_1474 = arith.select %eq3A_1470, %broadcast_in_dim3A_1472, %broadcast_in_dim3A_1473 : vector<16xi1>, vector<16xi32>
    %add3A_1475 = arith.addi %add3A_1442, %select_n3A_1474 : vector<16xi32>
    %eq3A_1476 = arith.constant 2 : i32
    %eq3A_1477 = vector.broadcast %eq3A_1476 : i32 to vector<16xi32>
    %eq3A_1478 = arith.cmpi eq, %get3A_1407, %eq3A_1477 : vector<16xi32>
    %convert_element_type3A_1479 = arith.extui %eq3A_1478 : vector<16xi1> to vector<16xi32>
    %broadcast_in_dim3A_1480 = arith.constant true
    %broadcast_in_dim3A_1481 = vector.broadcast %broadcast_in_dim3A_1480 : i1 to vector<16xi1>
    %masked_cumsum3A_1482 = tpu.scan <sum>, %convert_element_type3A_1479 masked %broadcast_in_dim3A_1481 : vector<16xi32>, vector<16xi1> -> vector<16xi32>
    %sub3A_1483 = arith.subi %masked_cumsum3A_1482, %convert_element_type3A_1479 : vector<16xi32>
    %eq3A_1484 = arith.constant 2 : i32
    %eq3A_1485 = vector.broadcast %eq3A_1484 : i32 to vector<16xi32>
    %eq3A_1486 = arith.cmpi eq, %iota3A, %eq3A_1485 : vector<16xi32>
    %jit3A_1487 = arith.constant 0 : i32
    %broadcast_in_dim3A_1488 = vector.broadcast %jit3A_1487 : i32 to vector<16xi32>
    %select_n3A_1489 = arith.select %eq3A_1486, %add3A_1475, %broadcast_in_dim3A_1488 : vector<16xi1>, vector<16xi32>
    %reduce_sum3A_1490 = arith.constant true
    %reduce_sum3A_1491 = vector.broadcast %reduce_sum3A_1490 : i1 to vector<16xi1>
    %reduce_sum3A_1492 = tpu.scan <sum>, %select_n3A_1489 masked %reduce_sum3A_1491 : vector<16xi32>, vector<16xi1> -> vector<16xi32>
    %reduce_sum3A_1493 = vector.extract %reduce_sum3A_1492[15] : i32 from vector<16xi32>
    %add3A_1494 = vector.broadcast %reduce_sum3A_1493 : i32 to vector<16xi32>
    %add3A_1495 = arith.addi %add3A_1494, %sub3A_1483 : vector<16xi32>
    %select_n3A_1496 = arith.select %eq3A_1478, %add3A_1495, %select_n3A_1463 : vector<16xi1>, vector<16xi32>
    %reduce_sum3A_1497 = arith.constant true
    %reduce_sum3A_1498 = vector.broadcast %reduce_sum3A_1497 : i1 to vector<16xi1>
    %reduce_sum3A_1499 = tpu.scan <sum>, %convert_element_type3A_1479 masked %reduce_sum3A_1498 : vector<16xi32>, vector<16xi1> -> vector<16xi32>
    %reduce_sum3A_1500 = vector.extract %reduce_sum3A_1499[15] : i32 from vector<16xi32>
    %eq3A_1501 = arith.constant 2 : i32
    %eq3A_1502 = vector.broadcast %eq3A_1501 : i32 to vector<16xi32>
    %eq3A_1503 = arith.cmpi eq, %iota3A, %eq3A_1502 : vector<16xi32>
    %jit3A_1504 = arith.constant 0 : i32
    %broadcast_in_dim3A_1505 = vector.broadcast %reduce_sum3A_1500 : i32 to vector<16xi32>
    %broadcast_in_dim3A_1506 = vector.broadcast %jit3A_1504 : i32 to vector<16xi32>
    %select_n3A_1507 = arith.select %eq3A_1503, %broadcast_in_dim3A_1505, %broadcast_in_dim3A_1506 : vector<16xi1>, vector<16xi32>
    %add3A_1508 = arith.addi %add3A_1475, %select_n3A_1507 : vector<16xi32>
    %eq3A_1509 = arith.constant 3 : i32
    %eq3A_1510 = vector.broadcast %eq3A_1509 : i32 to vector<16xi32>
    %eq3A_1511 = arith.cmpi eq, %get3A_1407, %eq3A_1510 : vector<16xi32>
    %convert_element_type3A_1512 = arith.extui %eq3A_1511 : vector<16xi1> to vector<16xi32>
    %broadcast_in_dim3A_1513 = arith.constant true
    %broadcast_in_dim3A_1514 = vector.broadcast %broadcast_in_dim3A_1513 : i1 to vector<16xi1>
    %masked_cumsum3A_1515 = tpu.scan <sum>, %convert_element_type3A_1512 masked %broadcast_in_dim3A_1514 : vector<16xi32>, vector<16xi1> -> vector<16xi32>
    %sub3A_1516 = arith.subi %masked_cumsum3A_1515, %convert_element_type3A_1512 : vector<16xi32>
    %eq3A_1517 = arith.constant 3 : i32
    %eq3A_1518 = vector.broadcast %eq3A_1517 : i32 to vector<16xi32>
    %eq3A_1519 = arith.cmpi eq, %iota3A, %eq3A_1518 : vector<16xi32>
    %jit3A_1520 = arith.constant 0 : i32
    %broadcast_in_dim3A_1521 = vector.broadcast %jit3A_1520 : i32 to vector<16xi32>
    %select_n3A_1522 = arith.select %eq3A_1519, %add3A_1508, %broadcast_in_dim3A_1521 : vector<16xi1>, vector<16xi32>
    %reduce_sum3A_1523 = arith.constant true
    %reduce_sum3A_1524 = vector.broadcast %reduce_sum3A_1523 : i1 to vector<16xi1>
    %reduce_sum3A_1525 = tpu.scan <sum>, %select_n3A_1522 masked %reduce_sum3A_1524 : vector<16xi32>, vector<16xi1> -> vector<16xi32>
    %reduce_sum3A_1526 = vector.extract %reduce_sum3A_1525[15] : i32 from vector<16xi32>
    %add3A_1527 = vector.broadcast %reduce_sum3A_1526 : i32 to vector<16xi32>
    %add3A_1528 = arith.addi %add3A_1527, %sub3A_1516 : vector<16xi32>
    %select_n3A_1529 = arith.select %eq3A_1511, %add3A_1528, %select_n3A_1496 : vector<16xi1>, vector<16xi32>
    %reduce_sum3A_1530 = arith.constant true
    %reduce_sum3A_1531 = vector.broadcast %reduce_sum3A_1530 : i1 to vector<16xi1>
    %reduce_sum3A_1532 = tpu.scan <sum>, %convert_element_type3A_1512 masked %reduce_sum3A_1531 : vector<16xi32>, vector<16xi1> -> vector<16xi32>
    %reduce_sum3A_1533 = vector.extract %reduce_sum3A_1532[15] : i32 from vector<16xi32>
    %eq3A_1534 = arith.constant 3 : i32
    %eq3A_1535 = vector.broadcast %eq3A_1534 : i32 to vector<16xi32>
    %eq3A_1536 = arith.cmpi eq, %iota3A, %eq3A_1535 : vector<16xi32>
    %jit3A_1537 = arith.constant 0 : i32
    %broadcast_in_dim3A_1538 = vector.broadcast %reduce_sum3A_1533 : i32 to vector<16xi32>
    %broadcast_in_dim3A_1539 = vector.broadcast %jit3A_1537 : i32 to vector<16xi32>
    %select_n3A_1540 = arith.select %eq3A_1536, %broadcast_in_dim3A_1538, %broadcast_in_dim3A_1539 : vector<16xi1>, vector<16xi32>
    %add3A_1541 = arith.addi %add3A_1508, %select_n3A_1540 : vector<16xi32>
    %eq3A_1542 = arith.constant 4 : i32
    %eq3A_1543 = vector.broadcast %eq3A_1542 : i32 to vector<16xi32>
    %eq3A_1544 = arith.cmpi eq, %get3A_1407, %eq3A_1543 : vector<16xi32>
    %convert_element_type3A_1545 = arith.extui %eq3A_1544 : vector<16xi1> to vector<16xi32>
    %broadcast_in_dim3A_1546 = arith.constant true
    %broadcast_in_dim3A_1547 = vector.broadcast %broadcast_in_dim3A_1546 : i1 to vector<16xi1>
    %masked_cumsum3A_1548 = tpu.scan <sum>, %convert_element_type3A_1545 masked %broadcast_in_dim3A_1547 : vector<16xi32>, vector<16xi1> -> vector<16xi32>
    %sub3A_1549 = arith.subi %masked_cumsum3A_1548, %convert_element_type3A_1545 : vector<16xi32>
    %eq3A_1550 = arith.constant 4 : i32
    %eq3A_1551 = vector.broadcast %eq3A_1550 : i32 to vector<16xi32>
    %eq3A_1552 = arith.cmpi eq, %iota3A, %eq3A_1551 : vector<16xi32>
    %jit3A_1553 = arith.constant 0 : i32
    %broadcast_in_dim3A_1554 = vector.broadcast %jit3A_1553 : i32 to vector<16xi32>
    %select_n3A_1555 = arith.select %eq3A_1552, %add3A_1541, %broadcast_in_dim3A_1554 : vector<16xi1>, vector<16xi32>
    %reduce_sum3A_1556 = arith.constant true
    %reduce_sum3A_1557 = vector.broadcast %reduce_sum3A_1556 : i1 to vector<16xi1>
    %reduce_sum3A_1558 = tpu.scan <sum>, %select_n3A_1555 masked %reduce_sum3A_1557 : vector<16xi32>, vector<16xi1> -> vector<16xi32>
    %reduce_sum3A_1559 = vector.extract %reduce_sum3A_1558[15] : i32 from vector<16xi32>
    %add3A_1560 = vector.broadcast %reduce_sum3A_1559 : i32 to vector<16xi32>
    %add3A_1561 = arith.addi %add3A_1560, %sub3A_1549 : vector<16xi32>
    %select_n3A_1562 = arith.select %eq3A_1544, %add3A_1561, %select_n3A_1529 : vector<16xi1>, vector<16xi32>
    %reduce_sum3A_1563 = arith.constant true
    %reduce_sum3A_1564 = vector.broadcast %reduce_sum3A_1563 : i1 to vector<16xi1>
    %reduce_sum3A_1565 = tpu.scan <sum>, %convert_element_type3A_1545 masked %reduce_sum3A_1564 : vector<16xi32>, vector<16xi1> -> vector<16xi32>
    %reduce_sum3A_1566 = vector.extract %reduce_sum3A_1565[15] : i32 from vector<16xi32>
    %eq3A_1567 = arith.constant 4 : i32
    %eq3A_1568 = vector.broadcast %eq3A_1567 : i32 to vector<16xi32>
    %eq3A_1569 = arith.cmpi eq, %iota3A, %eq3A_1568 : vector<16xi32>
    %jit3A_1570 = arith.constant 0 : i32
    %broadcast_in_dim3A_1571 = vector.broadcast %reduce_sum3A_1566 : i32 to vector<16xi32>
    %broadcast_in_dim3A_1572 = vector.broadcast %jit3A_1570 : i32 to vector<16xi32>
    %select_n3A_1573 = arith.select %eq3A_1569, %broadcast_in_dim3A_1571, %broadcast_in_dim3A_1572 : vector<16xi1>, vector<16xi32>
    %add3A_1574 = arith.addi %add3A_1541, %select_n3A_1573 : vector<16xi32>
    %eq3A_1575 = arith.constant 5 : i32
    %eq3A_1576 = vector.broadcast %eq3A_1575 : i32 to vector<16xi32>
    %eq3A_1577 = arith.cmpi eq, %get3A_1407, %eq3A_1576 : vector<16xi32>
    %convert_element_type3A_1578 = arith.extui %eq3A_1577 : vector<16xi1> to vector<16xi32>
    %broadcast_in_dim3A_1579 = arith.constant true
    %broadcast_in_dim3A_1580 = vector.broadcast %broadcast_in_dim3A_1579 : i1 to vector<16xi1>
    %masked_cumsum3A_1581 = tpu.scan <sum>, %convert_element_type3A_1578 masked %broadcast_in_dim3A_1580 : vector<16xi32>, vector<16xi1> -> vector<16xi32>
    %sub3A_1582 = arith.subi %masked_cumsum3A_1581, %convert_element_type3A_1578 : vector<16xi32>
    %eq3A_1583 = arith.constant 5 : i32
    %eq3A_1584 = vector.broadcast %eq3A_1583 : i32 to vector<16xi32>
    %eq3A_1585 = arith.cmpi eq, %iota3A, %eq3A_1584 : vector<16xi32>
    %jit3A_1586 = arith.constant 0 : i32
    %broadcast_in_dim3A_1587 = vector.broadcast %jit3A_1586 : i32 to vector<16xi32>
    %select_n3A_1588 = arith.select %eq3A_1585, %add3A_1574, %broadcast_in_dim3A_1587 : vector<16xi1>, vector<16xi32>
    %reduce_sum3A_1589 = arith.constant true
    %reduce_sum3A_1590 = vector.broadcast %reduce_sum3A_1589 : i1 to vector<16xi1>
    %reduce_sum3A_1591 = tpu.scan <sum>, %select_n3A_1588 masked %reduce_sum3A_1590 : vector<16xi32>, vector<16xi1> -> vector<16xi32>
    %reduce_sum3A_1592 = vector.extract %reduce_sum3A_1591[15] : i32 from vector<16xi32>
    %add3A_1593 = vector.broadcast %reduce_sum3A_1592 : i32 to vector<16xi32>
    %add3A_1594 = arith.addi %add3A_1593, %sub3A_1582 : vector<16xi32>
    %select_n3A_1595 = arith.select %eq3A_1577, %add3A_1594, %select_n3A_1562 : vector<16xi1>, vector<16xi32>
    %reduce_sum3A_1596 = arith.constant true
    %reduce_sum3A_1597 = vector.broadcast %reduce_sum3A_1596 : i1 to vector<16xi1>
    %reduce_sum3A_1598 = tpu.scan <sum>, %convert_element_type3A_1578 masked %reduce_sum3A_1597 : vector<16xi32>, vector<16xi1> -> vector<16xi32>
    %reduce_sum3A_1599 = vector.extract %reduce_sum3A_1598[15] : i32 from vector<16xi32>
    %eq3A_1600 = arith.constant 5 : i32
    %eq3A_1601 = vector.broadcast %eq3A_1600 : i32 to vector<16xi32>
    %eq3A_1602 = arith.cmpi eq, %iota3A, %eq3A_1601 : vector<16xi32>
    %jit3A_1603 = arith.constant 0 : i32
    %broadcast_in_dim3A_1604 = vector.broadcast %reduce_sum3A_1599 : i32 to vector<16xi32>
    %broadcast_in_dim3A_1605 = vector.broadcast %jit3A_1603 : i32 to vector<16xi32>
    %select_n3A_1606 = arith.select %eq3A_1602, %broadcast_in_dim3A_1604, %broadcast_in_dim3A_1605 : vector<16xi1>, vector<16xi32>
    %add3A_1607 = arith.addi %add3A_1574, %select_n3A_1606 : vector<16xi32>
    %eq3A_1608 = arith.constant 6 : i32
    %eq3A_1609 = vector.broadcast %eq3A_1608 : i32 to vector<16xi32>
    %eq3A_1610 = arith.cmpi eq, %get3A_1407, %eq3A_1609 : vector<16xi32>
    %convert_element_type3A_1611 = arith.extui %eq3A_1610 : vector<16xi1> to vector<16xi32>
    %broadcast_in_dim3A_1612 = arith.constant true
    %broadcast_in_dim3A_1613 = vector.broadcast %broadcast_in_dim3A_1612 : i1 to vector<16xi1>
    %masked_cumsum3A_1614 = tpu.scan <sum>, %convert_element_type3A_1611 masked %broadcast_in_dim3A_1613 : vector<16xi32>, vector<16xi1> -> vector<16xi32>
    %sub3A_1615 = arith.subi %masked_cumsum3A_1614, %convert_element_type3A_1611 : vector<16xi32>
    %eq3A_1616 = arith.constant 6 : i32
    %eq3A_1617 = vector.broadcast %eq3A_1616 : i32 to vector<16xi32>
    %eq3A_1618 = arith.cmpi eq, %iota3A, %eq3A_1617 : vector<16xi32>
    %jit3A_1619 = arith.constant 0 : i32
    %broadcast_in_dim3A_1620 = vector.broadcast %jit3A_1619 : i32 to vector<16xi32>
    %select_n3A_1621 = arith.select %eq3A_1618, %add3A_1607, %broadcast_in_dim3A_1620 : vector<16xi1>, vector<16xi32>
    %reduce_sum3A_1622 = arith.constant true
    %reduce_sum3A_1623 = vector.broadcast %reduce_sum3A_1622 : i1 to vector<16xi1>
    %reduce_sum3A_1624 = tpu.scan <sum>, %select_n3A_1621 masked %reduce_sum3A_1623 : vector<16xi32>, vector<16xi1> -> vector<16xi32>
    %reduce_sum3A_1625 = vector.extract %reduce_sum3A_1624[15] : i32 from vector<16xi32>
    %add3A_1626 = vector.broadcast %reduce_sum3A_1625 : i32 to vector<16xi32>
    %add3A_1627 = arith.addi %add3A_1626, %sub3A_1615 : vector<16xi32>
    %select_n3A_1628 = arith.select %eq3A_1610, %add3A_1627, %select_n3A_1595 : vector<16xi1>, vector<16xi32>
    %reduce_sum3A_1629 = arith.constant true
    %reduce_sum3A_1630 = vector.broadcast %reduce_sum3A_1629 : i1 to vector<16xi1>
    %reduce_sum3A_1631 = tpu.scan <sum>, %convert_element_type3A_1611 masked %reduce_sum3A_1630 : vector<16xi32>, vector<16xi1> -> vector<16xi32>
    %reduce_sum3A_1632 = vector.extract %reduce_sum3A_1631[15] : i32 from vector<16xi32>
    %eq3A_1633 = arith.constant 6 : i32
    %eq3A_1634 = vector.broadcast %eq3A_1633 : i32 to vector<16xi32>
    %eq3A_1635 = arith.cmpi eq, %iota3A, %eq3A_1634 : vector<16xi32>
    %jit3A_1636 = arith.constant 0 : i32
    %broadcast_in_dim3A_1637 = vector.broadcast %reduce_sum3A_1632 : i32 to vector<16xi32>
    %broadcast_in_dim3A_1638 = vector.broadcast %jit3A_1636 : i32 to vector<16xi32>
    %select_n3A_1639 = arith.select %eq3A_1635, %broadcast_in_dim3A_1637, %broadcast_in_dim3A_1638 : vector<16xi1>, vector<16xi32>
    %add3A_1640 = arith.addi %add3A_1607, %select_n3A_1639 : vector<16xi32>
    %eq3A_1641 = arith.constant 7 : i32
    %eq3A_1642 = vector.broadcast %eq3A_1641 : i32 to vector<16xi32>
    %eq3A_1643 = arith.cmpi eq, %get3A_1407, %eq3A_1642 : vector<16xi32>
    %convert_element_type3A_1644 = arith.extui %eq3A_1643 : vector<16xi1> to vector<16xi32>
    %broadcast_in_dim3A_1645 = arith.constant true
    %broadcast_in_dim3A_1646 = vector.broadcast %broadcast_in_dim3A_1645 : i1 to vector<16xi1>
    %masked_cumsum3A_1647 = tpu.scan <sum>, %convert_element_type3A_1644 masked %broadcast_in_dim3A_1646 : vector<16xi32>, vector<16xi1> -> vector<16xi32>
    %sub3A_1648 = arith.subi %masked_cumsum3A_1647, %convert_element_type3A_1644 : vector<16xi32>
    %eq3A_1649 = arith.constant 7 : i32
    %eq3A_1650 = vector.broadcast %eq3A_1649 : i32 to vector<16xi32>
    %eq3A_1651 = arith.cmpi eq, %iota3A, %eq3A_1650 : vector<16xi32>
    %jit3A_1652 = arith.constant 0 : i32
    %broadcast_in_dim3A_1653 = vector.broadcast %jit3A_1652 : i32 to vector<16xi32>
    %select_n3A_1654 = arith.select %eq3A_1651, %add3A_1640, %broadcast_in_dim3A_1653 : vector<16xi1>, vector<16xi32>
    %reduce_sum3A_1655 = arith.constant true
    %reduce_sum3A_1656 = vector.broadcast %reduce_sum3A_1655 : i1 to vector<16xi1>
    %reduce_sum3A_1657 = tpu.scan <sum>, %select_n3A_1654 masked %reduce_sum3A_1656 : vector<16xi32>, vector<16xi1> -> vector<16xi32>
    %reduce_sum3A_1658 = vector.extract %reduce_sum3A_1657[15] : i32 from vector<16xi32>
    %add3A_1659 = vector.broadcast %reduce_sum3A_1658 : i32 to vector<16xi32>
    %add3A_1660 = arith.addi %add3A_1659, %sub3A_1648 : vector<16xi32>
    %select_n3A_1661 = arith.select %eq3A_1643, %add3A_1660, %select_n3A_1628 : vector<16xi1>, vector<16xi32>
    %reduce_sum3A_1662 = arith.constant true
    %reduce_sum3A_1663 = vector.broadcast %reduce_sum3A_1662 : i1 to vector<16xi1>
    %reduce_sum3A_1664 = tpu.scan <sum>, %convert_element_type3A_1644 masked %reduce_sum3A_1663 : vector<16xi32>, vector<16xi1> -> vector<16xi32>
    %reduce_sum3A_1665 = vector.extract %reduce_sum3A_1664[15] : i32 from vector<16xi32>
    %eq3A_1666 = arith.constant 7 : i32
    %eq3A_1667 = vector.broadcast %eq3A_1666 : i32 to vector<16xi32>
    %eq3A_1668 = arith.cmpi eq, %iota3A, %eq3A_1667 : vector<16xi32>
    %jit3A_1669 = arith.constant 0 : i32
    %broadcast_in_dim3A_1670 = vector.broadcast %reduce_sum3A_1665 : i32 to vector<16xi32>
    %broadcast_in_dim3A_1671 = vector.broadcast %jit3A_1669 : i32 to vector<16xi32>
    %select_n3A_1672 = arith.select %eq3A_1668, %broadcast_in_dim3A_1670, %broadcast_in_dim3A_1671 : vector<16xi1>, vector<16xi32>
    %add3A_1673 = arith.addi %add3A_1640, %select_n3A_1672 : vector<16xi32>
    %add3A_1674 = arith.constant 64 : i32
    %add3A_1675 = arith.addi %mul3A_2, %add3A_1674 : i32
    %add3A_1676 = vector.broadcast %add3A_1675 : i32 to vector<16xi32>
    %add3A_1677 = arith.addi %add3A_1676, %iota3A : vector<16xi32>
    %jit3A_1678 = arith.constant 2 : i32
    %eq3A_1679 = arith.constant 0 : i32
    %eq3A_1680 = arith.cmpi eq, %jit3A_1678, %eq3A_1679 : i32
    %jit3A_1681 = arith.constant 1 : i32
    %select_n3A_1682 = arith.select %eq3A_1680, %jit3A_1681, %jit3A_1678 : i32
    %rem3A_1683 = vector.broadcast %select_n3A_1682 : i32 to vector<16xi32>
    %rem3A_1684 = arith.remsi %add3A_1677, %rem3A_1683 : vector<16xi32>
    %ne3A_1685 = arith.constant 0 : i32
    %ne3A_1686 = vector.broadcast %ne3A_1685 : i32 to vector<16xi32>
    %ne3A_1687 = arith.cmpi ne, %rem3A_1684, %ne3A_1686 : vector<16xi32>
    %lt3A_1688 = arith.constant 0 : i32
    %lt3A_1689 = vector.broadcast %lt3A_1688 : i32 to vector<16xi32>
    %lt3A_1690 = arith.cmpi slt, %rem3A_1684, %lt3A_1689 : vector<16xi32>
    %lt3A_1691 = arith.constant 0 : i32
    %lt3A_1692 = arith.cmpi slt, %select_n3A_1682, %lt3A_1691 : i32
    %ne3A_1693 = vector.broadcast %lt3A_1692 : i1 to vector<16xi1>
    %ne3A_1694 = vector.broadcast %ne3A_1693 : vector<16xi1> to vector<16xi1>
    %ne3A_1695 = arith.xori %lt3A_1690, %ne3A_1694 : vector<16xi1>
    %and3A_1696 = arith.andi %ne3A_1695, %ne3A_1687 : vector<16xi1>
    %add3A_1697 = vector.broadcast %select_n3A_1682 : i32 to vector<16xi32>
    %add3A_1698 = arith.addi %rem3A_1684, %add3A_1697 : vector<16xi32>
    %select_n3A_1699 = arith.select %and3A_1696, %add3A_1698, %rem3A_1684 : vector<16xi1>, vector<16xi32>
    %mul3A_1700 = arith.constant 64 : i32
    %mul3A_1701 = vector.broadcast %mul3A_1700 : i32 to vector<16xi32>
    %mul3A_1702 = arith.muli %select_n3A_1699, %mul3A_1701 : vector<16xi32>
    %jit3A_1703 = arith.constant 2 : i32
    %div3A_1704 = vector.broadcast %jit3A_1703 : i32 to vector<16xi32>
    %div3A_1705 = arith.divsi %add3A_1677, %div3A_1704 : vector<16xi32>
    %sign3A_1706 = arith.constant 0 : i32
    %sign3A_1707 = vector.broadcast %sign3A_1706 : i32 to vector<16xi32>
    %sign3A_1708 = arith.cmpi sgt, %add3A_1677, %sign3A_1707 : vector<16xi32>
    %sign3A_1709 = arith.extui %sign3A_1708 : vector<16xi1> to vector<16xi32>
    %sign3A_1710 = arith.constant 0 : i32
    %sign3A_1711 = vector.broadcast %sign3A_1710 : i32 to vector<16xi32>
    %sign3A_1712 = arith.cmpi slt, %add3A_1677, %sign3A_1711 : vector<16xi32>
    %sign3A_1713 = arith.extui %sign3A_1712 : vector<16xi1> to vector<16xi32>
    %sign3A_1714 = arith.subi %sign3A_1709, %sign3A_1713 : vector<16xi32>
    %sign3A_1715 = arith.constant 0 : i32
    %sign3A_1716 = arith.cmpi sgt, %jit3A_1703, %sign3A_1715 : i32
    %sign3A_1717 = arith.extui %sign3A_1716 : i1 to i32
    %sign3A_1718 = arith.constant 0 : i32
    %sign3A_1719 = arith.cmpi slt, %jit3A_1703, %sign3A_1718 : i32
    %sign3A_1720 = arith.extui %sign3A_1719 : i1 to i32
    %sign3A_1721 = arith.subi %sign3A_1717, %sign3A_1720 : i32
    %ne3A_1722 = vector.broadcast %sign3A_1721 : i32 to vector<16xi32>
    %ne3A_1723 = arith.cmpi ne, %sign3A_1714, %ne3A_1722 : vector<16xi32>
    %rem3A_1724 = vector.broadcast %jit3A_1703 : i32 to vector<16xi32>
    %rem3A_1725 = arith.remsi %add3A_1677, %rem3A_1724 : vector<16xi32>
    %ne3A_1726 = arith.constant 0 : i32
    %ne3A_1727 = vector.broadcast %ne3A_1726 : i32 to vector<16xi32>
    %ne3A_1728 = arith.cmpi ne, %rem3A_1725, %ne3A_1727 : vector<16xi32>
    %and3A_1729 = arith.andi %ne3A_1723, %ne3A_1728 : vector<16xi1>
    %sub3A_1730 = arith.constant 1 : i32
    %sub3A_1731 = vector.broadcast %sub3A_1730 : i32 to vector<16xi32>
    %sub3A_1732 = arith.subi %div3A_1705, %sub3A_1731 : vector<16xi32>
    %select_n3A_1733 = arith.select %and3A_1729, %sub3A_1732, %div3A_1705 : vector<16xi1>, vector<16xi32>
    %mul3A_1734 = arith.constant 64 : i32
    %mul3A_1735 = arith.muli %add3A, %mul3A_1734 : i32
    %sub3A_1736 = vector.broadcast %mul3A_1735 : i32 to vector<16xi32>
    %sub3A_1737 = arith.subi %select_n3A_1733, %sub3A_1736 : vector<16xi32>
    %add3A_1738 = arith.addi %mul3A_1702, %sub3A_1737 : vector<16xi32>
    tpu.vector_store_idx %arg9[%add3A_1738], %select_n3A_1661 : memref<128xi32, #tpu.memory_space<vmem>>[vector<16xi32>], vector<16xi32>,
    %swap3A_1739 = arith.constant 0 : index
    %swap3A_1740 = tpu.vector_load %arg12[%swap3A_1739] {strides = array<i32>} : memref<32xi32, #tpu.memory_space<vmem>>, vector<16xi32>,
    tpu.vector_store %arg12[%swap3A_1739], %select_n3A_1661 {strides = array<i32>} : memref<32xi32, #tpu.memory_space<vmem>>, vector<16xi32>,
    %mul3A_1741 = arith.constant 8 : i32
    %mul3A_1742 = arith.muli %add3A, %mul3A_1741 : i32
    %add3A_1743 = arith.constant 5 : i32
    %add3A_1744 = arith.addi %mul3A_1742, %add3A_1743 : i32
    %mul3A_1745 = arith.constant 16 : i32
    %mul3A_1746 = arith.muli %add3A_1744, %mul3A_1745 : i32
    %get3A_1747 = arith.index_cast %mul3A_1746 : i32 to index
    %get3A_1748 = tpu.vector_load %arg8[%get3A_1747] {strides = array<i32>} : memref<4096xi32, #tpu.memory_space<vmem>>, vector<16xi32>,
    %broadcast_in_dim3A_1749 = arith.constant 0 : i32
    %broadcast_in_dim3A_1750 = vector.broadcast %broadcast_in_dim3A_1749 : i32 to vector<16xi32>
    %eq3A_1751 = arith.constant 0 : i32
    %eq3A_1752 = vector.broadcast %eq3A_1751 : i32 to vector<16xi32>
    %eq3A_1753 = arith.cmpi eq, %get3A_1748, %eq3A_1752 : vector<16xi32>
    %convert_element_type3A_1754 = arith.extui %eq3A_1753 : vector<16xi1> to vector<16xi32>
    %broadcast_in_dim3A_1755 = arith.constant true
    %broadcast_in_dim3A_1756 = vector.broadcast %broadcast_in_dim3A_1755 : i1 to vector<16xi1>
    %masked_cumsum3A_1757 = tpu.scan <sum>, %convert_element_type3A_1754 masked %broadcast_in_dim3A_1756 : vector<16xi32>, vector<16xi1> -> vector<16xi32>
    %sub3A_1758 = arith.subi %masked_cumsum3A_1757, %convert_element_type3A_1754 : vector<16xi32>
    %eq3A_1759 = arith.constant 0 : i32
    %eq3A_1760 = vector.broadcast %eq3A_1759 : i32 to vector<16xi32>
    %eq3A_1761 = arith.cmpi eq, %iota3A, %eq3A_1760 : vector<16xi32>
    %jit3A_1762 = arith.constant 0 : i32
    %broadcast_in_dim3A_1763 = vector.broadcast %jit3A_1762 : i32 to vector<16xi32>
    %select_n3A_1764 = arith.select %eq3A_1761, %add3A_1673, %broadcast_in_dim3A_1763 : vector<16xi1>, vector<16xi32>
    %reduce_sum3A_1765 = arith.constant true
    %reduce_sum3A_1766 = vector.broadcast %reduce_sum3A_1765 : i1 to vector<16xi1>
    %reduce_sum3A_1767 = tpu.scan <sum>, %select_n3A_1764 masked %reduce_sum3A_1766 : vector<16xi32>, vector<16xi1> -> vector<16xi32>
    %reduce_sum3A_1768 = vector.extract %reduce_sum3A_1767[15] : i32 from vector<16xi32>
    %add3A_1769 = vector.broadcast %reduce_sum3A_1768 : i32 to vector<16xi32>
    %add3A_1770 = arith.addi %add3A_1769, %sub3A_1758 : vector<16xi32>
    %select_n3A_1771 = arith.select %eq3A_1753, %add3A_1770, %broadcast_in_dim3A_1750 : vector<16xi1>, vector<16xi32>
    %reduce_sum3A_1772 = arith.constant true
    %reduce_sum3A_1773 = vector.broadcast %reduce_sum3A_1772 : i1 to vector<16xi1>
    %reduce_sum3A_1774 = tpu.scan <sum>, %convert_element_type3A_1754 masked %reduce_sum3A_1773 : vector<16xi32>, vector<16xi1> -> vector<16xi32>
    %reduce_sum3A_1775 = vector.extract %reduce_sum3A_1774[15] : i32 from vector<16xi32>
    %eq3A_1776 = arith.constant 0 : i32
    %eq3A_1777 = vector.broadcast %eq3A_1776 : i32 to vector<16xi32>
    %eq3A_1778 = arith.cmpi eq, %iota3A, %eq3A_1777 : vector<16xi32>
    %jit3A_1779 = arith.constant 0 : i32
    %broadcast_in_dim3A_1780 = vector.broadcast %reduce_sum3A_1775 : i32 to vector<16xi32>
    %broadcast_in_dim3A_1781 = vector.broadcast %jit3A_1779 : i32 to vector<16xi32>
    %select_n3A_1782 = arith.select %eq3A_1778, %broadcast_in_dim3A_1780, %broadcast_in_dim3A_1781 : vector<16xi1>, vector<16xi32>
    %add3A_1783 = arith.addi %add3A_1673, %select_n3A_1782 : vector<16xi32>
    %eq3A_1784 = arith.constant 1 : i32
    %eq3A_1785 = vector.broadcast %eq3A_1784 : i32 to vector<16xi32>
    %eq3A_1786 = arith.cmpi eq, %get3A_1748, %eq3A_1785 : vector<16xi32>
    %convert_element_type3A_1787 = arith.extui %eq3A_1786 : vector<16xi1> to vector<16xi32>
    %broadcast_in_dim3A_1788 = arith.constant true
    %broadcast_in_dim3A_1789 = vector.broadcast %broadcast_in_dim3A_1788 : i1 to vector<16xi1>
    %masked_cumsum3A_1790 = tpu.scan <sum>, %convert_element_type3A_1787 masked %broadcast_in_dim3A_1789 : vector<16xi32>, vector<16xi1> -> vector<16xi32>
    %sub3A_1791 = arith.subi %masked_cumsum3A_1790, %convert_element_type3A_1787 : vector<16xi32>
    %eq3A_1792 = arith.constant 1 : i32
    %eq3A_1793 = vector.broadcast %eq3A_1792 : i32 to vector<16xi32>
    %eq3A_1794 = arith.cmpi eq, %iota3A, %eq3A_1793 : vector<16xi32>
    %jit3A_1795 = arith.constant 0 : i32
    %broadcast_in_dim3A_1796 = vector.broadcast %jit3A_1795 : i32 to vector<16xi32>
    %select_n3A_1797 = arith.select %eq3A_1794, %add3A_1783, %broadcast_in_dim3A_1796 : vector<16xi1>, vector<16xi32>
    %reduce_sum3A_1798 = arith.constant true
    %reduce_sum3A_1799 = vector.broadcast %reduce_sum3A_1798 : i1 to vector<16xi1>
    %reduce_sum3A_1800 = tpu.scan <sum>, %select_n3A_1797 masked %reduce_sum3A_1799 : vector<16xi32>, vector<16xi1> -> vector<16xi32>
    %reduce_sum3A_1801 = vector.extract %reduce_sum3A_1800[15] : i32 from vector<16xi32>
    %add3A_1802 = vector.broadcast %reduce_sum3A_1801 : i32 to vector<16xi32>
    %add3A_1803 = arith.addi %add3A_1802, %sub3A_1791 : vector<16xi32>
    %select_n3A_1804 = arith.select %eq3A_1786, %add3A_1803, %select_n3A_1771 : vector<16xi1>, vector<16xi32>
    %reduce_sum3A_1805 = arith.constant true
    %reduce_sum3A_1806 = vector.broadcast %reduce_sum3A_1805 : i1 to vector<16xi1>
    %reduce_sum3A_1807 = tpu.scan <sum>, %convert_element_type3A_1787 masked %reduce_sum3A_1806 : vector<16xi32>, vector<16xi1> -> vector<16xi32>
    %reduce_sum3A_1808 = vector.extract %reduce_sum3A_1807[15] : i32 from vector<16xi32>
    %eq3A_1809 = arith.constant 1 : i32
    %eq3A_1810 = vector.broadcast %eq3A_1809 : i32 to vector<16xi32>
    %eq3A_1811 = arith.cmpi eq, %iota3A, %eq3A_1810 : vector<16xi32>
    %jit3A_1812 = arith.constant 0 : i32
    %broadcast_in_dim3A_1813 = vector.broadcast %reduce_sum3A_1808 : i32 to vector<16xi32>
    %broadcast_in_dim3A_1814 = vector.broadcast %jit3A_1812 : i32 to vector<16xi32>
    %select_n3A_1815 = arith.select %eq3A_1811, %broadcast_in_dim3A_1813, %broadcast_in_dim3A_1814 : vector<16xi1>, vector<16xi32>
    %add3A_1816 = arith.addi %add3A_1783, %select_n3A_1815 : vector<16xi32>
    %eq3A_1817 = arith.constant 2 : i32
    %eq3A_1818 = vector.broadcast %eq3A_1817 : i32 to vector<16xi32>
    %eq3A_1819 = arith.cmpi eq, %get3A_1748, %eq3A_1818 : vector<16xi32>
    %convert_element_type3A_1820 = arith.extui %eq3A_1819 : vector<16xi1> to vector<16xi32>
    %broadcast_in_dim3A_1821 = arith.constant true
    %broadcast_in_dim3A_1822 = vector.broadcast %broadcast_in_dim3A_1821 : i1 to vector<16xi1>
    %masked_cumsum3A_1823 = tpu.scan <sum>, %convert_element_type3A_1820 masked %broadcast_in_dim3A_1822 : vector<16xi32>, vector<16xi1> -> vector<16xi32>
    %sub3A_1824 = arith.subi %masked_cumsum3A_1823, %convert_element_type3A_1820 : vector<16xi32>
    %eq3A_1825 = arith.constant 2 : i32
    %eq3A_1826 = vector.broadcast %eq3A_1825 : i32 to vector<16xi32>
    %eq3A_1827 = arith.cmpi eq, %iota3A, %eq3A_1826 : vector<16xi32>
    %jit3A_1828 = arith.constant 0 : i32
    %broadcast_in_dim3A_1829 = vector.broadcast %jit3A_1828 : i32 to vector<16xi32>
    %select_n3A_1830 = arith.select %eq3A_1827, %add3A_1816, %broadcast_in_dim3A_1829 : vector<16xi1>, vector<16xi32>
    %reduce_sum3A_1831 = arith.constant true
    %reduce_sum3A_1832 = vector.broadcast %reduce_sum3A_1831 : i1 to vector<16xi1>
    %reduce_sum3A_1833 = tpu.scan <sum>, %select_n3A_1830 masked %reduce_sum3A_1832 : vector<16xi32>, vector<16xi1> -> vector<16xi32>
    %reduce_sum3A_1834 = vector.extract %reduce_sum3A_1833[15] : i32 from vector<16xi32>
    %add3A_1835 = vector.broadcast %reduce_sum3A_1834 : i32 to vector<16xi32>
    %add3A_1836 = arith.addi %add3A_1835, %sub3A_1824 : vector<16xi32>
    %select_n3A_1837 = arith.select %eq3A_1819, %add3A_1836, %select_n3A_1804 : vector<16xi1>, vector<16xi32>
    %reduce_sum3A_1838 = arith.constant true
    %reduce_sum3A_1839 = vector.broadcast %reduce_sum3A_1838 : i1 to vector<16xi1>
    %reduce_sum3A_1840 = tpu.scan <sum>, %convert_element_type3A_1820 masked %reduce_sum3A_1839 : vector<16xi32>, vector<16xi1> -> vector<16xi32>
    %reduce_sum3A_1841 = vector.extract %reduce_sum3A_1840[15] : i32 from vector<16xi32>
    %eq3A_1842 = arith.constant 2 : i32
    %eq3A_1843 = vector.broadcast %eq3A_1842 : i32 to vector<16xi32>
    %eq3A_1844 = arith.cmpi eq, %iota3A, %eq3A_1843 : vector<16xi32>
    %jit3A_1845 = arith.constant 0 : i32
    %broadcast_in_dim3A_1846 = vector.broadcast %reduce_sum3A_1841 : i32 to vector<16xi32>
    %broadcast_in_dim3A_1847 = vector.broadcast %jit3A_1845 : i32 to vector<16xi32>
    %select_n3A_1848 = arith.select %eq3A_1844, %broadcast_in_dim3A_1846, %broadcast_in_dim3A_1847 : vector<16xi1>, vector<16xi32>
    %add3A_1849 = arith.addi %add3A_1816, %select_n3A_1848 : vector<16xi32>
    %eq3A_1850 = arith.constant 3 : i32
    %eq3A_1851 = vector.broadcast %eq3A_1850 : i32 to vector<16xi32>
    %eq3A_1852 = arith.cmpi eq, %get3A_1748, %eq3A_1851 : vector<16xi32>
    %convert_element_type3A_1853 = arith.extui %eq3A_1852 : vector<16xi1> to vector<16xi32>
    %broadcast_in_dim3A_1854 = arith.constant true
    %broadcast_in_dim3A_1855 = vector.broadcast %broadcast_in_dim3A_1854 : i1 to vector<16xi1>
    %masked_cumsum3A_1856 = tpu.scan <sum>, %convert_element_type3A_1853 masked %broadcast_in_dim3A_1855 : vector<16xi32>, vector<16xi1> -> vector<16xi32>
    %sub3A_1857 = arith.subi %masked_cumsum3A_1856, %convert_element_type3A_1853 : vector<16xi32>
    %eq3A_1858 = arith.constant 3 : i32
    %eq3A_1859 = vector.broadcast %eq3A_1858 : i32 to vector<16xi32>
    %eq3A_1860 = arith.cmpi eq, %iota3A, %eq3A_1859 : vector<16xi32>
    %jit3A_1861 = arith.constant 0 : i32
    %broadcast_in_dim3A_1862 = vector.broadcast %jit3A_1861 : i32 to vector<16xi32>
    %select_n3A_1863 = arith.select %eq3A_1860, %add3A_1849, %broadcast_in_dim3A_1862 : vector<16xi1>, vector<16xi32>
    %reduce_sum3A_1864 = arith.constant true
    %reduce_sum3A_1865 = vector.broadcast %reduce_sum3A_1864 : i1 to vector<16xi1>
    %reduce_sum3A_1866 = tpu.scan <sum>, %select_n3A_1863 masked %reduce_sum3A_1865 : vector<16xi32>, vector<16xi1> -> vector<16xi32>
    %reduce_sum3A_1867 = vector.extract %reduce_sum3A_1866[15] : i32 from vector<16xi32>
    %add3A_1868 = vector.broadcast %reduce_sum3A_1867 : i32 to vector<16xi32>
    %add3A_1869 = arith.addi %add3A_1868, %sub3A_1857 : vector<16xi32>
    %select_n3A_1870 = arith.select %eq3A_1852, %add3A_1869, %select_n3A_1837 : vector<16xi1>, vector<16xi32>
    %reduce_sum3A_1871 = arith.constant true
    %reduce_sum3A_1872 = vector.broadcast %reduce_sum3A_1871 : i1 to vector<16xi1>
    %reduce_sum3A_1873 = tpu.scan <sum>, %convert_element_type3A_1853 masked %reduce_sum3A_1872 : vector<16xi32>, vector<16xi1> -> vector<16xi32>
    %reduce_sum3A_1874 = vector.extract %reduce_sum3A_1873[15] : i32 from vector<16xi32>
    %eq3A_1875 = arith.constant 3 : i32
    %eq3A_1876 = vector.broadcast %eq3A_1875 : i32 to vector<16xi32>
    %eq3A_1877 = arith.cmpi eq, %iota3A, %eq3A_1876 : vector<16xi32>
    %jit3A_1878 = arith.constant 0 : i32
    %broadcast_in_dim3A_1879 = vector.broadcast %reduce_sum3A_1874 : i32 to vector<16xi32>
    %broadcast_in_dim3A_1880 = vector.broadcast %jit3A_1878 : i32 to vector<16xi32>
    %select_n3A_1881 = arith.select %eq3A_1877, %broadcast_in_dim3A_1879, %broadcast_in_dim3A_1880 : vector<16xi1>, vector<16xi32>
    %add3A_1882 = arith.addi %add3A_1849, %select_n3A_1881 : vector<16xi32>
    %eq3A_1883 = arith.constant 4 : i32
    %eq3A_1884 = vector.broadcast %eq3A_1883 : i32 to vector<16xi32>
    %eq3A_1885 = arith.cmpi eq, %get3A_1748, %eq3A_1884 : vector<16xi32>
    %convert_element_type3A_1886 = arith.extui %eq3A_1885 : vector<16xi1> to vector<16xi32>
    %broadcast_in_dim3A_1887 = arith.constant true
    %broadcast_in_dim3A_1888 = vector.broadcast %broadcast_in_dim3A_1887 : i1 to vector<16xi1>
    %masked_cumsum3A_1889 = tpu.scan <sum>, %convert_element_type3A_1886 masked %broadcast_in_dim3A_1888 : vector<16xi32>, vector<16xi1> -> vector<16xi32>
    %sub3A_1890 = arith.subi %masked_cumsum3A_1889, %convert_element_type3A_1886 : vector<16xi32>
    %eq3A_1891 = arith.constant 4 : i32
    %eq3A_1892 = vector.broadcast %eq3A_1891 : i32 to vector<16xi32>
    %eq3A_1893 = arith.cmpi eq, %iota3A, %eq3A_1892 : vector<16xi32>
    %jit3A_1894 = arith.constant 0 : i32
    %broadcast_in_dim3A_1895 = vector.broadcast %jit3A_1894 : i32 to vector<16xi32>
    %select_n3A_1896 = arith.select %eq3A_1893, %add3A_1882, %broadcast_in_dim3A_1895 : vector<16xi1>, vector<16xi32>
    %reduce_sum3A_1897 = arith.constant true
    %reduce_sum3A_1898 = vector.broadcast %reduce_sum3A_1897 : i1 to vector<16xi1>
    %reduce_sum3A_1899 = tpu.scan <sum>, %select_n3A_1896 masked %reduce_sum3A_1898 : vector<16xi32>, vector<16xi1> -> vector<16xi32>
    %reduce_sum3A_1900 = vector.extract %reduce_sum3A_1899[15] : i32 from vector<16xi32>
    %add3A_1901 = vector.broadcast %reduce_sum3A_1900 : i32 to vector<16xi32>
    %add3A_1902 = arith.addi %add3A_1901, %sub3A_1890 : vector<16xi32>
    %select_n3A_1903 = arith.select %eq3A_1885, %add3A_1902, %select_n3A_1870 : vector<16xi1>, vector<16xi32>
    %reduce_sum3A_1904 = arith.constant true
    %reduce_sum3A_1905 = vector.broadcast %reduce_sum3A_1904 : i1 to vector<16xi1>
    %reduce_sum3A_1906 = tpu.scan <sum>, %convert_element_type3A_1886 masked %reduce_sum3A_1905 : vector<16xi32>, vector<16xi1> -> vector<16xi32>
    %reduce_sum3A_1907 = vector.extract %reduce_sum3A_1906[15] : i32 from vector<16xi32>
    %eq3A_1908 = arith.constant 4 : i32
    %eq3A_1909 = vector.broadcast %eq3A_1908 : i32 to vector<16xi32>
    %eq3A_1910 = arith.cmpi eq, %iota3A, %eq3A_1909 : vector<16xi32>
    %jit3A_1911 = arith.constant 0 : i32
    %broadcast_in_dim3A_1912 = vector.broadcast %reduce_sum3A_1907 : i32 to vector<16xi32>
    %broadcast_in_dim3A_1913 = vector.broadcast %jit3A_1911 : i32 to vector<16xi32>
    %select_n3A_1914 = arith.select %eq3A_1910, %broadcast_in_dim3A_1912, %broadcast_in_dim3A_1913 : vector<16xi1>, vector<16xi32>
    %add3A_1915 = arith.addi %add3A_1882, %select_n3A_1914 : vector<16xi32>
    %eq3A_1916 = arith.constant 5 : i32
    %eq3A_1917 = vector.broadcast %eq3A_1916 : i32 to vector<16xi32>
    %eq3A_1918 = arith.cmpi eq, %get3A_1748, %eq3A_1917 : vector<16xi32>
    %convert_element_type3A_1919 = arith.extui %eq3A_1918 : vector<16xi1> to vector<16xi32>
    %broadcast_in_dim3A_1920 = arith.constant true
    %broadcast_in_dim3A_1921 = vector.broadcast %broadcast_in_dim3A_1920 : i1 to vector<16xi1>
    %masked_cumsum3A_1922 = tpu.scan <sum>, %convert_element_type3A_1919 masked %broadcast_in_dim3A_1921 : vector<16xi32>, vector<16xi1> -> vector<16xi32>
    %sub3A_1923 = arith.subi %masked_cumsum3A_1922, %convert_element_type3A_1919 : vector<16xi32>
    %eq3A_1924 = arith.constant 5 : i32
    %eq3A_1925 = vector.broadcast %eq3A_1924 : i32 to vector<16xi32>
    %eq3A_1926 = arith.cmpi eq, %iota3A, %eq3A_1925 : vector<16xi32>
    %jit3A_1927 = arith.constant 0 : i32
    %broadcast_in_dim3A_1928 = vector.broadcast %jit3A_1927 : i32 to vector<16xi32>
    %select_n3A_1929 = arith.select %eq3A_1926, %add3A_1915, %broadcast_in_dim3A_1928 : vector<16xi1>, vector<16xi32>
    %reduce_sum3A_1930 = arith.constant true
    %reduce_sum3A_1931 = vector.broadcast %reduce_sum3A_1930 : i1 to vector<16xi1>
    %reduce_sum3A_1932 = tpu.scan <sum>, %select_n3A_1929 masked %reduce_sum3A_1931 : vector<16xi32>, vector<16xi1> -> vector<16xi32>
    %reduce_sum3A_1933 = vector.extract %reduce_sum3A_1932[15] : i32 from vector<16xi32>
    %add3A_1934 = vector.broadcast %reduce_sum3A_1933 : i32 to vector<16xi32>
    %add3A_1935 = arith.addi %add3A_1934, %sub3A_1923 : vector<16xi32>
    %select_n3A_1936 = arith.select %eq3A_1918, %add3A_1935, %select_n3A_1903 : vector<16xi1>, vector<16xi32>
    %reduce_sum3A_1937 = arith.constant true
    %reduce_sum3A_1938 = vector.broadcast %reduce_sum3A_1937 : i1 to vector<16xi1>
    %reduce_sum3A_1939 = tpu.scan <sum>, %convert_element_type3A_1919 masked %reduce_sum3A_1938 : vector<16xi32>, vector<16xi1> -> vector<16xi32>
    %reduce_sum3A_1940 = vector.extract %reduce_sum3A_1939[15] : i32 from vector<16xi32>
    %eq3A_1941 = arith.constant 5 : i32
    %eq3A_1942 = vector.broadcast %eq3A_1941 : i32 to vector<16xi32>
    %eq3A_1943 = arith.cmpi eq, %iota3A, %eq3A_1942 : vector<16xi32>
    %jit3A_1944 = arith.constant 0 : i32
    %broadcast_in_dim3A_1945 = vector.broadcast %reduce_sum3A_1940 : i32 to vector<16xi32>
    %broadcast_in_dim3A_1946 = vector.broadcast %jit3A_1944 : i32 to vector<16xi32>
    %select_n3A_1947 = arith.select %eq3A_1943, %broadcast_in_dim3A_1945, %broadcast_in_dim3A_1946 : vector<16xi1>, vector<16xi32>
    %add3A_1948 = arith.addi %add3A_1915, %select_n3A_1947 : vector<16xi32>
    %eq3A_1949 = arith.constant 6 : i32
    %eq3A_1950 = vector.broadcast %eq3A_1949 : i32 to vector<16xi32>
    %eq3A_1951 = arith.cmpi eq, %get3A_1748, %eq3A_1950 : vector<16xi32>
    %convert_element_type3A_1952 = arith.extui %eq3A_1951 : vector<16xi1> to vector<16xi32>
    %broadcast_in_dim3A_1953 = arith.constant true
    %broadcast_in_dim3A_1954 = vector.broadcast %broadcast_in_dim3A_1953 : i1 to vector<16xi1>
    %masked_cumsum3A_1955 = tpu.scan <sum>, %convert_element_type3A_1952 masked %broadcast_in_dim3A_1954 : vector<16xi32>, vector<16xi1> -> vector<16xi32>
    %sub3A_1956 = arith.subi %masked_cumsum3A_1955, %convert_element_type3A_1952 : vector<16xi32>
    %eq3A_1957 = arith.constant 6 : i32
    %eq3A_1958 = vector.broadcast %eq3A_1957 : i32 to vector<16xi32>
    %eq3A_1959 = arith.cmpi eq, %iota3A, %eq3A_1958 : vector<16xi32>
    %jit3A_1960 = arith.constant 0 : i32
    %broadcast_in_dim3A_1961 = vector.broadcast %jit3A_1960 : i32 to vector<16xi32>
    %select_n3A_1962 = arith.select %eq3A_1959, %add3A_1948, %broadcast_in_dim3A_1961 : vector<16xi1>, vector<16xi32>
    %reduce_sum3A_1963 = arith.constant true
    %reduce_sum3A_1964 = vector.broadcast %reduce_sum3A_1963 : i1 to vector<16xi1>
    %reduce_sum3A_1965 = tpu.scan <sum>, %select_n3A_1962 masked %reduce_sum3A_1964 : vector<16xi32>, vector<16xi1> -> vector<16xi32>
    %reduce_sum3A_1966 = vector.extract %reduce_sum3A_1965[15] : i32 from vector<16xi32>
    %add3A_1967 = vector.broadcast %reduce_sum3A_1966 : i32 to vector<16xi32>
    %add3A_1968 = arith.addi %add3A_1967, %sub3A_1956 : vector<16xi32>
    %select_n3A_1969 = arith.select %eq3A_1951, %add3A_1968, %select_n3A_1936 : vector<16xi1>, vector<16xi32>
    %reduce_sum3A_1970 = arith.constant true
    %reduce_sum3A_1971 = vector.broadcast %reduce_sum3A_1970 : i1 to vector<16xi1>
    %reduce_sum3A_1972 = tpu.scan <sum>, %convert_element_type3A_1952 masked %reduce_sum3A_1971 : vector<16xi32>, vector<16xi1> -> vector<16xi32>
    %reduce_sum3A_1973 = vector.extract %reduce_sum3A_1972[15] : i32 from vector<16xi32>
    %eq3A_1974 = arith.constant 6 : i32
    %eq3A_1975 = vector.broadcast %eq3A_1974 : i32 to vector<16xi32>
    %eq3A_1976 = arith.cmpi eq, %iota3A, %eq3A_1975 : vector<16xi32>
    %jit3A_1977 = arith.constant 0 : i32
    %broadcast_in_dim3A_1978 = vector.broadcast %reduce_sum3A_1973 : i32 to vector<16xi32>
    %broadcast_in_dim3A_1979 = vector.broadcast %jit3A_1977 : i32 to vector<16xi32>
    %select_n3A_1980 = arith.select %eq3A_1976, %broadcast_in_dim3A_1978, %broadcast_in_dim3A_1979 : vector<16xi1>, vector<16xi32>
    %add3A_1981 = arith.addi %add3A_1948, %select_n3A_1980 : vector<16xi32>
    %eq3A_1982 = arith.constant 7 : i32
    %eq3A_1983 = vector.broadcast %eq3A_1982 : i32 to vector<16xi32>
    %eq3A_1984 = arith.cmpi eq, %get3A_1748, %eq3A_1983 : vector<16xi32>
    %convert_element_type3A_1985 = arith.extui %eq3A_1984 : vector<16xi1> to vector<16xi32>
    %broadcast_in_dim3A_1986 = arith.constant true
    %broadcast_in_dim3A_1987 = vector.broadcast %broadcast_in_dim3A_1986 : i1 to vector<16xi1>
    %masked_cumsum3A_1988 = tpu.scan <sum>, %convert_element_type3A_1985 masked %broadcast_in_dim3A_1987 : vector<16xi32>, vector<16xi1> -> vector<16xi32>
    %sub3A_1989 = arith.subi %masked_cumsum3A_1988, %convert_element_type3A_1985 : vector<16xi32>
    %eq3A_1990 = arith.constant 7 : i32
    %eq3A_1991 = vector.broadcast %eq3A_1990 : i32 to vector<16xi32>
    %eq3A_1992 = arith.cmpi eq, %iota3A, %eq3A_1991 : vector<16xi32>
    %jit3A_1993 = arith.constant 0 : i32
    %broadcast_in_dim3A_1994 = vector.broadcast %jit3A_1993 : i32 to vector<16xi32>
    %select_n3A_1995 = arith.select %eq3A_1992, %add3A_1981, %broadcast_in_dim3A_1994 : vector<16xi1>, vector<16xi32>
    %reduce_sum3A_1996 = arith.constant true
    %reduce_sum3A_1997 = vector.broadcast %reduce_sum3A_1996 : i1 to vector<16xi1>
    %reduce_sum3A_1998 = tpu.scan <sum>, %select_n3A_1995 masked %reduce_sum3A_1997 : vector<16xi32>, vector<16xi1> -> vector<16xi32>
    %reduce_sum3A_1999 = vector.extract %reduce_sum3A_1998[15] : i32 from vector<16xi32>
    %add3A_2000 = vector.broadcast %reduce_sum3A_1999 : i32 to vector<16xi32>
    %add3A_2001 = arith.addi %add3A_2000, %sub3A_1989 : vector<16xi32>
    %select_n3A_2002 = arith.select %eq3A_1984, %add3A_2001, %select_n3A_1969 : vector<16xi1>, vector<16xi32>
    %reduce_sum3A_2003 = arith.constant true
    %reduce_sum3A_2004 = vector.broadcast %reduce_sum3A_2003 : i1 to vector<16xi1>
    %reduce_sum3A_2005 = tpu.scan <sum>, %convert_element_type3A_1985 masked %reduce_sum3A_2004 : vector<16xi32>, vector<16xi1> -> vector<16xi32>
    %reduce_sum3A_2006 = vector.extract %reduce_sum3A_2005[15] : i32 from vector<16xi32>
    %eq3A_2007 = arith.constant 7 : i32
    %eq3A_2008 = vector.broadcast %eq3A_2007 : i32 to vector<16xi32>
    %eq3A_2009 = arith.cmpi eq, %iota3A, %eq3A_2008 : vector<16xi32>
    %jit3A_2010 = arith.constant 0 : i32
    %broadcast_in_dim3A_2011 = vector.broadcast %reduce_sum3A_2006 : i32 to vector<16xi32>
    %broadcast_in_dim3A_2012 = vector.broadcast %jit3A_2010 : i32 to vector<16xi32>
    %select_n3A_2013 = arith.select %eq3A_2009, %broadcast_in_dim3A_2011, %broadcast_in_dim3A_2012 : vector<16xi1>, vector<16xi32>
    %add3A_2014 = arith.addi %add3A_1981, %select_n3A_2013 : vector<16xi32>
    %add3A_2015 = arith.constant 80 : i32
    %add3A_2016 = arith.addi %mul3A_2, %add3A_2015 : i32
    %add3A_2017 = vector.broadcast %add3A_2016 : i32 to vector<16xi32>
    %add3A_2018 = arith.addi %add3A_2017, %iota3A : vector<16xi32>
    %jit3A_2019 = arith.constant 2 : i32
    %eq3A_2020 = arith.constant 0 : i32
    %eq3A_2021 = arith.cmpi eq, %jit3A_2019, %eq3A_2020 : i32
    %jit3A_2022 = arith.constant 1 : i32
    %select_n3A_2023 = arith.select %eq3A_2021, %jit3A_2022, %jit3A_2019 : i32
    %rem3A_2024 = vector.broadcast %select_n3A_2023 : i32 to vector<16xi32>
    %rem3A_2025 = arith.remsi %add3A_2018, %rem3A_2024 : vector<16xi32>
    %ne3A_2026 = arith.constant 0 : i32
    %ne3A_2027 = vector.broadcast %ne3A_2026 : i32 to vector<16xi32>
    %ne3A_2028 = arith.cmpi ne, %rem3A_2025, %ne3A_2027 : vector<16xi32>
    %lt3A_2029 = arith.constant 0 : i32
    %lt3A_2030 = vector.broadcast %lt3A_2029 : i32 to vector<16xi32>
    %lt3A_2031 = arith.cmpi slt, %rem3A_2025, %lt3A_2030 : vector<16xi32>
    %lt3A_2032 = arith.constant 0 : i32
    %lt3A_2033 = arith.cmpi slt, %select_n3A_2023, %lt3A_2032 : i32
    %ne3A_2034 = vector.broadcast %lt3A_2033 : i1 to vector<16xi1>
    %ne3A_2035 = vector.broadcast %ne3A_2034 : vector<16xi1> to vector<16xi1>
    %ne3A_2036 = arith.xori %lt3A_2031, %ne3A_2035 : vector<16xi1>
    %and3A_2037 = arith.andi %ne3A_2036, %ne3A_2028 : vector<16xi1>
    %add3A_2038 = vector.broadcast %select_n3A_2023 : i32 to vector<16xi32>
    %add3A_2039 = arith.addi %rem3A_2025, %add3A_2038 : vector<16xi32>
    %select_n3A_2040 = arith.select %and3A_2037, %add3A_2039, %rem3A_2025 : vector<16xi1>, vector<16xi32>
    %mul3A_2041 = arith.constant 64 : i32
    %mul3A_2042 = vector.broadcast %mul3A_2041 : i32 to vector<16xi32>
    %mul3A_2043 = arith.muli %select_n3A_2040, %mul3A_2042 : vector<16xi32>
    %jit3A_2044 = arith.constant 2 : i32
    %div3A_2045 = vector.broadcast %jit3A_2044 : i32 to vector<16xi32>
    %div3A_2046 = arith.divsi %add3A_2018, %div3A_2045 : vector<16xi32>
    %sign3A_2047 = arith.constant 0 : i32
    %sign3A_2048 = vector.broadcast %sign3A_2047 : i32 to vector<16xi32>
    %sign3A_2049 = arith.cmpi sgt, %add3A_2018, %sign3A_2048 : vector<16xi32>
    %sign3A_2050 = arith.extui %sign3A_2049 : vector<16xi1> to vector<16xi32>
    %sign3A_2051 = arith.constant 0 : i32
    %sign3A_2052 = vector.broadcast %sign3A_2051 : i32 to vector<16xi32>
    %sign3A_2053 = arith.cmpi slt, %add3A_2018, %sign3A_2052 : vector<16xi32>
    %sign3A_2054 = arith.extui %sign3A_2053 : vector<16xi1> to vector<16xi32>
    %sign3A_2055 = arith.subi %sign3A_2050, %sign3A_2054 : vector<16xi32>
    %sign3A_2056 = arith.constant 0 : i32
    %sign3A_2057 = arith.cmpi sgt, %jit3A_2044, %sign3A_2056 : i32
    %sign3A_2058 = arith.extui %sign3A_2057 : i1 to i32
    %sign3A_2059 = arith.constant 0 : i32
    %sign3A_2060 = arith.cmpi slt, %jit3A_2044, %sign3A_2059 : i32
    %sign3A_2061 = arith.extui %sign3A_2060 : i1 to i32
    %sign3A_2062 = arith.subi %sign3A_2058, %sign3A_2061 : i32
    %ne3A_2063 = vector.broadcast %sign3A_2062 : i32 to vector<16xi32>
    %ne3A_2064 = arith.cmpi ne, %sign3A_2055, %ne3A_2063 : vector<16xi32>
    %rem3A_2065 = vector.broadcast %jit3A_2044 : i32 to vector<16xi32>
    %rem3A_2066 = arith.remsi %add3A_2018, %rem3A_2065 : vector<16xi32>
    %ne3A_2067 = arith.constant 0 : i32
    %ne3A_2068 = vector.broadcast %ne3A_2067 : i32 to vector<16xi32>
    %ne3A_2069 = arith.cmpi ne, %rem3A_2066, %ne3A_2068 : vector<16xi32>
    %and3A_2070 = arith.andi %ne3A_2064, %ne3A_2069 : vector<16xi1>
    %sub3A_2071 = arith.constant 1 : i32
    %sub3A_2072 = vector.broadcast %sub3A_2071 : i32 to vector<16xi32>
    %sub3A_2073 = arith.subi %div3A_2046, %sub3A_2072 : vector<16xi32>
    %select_n3A_2074 = arith.select %and3A_2070, %sub3A_2073, %div3A_2046 : vector<16xi1>, vector<16xi32>
    %mul3A_2075 = arith.constant 64 : i32
    %mul3A_2076 = arith.muli %add3A, %mul3A_2075 : i32
    %sub3A_2077 = vector.broadcast %mul3A_2076 : i32 to vector<16xi32>
    %sub3A_2078 = arith.subi %select_n3A_2074, %sub3A_2077 : vector<16xi32>
    %add3A_2079 = arith.addi %mul3A_2043, %sub3A_2078 : vector<16xi32>
    tpu.vector_store_idx %arg9[%add3A_2079], %select_n3A_2002 : memref<128xi32, #tpu.memory_space<vmem>>[vector<16xi32>], vector<16xi32>,
    %swap3A_2080 = arith.constant 16 : index
    %swap3A_2081 = tpu.vector_load %arg12[%swap3A_2080] {strides = array<i32>} : memref<32xi32, #tpu.memory_space<vmem>>, vector<16xi32>,
    tpu.vector_store %arg12[%swap3A_2080], %select_n3A_2002 {strides = array<i32>} : memref<32xi32, #tpu.memory_space<vmem>>, vector<16xi32>,
    %mul3A_2082 = arith.constant 8 : i32
    %mul3A_2083 = arith.muli %add3A, %mul3A_2082 : i32
    %add3A_2084 = arith.constant 6 : i32
    %add3A_2085 = arith.addi %mul3A_2083, %add3A_2084 : i32
    %mul3A_2086 = arith.constant 16 : i32
    %mul3A_2087 = arith.muli %add3A_2085, %mul3A_2086 : i32
    %get3A_2088 = arith.index_cast %mul3A_2087 : i32 to index
    %get3A_2089 = tpu.vector_load %arg8[%get3A_2088] {strides = array<i32>} : memref<4096xi32, #tpu.memory_space<vmem>>, vector<16xi32>,
    %broadcast_in_dim3A_2090 = arith.constant 0 : i32
    %broadcast_in_dim3A_2091 = vector.broadcast %broadcast_in_dim3A_2090 : i32 to vector<16xi32>
    %eq3A_2092 = arith.constant 0 : i32
    %eq3A_2093 = vector.broadcast %eq3A_2092 : i32 to vector<16xi32>
    %eq3A_2094 = arith.cmpi eq, %get3A_2089, %eq3A_2093 : vector<16xi32>
    %convert_element_type3A_2095 = arith.extui %eq3A_2094 : vector<16xi1> to vector<16xi32>
    %broadcast_in_dim3A_2096 = arith.constant true
    %broadcast_in_dim3A_2097 = vector.broadcast %broadcast_in_dim3A_2096 : i1 to vector<16xi1>
    %masked_cumsum3A_2098 = tpu.scan <sum>, %convert_element_type3A_2095 masked %broadcast_in_dim3A_2097 : vector<16xi32>, vector<16xi1> -> vector<16xi32>
    %sub3A_2099 = arith.subi %masked_cumsum3A_2098, %convert_element_type3A_2095 : vector<16xi32>
    %eq3A_2100 = arith.constant 0 : i32
    %eq3A_2101 = vector.broadcast %eq3A_2100 : i32 to vector<16xi32>
    %eq3A_2102 = arith.cmpi eq, %iota3A, %eq3A_2101 : vector<16xi32>
    %jit3A_2103 = arith.constant 0 : i32
    %broadcast_in_dim3A_2104 = vector.broadcast %jit3A_2103 : i32 to vector<16xi32>
    %select_n3A_2105 = arith.select %eq3A_2102, %add3A_2014, %broadcast_in_dim3A_2104 : vector<16xi1>, vector<16xi32>
    %reduce_sum3A_2106 = arith.constant true
    %reduce_sum3A_2107 = vector.broadcast %reduce_sum3A_2106 : i1 to vector<16xi1>
    %reduce_sum3A_2108 = tpu.scan <sum>, %select_n3A_2105 masked %reduce_sum3A_2107 : vector<16xi32>, vector<16xi1> -> vector<16xi32>
    %reduce_sum3A_2109 = vector.extract %reduce_sum3A_2108[15] : i32 from vector<16xi32>
    %add3A_2110 = vector.broadcast %reduce_sum3A_2109 : i32 to vector<16xi32>
    %add3A_2111 = arith.addi %add3A_2110, %sub3A_2099 : vector<16xi32>
    %select_n3A_2112 = arith.select %eq3A_2094, %add3A_2111, %broadcast_in_dim3A_2091 : vector<16xi1>, vector<16xi32>
    %reduce_sum3A_2113 = arith.constant true
    %reduce_sum3A_2114 = vector.broadcast %reduce_sum3A_2113 : i1 to vector<16xi1>
    %reduce_sum3A_2115 = tpu.scan <sum>, %convert_element_type3A_2095 masked %reduce_sum3A_2114 : vector<16xi32>, vector<16xi1> -> vector<16xi32>
    %reduce_sum3A_2116 = vector.extract %reduce_sum3A_2115[15] : i32 from vector<16xi32>
    %eq3A_2117 = arith.constant 0 : i32
    %eq3A_2118 = vector.broadcast %eq3A_2117 : i32 to vector<16xi32>
    %eq3A_2119 = arith.cmpi eq, %iota3A, %eq3A_2118 : vector<16xi32>
    %jit3A_2120 = arith.constant 0 : i32
    %broadcast_in_dim3A_2121 = vector.broadcast %reduce_sum3A_2116 : i32 to vector<16xi32>
    %broadcast_in_dim3A_2122 = vector.broadcast %jit3A_2120 : i32 to vector<16xi32>
    %select_n3A_2123 = arith.select %eq3A_2119, %broadcast_in_dim3A_2121, %broadcast_in_dim3A_2122 : vector<16xi1>, vector<16xi32>
    %add3A_2124 = arith.addi %add3A_2014, %select_n3A_2123 : vector<16xi32>
    %eq3A_2125 = arith.constant 1 : i32
    %eq3A_2126 = vector.broadcast %eq3A_2125 : i32 to vector<16xi32>
    %eq3A_2127 = arith.cmpi eq, %get3A_2089, %eq3A_2126 : vector<16xi32>
    %convert_element_type3A_2128 = arith.extui %eq3A_2127 : vector<16xi1> to vector<16xi32>
    %broadcast_in_dim3A_2129 = arith.constant true
    %broadcast_in_dim3A_2130 = vector.broadcast %broadcast_in_dim3A_2129 : i1 to vector<16xi1>
    %masked_cumsum3A_2131 = tpu.scan <sum>, %convert_element_type3A_2128 masked %broadcast_in_dim3A_2130 : vector<16xi32>, vector<16xi1> -> vector<16xi32>
    %sub3A_2132 = arith.subi %masked_cumsum3A_2131, %convert_element_type3A_2128 : vector<16xi32>
    %eq3A_2133 = arith.constant 1 : i32
    %eq3A_2134 = vector.broadcast %eq3A_2133 : i32 to vector<16xi32>
    %eq3A_2135 = arith.cmpi eq, %iota3A, %eq3A_2134 : vector<16xi32>
    %jit3A_2136 = arith.constant 0 : i32
    %broadcast_in_dim3A_2137 = vector.broadcast %jit3A_2136 : i32 to vector<16xi32>
    %select_n3A_2138 = arith.select %eq3A_2135, %add3A_2124, %broadcast_in_dim3A_2137 : vector<16xi1>, vector<16xi32>
    %reduce_sum3A_2139 = arith.constant true
    %reduce_sum3A_2140 = vector.broadcast %reduce_sum3A_2139 : i1 to vector<16xi1>
    %reduce_sum3A_2141 = tpu.scan <sum>, %select_n3A_2138 masked %reduce_sum3A_2140 : vector<16xi32>, vector<16xi1> -> vector<16xi32>
    %reduce_sum3A_2142 = vector.extract %reduce_sum3A_2141[15] : i32 from vector<16xi32>
    %add3A_2143 = vector.broadcast %reduce_sum3A_2142 : i32 to vector<16xi32>
    %add3A_2144 = arith.addi %add3A_2143, %sub3A_2132 : vector<16xi32>
    %select_n3A_2145 = arith.select %eq3A_2127, %add3A_2144, %select_n3A_2112 : vector<16xi1>, vector<16xi32>
    %reduce_sum3A_2146 = arith.constant true
    %reduce_sum3A_2147 = vector.broadcast %reduce_sum3A_2146 : i1 to vector<16xi1>
    %reduce_sum3A_2148 = tpu.scan <sum>, %convert_element_type3A_2128 masked %reduce_sum3A_2147 : vector<16xi32>, vector<16xi1> -> vector<16xi32>
    %reduce_sum3A_2149 = vector.extract %reduce_sum3A_2148[15] : i32 from vector<16xi32>
    %eq3A_2150 = arith.constant 1 : i32
    %eq3A_2151 = vector.broadcast %eq3A_2150 : i32 to vector<16xi32>
    %eq3A_2152 = arith.cmpi eq, %iota3A, %eq3A_2151 : vector<16xi32>
    %jit3A_2153 = arith.constant 0 : i32
    %broadcast_in_dim3A_2154 = vector.broadcast %reduce_sum3A_2149 : i32 to vector<16xi32>
    %broadcast_in_dim3A_2155 = vector.broadcast %jit3A_2153 : i32 to vector<16xi32>
    %select_n3A_2156 = arith.select %eq3A_2152, %broadcast_in_dim3A_2154, %broadcast_in_dim3A_2155 : vector<16xi1>, vector<16xi32>
    %add3A_2157 = arith.addi %add3A_2124, %select_n3A_2156 : vector<16xi32>
    %eq3A_2158 = arith.constant 2 : i32
    %eq3A_2159 = vector.broadcast %eq3A_2158 : i32 to vector<16xi32>
    %eq3A_2160 = arith.cmpi eq, %get3A_2089, %eq3A_2159 : vector<16xi32>
    %convert_element_type3A_2161 = arith.extui %eq3A_2160 : vector<16xi1> to vector<16xi32>
    %broadcast_in_dim3A_2162 = arith.constant true
    %broadcast_in_dim3A_2163 = vector.broadcast %broadcast_in_dim3A_2162 : i1 to vector<16xi1>
    %masked_cumsum3A_2164 = tpu.scan <sum>, %convert_element_type3A_2161 masked %broadcast_in_dim3A_2163 : vector<16xi32>, vector<16xi1> -> vector<16xi32>
    %sub3A_2165 = arith.subi %masked_cumsum3A_2164, %convert_element_type3A_2161 : vector<16xi32>
    %eq3A_2166 = arith.constant 2 : i32
    %eq3A_2167 = vector.broadcast %eq3A_2166 : i32 to vector<16xi32>
    %eq3A_2168 = arith.cmpi eq, %iota3A, %eq3A_2167 : vector<16xi32>
    %jit3A_2169 = arith.constant 0 : i32
    %broadcast_in_dim3A_2170 = vector.broadcast %jit3A_2169 : i32 to vector<16xi32>
    %select_n3A_2171 = arith.select %eq3A_2168, %add3A_2157, %broadcast_in_dim3A_2170 : vector<16xi1>, vector<16xi32>
    %reduce_sum3A_2172 = arith.constant true
    %reduce_sum3A_2173 = vector.broadcast %reduce_sum3A_2172 : i1 to vector<16xi1>
    %reduce_sum3A_2174 = tpu.scan <sum>, %select_n3A_2171 masked %reduce_sum3A_2173 : vector<16xi32>, vector<16xi1> -> vector<16xi32>
    %reduce_sum3A_2175 = vector.extract %reduce_sum3A_2174[15] : i32 from vector<16xi32>
    %add3A_2176 = vector.broadcast %reduce_sum3A_2175 : i32 to vector<16xi32>
    %add3A_2177 = arith.addi %add3A_2176, %sub3A_2165 : vector<16xi32>
    %select_n3A_2178 = arith.select %eq3A_2160, %add3A_2177, %select_n3A_2145 : vector<16xi1>, vector<16xi32>
    %reduce_sum3A_2179 = arith.constant true
    %reduce_sum3A_2180 = vector.broadcast %reduce_sum3A_2179 : i1 to vector<16xi1>
    %reduce_sum3A_2181 = tpu.scan <sum>, %convert_element_type3A_2161 masked %reduce_sum3A_2180 : vector<16xi32>, vector<16xi1> -> vector<16xi32>
    %reduce_sum3A_2182 = vector.extract %reduce_sum3A_2181[15] : i32 from vector<16xi32>
    %eq3A_2183 = arith.constant 2 : i32
    %eq3A_2184 = vector.broadcast %eq3A_2183 : i32 to vector<16xi32>
    %eq3A_2185 = arith.cmpi eq, %iota3A, %eq3A_2184 : vector<16xi32>
    %jit3A_2186 = arith.constant 0 : i32
    %broadcast_in_dim3A_2187 = vector.broadcast %reduce_sum3A_2182 : i32 to vector<16xi32>
    %broadcast_in_dim3A_2188 = vector.broadcast %jit3A_2186 : i32 to vector<16xi32>
    %select_n3A_2189 = arith.select %eq3A_2185, %broadcast_in_dim3A_2187, %broadcast_in_dim3A_2188 : vector<16xi1>, vector<16xi32>
    %add3A_2190 = arith.addi %add3A_2157, %select_n3A_2189 : vector<16xi32>
    %eq3A_2191 = arith.constant 3 : i32
    %eq3A_2192 = vector.broadcast %eq3A_2191 : i32 to vector<16xi32>
    %eq3A_2193 = arith.cmpi eq, %get3A_2089, %eq3A_2192 : vector<16xi32>
    %convert_element_type3A_2194 = arith.extui %eq3A_2193 : vector<16xi1> to vector<16xi32>
    %broadcast_in_dim3A_2195 = arith.constant true
    %broadcast_in_dim3A_2196 = vector.broadcast %broadcast_in_dim3A_2195 : i1 to vector<16xi1>
    %masked_cumsum3A_2197 = tpu.scan <sum>, %convert_element_type3A_2194 masked %broadcast_in_dim3A_2196 : vector<16xi32>, vector<16xi1> -> vector<16xi32>
    %sub3A_2198 = arith.subi %masked_cumsum3A_2197, %convert_element_type3A_2194 : vector<16xi32>
    %eq3A_2199 = arith.constant 3 : i32
    %eq3A_2200 = vector.broadcast %eq3A_2199 : i32 to vector<16xi32>
    %eq3A_2201 = arith.cmpi eq, %iota3A, %eq3A_2200 : vector<16xi32>
    %jit3A_2202 = arith.constant 0 : i32
    %broadcast_in_dim3A_2203 = vector.broadcast %jit3A_2202 : i32 to vector<16xi32>
    %select_n3A_2204 = arith.select %eq3A_2201, %add3A_2190, %broadcast_in_dim3A_2203 : vector<16xi1>, vector<16xi32>
    %reduce_sum3A_2205 = arith.constant true
    %reduce_sum3A_2206 = vector.broadcast %reduce_sum3A_2205 : i1 to vector<16xi1>
    %reduce_sum3A_2207 = tpu.scan <sum>, %select_n3A_2204 masked %reduce_sum3A_2206 : vector<16xi32>, vector<16xi1> -> vector<16xi32>
    %reduce_sum3A_2208 = vector.extract %reduce_sum3A_2207[15] : i32 from vector<16xi32>
    %add3A_2209 = vector.broadcast %reduce_sum3A_2208 : i32 to vector<16xi32>
    %add3A_2210 = arith.addi %add3A_2209, %sub3A_2198 : vector<16xi32>
    %select_n3A_2211 = arith.select %eq3A_2193, %add3A_2210, %select_n3A_2178 : vector<16xi1>, vector<16xi32>
    %reduce_sum3A_2212 = arith.constant true
    %reduce_sum3A_2213 = vector.broadcast %reduce_sum3A_2212 : i1 to vector<16xi1>
    %reduce_sum3A_2214 = tpu.scan <sum>, %convert_element_type3A_2194 masked %reduce_sum3A_2213 : vector<16xi32>, vector<16xi1> -> vector<16xi32>
    %reduce_sum3A_2215 = vector.extract %reduce_sum3A_2214[15] : i32 from vector<16xi32>
    %eq3A_2216 = arith.constant 3 : i32
    %eq3A_2217 = vector.broadcast %eq3A_2216 : i32 to vector<16xi32>
    %eq3A_2218 = arith.cmpi eq, %iota3A, %eq3A_2217 : vector<16xi32>
    %jit3A_2219 = arith.constant 0 : i32
    %broadcast_in_dim3A_2220 = vector.broadcast %reduce_sum3A_2215 : i32 to vector<16xi32>
    %broadcast_in_dim3A_2221 = vector.broadcast %jit3A_2219 : i32 to vector<16xi32>
    %select_n3A_2222 = arith.select %eq3A_2218, %broadcast_in_dim3A_2220, %broadcast_in_dim3A_2221 : vector<16xi1>, vector<16xi32>
    %add3A_2223 = arith.addi %add3A_2190, %select_n3A_2222 : vector<16xi32>
    %eq3A_2224 = arith.constant 4 : i32
    %eq3A_2225 = vector.broadcast %eq3A_2224 : i32 to vector<16xi32>
    %eq3A_2226 = arith.cmpi eq, %get3A_2089, %eq3A_2225 : vector<16xi32>
    %convert_element_type3A_2227 = arith.extui %eq3A_2226 : vector<16xi1> to vector<16xi32>
    %broadcast_in_dim3A_2228 = arith.constant true
    %broadcast_in_dim3A_2229 = vector.broadcast %broadcast_in_dim3A_2228 : i1 to vector<16xi1>
    %masked_cumsum3A_2230 = tpu.scan <sum>, %convert_element_type3A_2227 masked %broadcast_in_dim3A_2229 : vector<16xi32>, vector<16xi1> -> vector<16xi32>
    %sub3A_2231 = arith.subi %masked_cumsum3A_2230, %convert_element_type3A_2227 : vector<16xi32>
    %eq3A_2232 = arith.constant 4 : i32
    %eq3A_2233 = vector.broadcast %eq3A_2232 : i32 to vector<16xi32>
    %eq3A_2234 = arith.cmpi eq, %iota3A, %eq3A_2233 : vector<16xi32>
    %jit3A_2235 = arith.constant 0 : i32
    %broadcast_in_dim3A_2236 = vector.broadcast %jit3A_2235 : i32 to vector<16xi32>
    %select_n3A_2237 = arith.select %eq3A_2234, %add3A_2223, %broadcast_in_dim3A_2236 : vector<16xi1>, vector<16xi32>
    %reduce_sum3A_2238 = arith.constant true
    %reduce_sum3A_2239 = vector.broadcast %reduce_sum3A_2238 : i1 to vector<16xi1>
    %reduce_sum3A_2240 = tpu.scan <sum>, %select_n3A_2237 masked %reduce_sum3A_2239 : vector<16xi32>, vector<16xi1> -> vector<16xi32>
    %reduce_sum3A_2241 = vector.extract %reduce_sum3A_2240[15] : i32 from vector<16xi32>
    %add3A_2242 = vector.broadcast %reduce_sum3A_2241 : i32 to vector<16xi32>
    %add3A_2243 = arith.addi %add3A_2242, %sub3A_2231 : vector<16xi32>
    %select_n3A_2244 = arith.select %eq3A_2226, %add3A_2243, %select_n3A_2211 : vector<16xi1>, vector<16xi32>
    %reduce_sum3A_2245 = arith.constant true
    %reduce_sum3A_2246 = vector.broadcast %reduce_sum3A_2245 : i1 to vector<16xi1>
    %reduce_sum3A_2247 = tpu.scan <sum>, %convert_element_type3A_2227 masked %reduce_sum3A_2246 : vector<16xi32>, vector<16xi1> -> vector<16xi32>
    %reduce_sum3A_2248 = vector.extract %reduce_sum3A_2247[15] : i32 from vector<16xi32>
    %eq3A_2249 = arith.constant 4 : i32
    %eq3A_2250 = vector.broadcast %eq3A_2249 : i32 to vector<16xi32>
    %eq3A_2251 = arith.cmpi eq, %iota3A, %eq3A_2250 : vector<16xi32>
    %jit3A_2252 = arith.constant 0 : i32
    %broadcast_in_dim3A_2253 = vector.broadcast %reduce_sum3A_2248 : i32 to vector<16xi32>
    %broadcast_in_dim3A_2254 = vector.broadcast %jit3A_2252 : i32 to vector<16xi32>
    %select_n3A_2255 = arith.select %eq3A_2251, %broadcast_in_dim3A_2253, %broadcast_in_dim3A_2254 : vector<16xi1>, vector<16xi32>
    %add3A_2256 = arith.addi %add3A_2223, %select_n3A_2255 : vector<16xi32>
    %eq3A_2257 = arith.constant 5 : i32
    %eq3A_2258 = vector.broadcast %eq3A_2257 : i32 to vector<16xi32>
    %eq3A_2259 = arith.cmpi eq, %get3A_2089, %eq3A_2258 : vector<16xi32>
    %convert_element_type3A_2260 = arith.extui %eq3A_2259 : vector<16xi1> to vector<16xi32>
    %broadcast_in_dim3A_2261 = arith.constant true
    %broadcast_in_dim3A_2262 = vector.broadcast %broadcast_in_dim3A_2261 : i1 to vector<16xi1>
    %masked_cumsum3A_2263 = tpu.scan <sum>, %convert_element_type3A_2260 masked %broadcast_in_dim3A_2262 : vector<16xi32>, vector<16xi1> -> vector<16xi32>
    %sub3A_2264 = arith.subi %masked_cumsum3A_2263, %convert_element_type3A_2260 : vector<16xi32>
    %eq3A_2265 = arith.constant 5 : i32
    %eq3A_2266 = vector.broadcast %eq3A_2265 : i32 to vector<16xi32>
    %eq3A_2267 = arith.cmpi eq, %iota3A, %eq3A_2266 : vector<16xi32>
    %jit3A_2268 = arith.constant 0 : i32
    %broadcast_in_dim3A_2269 = vector.broadcast %jit3A_2268 : i32 to vector<16xi32>
    %select_n3A_2270 = arith.select %eq3A_2267, %add3A_2256, %broadcast_in_dim3A_2269 : vector<16xi1>, vector<16xi32>
    %reduce_sum3A_2271 = arith.constant true
    %reduce_sum3A_2272 = vector.broadcast %reduce_sum3A_2271 : i1 to vector<16xi1>
    %reduce_sum3A_2273 = tpu.scan <sum>, %select_n3A_2270 masked %reduce_sum3A_2272 : vector<16xi32>, vector<16xi1> -> vector<16xi32>
    %reduce_sum3A_2274 = vector.extract %reduce_sum3A_2273[15] : i32 from vector<16xi32>
    %add3A_2275 = vector.broadcast %reduce_sum3A_2274 : i32 to vector<16xi32>
    %add3A_2276 = arith.addi %add3A_2275, %sub3A_2264 : vector<16xi32>
    %select_n3A_2277 = arith.select %eq3A_2259, %add3A_2276, %select_n3A_2244 : vector<16xi1>, vector<16xi32>
    %reduce_sum3A_2278 = arith.constant true
    %reduce_sum3A_2279 = vector.broadcast %reduce_sum3A_2278 : i1 to vector<16xi1>
    %reduce_sum3A_2280 = tpu.scan <sum>, %convert_element_type3A_2260 masked %reduce_sum3A_2279 : vector<16xi32>, vector<16xi1> -> vector<16xi32>
    %reduce_sum3A_2281 = vector.extract %reduce_sum3A_2280[15] : i32 from vector<16xi32>
    %eq3A_2282 = arith.constant 5 : i32
    %eq3A_2283 = vector.broadcast %eq3A_2282 : i32 to vector<16xi32>
    %eq3A_2284 = arith.cmpi eq, %iota3A, %eq3A_2283 : vector<16xi32>
    %jit3A_2285 = arith.constant 0 : i32
    %broadcast_in_dim3A_2286 = vector.broadcast %reduce_sum3A_2281 : i32 to vector<16xi32>
    %broadcast_in_dim3A_2287 = vector.broadcast %jit3A_2285 : i32 to vector<16xi32>
    %select_n3A_2288 = arith.select %eq3A_2284, %broadcast_in_dim3A_2286, %broadcast_in_dim3A_2287 : vector<16xi1>, vector<16xi32>
    %add3A_2289 = arith.addi %add3A_2256, %select_n3A_2288 : vector<16xi32>
    %eq3A_2290 = arith.constant 6 : i32
    %eq3A_2291 = vector.broadcast %eq3A_2290 : i32 to vector<16xi32>
    %eq3A_2292 = arith.cmpi eq, %get3A_2089, %eq3A_2291 : vector<16xi32>
    %convert_element_type3A_2293 = arith.extui %eq3A_2292 : vector<16xi1> to vector<16xi32>
    %broadcast_in_dim3A_2294 = arith.constant true
    %broadcast_in_dim3A_2295 = vector.broadcast %broadcast_in_dim3A_2294 : i1 to vector<16xi1>
    %masked_cumsum3A_2296 = tpu.scan <sum>, %convert_element_type3A_2293 masked %broadcast_in_dim3A_2295 : vector<16xi32>, vector<16xi1> -> vector<16xi32>
    %sub3A_2297 = arith.subi %masked_cumsum3A_2296, %convert_element_type3A_2293 : vector<16xi32>
    %eq3A_2298 = arith.constant 6 : i32
    %eq3A_2299 = vector.broadcast %eq3A_2298 : i32 to vector<16xi32>
    %eq3A_2300 = arith.cmpi eq, %iota3A, %eq3A_2299 : vector<16xi32>
    %jit3A_2301 = arith.constant 0 : i32
    %broadcast_in_dim3A_2302 = vector.broadcast %jit3A_2301 : i32 to vector<16xi32>
    %select_n3A_2303 = arith.select %eq3A_2300, %add3A_2289, %broadcast_in_dim3A_2302 : vector<16xi1>, vector<16xi32>
    %reduce_sum3A_2304 = arith.constant true
    %reduce_sum3A_2305 = vector.broadcast %reduce_sum3A_2304 : i1 to vector<16xi1>
    %reduce_sum3A_2306 = tpu.scan <sum>, %select_n3A_2303 masked %reduce_sum3A_2305 : vector<16xi32>, vector<16xi1> -> vector<16xi32>
    %reduce_sum3A_2307 = vector.extract %reduce_sum3A_2306[15] : i32 from vector<16xi32>
    %add3A_2308 = vector.broadcast %reduce_sum3A_2307 : i32 to vector<16xi32>
    %add3A_2309 = arith.addi %add3A_2308, %sub3A_2297 : vector<16xi32>
    %select_n3A_2310 = arith.select %eq3A_2292, %add3A_2309, %select_n3A_2277 : vector<16xi1>, vector<16xi32>
    %reduce_sum3A_2311 = arith.constant true
    %reduce_sum3A_2312 = vector.broadcast %reduce_sum3A_2311 : i1 to vector<16xi1>
    %reduce_sum3A_2313 = tpu.scan <sum>, %convert_element_type3A_2293 masked %reduce_sum3A_2312 : vector<16xi32>, vector<16xi1> -> vector<16xi32>
    %reduce_sum3A_2314 = vector.extract %reduce_sum3A_2313[15] : i32 from vector<16xi32>
    %eq3A_2315 = arith.constant 6 : i32
    %eq3A_2316 = vector.broadcast %eq3A_2315 : i32 to vector<16xi32>
    %eq3A_2317 = arith.cmpi eq, %iota3A, %eq3A_2316 : vector<16xi32>
    %jit3A_2318 = arith.constant 0 : i32
    %broadcast_in_dim3A_2319 = vector.broadcast %reduce_sum3A_2314 : i32 to vector<16xi32>
    %broadcast_in_dim3A_2320 = vector.broadcast %jit3A_2318 : i32 to vector<16xi32>
    %select_n3A_2321 = arith.select %eq3A_2317, %broadcast_in_dim3A_2319, %broadcast_in_dim3A_2320 : vector<16xi1>, vector<16xi32>
    %add3A_2322 = arith.addi %add3A_2289, %select_n3A_2321 : vector<16xi32>
    %eq3A_2323 = arith.constant 7 : i32
    %eq3A_2324 = vector.broadcast %eq3A_2323 : i32 to vector<16xi32>
    %eq3A_2325 = arith.cmpi eq, %get3A_2089, %eq3A_2324 : vector<16xi32>
    %convert_element_type3A_2326 = arith.extui %eq3A_2325 : vector<16xi1> to vector<16xi32>
    %broadcast_in_dim3A_2327 = arith.constant true
    %broadcast_in_dim3A_2328 = vector.broadcast %broadcast_in_dim3A_2327 : i1 to vector<16xi1>
    %masked_cumsum3A_2329 = tpu.scan <sum>, %convert_element_type3A_2326 masked %broadcast_in_dim3A_2328 : vector<16xi32>, vector<16xi1> -> vector<16xi32>
    %sub3A_2330 = arith.subi %masked_cumsum3A_2329, %convert_element_type3A_2326 : vector<16xi32>
    %eq3A_2331 = arith.constant 7 : i32
    %eq3A_2332 = vector.broadcast %eq3A_2331 : i32 to vector<16xi32>
    %eq3A_2333 = arith.cmpi eq, %iota3A, %eq3A_2332 : vector<16xi32>
    %jit3A_2334 = arith.constant 0 : i32
    %broadcast_in_dim3A_2335 = vector.broadcast %jit3A_2334 : i32 to vector<16xi32>
    %select_n3A_2336 = arith.select %eq3A_2333, %add3A_2322, %broadcast_in_dim3A_2335 : vector<16xi1>, vector<16xi32>
    %reduce_sum3A_2337 = arith.constant true
    %reduce_sum3A_2338 = vector.broadcast %reduce_sum3A_2337 : i1 to vector<16xi1>
    %reduce_sum3A_2339 = tpu.scan <sum>, %select_n3A_2336 masked %reduce_sum3A_2338 : vector<16xi32>, vector<16xi1> -> vector<16xi32>
    %reduce_sum3A_2340 = vector.extract %reduce_sum3A_2339[15] : i32 from vector<16xi32>
    %add3A_2341 = vector.broadcast %reduce_sum3A_2340 : i32 to vector<16xi32>
    %add3A_2342 = arith.addi %add3A_2341, %sub3A_2330 : vector<16xi32>
    %select_n3A_2343 = arith.select %eq3A_2325, %add3A_2342, %select_n3A_2310 : vector<16xi1>, vector<16xi32>
    %reduce_sum3A_2344 = arith.constant true
    %reduce_sum3A_2345 = vector.broadcast %reduce_sum3A_2344 : i1 to vector<16xi1>
    %reduce_sum3A_2346 = tpu.scan <sum>, %convert_element_type3A_2326 masked %reduce_sum3A_2345 : vector<16xi32>, vector<16xi1> -> vector<16xi32>
    %reduce_sum3A_2347 = vector.extract %reduce_sum3A_2346[15] : i32 from vector<16xi32>
    %eq3A_2348 = arith.constant 7 : i32
    %eq3A_2349 = vector.broadcast %eq3A_2348 : i32 to vector<16xi32>
    %eq3A_2350 = arith.cmpi eq, %iota3A, %eq3A_2349 : vector<16xi32>
    %jit3A_2351 = arith.constant 0 : i32
    %broadcast_in_dim3A_2352 = vector.broadcast %reduce_sum3A_2347 : i32 to vector<16xi32>
    %broadcast_in_dim3A_2353 = vector.broadcast %jit3A_2351 : i32 to vector<16xi32>
    %select_n3A_2354 = arith.select %eq3A_2350, %broadcast_in_dim3A_2352, %broadcast_in_dim3A_2353 : vector<16xi1>, vector<16xi32>
    %add3A_2355 = arith.addi %add3A_2322, %select_n3A_2354 : vector<16xi32>
    %add3A_2356 = arith.constant 96 : i32
    %add3A_2357 = arith.addi %mul3A_2, %add3A_2356 : i32
    %add3A_2358 = vector.broadcast %add3A_2357 : i32 to vector<16xi32>
    %add3A_2359 = arith.addi %add3A_2358, %iota3A : vector<16xi32>
    %jit3A_2360 = arith.constant 2 : i32
    %eq3A_2361 = arith.constant 0 : i32
    %eq3A_2362 = arith.cmpi eq, %jit3A_2360, %eq3A_2361 : i32
    %jit3A_2363 = arith.constant 1 : i32
    %select_n3A_2364 = arith.select %eq3A_2362, %jit3A_2363, %jit3A_2360 : i32
    %rem3A_2365 = vector.broadcast %select_n3A_2364 : i32 to vector<16xi32>
    %rem3A_2366 = arith.remsi %add3A_2359, %rem3A_2365 : vector<16xi32>
    %ne3A_2367 = arith.constant 0 : i32
    %ne3A_2368 = vector.broadcast %ne3A_2367 : i32 to vector<16xi32>
    %ne3A_2369 = arith.cmpi ne, %rem3A_2366, %ne3A_2368 : vector<16xi32>
    %lt3A_2370 = arith.constant 0 : i32
    %lt3A_2371 = vector.broadcast %lt3A_2370 : i32 to vector<16xi32>
    %lt3A_2372 = arith.cmpi slt, %rem3A_2366, %lt3A_2371 : vector<16xi32>
    %lt3A_2373 = arith.constant 0 : i32
    %lt3A_2374 = arith.cmpi slt, %select_n3A_2364, %lt3A_2373 : i32
    %ne3A_2375 = vector.broadcast %lt3A_2374 : i1 to vector<16xi1>
    %ne3A_2376 = vector.broadcast %ne3A_2375 : vector<16xi1> to vector<16xi1>
    %ne3A_2377 = arith.xori %lt3A_2372, %ne3A_2376 : vector<16xi1>
    %and3A_2378 = arith.andi %ne3A_2377, %ne3A_2369 : vector<16xi1>
    %add3A_2379 = vector.broadcast %select_n3A_2364 : i32 to vector<16xi32>
    %add3A_2380 = arith.addi %rem3A_2366, %add3A_2379 : vector<16xi32>
    %select_n3A_2381 = arith.select %and3A_2378, %add3A_2380, %rem3A_2366 : vector<16xi1>, vector<16xi32>
    %mul3A_2382 = arith.constant 64 : i32
    %mul3A_2383 = vector.broadcast %mul3A_2382 : i32 to vector<16xi32>
    %mul3A_2384 = arith.muli %select_n3A_2381, %mul3A_2383 : vector<16xi32>
    %jit3A_2385 = arith.constant 2 : i32
    %div3A_2386 = vector.broadcast %jit3A_2385 : i32 to vector<16xi32>
    %div3A_2387 = arith.divsi %add3A_2359, %div3A_2386 : vector<16xi32>
    %sign3A_2388 = arith.constant 0 : i32
    %sign3A_2389 = vector.broadcast %sign3A_2388 : i32 to vector<16xi32>
    %sign3A_2390 = arith.cmpi sgt, %add3A_2359, %sign3A_2389 : vector<16xi32>
    %sign3A_2391 = arith.extui %sign3A_2390 : vector<16xi1> to vector<16xi32>
    %sign3A_2392 = arith.constant 0 : i32
    %sign3A_2393 = vector.broadcast %sign3A_2392 : i32 to vector<16xi32>
    %sign3A_2394 = arith.cmpi slt, %add3A_2359, %sign3A_2393 : vector<16xi32>
    %sign3A_2395 = arith.extui %sign3A_2394 : vector<16xi1> to vector<16xi32>
    %sign3A_2396 = arith.subi %sign3A_2391, %sign3A_2395 : vector<16xi32>
    %sign3A_2397 = arith.constant 0 : i32
    %sign3A_2398 = arith.cmpi sgt, %jit3A_2385, %sign3A_2397 : i32
    %sign3A_2399 = arith.extui %sign3A_2398 : i1 to i32
    %sign3A_2400 = arith.constant 0 : i32
    %sign3A_2401 = arith.cmpi slt, %jit3A_2385, %sign3A_2400 : i32
    %sign3A_2402 = arith.extui %sign3A_2401 : i1 to i32
    %sign3A_2403 = arith.subi %sign3A_2399, %sign3A_2402 : i32
    %ne3A_2404 = vector.broadcast %sign3A_2403 : i32 to vector<16xi32>
    %ne3A_2405 = arith.cmpi ne, %sign3A_2396, %ne3A_2404 : vector<16xi32>
    %rem3A_2406 = vector.broadcast %jit3A_2385 : i32 to vector<16xi32>
    %rem3A_2407 = arith.remsi %add3A_2359, %rem3A_2406 : vector<16xi32>
    %ne3A_2408 = arith.constant 0 : i32
    %ne3A_2409 = vector.broadcast %ne3A_2408 : i32 to vector<16xi32>
    %ne3A_2410 = arith.cmpi ne, %rem3A_2407, %ne3A_2409 : vector<16xi32>
    %and3A_2411 = arith.andi %ne3A_2405, %ne3A_2410 : vector<16xi1>
    %sub3A_2412 = arith.constant 1 : i32
    %sub3A_2413 = vector.broadcast %sub3A_2412 : i32 to vector<16xi32>
    %sub3A_2414 = arith.subi %div3A_2387, %sub3A_2413 : vector<16xi32>
    %select_n3A_2415 = arith.select %and3A_2411, %sub3A_2414, %div3A_2387 : vector<16xi1>, vector<16xi32>
    %mul3A_2416 = arith.constant 64 : i32
    %mul3A_2417 = arith.muli %add3A, %mul3A_2416 : i32
    %sub3A_2418 = vector.broadcast %mul3A_2417 : i32 to vector<16xi32>
    %sub3A_2419 = arith.subi %select_n3A_2415, %sub3A_2418 : vector<16xi32>
    %add3A_2420 = arith.addi %mul3A_2384, %sub3A_2419 : vector<16xi32>
    tpu.vector_store_idx %arg9[%add3A_2420], %select_n3A_2343 : memref<128xi32, #tpu.memory_space<vmem>>[vector<16xi32>], vector<16xi32>,
    %swap3A_2421 = arith.constant 0 : index
    %swap3A_2422 = tpu.vector_load %arg13[%swap3A_2421] {strides = array<i32>} : memref<32xi32, #tpu.memory_space<vmem>>, vector<16xi32>,
    tpu.vector_store %arg13[%swap3A_2421], %select_n3A_2343 {strides = array<i32>} : memref<32xi32, #tpu.memory_space<vmem>>, vector<16xi32>,
    %mul3A_2423 = arith.constant 8 : i32
    %mul3A_2424 = arith.muli %add3A, %mul3A_2423 : i32
    %add3A_2425 = arith.constant 7 : i32
    %add3A_2426 = arith.addi %mul3A_2424, %add3A_2425 : i32
    %mul3A_2427 = arith.constant 16 : i32
    %mul3A_2428 = arith.muli %add3A_2426, %mul3A_2427 : i32
    %get3A_2429 = arith.index_cast %mul3A_2428 : i32 to index
    %get3A_2430 = tpu.vector_load %arg8[%get3A_2429] {strides = array<i32>} : memref<4096xi32, #tpu.memory_space<vmem>>, vector<16xi32>,
    %broadcast_in_dim3A_2431 = arith.constant 0 : i32
    %broadcast_in_dim3A_2432 = vector.broadcast %broadcast_in_dim3A_2431 : i32 to vector<16xi32>
    %eq3A_2433 = arith.constant 0 : i32
    %eq3A_2434 = vector.broadcast %eq3A_2433 : i32 to vector<16xi32>
    %eq3A_2435 = arith.cmpi eq, %get3A_2430, %eq3A_2434 : vector<16xi32>
    %convert_element_type3A_2436 = arith.extui %eq3A_2435 : vector<16xi1> to vector<16xi32>
    %broadcast_in_dim3A_2437 = arith.constant true
    %broadcast_in_dim3A_2438 = vector.broadcast %broadcast_in_dim3A_2437 : i1 to vector<16xi1>
    %masked_cumsum3A_2439 = tpu.scan <sum>, %convert_element_type3A_2436 masked %broadcast_in_dim3A_2438 : vector<16xi32>, vector<16xi1> -> vector<16xi32>
    %sub3A_2440 = arith.subi %masked_cumsum3A_2439, %convert_element_type3A_2436 : vector<16xi32>
    %eq3A_2441 = arith.constant 0 : i32
    %eq3A_2442 = vector.broadcast %eq3A_2441 : i32 to vector<16xi32>
    %eq3A_2443 = arith.cmpi eq, %iota3A, %eq3A_2442 : vector<16xi32>
    %jit3A_2444 = arith.constant 0 : i32
    %broadcast_in_dim3A_2445 = vector.broadcast %jit3A_2444 : i32 to vector<16xi32>
    %select_n3A_2446 = arith.select %eq3A_2443, %add3A_2355, %broadcast_in_dim3A_2445 : vector<16xi1>, vector<16xi32>
    %reduce_sum3A_2447 = arith.constant true
    %reduce_sum3A_2448 = vector.broadcast %reduce_sum3A_2447 : i1 to vector<16xi1>
    %reduce_sum3A_2449 = tpu.scan <sum>, %select_n3A_2446 masked %reduce_sum3A_2448 : vector<16xi32>, vector<16xi1> -> vector<16xi32>
    %reduce_sum3A_2450 = vector.extract %reduce_sum3A_2449[15] : i32 from vector<16xi32>
    %add3A_2451 = vector.broadcast %reduce_sum3A_2450 : i32 to vector<16xi32>
    %add3A_2452 = arith.addi %add3A_2451, %sub3A_2440 : vector<16xi32>
    %select_n3A_2453 = arith.select %eq3A_2435, %add3A_2452, %broadcast_in_dim3A_2432 : vector<16xi1>, vector<16xi32>
    %reduce_sum3A_2454 = arith.constant true
    %reduce_sum3A_2455 = vector.broadcast %reduce_sum3A_2454 : i1 to vector<16xi1>
    %reduce_sum3A_2456 = tpu.scan <sum>, %convert_element_type3A_2436 masked %reduce_sum3A_2455 : vector<16xi32>, vector<16xi1> -> vector<16xi32>
    %reduce_sum3A_2457 = vector.extract %reduce_sum3A_2456[15] : i32 from vector<16xi32>
    %eq3A_2458 = arith.constant 0 : i32
    %eq3A_2459 = vector.broadcast %eq3A_2458 : i32 to vector<16xi32>
    %eq3A_2460 = arith.cmpi eq, %iota3A, %eq3A_2459 : vector<16xi32>
    %jit3A_2461 = arith.constant 0 : i32
    %broadcast_in_dim3A_2462 = vector.broadcast %reduce_sum3A_2457 : i32 to vector<16xi32>
    %broadcast_in_dim3A_2463 = vector.broadcast %jit3A_2461 : i32 to vector<16xi32>
    %select_n3A_2464 = arith.select %eq3A_2460, %broadcast_in_dim3A_2462, %broadcast_in_dim3A_2463 : vector<16xi1>, vector<16xi32>
    %add3A_2465 = arith.addi %add3A_2355, %select_n3A_2464 : vector<16xi32>
    %eq3A_2466 = arith.constant 1 : i32
    %eq3A_2467 = vector.broadcast %eq3A_2466 : i32 to vector<16xi32>
    %eq3A_2468 = arith.cmpi eq, %get3A_2430, %eq3A_2467 : vector<16xi32>
    %convert_element_type3A_2469 = arith.extui %eq3A_2468 : vector<16xi1> to vector<16xi32>
    %broadcast_in_dim3A_2470 = arith.constant true
    %broadcast_in_dim3A_2471 = vector.broadcast %broadcast_in_dim3A_2470 : i1 to vector<16xi1>
    %masked_cumsum3A_2472 = tpu.scan <sum>, %convert_element_type3A_2469 masked %broadcast_in_dim3A_2471 : vector<16xi32>, vector<16xi1> -> vector<16xi32>
    %sub3A_2473 = arith.subi %masked_cumsum3A_2472, %convert_element_type3A_2469 : vector<16xi32>
    %eq3A_2474 = arith.constant 1 : i32
    %eq3A_2475 = vector.broadcast %eq3A_2474 : i32 to vector<16xi32>
    %eq3A_2476 = arith.cmpi eq, %iota3A, %eq3A_2475 : vector<16xi32>
    %jit3A_2477 = arith.constant 0 : i32
    %broadcast_in_dim3A_2478 = vector.broadcast %jit3A_2477 : i32 to vector<16xi32>
    %select_n3A_2479 = arith.select %eq3A_2476, %add3A_2465, %broadcast_in_dim3A_2478 : vector<16xi1>, vector<16xi32>
    %reduce_sum3A_2480 = arith.constant true
    %reduce_sum3A_2481 = vector.broadcast %reduce_sum3A_2480 : i1 to vector<16xi1>
    %reduce_sum3A_2482 = tpu.scan <sum>, %select_n3A_2479 masked %reduce_sum3A_2481 : vector<16xi32>, vector<16xi1> -> vector<16xi32>
    %reduce_sum3A_2483 = vector.extract %reduce_sum3A_2482[15] : i32 from vector<16xi32>
    %add3A_2484 = vector.broadcast %reduce_sum3A_2483 : i32 to vector<16xi32>
    %add3A_2485 = arith.addi %add3A_2484, %sub3A_2473 : vector<16xi32>
    %select_n3A_2486 = arith.select %eq3A_2468, %add3A_2485, %select_n3A_2453 : vector<16xi1>, vector<16xi32>
    %reduce_sum3A_2487 = arith.constant true
    %reduce_sum3A_2488 = vector.broadcast %reduce_sum3A_2487 : i1 to vector<16xi1>
    %reduce_sum3A_2489 = tpu.scan <sum>, %convert_element_type3A_2469 masked %reduce_sum3A_2488 : vector<16xi32>, vector<16xi1> -> vector<16xi32>
    %reduce_sum3A_2490 = vector.extract %reduce_sum3A_2489[15] : i32 from vector<16xi32>
    %eq3A_2491 = arith.constant 1 : i32
    %eq3A_2492 = vector.broadcast %eq3A_2491 : i32 to vector<16xi32>
    %eq3A_2493 = arith.cmpi eq, %iota3A, %eq3A_2492 : vector<16xi32>
    %jit3A_2494 = arith.constant 0 : i32
    %broadcast_in_dim3A_2495 = vector.broadcast %reduce_sum3A_2490 : i32 to vector<16xi32>
    %broadcast_in_dim3A_2496 = vector.broadcast %jit3A_2494 : i32 to vector<16xi32>
    %select_n3A_2497 = arith.select %eq3A_2493, %broadcast_in_dim3A_2495, %broadcast_in_dim3A_2496 : vector<16xi1>, vector<16xi32>
    %add3A_2498 = arith.addi %add3A_2465, %select_n3A_2497 : vector<16xi32>
    %eq3A_2499 = arith.constant 2 : i32
    %eq3A_2500 = vector.broadcast %eq3A_2499 : i32 to vector<16xi32>
    %eq3A_2501 = arith.cmpi eq, %get3A_2430, %eq3A_2500 : vector<16xi32>
    %convert_element_type3A_2502 = arith.extui %eq3A_2501 : vector<16xi1> to vector<16xi32>
    %broadcast_in_dim3A_2503 = arith.constant true
    %broadcast_in_dim3A_2504 = vector.broadcast %broadcast_in_dim3A_2503 : i1 to vector<16xi1>
    %masked_cumsum3A_2505 = tpu.scan <sum>, %convert_element_type3A_2502 masked %broadcast_in_dim3A_2504 : vector<16xi32>, vector<16xi1> -> vector<16xi32>
    %sub3A_2506 = arith.subi %masked_cumsum3A_2505, %convert_element_type3A_2502 : vector<16xi32>
    %eq3A_2507 = arith.constant 2 : i32
    %eq3A_2508 = vector.broadcast %eq3A_2507 : i32 to vector<16xi32>
    %eq3A_2509 = arith.cmpi eq, %iota3A, %eq3A_2508 : vector<16xi32>
    %jit3A_2510 = arith.constant 0 : i32
    %broadcast_in_dim3A_2511 = vector.broadcast %jit3A_2510 : i32 to vector<16xi32>
    %select_n3A_2512 = arith.select %eq3A_2509, %add3A_2498, %broadcast_in_dim3A_2511 : vector<16xi1>, vector<16xi32>
    %reduce_sum3A_2513 = arith.constant true
    %reduce_sum3A_2514 = vector.broadcast %reduce_sum3A_2513 : i1 to vector<16xi1>
    %reduce_sum3A_2515 = tpu.scan <sum>, %select_n3A_2512 masked %reduce_sum3A_2514 : vector<16xi32>, vector<16xi1> -> vector<16xi32>
    %reduce_sum3A_2516 = vector.extract %reduce_sum3A_2515[15] : i32 from vector<16xi32>
    %add3A_2517 = vector.broadcast %reduce_sum3A_2516 : i32 to vector<16xi32>
    %add3A_2518 = arith.addi %add3A_2517, %sub3A_2506 : vector<16xi32>
    %select_n3A_2519 = arith.select %eq3A_2501, %add3A_2518, %select_n3A_2486 : vector<16xi1>, vector<16xi32>
    %reduce_sum3A_2520 = arith.constant true
    %reduce_sum3A_2521 = vector.broadcast %reduce_sum3A_2520 : i1 to vector<16xi1>
    %reduce_sum3A_2522 = tpu.scan <sum>, %convert_element_type3A_2502 masked %reduce_sum3A_2521 : vector<16xi32>, vector<16xi1> -> vector<16xi32>
    %reduce_sum3A_2523 = vector.extract %reduce_sum3A_2522[15] : i32 from vector<16xi32>
    %eq3A_2524 = arith.constant 2 : i32
    %eq3A_2525 = vector.broadcast %eq3A_2524 : i32 to vector<16xi32>
    %eq3A_2526 = arith.cmpi eq, %iota3A, %eq3A_2525 : vector<16xi32>
    %jit3A_2527 = arith.constant 0 : i32
    %broadcast_in_dim3A_2528 = vector.broadcast %reduce_sum3A_2523 : i32 to vector<16xi32>
    %broadcast_in_dim3A_2529 = vector.broadcast %jit3A_2527 : i32 to vector<16xi32>
    %select_n3A_2530 = arith.select %eq3A_2526, %broadcast_in_dim3A_2528, %broadcast_in_dim3A_2529 : vector<16xi1>, vector<16xi32>
    %add3A_2531 = arith.addi %add3A_2498, %select_n3A_2530 : vector<16xi32>
    %eq3A_2532 = arith.constant 3 : i32
    %eq3A_2533 = vector.broadcast %eq3A_2532 : i32 to vector<16xi32>
    %eq3A_2534 = arith.cmpi eq, %get3A_2430, %eq3A_2533 : vector<16xi32>
    %convert_element_type3A_2535 = arith.extui %eq3A_2534 : vector<16xi1> to vector<16xi32>
    %broadcast_in_dim3A_2536 = arith.constant true
    %broadcast_in_dim3A_2537 = vector.broadcast %broadcast_in_dim3A_2536 : i1 to vector<16xi1>
    %masked_cumsum3A_2538 = tpu.scan <sum>, %convert_element_type3A_2535 masked %broadcast_in_dim3A_2537 : vector<16xi32>, vector<16xi1> -> vector<16xi32>
    %sub3A_2539 = arith.subi %masked_cumsum3A_2538, %convert_element_type3A_2535 : vector<16xi32>
    %eq3A_2540 = arith.constant 3 : i32
    %eq3A_2541 = vector.broadcast %eq3A_2540 : i32 to vector<16xi32>
    %eq3A_2542 = arith.cmpi eq, %iota3A, %eq3A_2541 : vector<16xi32>
    %jit3A_2543 = arith.constant 0 : i32
    %broadcast_in_dim3A_2544 = vector.broadcast %jit3A_2543 : i32 to vector<16xi32>
    %select_n3A_2545 = arith.select %eq3A_2542, %add3A_2531, %broadcast_in_dim3A_2544 : vector<16xi1>, vector<16xi32>
    %reduce_sum3A_2546 = arith.constant true
    %reduce_sum3A_2547 = vector.broadcast %reduce_sum3A_2546 : i1 to vector<16xi1>
    %reduce_sum3A_2548 = tpu.scan <sum>, %select_n3A_2545 masked %reduce_sum3A_2547 : vector<16xi32>, vector<16xi1> -> vector<16xi32>
    %reduce_sum3A_2549 = vector.extract %reduce_sum3A_2548[15] : i32 from vector<16xi32>
    %add3A_2550 = vector.broadcast %reduce_sum3A_2549 : i32 to vector<16xi32>
    %add3A_2551 = arith.addi %add3A_2550, %sub3A_2539 : vector<16xi32>
    %select_n3A_2552 = arith.select %eq3A_2534, %add3A_2551, %select_n3A_2519 : vector<16xi1>, vector<16xi32>
    %reduce_sum3A_2553 = arith.constant true
    %reduce_sum3A_2554 = vector.broadcast %reduce_sum3A_2553 : i1 to vector<16xi1>
    %reduce_sum3A_2555 = tpu.scan <sum>, %convert_element_type3A_2535 masked %reduce_sum3A_2554 : vector<16xi32>, vector<16xi1> -> vector<16xi32>
    %reduce_sum3A_2556 = vector.extract %reduce_sum3A_2555[15] : i32 from vector<16xi32>
    %eq3A_2557 = arith.constant 3 : i32
    %eq3A_2558 = vector.broadcast %eq3A_2557 : i32 to vector<16xi32>
    %eq3A_2559 = arith.cmpi eq, %iota3A, %eq3A_2558 : vector<16xi32>
    %jit3A_2560 = arith.constant 0 : i32
    %broadcast_in_dim3A_2561 = vector.broadcast %reduce_sum3A_2556 : i32 to vector<16xi32>
    %broadcast_in_dim3A_2562 = vector.broadcast %jit3A_2560 : i32 to vector<16xi32>
    %select_n3A_2563 = arith.select %eq3A_2559, %broadcast_in_dim3A_2561, %broadcast_in_dim3A_2562 : vector<16xi1>, vector<16xi32>
    %add3A_2564 = arith.addi %add3A_2531, %select_n3A_2563 : vector<16xi32>
    %eq3A_2565 = arith.constant 4 : i32
    %eq3A_2566 = vector.broadcast %eq3A_2565 : i32 to vector<16xi32>
    %eq3A_2567 = arith.cmpi eq, %get3A_2430, %eq3A_2566 : vector<16xi32>
    %convert_element_type3A_2568 = arith.extui %eq3A_2567 : vector<16xi1> to vector<16xi32>
    %broadcast_in_dim3A_2569 = arith.constant true
    %broadcast_in_dim3A_2570 = vector.broadcast %broadcast_in_dim3A_2569 : i1 to vector<16xi1>
    %masked_cumsum3A_2571 = tpu.scan <sum>, %convert_element_type3A_2568 masked %broadcast_in_dim3A_2570 : vector<16xi32>, vector<16xi1> -> vector<16xi32>
    %sub3A_2572 = arith.subi %masked_cumsum3A_2571, %convert_element_type3A_2568 : vector<16xi32>
    %eq3A_2573 = arith.constant 4 : i32
    %eq3A_2574 = vector.broadcast %eq3A_2573 : i32 to vector<16xi32>
    %eq3A_2575 = arith.cmpi eq, %iota3A, %eq3A_2574 : vector<16xi32>
    %jit3A_2576 = arith.constant 0 : i32
    %broadcast_in_dim3A_2577 = vector.broadcast %jit3A_2576 : i32 to vector<16xi32>
    %select_n3A_2578 = arith.select %eq3A_2575, %add3A_2564, %broadcast_in_dim3A_2577 : vector<16xi1>, vector<16xi32>
    %reduce_sum3A_2579 = arith.constant true
    %reduce_sum3A_2580 = vector.broadcast %reduce_sum3A_2579 : i1 to vector<16xi1>
    %reduce_sum3A_2581 = tpu.scan <sum>, %select_n3A_2578 masked %reduce_sum3A_2580 : vector<16xi32>, vector<16xi1> -> vector<16xi32>
    %reduce_sum3A_2582 = vector.extract %reduce_sum3A_2581[15] : i32 from vector<16xi32>
    %add3A_2583 = vector.broadcast %reduce_sum3A_2582 : i32 to vector<16xi32>
    %add3A_2584 = arith.addi %add3A_2583, %sub3A_2572 : vector<16xi32>
    %select_n3A_2585 = arith.select %eq3A_2567, %add3A_2584, %select_n3A_2552 : vector<16xi1>, vector<16xi32>
    %reduce_sum3A_2586 = arith.constant true
    %reduce_sum3A_2587 = vector.broadcast %reduce_sum3A_2586 : i1 to vector<16xi1>
    %reduce_sum3A_2588 = tpu.scan <sum>, %convert_element_type3A_2568 masked %reduce_sum3A_2587 : vector<16xi32>, vector<16xi1> -> vector<16xi32>
    %reduce_sum3A_2589 = vector.extract %reduce_sum3A_2588[15] : i32 from vector<16xi32>
    %eq3A_2590 = arith.constant 4 : i32
    %eq3A_2591 = vector.broadcast %eq3A_2590 : i32 to vector<16xi32>
    %eq3A_2592 = arith.cmpi eq, %iota3A, %eq3A_2591 : vector<16xi32>
    %jit3A_2593 = arith.constant 0 : i32
    %broadcast_in_dim3A_2594 = vector.broadcast %reduce_sum3A_2589 : i32 to vector<16xi32>
    %broadcast_in_dim3A_2595 = vector.broadcast %jit3A_2593 : i32 to vector<16xi32>
    %select_n3A_2596 = arith.select %eq3A_2592, %broadcast_in_dim3A_2594, %broadcast_in_dim3A_2595 : vector<16xi1>, vector<16xi32>
    %add3A_2597 = arith.addi %add3A_2564, %select_n3A_2596 : vector<16xi32>
    %eq3A_2598 = arith.constant 5 : i32
    %eq3A_2599 = vector.broadcast %eq3A_2598 : i32 to vector<16xi32>
    %eq3A_2600 = arith.cmpi eq, %get3A_2430, %eq3A_2599 : vector<16xi32>
    %convert_element_type3A_2601 = arith.extui %eq3A_2600 : vector<16xi1> to vector<16xi32>
    %broadcast_in_dim3A_2602 = arith.constant true
    %broadcast_in_dim3A_2603 = vector.broadcast %broadcast_in_dim3A_2602 : i1 to vector<16xi1>
    %masked_cumsum3A_2604 = tpu.scan <sum>, %convert_element_type3A_2601 masked %broadcast_in_dim3A_2603 : vector<16xi32>, vector<16xi1> -> vector<16xi32>
    %sub3A_2605 = arith.subi %masked_cumsum3A_2604, %convert_element_type3A_2601 : vector<16xi32>
    %eq3A_2606 = arith.constant 5 : i32
    %eq3A_2607 = vector.broadcast %eq3A_2606 : i32 to vector<16xi32>
    %eq3A_2608 = arith.cmpi eq, %iota3A, %eq3A_2607 : vector<16xi32>
    %jit3A_2609 = arith.constant 0 : i32
    %broadcast_in_dim3A_2610 = vector.broadcast %jit3A_2609 : i32 to vector<16xi32>
    %select_n3A_2611 = arith.select %eq3A_2608, %add3A_2597, %broadcast_in_dim3A_2610 : vector<16xi1>, vector<16xi32>
    %reduce_sum3A_2612 = arith.constant true
    %reduce_sum3A_2613 = vector.broadcast %reduce_sum3A_2612 : i1 to vector<16xi1>
    %reduce_sum3A_2614 = tpu.scan <sum>, %select_n3A_2611 masked %reduce_sum3A_2613 : vector<16xi32>, vector<16xi1> -> vector<16xi32>
    %reduce_sum3A_2615 = vector.extract %reduce_sum3A_2614[15] : i32 from vector<16xi32>
    %add3A_2616 = vector.broadcast %reduce_sum3A_2615 : i32 to vector<16xi32>
    %add3A_2617 = arith.addi %add3A_2616, %sub3A_2605 : vector<16xi32>
    %select_n3A_2618 = arith.select %eq3A_2600, %add3A_2617, %select_n3A_2585 : vector<16xi1>, vector<16xi32>
    %reduce_sum3A_2619 = arith.constant true
    %reduce_sum3A_2620 = vector.broadcast %reduce_sum3A_2619 : i1 to vector<16xi1>
    %reduce_sum3A_2621 = tpu.scan <sum>, %convert_element_type3A_2601 masked %reduce_sum3A_2620 : vector<16xi32>, vector<16xi1> -> vector<16xi32>
    %reduce_sum3A_2622 = vector.extract %reduce_sum3A_2621[15] : i32 from vector<16xi32>
    %eq3A_2623 = arith.constant 5 : i32
    %eq3A_2624 = vector.broadcast %eq3A_2623 : i32 to vector<16xi32>
    %eq3A_2625 = arith.cmpi eq, %iota3A, %eq3A_2624 : vector<16xi32>
    %jit3A_2626 = arith.constant 0 : i32
    %broadcast_in_dim3A_2627 = vector.broadcast %reduce_sum3A_2622 : i32 to vector<16xi32>
    %broadcast_in_dim3A_2628 = vector.broadcast %jit3A_2626 : i32 to vector<16xi32>
    %select_n3A_2629 = arith.select %eq3A_2625, %broadcast_in_dim3A_2627, %broadcast_in_dim3A_2628 : vector<16xi1>, vector<16xi32>
    %add3A_2630 = arith.addi %add3A_2597, %select_n3A_2629 : vector<16xi32>
    %eq3A_2631 = arith.constant 6 : i32
    %eq3A_2632 = vector.broadcast %eq3A_2631 : i32 to vector<16xi32>
    %eq3A_2633 = arith.cmpi eq, %get3A_2430, %eq3A_2632 : vector<16xi32>
    %convert_element_type3A_2634 = arith.extui %eq3A_2633 : vector<16xi1> to vector<16xi32>
    %broadcast_in_dim3A_2635 = arith.constant true
    %broadcast_in_dim3A_2636 = vector.broadcast %broadcast_in_dim3A_2635 : i1 to vector<16xi1>
    %masked_cumsum3A_2637 = tpu.scan <sum>, %convert_element_type3A_2634 masked %broadcast_in_dim3A_2636 : vector<16xi32>, vector<16xi1> -> vector<16xi32>
    %sub3A_2638 = arith.subi %masked_cumsum3A_2637, %convert_element_type3A_2634 : vector<16xi32>
    %eq3A_2639 = arith.constant 6 : i32
    %eq3A_2640 = vector.broadcast %eq3A_2639 : i32 to vector<16xi32>
    %eq3A_2641 = arith.cmpi eq, %iota3A, %eq3A_2640 : vector<16xi32>
    %jit3A_2642 = arith.constant 0 : i32
    %broadcast_in_dim3A_2643 = vector.broadcast %jit3A_2642 : i32 to vector<16xi32>
    %select_n3A_2644 = arith.select %eq3A_2641, %add3A_2630, %broadcast_in_dim3A_2643 : vector<16xi1>, vector<16xi32>
    %reduce_sum3A_2645 = arith.constant true
    %reduce_sum3A_2646 = vector.broadcast %reduce_sum3A_2645 : i1 to vector<16xi1>
    %reduce_sum3A_2647 = tpu.scan <sum>, %select_n3A_2644 masked %reduce_sum3A_2646 : vector<16xi32>, vector<16xi1> -> vector<16xi32>
    %reduce_sum3A_2648 = vector.extract %reduce_sum3A_2647[15] : i32 from vector<16xi32>
    %add3A_2649 = vector.broadcast %reduce_sum3A_2648 : i32 to vector<16xi32>
    %add3A_2650 = arith.addi %add3A_2649, %sub3A_2638 : vector<16xi32>
    %select_n3A_2651 = arith.select %eq3A_2633, %add3A_2650, %select_n3A_2618 : vector<16xi1>, vector<16xi32>
    %reduce_sum3A_2652 = arith.constant true
    %reduce_sum3A_2653 = vector.broadcast %reduce_sum3A_2652 : i1 to vector<16xi1>
    %reduce_sum3A_2654 = tpu.scan <sum>, %convert_element_type3A_2634 masked %reduce_sum3A_2653 : vector<16xi32>, vector<16xi1> -> vector<16xi32>
    %reduce_sum3A_2655 = vector.extract %reduce_sum3A_2654[15] : i32 from vector<16xi32>
    %eq3A_2656 = arith.constant 6 : i32
    %eq3A_2657 = vector.broadcast %eq3A_2656 : i32 to vector<16xi32>
    %eq3A_2658 = arith.cmpi eq, %iota3A, %eq3A_2657 : vector<16xi32>
    %jit3A_2659 = arith.constant 0 : i32
    %broadcast_in_dim3A_2660 = vector.broadcast %reduce_sum3A_2655 : i32 to vector<16xi32>
    %broadcast_in_dim3A_2661 = vector.broadcast %jit3A_2659 : i32 to vector<16xi32>
    %select_n3A_2662 = arith.select %eq3A_2658, %broadcast_in_dim3A_2660, %broadcast_in_dim3A_2661 : vector<16xi1>, vector<16xi32>
    %add3A_2663 = arith.addi %add3A_2630, %select_n3A_2662 : vector<16xi32>
    %eq3A_2664 = arith.constant 7 : i32
    %eq3A_2665 = vector.broadcast %eq3A_2664 : i32 to vector<16xi32>
    %eq3A_2666 = arith.cmpi eq, %get3A_2430, %eq3A_2665 : vector<16xi32>
    %convert_element_type3A_2667 = arith.extui %eq3A_2666 : vector<16xi1> to vector<16xi32>
    %broadcast_in_dim3A_2668 = arith.constant true
    %broadcast_in_dim3A_2669 = vector.broadcast %broadcast_in_dim3A_2668 : i1 to vector<16xi1>
    %masked_cumsum3A_2670 = tpu.scan <sum>, %convert_element_type3A_2667 masked %broadcast_in_dim3A_2669 : vector<16xi32>, vector<16xi1> -> vector<16xi32>
    %sub3A_2671 = arith.subi %masked_cumsum3A_2670, %convert_element_type3A_2667 : vector<16xi32>
    %eq3A_2672 = arith.constant 7 : i32
    %eq3A_2673 = vector.broadcast %eq3A_2672 : i32 to vector<16xi32>
    %eq3A_2674 = arith.cmpi eq, %iota3A, %eq3A_2673 : vector<16xi32>
    %jit3A_2675 = arith.constant 0 : i32
    %broadcast_in_dim3A_2676 = vector.broadcast %jit3A_2675 : i32 to vector<16xi32>
    %select_n3A_2677 = arith.select %eq3A_2674, %add3A_2663, %broadcast_in_dim3A_2676 : vector<16xi1>, vector<16xi32>
    %reduce_sum3A_2678 = arith.constant true
    %reduce_sum3A_2679 = vector.broadcast %reduce_sum3A_2678 : i1 to vector<16xi1>
    %reduce_sum3A_2680 = tpu.scan <sum>, %select_n3A_2677 masked %reduce_sum3A_2679 : vector<16xi32>, vector<16xi1> -> vector<16xi32>
    %reduce_sum3A_2681 = vector.extract %reduce_sum3A_2680[15] : i32 from vector<16xi32>
    %add3A_2682 = vector.broadcast %reduce_sum3A_2681 : i32 to vector<16xi32>
    %add3A_2683 = arith.addi %add3A_2682, %sub3A_2671 : vector<16xi32>
    %select_n3A_2684 = arith.select %eq3A_2666, %add3A_2683, %select_n3A_2651 : vector<16xi1>, vector<16xi32>
    %reduce_sum3A_2685 = arith.constant true
    %reduce_sum3A_2686 = vector.broadcast %reduce_sum3A_2685 : i1 to vector<16xi1>
    %reduce_sum3A_2687 = tpu.scan <sum>, %convert_element_type3A_2667 masked %reduce_sum3A_2686 : vector<16xi32>, vector<16xi1> -> vector<16xi32>
    %reduce_sum3A_2688 = vector.extract %reduce_sum3A_2687[15] : i32 from vector<16xi32>
    %eq3A_2689 = arith.constant 7 : i32
    %eq3A_2690 = vector.broadcast %eq3A_2689 : i32 to vector<16xi32>
    %eq3A_2691 = arith.cmpi eq, %iota3A, %eq3A_2690 : vector<16xi32>
    %jit3A_2692 = arith.constant 0 : i32
    %broadcast_in_dim3A_2693 = vector.broadcast %reduce_sum3A_2688 : i32 to vector<16xi32>
    %broadcast_in_dim3A_2694 = vector.broadcast %jit3A_2692 : i32 to vector<16xi32>
    %select_n3A_2695 = arith.select %eq3A_2691, %broadcast_in_dim3A_2693, %broadcast_in_dim3A_2694 : vector<16xi1>, vector<16xi32>
    %add3A_2696 = arith.addi %add3A_2663, %select_n3A_2695 : vector<16xi32>
    %add3A_2697 = arith.constant 112 : i32
    %add3A_2698 = arith.addi %mul3A_2, %add3A_2697 : i32
    %add3A_2699 = vector.broadcast %add3A_2698 : i32 to vector<16xi32>
    %add3A_2700 = arith.addi %add3A_2699, %iota3A : vector<16xi32>
    %jit3A_2701 = arith.constant 2 : i32
    %eq3A_2702 = arith.constant 0 : i32
    %eq3A_2703 = arith.cmpi eq, %jit3A_2701, %eq3A_2702 : i32
    %jit3A_2704 = arith.constant 1 : i32
    %select_n3A_2705 = arith.select %eq3A_2703, %jit3A_2704, %jit3A_2701 : i32
    %rem3A_2706 = vector.broadcast %select_n3A_2705 : i32 to vector<16xi32>
    %rem3A_2707 = arith.remsi %add3A_2700, %rem3A_2706 : vector<16xi32>
    %ne3A_2708 = arith.constant 0 : i32
    %ne3A_2709 = vector.broadcast %ne3A_2708 : i32 to vector<16xi32>
    %ne3A_2710 = arith.cmpi ne, %rem3A_2707, %ne3A_2709 : vector<16xi32>
    %lt3A_2711 = arith.constant 0 : i32
    %lt3A_2712 = vector.broadcast %lt3A_2711 : i32 to vector<16xi32>
    %lt3A_2713 = arith.cmpi slt, %rem3A_2707, %lt3A_2712 : vector<16xi32>
    %lt3A_2714 = arith.constant 0 : i32
    %lt3A_2715 = arith.cmpi slt, %select_n3A_2705, %lt3A_2714 : i32
    %ne3A_2716 = vector.broadcast %lt3A_2715 : i1 to vector<16xi1>
    %ne3A_2717 = vector.broadcast %ne3A_2716 : vector<16xi1> to vector<16xi1>
    %ne3A_2718 = arith.xori %lt3A_2713, %ne3A_2717 : vector<16xi1>
    %and3A_2719 = arith.andi %ne3A_2718, %ne3A_2710 : vector<16xi1>
    %add3A_2720 = vector.broadcast %select_n3A_2705 : i32 to vector<16xi32>
    %add3A_2721 = arith.addi %rem3A_2707, %add3A_2720 : vector<16xi32>
    %select_n3A_2722 = arith.select %and3A_2719, %add3A_2721, %rem3A_2707 : vector<16xi1>, vector<16xi32>
    %mul3A_2723 = arith.constant 64 : i32
    %mul3A_2724 = vector.broadcast %mul3A_2723 : i32 to vector<16xi32>
    %mul3A_2725 = arith.muli %select_n3A_2722, %mul3A_2724 : vector<16xi32>
    %jit3A_2726 = arith.constant 2 : i32
    %div3A_2727 = vector.broadcast %jit3A_2726 : i32 to vector<16xi32>
    %div3A_2728 = arith.divsi %add3A_2700, %div3A_2727 : vector<16xi32>
    %sign3A_2729 = arith.constant 0 : i32
    %sign3A_2730 = vector.broadcast %sign3A_2729 : i32 to vector<16xi32>
    %sign3A_2731 = arith.cmpi sgt, %add3A_2700, %sign3A_2730 : vector<16xi32>
    %sign3A_2732 = arith.extui %sign3A_2731 : vector<16xi1> to vector<16xi32>
    %sign3A_2733 = arith.constant 0 : i32
    %sign3A_2734 = vector.broadcast %sign3A_2733 : i32 to vector<16xi32>
    %sign3A_2735 = arith.cmpi slt, %add3A_2700, %sign3A_2734 : vector<16xi32>
    %sign3A_2736 = arith.extui %sign3A_2735 : vector<16xi1> to vector<16xi32>
    %sign3A_2737 = arith.subi %sign3A_2732, %sign3A_2736 : vector<16xi32>
    %sign3A_2738 = arith.constant 0 : i32
    %sign3A_2739 = arith.cmpi sgt, %jit3A_2726, %sign3A_2738 : i32
    %sign3A_2740 = arith.extui %sign3A_2739 : i1 to i32
    %sign3A_2741 = arith.constant 0 : i32
    %sign3A_2742 = arith.cmpi slt, %jit3A_2726, %sign3A_2741 : i32
    %sign3A_2743 = arith.extui %sign3A_2742 : i1 to i32
    %sign3A_2744 = arith.subi %sign3A_2740, %sign3A_2743 : i32
    %ne3A_2745 = vector.broadcast %sign3A_2744 : i32 to vector<16xi32>
    %ne3A_2746 = arith.cmpi ne, %sign3A_2737, %ne3A_2745 : vector<16xi32>
    %rem3A_2747 = vector.broadcast %jit3A_2726 : i32 to vector<16xi32>
    %rem3A_2748 = arith.remsi %add3A_2700, %rem3A_2747 : vector<16xi32>
    %ne3A_2749 = arith.constant 0 : i32
    %ne3A_2750 = vector.broadcast %ne3A_2749 : i32 to vector<16xi32>
    %ne3A_2751 = arith.cmpi ne, %rem3A_2748, %ne3A_2750 : vector<16xi32>
    %and3A_2752 = arith.andi %ne3A_2746, %ne3A_2751 : vector<16xi1>
    %sub3A_2753 = arith.constant 1 : i32
    %sub3A_2754 = vector.broadcast %sub3A_2753 : i32 to vector<16xi32>
    %sub3A_2755 = arith.subi %div3A_2728, %sub3A_2754 : vector<16xi32>
    %select_n3A_2756 = arith.select %and3A_2752, %sub3A_2755, %div3A_2728 : vector<16xi1>, vector<16xi32>
    %mul3A_2757 = arith.constant 64 : i32
    %mul3A_2758 = arith.muli %add3A, %mul3A_2757 : i32
    %sub3A_2759 = vector.broadcast %mul3A_2758 : i32 to vector<16xi32>
    %sub3A_2760 = arith.subi %select_n3A_2756, %sub3A_2759 : vector<16xi32>
    %add3A_2761 = arith.addi %mul3A_2725, %sub3A_2760 : vector<16xi32>
    tpu.vector_store_idx %arg9[%add3A_2761], %select_n3A_2684 : memref<128xi32, #tpu.memory_space<vmem>>[vector<16xi32>], vector<16xi32>,
    %swap3A_2762 = arith.constant 16 : index
    %swap3A_2763 = tpu.vector_load %arg13[%swap3A_2762] {strides = array<i32>} : memref<32xi32, #tpu.memory_space<vmem>>, vector<16xi32>,
    tpu.vector_store %arg13[%swap3A_2762], %select_n3A_2684 {strides = array<i32>} : memref<32xi32, #tpu.memory_space<vmem>>, vector<16xi32>,
    %mul3A_2764 = arith.constant 64 : i32
    %mul3A_2765 = arith.muli %add3A, %mul3A_2764 : i32
    %run_scoped3A = arith.constant 0 : i32
    "tpu.region"() ({
      %run_scoped3A_3131 = tpu.sem_alloc : memref<!tpu.dma_semaphore, #tpu.memory_space<semaphore_mem>>
      %dma_start3A_3132 = arith.constant 0 : i32
      %dma_start3A_3133 = tpu.memref_slice %arg9[%dma_start3A_3132] : memref<128xi32, #tpu.memory_space<vmem>> -> memref<64xi32, #tpu.memory_space<vmem>>
      %dma_start3A_3134 = tpu.memref_slice %arg5[%run_scoped3A, %mul3A_2765] : memref<2x2048xi32, #tpu.memory_space<hbm>> -> memref<1x64xi32, #tpu.memory_space<hbm>>
      %dma_start3A_3135 = tpu.memref_squeeze %dma_start3A_3134 : memref<1x64xi32, #tpu.memory_space<hbm>> -> memref<64xi32, #tpu.memory_space<hbm>>
      %dma_start3A_3136 = tpu.memref_slice %arg5[%run_scoped3A, %mul3A_2765] : memref<2x2048xi32, #tpu.memory_space<hbm>> -> memref<1x64xi32, #tpu.memory_space<hbm>>
      %dma_start3A_3137 = tpu.memref_squeeze %dma_start3A_3136 : memref<1x64xi32, #tpu.memory_space<hbm>> -> memref<64xi32, #tpu.memory_space<hbm>>
      %dma_start3A_3138 = arith.constant 0 : i32
      %dma_start3A_3139 = tpu.memref_slice %arg9[%dma_start3A_3138] : memref<128xi32, #tpu.memory_space<vmem>> -> memref<64xi32, #tpu.memory_space<vmem>>
      tpu.enqueue_dma source(%dma_start3A_3139 : memref<64xi32, #tpu.memory_space<vmem>>) target(%dma_start3A_3137 : memref<64xi32, #tpu.memory_space<hbm>>) target_semaphore(%run_scoped3A_3131 : memref<!tpu.dma_semaphore, #tpu.memory_space<semaphore_mem>>)
      %dma_wait3A_3140 = arith.constant 0 : i32
      %dma_wait3A_3141 = tpu.memref_slice %arg9[%dma_wait3A_3140] : memref<128xi32, #tpu.memory_space<vmem>> -> memref<64xi32, #tpu.memory_space<vmem>>
      %dma_wait3A_3142 = tpu.memref_slice %arg5[%run_scoped3A, %mul3A_2765] : memref<2x2048xi32, #tpu.memory_space<hbm>> -> memref<1x64xi32, #tpu.memory_space<hbm>>
      %dma_wait3A_3143 = tpu.memref_squeeze %dma_wait3A_3142 : memref<1x64xi32, #tpu.memory_space<hbm>> -> memref<64xi32, #tpu.memory_space<hbm>>
      %dma_wait3A_3144 = tpu.memref_slice %arg5[%run_scoped3A, %mul3A_2765] : memref<2x2048xi32, #tpu.memory_space<hbm>> -> memref<1x64xi32, #tpu.memory_space<hbm>>
      %dma_wait3A_3145 = tpu.memref_squeeze %dma_wait3A_3144 : memref<1x64xi32, #tpu.memory_space<hbm>> -> memref<64xi32, #tpu.memory_space<hbm>>
      %dma_wait3A_3146 = arith.constant 0 : i32
      %dma_wait3A_3147 = tpu.memref_slice %arg9[%dma_wait3A_3146] : memref<128xi32, #tpu.memory_space<vmem>> -> memref<64xi32, #tpu.memory_space<vmem>>
      tpu.wait_dma2 semaphore(%run_scoped3A_3131 : memref<!tpu.dma_semaphore, #tpu.memory_space<semaphore_mem>>) src(%dma_wait3A_3147 : memref<64xi32, #tpu.memory_space<vmem>>) dst(%dma_wait3A_3145 : memref<64xi32, #tpu.memory_space<hbm>>)
      tpu.yield
    }) : () -> ()
    %mul3A_2766 = arith.constant 64 : i32
    %mul3A_2767 = arith.muli %add3A, %mul3A_2766 : i32
    %run_scoped3A_2768 = arith.constant 1 : i32
    "tpu.region"() ({
      %run_scoped3A_3131 = tpu.sem_alloc : memref<!tpu.dma_semaphore, #tpu.memory_space<semaphore_mem>>
      %dma_start3A_3132 = arith.constant 64 : i32
      %dma_start3A_3133 = tpu.memref_slice %arg9[%dma_start3A_3132] : memref<128xi32, #tpu.memory_space<vmem>> -> memref<64xi32, #tpu.memory_space<vmem>>
      %dma_start3A_3134 = tpu.memref_slice %arg5[%run_scoped3A_2768, %mul3A_2767] : memref<2x2048xi32, #tpu.memory_space<hbm>> -> memref<1x64xi32, #tpu.memory_space<hbm>>
      %dma_start3A_3135 = tpu.memref_squeeze %dma_start3A_3134 : memref<1x64xi32, #tpu.memory_space<hbm>> -> memref<64xi32, #tpu.memory_space<hbm>>
      %dma_start3A_3136 = tpu.memref_slice %arg5[%run_scoped3A_2768, %mul3A_2767] : memref<2x2048xi32, #tpu.memory_space<hbm>> -> memref<1x64xi32, #tpu.memory_space<hbm>>
      %dma_start3A_3137 = tpu.memref_squeeze %dma_start3A_3136 : memref<1x64xi32, #tpu.memory_space<hbm>> -> memref<64xi32, #tpu.memory_space<hbm>>
      %dma_start3A_3138 = arith.constant 64 : i32
      %dma_start3A_3139 = tpu.memref_slice %arg9[%dma_start3A_3138] : memref<128xi32, #tpu.memory_space<vmem>> -> memref<64xi32, #tpu.memory_space<vmem>>
      tpu.enqueue_dma source(%dma_start3A_3139 : memref<64xi32, #tpu.memory_space<vmem>>) target(%dma_start3A_3137 : memref<64xi32, #tpu.memory_space<hbm>>) target_semaphore(%run_scoped3A_3131 : memref<!tpu.dma_semaphore, #tpu.memory_space<semaphore_mem>>)
      %dma_wait3A_3140 = arith.constant 64 : i32
      %dma_wait3A_3141 = tpu.memref_slice %arg9[%dma_wait3A_3140] : memref<128xi32, #tpu.memory_space<vmem>> -> memref<64xi32, #tpu.memory_space<vmem>>
      %dma_wait3A_3142 = tpu.memref_slice %arg5[%run_scoped3A_2768, %mul3A_2767] : memref<2x2048xi32, #tpu.memory_space<hbm>> -> memref<1x64xi32, #tpu.memory_space<hbm>>
      %dma_wait3A_3143 = tpu.memref_squeeze %dma_wait3A_3142 : memref<1x64xi32, #tpu.memory_space<hbm>> -> memref<64xi32, #tpu.memory_space<hbm>>
      %dma_wait3A_3144 = tpu.memref_slice %arg5[%run_scoped3A_2768, %mul3A_2767] : memref<2x2048xi32, #tpu.memory_space<hbm>> -> memref<1x64xi32, #tpu.memory_space<hbm>>
      %dma_wait3A_3145 = tpu.memref_squeeze %dma_wait3A_3144 : memref<1x64xi32, #tpu.memory_space<hbm>> -> memref<64xi32, #tpu.memory_space<hbm>>
      %dma_wait3A_3146 = arith.constant 64 : i32
      %dma_wait3A_3147 = tpu.memref_slice %arg9[%dma_wait3A_3146] : memref<128xi32, #tpu.memory_space<vmem>> -> memref<64xi32, #tpu.memory_space<vmem>>
      tpu.wait_dma2 semaphore(%run_scoped3A_3131 : memref<!tpu.dma_semaphore, #tpu.memory_space<semaphore_mem>>) src(%dma_wait3A_3147 : memref<64xi32, #tpu.memory_space<vmem>>) dst(%dma_wait3A_3145 : memref<64xi32, #tpu.memory_space<hbm>>)
      tpu.yield
    }) : () -> ()
    %eq3A_2769 = arith.constant 0 : i32
    %eq3A_2770 = arith.cmpi eq, %add3A, %eq3A_2769 : i32
    %convert_element_type3A_2771 = arith.extui %eq3A_2770 : i1 to i32
    %cond3A = arith.constant 0 : i32
    %cond3A_2772 = arith.cmpi ne, %convert_element_type3A_2771, %cond3A : i32
    scf.if %cond3A_2772 {
      %eq3A_3131 = arith.constant 7 : i32
      %eq3A_3132 = vector.broadcast %eq3A_3131 : i32 to vector<16xi32>
      %eq3A_3133 = arith.cmpi eq, %iota3A, %eq3A_3132 : vector<16xi32>
      %jit3A_3134 = arith.constant 0 : i32
      %broadcast_in_dim3A_3135 = vector.broadcast %jit3A_3134 : i32 to vector<16xi32>
      %select_n3A_3136 = arith.select %eq3A_3133, %masked_cumsum3A, %broadcast_in_dim3A_3135 : vector<16xi1>, vector<16xi32>
      %reduce_sum3A_3137 = arith.constant true
      %reduce_sum3A_3138 = vector.broadcast %reduce_sum3A_3137 : i1 to vector<16xi1>
      %reduce_sum3A_3139 = tpu.scan <sum>, %select_n3A_3136 masked %reduce_sum3A_3138 : vector<16xi32>, vector<16xi1> -> vector<16xi32>
      %reduce_sum3A_3140 = vector.extract %reduce_sum3A_3139[15] : i32 from vector<16xi32>
      %jit3A_3141 = arith.constant 256 : i32
      %div3A_3142 = arith.divsi %reduce_sum3A_3140, %jit3A_3141 : i32
      %sign3A_3143 = arith.constant 0 : i32
      %sign3A_3144 = arith.cmpi sgt, %reduce_sum3A_3140, %sign3A_3143 : i32
      %sign3A_3145 = arith.extui %sign3A_3144 : i1 to i32
      %sign3A_3146 = arith.constant 0 : i32
      %sign3A_3147 = arith.cmpi slt, %reduce_sum3A_3140, %sign3A_3146 : i32
      %sign3A_3148 = arith.extui %sign3A_3147 : i1 to i32
      %sign3A_3149 = arith.subi %sign3A_3145, %sign3A_3148 : i32
      %sign3A_3150 = arith.constant 0 : i32
      %sign3A_3151 = arith.cmpi sgt, %jit3A_3141, %sign3A_3150 : i32
      %sign3A_3152 = arith.extui %sign3A_3151 : i1 to i32
      %sign3A_3153 = arith.constant 0 : i32
      %sign3A_3154 = arith.cmpi slt, %jit3A_3141, %sign3A_3153 : i32
      %sign3A_3155 = arith.extui %sign3A_3154 : i1 to i32
      %sign3A_3156 = arith.subi %sign3A_3152, %sign3A_3155 : i32
      %ne3A_3157 = arith.cmpi ne, %sign3A_3149, %sign3A_3156 : i32
      %rem3A_3158 = arith.remsi %reduce_sum3A_3140, %jit3A_3141 : i32
      %ne3A_3159 = arith.constant 0 : i32
      %ne3A_3160 = arith.cmpi ne, %rem3A_3158, %ne3A_3159 : i32
      %and3A_3161 = arith.andi %ne3A_3157, %ne3A_3160 : i1
      %sub3A_3162 = arith.constant 1 : i32
      %sub3A_3163 = arith.subi %div3A_3142, %sub3A_3162 : i32
      %select_n3A_3164 = arith.select %and3A_3161, %sub3A_3163, %div3A_3142 : i32
      %broadcast_in_dim3A_3165 = vector.broadcast %select_n3A_3164 : i32 to vector<16xi32>
      %swap3A_3166 = arith.constant 0 : index
      %swap3A_3167 = tpu.vector_load %arg16[%swap3A_3166] {strides = array<i32>} : memref<16xi32, #tpu.memory_space<vmem>>, vector<16xi32>,
      tpu.vector_store %arg16[%swap3A_3166], %broadcast_in_dim3A_3165 {strides = array<i32>} : memref<16xi32, #tpu.memory_space<vmem>>, vector<16xi32>,
      "tpu.region"() ({
        %run_scoped3A_3458 = tpu.sem_alloc : memref<!tpu.dma_semaphore, #tpu.memory_space<semaphore_mem>>
        tpu.enqueue_dma source(%arg16 : memref<16xi32, #tpu.memory_space<vmem>>) target(%arg7 : memref<16xi32, #tpu.memory_space<hbm>>) target_semaphore(%run_scoped3A_3458 : memref<!tpu.dma_semaphore, #tpu.memory_space<semaphore_mem>>)
        tpu.wait_dma2 semaphore(%run_scoped3A_3458 : memref<!tpu.dma_semaphore, #tpu.memory_space<semaphore_mem>>) src(%arg16 : memref<16xi32, #tpu.memory_space<vmem>>) dst(%arg7 : memref<16xi32, #tpu.memory_space<hbm>>)
        tpu.yield
      }) : () -> ()
      %add3A_3168 = arith.constant 0 : i32
      %add3A_3169 = vector.broadcast %add3A_3168 : i32 to vector<16xi32>
      %add3A_3170 = arith.addi %iota3A, %add3A_3169 : vector<16xi32>
      %broadcast_in_dim3A_3171 = arith.constant 0 : i32
      %broadcast_in_dim3A_3172 = vector.broadcast %broadcast_in_dim3A_3171 : i32 to vector<16xi32>
      %eq3A_3173 = arith.constant 0 : i32
      %eq3A_3174 = vector.broadcast %eq3A_3173 : i32 to vector<16xi32>
      %eq3A_3175 = arith.cmpi eq, %iota3A, %eq3A_3174 : vector<16xi32>
      %jit3A_3176 = arith.constant 0 : i32
      %broadcast_in_dim3A_3177 = vector.broadcast %jit3A_3176 : i32 to vector<16xi32>
      %select_n3A_3178 = arith.select %eq3A_3175, %masked_cumsum3A, %broadcast_in_dim3A_3177 : vector<16xi1>, vector<16xi32>
      %reduce_sum3A_3179 = arith.constant true
      %reduce_sum3A_3180 = vector.broadcast %reduce_sum3A_3179 : i1 to vector<16xi1>
      %reduce_sum3A_3181 = tpu.scan <sum>, %select_n3A_3178 masked %reduce_sum3A_3180 : vector<16xi32>, vector<16xi1> -> vector<16xi32>
      %reduce_sum3A_3182 = vector.extract %reduce_sum3A_3181[15] : i32 from vector<16xi32>
      %mul3A_3183 = arith.constant 256 : i32
      %mul3A_3184 = vector.broadcast %mul3A_3183 : i32 to vector<16xi32>
      %mul3A_3185 = arith.muli %add3A_3170, %mul3A_3184 : vector<16xi32>
      %ge3A = vector.broadcast %reduce_sum3A_3182 : i32 to vector<16xi32>
      %ge3A_3186 = arith.cmpi sge, %mul3A_3185, %ge3A : vector<16xi32>
      %convert_element_type3A_3187 = arith.extui %ge3A_3186 : vector<16xi1> to vector<16xi32>
      %add3A_3188 = arith.addi %broadcast_in_dim3A_3172, %convert_element_type3A_3187 : vector<16xi32>
      %eq3A_3189 = arith.constant 1 : i32
      %eq3A_3190 = vector.broadcast %eq3A_3189 : i32 to vector<16xi32>
      %eq3A_3191 = arith.cmpi eq, %iota3A, %eq3A_3190 : vector<16xi32>
      %jit3A_3192 = arith.constant 0 : i32
      %broadcast_in_dim3A_3193 = vector.broadcast %jit3A_3192 : i32 to vector<16xi32>
      %select_n3A_3194 = arith.select %eq3A_3191, %masked_cumsum3A, %broadcast_in_dim3A_3193 : vector<16xi1>, vector<16xi32>
      %reduce_sum3A_3195 = arith.constant true
      %reduce_sum3A_3196 = vector.broadcast %reduce_sum3A_3195 : i1 to vector<16xi1>
      %reduce_sum3A_3197 = tpu.scan <sum>, %select_n3A_3194 masked %reduce_sum3A_3196 : vector<16xi32>, vector<16xi1> -> vector<16xi32>
      %reduce_sum3A_3198 = vector.extract %reduce_sum3A_3197[15] : i32 from vector<16xi32>
      %mul3A_3199 = arith.constant 256 : i32
      %mul3A_3200 = vector.broadcast %mul3A_3199 : i32 to vector<16xi32>
      %mul3A_3201 = arith.muli %add3A_3170, %mul3A_3200 : vector<16xi32>
      %ge3A_3202 = vector.broadcast %reduce_sum3A_3198 : i32 to vector<16xi32>
      %ge3A_3203 = arith.cmpi sge, %mul3A_3201, %ge3A_3202 : vector<16xi32>
      %convert_element_type3A_3204 = arith.extui %ge3A_3203 : vector<16xi1> to vector<16xi32>
      %add3A_3205 = arith.addi %add3A_3188, %convert_element_type3A_3204 : vector<16xi32>
      %eq3A_3206 = arith.constant 2 : i32
      %eq3A_3207 = vector.broadcast %eq3A_3206 : i32 to vector<16xi32>
      %eq3A_3208 = arith.cmpi eq, %iota3A, %eq3A_3207 : vector<16xi32>
      %jit3A_3209 = arith.constant 0 : i32
      %broadcast_in_dim3A_3210 = vector.broadcast %jit3A_3209 : i32 to vector<16xi32>
      %select_n3A_3211 = arith.select %eq3A_3208, %masked_cumsum3A, %broadcast_in_dim3A_3210 : vector<16xi1>, vector<16xi32>
      %reduce_sum3A_3212 = arith.constant true
      %reduce_sum3A_3213 = vector.broadcast %reduce_sum3A_3212 : i1 to vector<16xi1>
      %reduce_sum3A_3214 = tpu.scan <sum>, %select_n3A_3211 masked %reduce_sum3A_3213 : vector<16xi32>, vector<16xi1> -> vector<16xi32>
      %reduce_sum3A_3215 = vector.extract %reduce_sum3A_3214[15] : i32 from vector<16xi32>
      %mul3A_3216 = arith.constant 256 : i32
      %mul3A_3217 = vector.broadcast %mul3A_3216 : i32 to vector<16xi32>
      %mul3A_3218 = arith.muli %add3A_3170, %mul3A_3217 : vector<16xi32>
      %ge3A_3219 = vector.broadcast %reduce_sum3A_3215 : i32 to vector<16xi32>
      %ge3A_3220 = arith.cmpi sge, %mul3A_3218, %ge3A_3219 : vector<16xi32>
      %convert_element_type3A_3221 = arith.extui %ge3A_3220 : vector<16xi1> to vector<16xi32>
      %add3A_3222 = arith.addi %add3A_3205, %convert_element_type3A_3221 : vector<16xi32>
      %eq3A_3223 = arith.constant 3 : i32
      %eq3A_3224 = vector.broadcast %eq3A_3223 : i32 to vector<16xi32>
      %eq3A_3225 = arith.cmpi eq, %iota3A, %eq3A_3224 : vector<16xi32>
      %jit3A_3226 = arith.constant 0 : i32
      %broadcast_in_dim3A_3227 = vector.broadcast %jit3A_3226 : i32 to vector<16xi32>
      %select_n3A_3228 = arith.select %eq3A_3225, %masked_cumsum3A, %broadcast_in_dim3A_3227 : vector<16xi1>, vector<16xi32>
      %reduce_sum3A_3229 = arith.constant true
      %reduce_sum3A_3230 = vector.broadcast %reduce_sum3A_3229 : i1 to vector<16xi1>
      %reduce_sum3A_3231 = tpu.scan <sum>, %select_n3A_3228 masked %reduce_sum3A_3230 : vector<16xi32>, vector<16xi1> -> vector<16xi32>
      %reduce_sum3A_3232 = vector.extract %reduce_sum3A_3231[15] : i32 from vector<16xi32>
      %mul3A_3233 = arith.constant 256 : i32
      %mul3A_3234 = vector.broadcast %mul3A_3233 : i32 to vector<16xi32>
      %mul3A_3235 = arith.muli %add3A_3170, %mul3A_3234 : vector<16xi32>
      %ge3A_3236 = vector.broadcast %reduce_sum3A_3232 : i32 to vector<16xi32>
      %ge3A_3237 = arith.cmpi sge, %mul3A_3235, %ge3A_3236 : vector<16xi32>
      %convert_element_type3A_3238 = arith.extui %ge3A_3237 : vector<16xi1> to vector<16xi32>
      %add3A_3239 = arith.addi %add3A_3222, %convert_element_type3A_3238 : vector<16xi32>
      %eq3A_3240 = arith.constant 4 : i32
      %eq3A_3241 = vector.broadcast %eq3A_3240 : i32 to vector<16xi32>
      %eq3A_3242 = arith.cmpi eq, %iota3A, %eq3A_3241 : vector<16xi32>
      %jit3A_3243 = arith.constant 0 : i32
      %broadcast_in_dim3A_3244 = vector.broadcast %jit3A_3243 : i32 to vector<16xi32>
      %select_n3A_3245 = arith.select %eq3A_3242, %masked_cumsum3A, %broadcast_in_dim3A_3244 : vector<16xi1>, vector<16xi32>
      %reduce_sum3A_3246 = arith.constant true
      %reduce_sum3A_3247 = vector.broadcast %reduce_sum3A_3246 : i1 to vector<16xi1>
      %reduce_sum3A_3248 = tpu.scan <sum>, %select_n3A_3245 masked %reduce_sum3A_3247 : vector<16xi32>, vector<16xi1> -> vector<16xi32>
      %reduce_sum3A_3249 = vector.extract %reduce_sum3A_3248[15] : i32 from vector<16xi32>
      %mul3A_3250 = arith.constant 256 : i32
      %mul3A_3251 = vector.broadcast %mul3A_3250 : i32 to vector<16xi32>
      %mul3A_3252 = arith.muli %add3A_3170, %mul3A_3251 : vector<16xi32>
      %ge3A_3253 = vector.broadcast %reduce_sum3A_3249 : i32 to vector<16xi32>
      %ge3A_3254 = arith.cmpi sge, %mul3A_3252, %ge3A_3253 : vector<16xi32>
      %convert_element_type3A_3255 = arith.extui %ge3A_3254 : vector<16xi1> to vector<16xi32>
      %add3A_3256 = arith.addi %add3A_3239, %convert_element_type3A_3255 : vector<16xi32>
      %eq3A_3257 = arith.constant 5 : i32
      %eq3A_3258 = vector.broadcast %eq3A_3257 : i32 to vector<16xi32>
      %eq3A_3259 = arith.cmpi eq, %iota3A, %eq3A_3258 : vector<16xi32>
      %jit3A_3260 = arith.constant 0 : i32
      %broadcast_in_dim3A_3261 = vector.broadcast %jit3A_3260 : i32 to vector<16xi32>
      %select_n3A_3262 = arith.select %eq3A_3259, %masked_cumsum3A, %broadcast_in_dim3A_3261 : vector<16xi1>, vector<16xi32>
      %reduce_sum3A_3263 = arith.constant true
      %reduce_sum3A_3264 = vector.broadcast %reduce_sum3A_3263 : i1 to vector<16xi1>
      %reduce_sum3A_3265 = tpu.scan <sum>, %select_n3A_3262 masked %reduce_sum3A_3264 : vector<16xi32>, vector<16xi1> -> vector<16xi32>
      %reduce_sum3A_3266 = vector.extract %reduce_sum3A_3265[15] : i32 from vector<16xi32>
      %mul3A_3267 = arith.constant 256 : i32
      %mul3A_3268 = vector.broadcast %mul3A_3267 : i32 to vector<16xi32>
      %mul3A_3269 = arith.muli %add3A_3170, %mul3A_3268 : vector<16xi32>
      %ge3A_3270 = vector.broadcast %reduce_sum3A_3266 : i32 to vector<16xi32>
      %ge3A_3271 = arith.cmpi sge, %mul3A_3269, %ge3A_3270 : vector<16xi32>
      %convert_element_type3A_3272 = arith.extui %ge3A_3271 : vector<16xi1> to vector<16xi32>
      %add3A_3273 = arith.addi %add3A_3256, %convert_element_type3A_3272 : vector<16xi32>
      %eq3A_3274 = arith.constant 6 : i32
      %eq3A_3275 = vector.broadcast %eq3A_3274 : i32 to vector<16xi32>
      %eq3A_3276 = arith.cmpi eq, %iota3A, %eq3A_3275 : vector<16xi32>
      %jit3A_3277 = arith.constant 0 : i32
      %broadcast_in_dim3A_3278 = vector.broadcast %jit3A_3277 : i32 to vector<16xi32>
      %select_n3A_3279 = arith.select %eq3A_3276, %masked_cumsum3A, %broadcast_in_dim3A_3278 : vector<16xi1>, vector<16xi32>
      %reduce_sum3A_3280 = arith.constant true
      %reduce_sum3A_3281 = vector.broadcast %reduce_sum3A_3280 : i1 to vector<16xi1>
      %reduce_sum3A_3282 = tpu.scan <sum>, %select_n3A_3279 masked %reduce_sum3A_3281 : vector<16xi32>, vector<16xi1> -> vector<16xi32>
      %reduce_sum3A_3283 = vector.extract %reduce_sum3A_3282[15] : i32 from vector<16xi32>
      %mul3A_3284 = arith.constant 256 : i32
      %mul3A_3285 = vector.broadcast %mul3A_3284 : i32 to vector<16xi32>
      %mul3A_3286 = arith.muli %add3A_3170, %mul3A_3285 : vector<16xi32>
      %ge3A_3287 = vector.broadcast %reduce_sum3A_3283 : i32 to vector<16xi32>
      %ge3A_3288 = arith.cmpi sge, %mul3A_3286, %ge3A_3287 : vector<16xi32>
      %convert_element_type3A_3289 = arith.extui %ge3A_3288 : vector<16xi1> to vector<16xi32>
      %add3A_3290 = arith.addi %add3A_3273, %convert_element_type3A_3289 : vector<16xi32>
      %eq3A_3291 = arith.constant 7 : i32
      %eq3A_3292 = vector.broadcast %eq3A_3291 : i32 to vector<16xi32>
      %eq3A_3293 = arith.cmpi eq, %iota3A, %eq3A_3292 : vector<16xi32>
      %jit3A_3294 = arith.constant 0 : i32
      %broadcast_in_dim3A_3295 = vector.broadcast %jit3A_3294 : i32 to vector<16xi32>
      %select_n3A_3296 = arith.select %eq3A_3293, %masked_cumsum3A, %broadcast_in_dim3A_3295 : vector<16xi1>, vector<16xi32>
      %reduce_sum3A_3297 = arith.constant true
      %reduce_sum3A_3298 = vector.broadcast %reduce_sum3A_3297 : i1 to vector<16xi1>
      %reduce_sum3A_3299 = tpu.scan <sum>, %select_n3A_3296 masked %reduce_sum3A_3298 : vector<16xi32>, vector<16xi1> -> vector<16xi32>
      %reduce_sum3A_3300 = vector.extract %reduce_sum3A_3299[15] : i32 from vector<16xi32>
      %mul3A_3301 = arith.constant 256 : i32
      %mul3A_3302 = vector.broadcast %mul3A_3301 : i32 to vector<16xi32>
      %mul3A_3303 = arith.muli %add3A_3170, %mul3A_3302 : vector<16xi32>
      %ge3A_3304 = vector.broadcast %reduce_sum3A_3300 : i32 to vector<16xi32>
      %ge3A_3305 = arith.cmpi sge, %mul3A_3303, %ge3A_3304 : vector<16xi32>
      %convert_element_type3A_3306 = arith.extui %ge3A_3305 : vector<16xi1> to vector<16xi32>
      %add3A_3307 = arith.addi %add3A_3290, %convert_element_type3A_3306 : vector<16xi32>
      %min3A = arith.constant 7 : i32
      %min3A_3308 = vector.broadcast %min3A : i32 to vector<16xi32>
      %min3A_3309 = arith.minsi %add3A_3307, %min3A_3308 : vector<16xi32>
      %swap3A_3310 = arith.constant 0 : index
      %swap3A_3311 = tpu.vector_load %arg16[%swap3A_3310] {strides = array<i32>} : memref<16xi32, #tpu.memory_space<vmem>>, vector<16xi32>,
      tpu.vector_store %arg16[%swap3A_3310], %min3A_3309 {strides = array<i32>} : memref<16xi32, #tpu.memory_space<vmem>>, vector<16xi32>,
      "tpu.region"() ({
        %run_scoped3A_3458 = tpu.sem_alloc : memref<!tpu.dma_semaphore, #tpu.memory_space<semaphore_mem>>
        %dma_start3A_3459 = arith.constant 0 : i32
        %dma_start3A_3460 = tpu.memref_slice %arg6[%dma_start3A_3459] : memref<32xi32, #tpu.memory_space<hbm>> -> memref<16xi32, #tpu.memory_space<hbm>>
        %dma_start3A_3461 = arith.constant 0 : i32
        %dma_start3A_3462 = tpu.memref_slice %arg6[%dma_start3A_3461] : memref<32xi32, #tpu.memory_space<hbm>> -> memref<16xi32, #tpu.memory_space<hbm>>
        tpu.enqueue_dma source(%arg16 : memref<16xi32, #tpu.memory_space<vmem>>) target(%dma_start3A_3462 : memref<16xi32, #tpu.memory_space<hbm>>) target_semaphore(%run_scoped3A_3458 : memref<!tpu.dma_semaphore, #tpu.memory_space<semaphore_mem>>)
        %dma_wait3A_3463 = arith.constant 0 : i32
        %dma_wait3A_3464 = tpu.memref_slice %arg6[%dma_wait3A_3463] : memref<32xi32, #tpu.memory_space<hbm>> -> memref<16xi32, #tpu.memory_space<hbm>>
        %dma_wait3A_3465 = arith.constant 0 : i32
        %dma_wait3A_3466 = tpu.memref_slice %arg6[%dma_wait3A_3465] : memref<32xi32, #tpu.memory_space<hbm>> -> memref<16xi32, #tpu.memory_space<hbm>>
        tpu.wait_dma2 semaphore(%run_scoped3A_3458 : memref<!tpu.dma_semaphore, #tpu.memory_space<semaphore_mem>>) src(%arg16 : memref<16xi32, #tpu.memory_space<vmem>>) dst(%dma_wait3A_3466 : memref<16xi32, #tpu.memory_space<hbm>>)
        tpu.yield
      }) : () -> ()
      %add3A_3312 = arith.constant 16 : i32
      %add3A_3313 = vector.broadcast %add3A_3312 : i32 to vector<16xi32>
      %add3A_3314 = arith.addi %iota3A, %add3A_3313 : vector<16xi32>
      %broadcast_in_dim3A_3315 = arith.constant 0 : i32
      %broadcast_in_dim3A_3316 = vector.broadcast %broadcast_in_dim3A_3315 : i32 to vector<16xi32>
      %eq3A_3317 = arith.constant 0 : i32
      %eq3A_3318 = vector.broadcast %eq3A_3317 : i32 to vector<16xi32>
      %eq3A_3319 = arith.cmpi eq, %iota3A, %eq3A_3318 : vector<16xi32>
      %jit3A_3320 = arith.constant 0 : i32
      %broadcast_in_dim3A_3321 = vector.broadcast %jit3A_3320 : i32 to vector<16xi32>
      %select_n3A_3322 = arith.select %eq3A_3319, %masked_cumsum3A, %broadcast_in_dim3A_3321 : vector<16xi1>, vector<16xi32>
      %reduce_sum3A_3323 = arith.constant true
      %reduce_sum3A_3324 = vector.broadcast %reduce_sum3A_3323 : i1 to vector<16xi1>
      %reduce_sum3A_3325 = tpu.scan <sum>, %select_n3A_3322 masked %reduce_sum3A_3324 : vector<16xi32>, vector<16xi1> -> vector<16xi32>
      %reduce_sum3A_3326 = vector.extract %reduce_sum3A_3325[15] : i32 from vector<16xi32>
      %mul3A_3327 = arith.constant 256 : i32
      %mul3A_3328 = vector.broadcast %mul3A_3327 : i32 to vector<16xi32>
      %mul3A_3329 = arith.muli %add3A_3314, %mul3A_3328 : vector<16xi32>
      %ge3A_3330 = vector.broadcast %reduce_sum3A_3326 : i32 to vector<16xi32>
      %ge3A_3331 = arith.cmpi sge, %mul3A_3329, %ge3A_3330 : vector<16xi32>
      %convert_element_type3A_3332 = arith.extui %ge3A_3331 : vector<16xi1> to vector<16xi32>
      %add3A_3333 = arith.addi %broadcast_in_dim3A_3316, %convert_element_type3A_3332 : vector<16xi32>
      %eq3A_3334 = arith.constant 1 : i32
      %eq3A_3335 = vector.broadcast %eq3A_3334 : i32 to vector<16xi32>
      %eq3A_3336 = arith.cmpi eq, %iota3A, %eq3A_3335 : vector<16xi32>
      %jit3A_3337 = arith.constant 0 : i32
      %broadcast_in_dim3A_3338 = vector.broadcast %jit3A_3337 : i32 to vector<16xi32>
      %select_n3A_3339 = arith.select %eq3A_3336, %masked_cumsum3A, %broadcast_in_dim3A_3338 : vector<16xi1>, vector<16xi32>
      %reduce_sum3A_3340 = arith.constant true
      %reduce_sum3A_3341 = vector.broadcast %reduce_sum3A_3340 : i1 to vector<16xi1>
      %reduce_sum3A_3342 = tpu.scan <sum>, %select_n3A_3339 masked %reduce_sum3A_3341 : vector<16xi32>, vector<16xi1> -> vector<16xi32>
      %reduce_sum3A_3343 = vector.extract %reduce_sum3A_3342[15] : i32 from vector<16xi32>
      %mul3A_3344 = arith.constant 256 : i32
      %mul3A_3345 = vector.broadcast %mul3A_3344 : i32 to vector<16xi32>
      %mul3A_3346 = arith.muli %add3A_3314, %mul3A_3345 : vector<16xi32>
      %ge3A_3347 = vector.broadcast %reduce_sum3A_3343 : i32 to vector<16xi32>
      %ge3A_3348 = arith.cmpi sge, %mul3A_3346, %ge3A_3347 : vector<16xi32>
      %convert_element_type3A_3349 = arith.extui %ge3A_3348 : vector<16xi1> to vector<16xi32>
      %add3A_3350 = arith.addi %add3A_3333, %convert_element_type3A_3349 : vector<16xi32>
      %eq3A_3351 = arith.constant 2 : i32
      %eq3A_3352 = vector.broadcast %eq3A_3351 : i32 to vector<16xi32>
      %eq3A_3353 = arith.cmpi eq, %iota3A, %eq3A_3352 : vector<16xi32>
      %jit3A_3354 = arith.constant 0 : i32
      %broadcast_in_dim3A_3355 = vector.broadcast %jit3A_3354 : i32 to vector<16xi32>
      %select_n3A_3356 = arith.select %eq3A_3353, %masked_cumsum3A, %broadcast_in_dim3A_3355 : vector<16xi1>, vector<16xi32>
      %reduce_sum3A_3357 = arith.constant true
      %reduce_sum3A_3358 = vector.broadcast %reduce_sum3A_3357 : i1 to vector<16xi1>
      %reduce_sum3A_3359 = tpu.scan <sum>, %select_n3A_3356 masked %reduce_sum3A_3358 : vector<16xi32>, vector<16xi1> -> vector<16xi32>
      %reduce_sum3A_3360 = vector.extract %reduce_sum3A_3359[15] : i32 from vector<16xi32>
      %mul3A_3361 = arith.constant 256 : i32
      %mul3A_3362 = vector.broadcast %mul3A_3361 : i32 to vector<16xi32>
      %mul3A_3363 = arith.muli %add3A_3314, %mul3A_3362 : vector<16xi32>
      %ge3A_3364 = vector.broadcast %reduce_sum3A_3360 : i32 to vector<16xi32>
      %ge3A_3365 = arith.cmpi sge, %mul3A_3363, %ge3A_3364 : vector<16xi32>
      %convert_element_type3A_3366 = arith.extui %ge3A_3365 : vector<16xi1> to vector<16xi32>
      %add3A_3367 = arith.addi %add3A_3350, %convert_element_type3A_3366 : vector<16xi32>
      %eq3A_3368 = arith.constant 3 : i32
      %eq3A_3369 = vector.broadcast %eq3A_3368 : i32 to vector<16xi32>
      %eq3A_3370 = arith.cmpi eq, %iota3A, %eq3A_3369 : vector<16xi32>
      %jit3A_3371 = arith.constant 0 : i32
      %broadcast_in_dim3A_3372 = vector.broadcast %jit3A_3371 : i32 to vector<16xi32>
      %select_n3A_3373 = arith.select %eq3A_3370, %masked_cumsum3A, %broadcast_in_dim3A_3372 : vector<16xi1>, vector<16xi32>
      %reduce_sum3A_3374 = arith.constant true
      %reduce_sum3A_3375 = vector.broadcast %reduce_sum3A_3374 : i1 to vector<16xi1>
      %reduce_sum3A_3376 = tpu.scan <sum>, %select_n3A_3373 masked %reduce_sum3A_3375 : vector<16xi32>, vector<16xi1> -> vector<16xi32>
      %reduce_sum3A_3377 = vector.extract %reduce_sum3A_3376[15] : i32 from vector<16xi32>
      %mul3A_3378 = arith.constant 256 : i32
      %mul3A_3379 = vector.broadcast %mul3A_3378 : i32 to vector<16xi32>
      %mul3A_3380 = arith.muli %add3A_3314, %mul3A_3379 : vector<16xi32>
      %ge3A_3381 = vector.broadcast %reduce_sum3A_3377 : i32 to vector<16xi32>
      %ge3A_3382 = arith.cmpi sge, %mul3A_3380, %ge3A_3381 : vector<16xi32>
      %convert_element_type3A_3383 = arith.extui %ge3A_3382 : vector<16xi1> to vector<16xi32>
      %add3A_3384 = arith.addi %add3A_3367, %convert_element_type3A_3383 : vector<16xi32>
      %eq3A_3385 = arith.constant 4 : i32
      %eq3A_3386 = vector.broadcast %eq3A_3385 : i32 to vector<16xi32>
      %eq3A_3387 = arith.cmpi eq, %iota3A, %eq3A_3386 : vector<16xi32>
      %jit3A_3388 = arith.constant 0 : i32
      %broadcast_in_dim3A_3389 = vector.broadcast %jit3A_3388 : i32 to vector<16xi32>
      %select_n3A_3390 = arith.select %eq3A_3387, %masked_cumsum3A, %broadcast_in_dim3A_3389 : vector<16xi1>, vector<16xi32>
      %reduce_sum3A_3391 = arith.constant true
      %reduce_sum3A_3392 = vector.broadcast %reduce_sum3A_3391 : i1 to vector<16xi1>
      %reduce_sum3A_3393 = tpu.scan <sum>, %select_n3A_3390 masked %reduce_sum3A_3392 : vector<16xi32>, vector<16xi1> -> vector<16xi32>
      %reduce_sum3A_3394 = vector.extract %reduce_sum3A_3393[15] : i32 from vector<16xi32>
      %mul3A_3395 = arith.constant 256 : i32
      %mul3A_3396 = vector.broadcast %mul3A_3395 : i32 to vector<16xi32>
      %mul3A_3397 = arith.muli %add3A_3314, %mul3A_3396 : vector<16xi32>
      %ge3A_3398 = vector.broadcast %reduce_sum3A_3394 : i32 to vector<16xi32>
      %ge3A_3399 = arith.cmpi sge, %mul3A_3397, %ge3A_3398 : vector<16xi32>
      %convert_element_type3A_3400 = arith.extui %ge3A_3399 : vector<16xi1> to vector<16xi32>
      %add3A_3401 = arith.addi %add3A_3384, %convert_element_type3A_3400 : vector<16xi32>
      %eq3A_3402 = arith.constant 5 : i32
      %eq3A_3403 = vector.broadcast %eq3A_3402 : i32 to vector<16xi32>
      %eq3A_3404 = arith.cmpi eq, %iota3A, %eq3A_3403 : vector<16xi32>
      %jit3A_3405 = arith.constant 0 : i32
      %broadcast_in_dim3A_3406 = vector.broadcast %jit3A_3405 : i32 to vector<16xi32>
      %select_n3A_3407 = arith.select %eq3A_3404, %masked_cumsum3A, %broadcast_in_dim3A_3406 : vector<16xi1>, vector<16xi32>
      %reduce_sum3A_3408 = arith.constant true
      %reduce_sum3A_3409 = vector.broadcast %reduce_sum3A_3408 : i1 to vector<16xi1>
      %reduce_sum3A_3410 = tpu.scan <sum>, %select_n3A_3407 masked %reduce_sum3A_3409 : vector<16xi32>, vector<16xi1> -> vector<16xi32>
      %reduce_sum3A_3411 = vector.extract %reduce_sum3A_3410[15] : i32 from vector<16xi32>
      %mul3A_3412 = arith.constant 256 : i32
      %mul3A_3413 = vector.broadcast %mul3A_3412 : i32 to vector<16xi32>
      %mul3A_3414 = arith.muli %add3A_3314, %mul3A_3413 : vector<16xi32>
      %ge3A_3415 = vector.broadcast %reduce_sum3A_3411 : i32 to vector<16xi32>
      %ge3A_3416 = arith.cmpi sge, %mul3A_3414, %ge3A_3415 : vector<16xi32>
      %convert_element_type3A_3417 = arith.extui %ge3A_3416 : vector<16xi1> to vector<16xi32>
      %add3A_3418 = arith.addi %add3A_3401, %convert_element_type3A_3417 : vector<16xi32>
      %eq3A_3419 = arith.constant 6 : i32
      %eq3A_3420 = vector.broadcast %eq3A_3419 : i32 to vector<16xi32>
      %eq3A_3421 = arith.cmpi eq, %iota3A, %eq3A_3420 : vector<16xi32>
      %jit3A_3422 = arith.constant 0 : i32
      %broadcast_in_dim3A_3423 = vector.broadcast %jit3A_3422 : i32 to vector<16xi32>
      %select_n3A_3424 = arith.select %eq3A_3421, %masked_cumsum3A, %broadcast_in_dim3A_3423 : vector<16xi1>, vector<16xi32>
      %reduce_sum3A_3425 = arith.constant true
      %reduce_sum3A_3426 = vector.broadcast %reduce_sum3A_3425 : i1 to vector<16xi1>
      %reduce_sum3A_3427 = tpu.scan <sum>, %select_n3A_3424 masked %reduce_sum3A_3426 : vector<16xi32>, vector<16xi1> -> vector<16xi32>
      %reduce_sum3A_3428 = vector.extract %reduce_sum3A_3427[15] : i32 from vector<16xi32>
      %mul3A_3429 = arith.constant 256 : i32
      %mul3A_3430 = vector.broadcast %mul3A_3429 : i32 to vector<16xi32>
      %mul3A_3431 = arith.muli %add3A_3314, %mul3A_3430 : vector<16xi32>
      %ge3A_3432 = vector.broadcast %reduce_sum3A_3428 : i32 to vector<16xi32>
      %ge3A_3433 = arith.cmpi sge, %mul3A_3431, %ge3A_3432 : vector<16xi32>
      %convert_element_type3A_3434 = arith.extui %ge3A_3433 : vector<16xi1> to vector<16xi32>
      %add3A_3435 = arith.addi %add3A_3418, %convert_element_type3A_3434 : vector<16xi32>
      %eq3A_3436 = arith.constant 7 : i32
      %eq3A_3437 = vector.broadcast %eq3A_3436 : i32 to vector<16xi32>
      %eq3A_3438 = arith.cmpi eq, %iota3A, %eq3A_3437 : vector<16xi32>
      %jit3A_3439 = arith.constant 0 : i32
      %broadcast_in_dim3A_3440 = vector.broadcast %jit3A_3439 : i32 to vector<16xi32>
      %select_n3A_3441 = arith.select %eq3A_3438, %masked_cumsum3A, %broadcast_in_dim3A_3440 : vector<16xi1>, vector<16xi32>
      %reduce_sum3A_3442 = arith.constant true
      %reduce_sum3A_3443 = vector.broadcast %reduce_sum3A_3442 : i1 to vector<16xi1>
      %reduce_sum3A_3444 = tpu.scan <sum>, %select_n3A_3441 masked %reduce_sum3A_3443 : vector<16xi32>, vector<16xi1> -> vector<16xi32>
      %reduce_sum3A_3445 = vector.extract %reduce_sum3A_3444[15] : i32 from vector<16xi32>
      %mul3A_3446 = arith.constant 256 : i32
      %mul3A_3447 = vector.broadcast %mul3A_3446 : i32 to vector<16xi32>
      %mul3A_3448 = arith.muli %add3A_3314, %mul3A_3447 : vector<16xi32>
      %ge3A_3449 = vector.broadcast %reduce_sum3A_3445 : i32 to vector<16xi32>
      %ge3A_3450 = arith.cmpi sge, %mul3A_3448, %ge3A_3449 : vector<16xi32>
      %convert_element_type3A_3451 = arith.extui %ge3A_3450 : vector<16xi1> to vector<16xi32>
      %add3A_3452 = arith.addi %add3A_3435, %convert_element_type3A_3451 : vector<16xi32>
      %min3A_3453 = arith.constant 7 : i32
      %min3A_3454 = vector.broadcast %min3A_3453 : i32 to vector<16xi32>
      %min3A_3455 = arith.minsi %add3A_3452, %min3A_3454 : vector<16xi32>
      %swap3A_3456 = arith.constant 0 : index
      %swap3A_3457 = tpu.vector_load %arg16[%swap3A_3456] {strides = array<i32>} : memref<16xi32, #tpu.memory_space<vmem>>, vector<16xi32>,
      tpu.vector_store %arg16[%swap3A_3456], %min3A_3455 {strides = array<i32>} : memref<16xi32, #tpu.memory_space<vmem>>, vector<16xi32>,
      "tpu.region"() ({
        %run_scoped3A_3458 = tpu.sem_alloc : memref<!tpu.dma_semaphore, #tpu.memory_space<semaphore_mem>>
        %dma_start3A_3459 = arith.constant 16 : i32
        %dma_start3A_3460 = tpu.memref_slice %arg6[%dma_start3A_3459] : memref<32xi32, #tpu.memory_space<hbm>> -> memref<16xi32, #tpu.memory_space<hbm>>
        %dma_start3A_3461 = arith.constant 16 : i32
        %dma_start3A_3462 = tpu.memref_slice %arg6[%dma_start3A_3461] : memref<32xi32, #tpu.memory_space<hbm>> -> memref<16xi32, #tpu.memory_space<hbm>>
        tpu.enqueue_dma source(%arg16 : memref<16xi32, #tpu.memory_space<vmem>>) target(%dma_start3A_3462 : memref<16xi32, #tpu.memory_space<hbm>>) target_semaphore(%run_scoped3A_3458 : memref<!tpu.dma_semaphore, #tpu.memory_space<semaphore_mem>>)
        %dma_wait3A_3463 = arith.constant 16 : i32
        %dma_wait3A_3464 = tpu.memref_slice %arg6[%dma_wait3A_3463] : memref<32xi32, #tpu.memory_space<hbm>> -> memref<16xi32, #tpu.memory_space<hbm>>
        %dma_wait3A_3465 = arith.constant 16 : i32
        %dma_wait3A_3466 = tpu.memref_slice %arg6[%dma_wait3A_3465] : memref<32xi32, #tpu.memory_space<hbm>> -> memref<16xi32, #tpu.memory_space<hbm>>
        tpu.wait_dma2 semaphore(%run_scoped3A_3458 : memref<!tpu.dma_semaphore, #tpu.memory_space<semaphore_mem>>) src(%arg16 : memref<16xi32, #tpu.memory_space<vmem>>) dst(%dma_wait3A_3466 : memref<16xi32, #tpu.memory_space<hbm>>)
        tpu.yield
      }) : () -> ()
    } else {
    }
    %add3A_2773 = arith.constant 0 : i32
    %add3A_2774 = arith.addi %mul3A_2, %add3A_2773 : i32
    %add3A_2775 = arith.constant 0 : i32
    %add3A_2776 = arith.addi %add3A_2774, %add3A_2775 : i32
    %add3A_2777 = vector.broadcast %add3A_2776 : i32 to vector<16xi32>
    %add3A_2778 = arith.addi %add3A_2777, %iota3A : vector<16xi32>
    %jit3A_2779 = arith.constant 2 : i32
    %div3A_2780 = vector.broadcast %jit3A_2779 : i32 to vector<16xi32>
    %div3A_2781 = arith.divsi %add3A_2778, %div3A_2780 : vector<16xi32>
    %sign3A_2782 = arith.constant 0 : i32
    %sign3A_2783 = vector.broadcast %sign3A_2782 : i32 to vector<16xi32>
    %sign3A_2784 = arith.cmpi sgt, %add3A_2778, %sign3A_2783 : vector<16xi32>
    %sign3A_2785 = arith.extui %sign3A_2784 : vector<16xi1> to vector<16xi32>
    %sign3A_2786 = arith.constant 0 : i32
    %sign3A_2787 = vector.broadcast %sign3A_2786 : i32 to vector<16xi32>
    %sign3A_2788 = arith.cmpi slt, %add3A_2778, %sign3A_2787 : vector<16xi32>
    %sign3A_2789 = arith.extui %sign3A_2788 : vector<16xi1> to vector<16xi32>
    %sign3A_2790 = arith.subi %sign3A_2785, %sign3A_2789 : vector<16xi32>
    %sign3A_2791 = arith.constant 0 : i32
    %sign3A_2792 = arith.cmpi sgt, %jit3A_2779, %sign3A_2791 : i32
    %sign3A_2793 = arith.extui %sign3A_2792 : i1 to i32
    %sign3A_2794 = arith.constant 0 : i32
    %sign3A_2795 = arith.cmpi slt, %jit3A_2779, %sign3A_2794 : i32
    %sign3A_2796 = arith.extui %sign3A_2795 : i1 to i32
    %sign3A_2797 = arith.subi %sign3A_2793, %sign3A_2796 : i32
    %ne3A_2798 = vector.broadcast %sign3A_2797 : i32 to vector<16xi32>
    %ne3A_2799 = arith.cmpi ne, %sign3A_2790, %ne3A_2798 : vector<16xi32>
    %rem3A_2800 = vector.broadcast %jit3A_2779 : i32 to vector<16xi32>
    %rem3A_2801 = arith.remsi %add3A_2778, %rem3A_2800 : vector<16xi32>
    %ne3A_2802 = arith.constant 0 : i32
    %ne3A_2803 = vector.broadcast %ne3A_2802 : i32 to vector<16xi32>
    %ne3A_2804 = arith.cmpi ne, %rem3A_2801, %ne3A_2803 : vector<16xi32>
    %and3A_2805 = arith.andi %ne3A_2799, %ne3A_2804 : vector<16xi1>
    %sub3A_2806 = arith.constant 1 : i32
    %sub3A_2807 = vector.broadcast %sub3A_2806 : i32 to vector<16xi32>
    %sub3A_2808 = arith.subi %div3A_2781, %sub3A_2807 : vector<16xi32>
    %select_n3A_2809 = arith.select %and3A_2805, %sub3A_2808, %div3A_2781 : vector<16xi1>, vector<16xi32>
    %swap3A_2810 = arith.constant 0 : index
    %swap3A_2811 = tpu.vector_load %arg14[%swap3A_2810] {strides = array<i32>} : memref<32xi32, #tpu.memory_space<vmem>>, vector<16xi32>,
    tpu.vector_store %arg14[%swap3A_2810], %select_n3A_2809 {strides = array<i32>} : memref<32xi32, #tpu.memory_space<vmem>>, vector<16xi32>,
    %add3A_2812 = arith.constant 0 : i32
    %add3A_2813 = arith.addi %mul3A_2, %add3A_2812 : i32
    %add3A_2814 = arith.constant 16 : i32
    %add3A_2815 = arith.addi %add3A_2813, %add3A_2814 : i32
    %add3A_2816 = vector.broadcast %add3A_2815 : i32 to vector<16xi32>
    %add3A_2817 = arith.addi %add3A_2816, %iota3A : vector<16xi32>
    %jit3A_2818 = arith.constant 2 : i32
    %div3A_2819 = vector.broadcast %jit3A_2818 : i32 to vector<16xi32>
    %div3A_2820 = arith.divsi %add3A_2817, %div3A_2819 : vector<16xi32>
    %sign3A_2821 = arith.constant 0 : i32
    %sign3A_2822 = vector.broadcast %sign3A_2821 : i32 to vector<16xi32>
    %sign3A_2823 = arith.cmpi sgt, %add3A_2817, %sign3A_2822 : vector<16xi32>
    %sign3A_2824 = arith.extui %sign3A_2823 : vector<16xi1> to vector<16xi32>
    %sign3A_2825 = arith.constant 0 : i32
    %sign3A_2826 = vector.broadcast %sign3A_2825 : i32 to vector<16xi32>
    %sign3A_2827 = arith.cmpi slt, %add3A_2817, %sign3A_2826 : vector<16xi32>
    %sign3A_2828 = arith.extui %sign3A_2827 : vector<16xi1> to vector<16xi32>
    %sign3A_2829 = arith.subi %sign3A_2824, %sign3A_2828 : vector<16xi32>
    %sign3A_2830 = arith.constant 0 : i32
    %sign3A_2831 = arith.cmpi sgt, %jit3A_2818, %sign3A_2830 : i32
    %sign3A_2832 = arith.extui %sign3A_2831 : i1 to i32
    %sign3A_2833 = arith.constant 0 : i32
    %sign3A_2834 = arith.cmpi slt, %jit3A_2818, %sign3A_2833 : i32
    %sign3A_2835 = arith.extui %sign3A_2834 : i1 to i32
    %sign3A_2836 = arith.subi %sign3A_2832, %sign3A_2835 : i32
    %ne3A_2837 = vector.broadcast %sign3A_2836 : i32 to vector<16xi32>
    %ne3A_2838 = arith.cmpi ne, %sign3A_2829, %ne3A_2837 : vector<16xi32>
    %rem3A_2839 = vector.broadcast %jit3A_2818 : i32 to vector<16xi32>
    %rem3A_2840 = arith.remsi %add3A_2817, %rem3A_2839 : vector<16xi32>
    %ne3A_2841 = arith.constant 0 : i32
    %ne3A_2842 = vector.broadcast %ne3A_2841 : i32 to vector<16xi32>
    %ne3A_2843 = arith.cmpi ne, %rem3A_2840, %ne3A_2842 : vector<16xi32>
    %and3A_2844 = arith.andi %ne3A_2838, %ne3A_2843 : vector<16xi1>
    %sub3A_2845 = arith.constant 1 : i32
    %sub3A_2846 = vector.broadcast %sub3A_2845 : i32 to vector<16xi32>
    %sub3A_2847 = arith.subi %div3A_2820, %sub3A_2846 : vector<16xi32>
    %select_n3A_2848 = arith.select %and3A_2844, %sub3A_2847, %div3A_2820 : vector<16xi1>, vector<16xi32>
    %swap3A_2849 = arith.constant 16 : index
    %swap3A_2850 = tpu.vector_load %arg14[%swap3A_2849] {strides = array<i32>} : memref<32xi32, #tpu.memory_space<vmem>>, vector<16xi32>,
    tpu.vector_store %arg14[%swap3A_2849], %select_n3A_2848 {strides = array<i32>} : memref<32xi32, #tpu.memory_space<vmem>>, vector<16xi32>,
    %dma_start3A = arith.constant 0 : i32
    %dma_start3A_2851 = arith.constant 0 : i32
    %dma_start3A_2852 = tpu.memref_slice %arg3[%dma_start3A, %dma_start3A_2851] : memref<2048x2048xf32, #tpu.memory_space<hbm>> -> memref<2048x2048xf32, #tpu.memory_space<hbm>>
    tpu.enqueue_indirect_dma source(%dma_start3A_2852 : memref<2048x2048xf32, #tpu.memory_space<hbm>>) target(%arg15 : memref<32x2048xf32, #tpu.memory_space<vmem>>) offsets(%arg14 : memref<32xi32, #tpu.memory_space<vmem>>) semaphore(%arg17 : memref<!tpu.dma_semaphore, #tpu.memory_space<semaphore_mem>>)
    %dma_wait3A = arith.constant 0 : i32
    %dma_wait3A_2853 = arith.constant 0 : i32
    %dma_wait3A_2854 = tpu.memref_slice %arg3[%dma_wait3A, %dma_wait3A_2853] : memref<2048x2048xf32, #tpu.memory_space<hbm>> -> memref<2048x2048xf32, #tpu.memory_space<hbm>>
    tpu.wait_indirect_dma semaphore(%arg17 : memref<!tpu.dma_semaphore, #tpu.memory_space<semaphore_mem>>) src(%dma_wait3A_2854 : memref<2048x2048xf32, #tpu.memory_space<hbm>>) dst(%arg15 : memref<32x2048xf32, #tpu.memory_space<vmem>>)
    %dma_start3A_2855 = arith.constant 0 : i32
    %dma_start3A_2856 = arith.constant 0 : i32
    %dma_start3A_2857 = tpu.memref_slice %arg4[%dma_start3A_2855, %dma_start3A_2856] : memref<6144x2048xf32, #tpu.memory_space<hbm>> -> memref<6144x2048xf32, #tpu.memory_space<hbm>>
    tpu.enqueue_indirect_dma source(%arg15 : memref<32x2048xf32, #tpu.memory_space<vmem>>) target(%dma_start3A_2857 : memref<6144x2048xf32, #tpu.memory_space<hbm>>) offsets(%arg10 : memref<32xi32, #tpu.memory_space<vmem>>) semaphore(%arg18 : memref<!tpu.dma_semaphore, #tpu.memory_space<semaphore_mem>>)
    %dma_wait3A_2858 = arith.constant 0 : i32
    %dma_wait3A_2859 = arith.constant 0 : i32
    %dma_wait3A_2860 = tpu.memref_slice %arg4[%dma_wait3A_2858, %dma_wait3A_2859] : memref<6144x2048xf32, #tpu.memory_space<hbm>> -> memref<6144x2048xf32, #tpu.memory_space<hbm>>
    tpu.wait_indirect_dma semaphore(%arg18 : memref<!tpu.dma_semaphore, #tpu.memory_space<semaphore_mem>>) src(%arg15 : memref<32x2048xf32, #tpu.memory_space<vmem>>) dst(%dma_wait3A_2860 : memref<6144x2048xf32, #tpu.memory_space<hbm>>)
    %add3A_2861 = arith.constant 32 : i32
    %add3A_2862 = arith.addi %mul3A_2, %add3A_2861 : i32
    %add3A_2863 = arith.constant 0 : i32
    %add3A_2864 = arith.addi %add3A_2862, %add3A_2863 : i32
    %add3A_2865 = vector.broadcast %add3A_2864 : i32 to vector<16xi32>
    %add3A_2866 = arith.addi %add3A_2865, %iota3A : vector<16xi32>
    %jit3A_2867 = arith.constant 2 : i32
    %div3A_2868 = vector.broadcast %jit3A_2867 : i32 to vector<16xi32>
    %div3A_2869 = arith.divsi %add3A_2866, %div3A_2868 : vector<16xi32>
    %sign3A_2870 = arith.constant 0 : i32
    %sign3A_2871 = vector.broadcast %sign3A_2870 : i32 to vector<16xi32>
    %sign3A_2872 = arith.cmpi sgt, %add3A_2866, %sign3A_2871 : vector<16xi32>
    %sign3A_2873 = arith.extui %sign3A_2872 : vector<16xi1> to vector<16xi32>
    %sign3A_2874 = arith.constant 0 : i32
    %sign3A_2875 = vector.broadcast %sign3A_2874 : i32 to vector<16xi32>
    %sign3A_2876 = arith.cmpi slt, %add3A_2866, %sign3A_2875 : vector<16xi32>
    %sign3A_2877 = arith.extui %sign3A_2876 : vector<16xi1> to vector<16xi32>
    %sign3A_2878 = arith.subi %sign3A_2873, %sign3A_2877 : vector<16xi32>
    %sign3A_2879 = arith.constant 0 : i32
    %sign3A_2880 = arith.cmpi sgt, %jit3A_2867, %sign3A_2879 : i32
    %sign3A_2881 = arith.extui %sign3A_2880 : i1 to i32
    %sign3A_2882 = arith.constant 0 : i32
    %sign3A_2883 = arith.cmpi slt, %jit3A_2867, %sign3A_2882 : i32
    %sign3A_2884 = arith.extui %sign3A_2883 : i1 to i32
    %sign3A_2885 = arith.subi %sign3A_2881, %sign3A_2884 : i32
    %ne3A_2886 = vector.broadcast %sign3A_2885 : i32 to vector<16xi32>
    %ne3A_2887 = arith.cmpi ne, %sign3A_2878, %ne3A_2886 : vector<16xi32>
    %rem3A_2888 = vector.broadcast %jit3A_2867 : i32 to vector<16xi32>
    %rem3A_2889 = arith.remsi %add3A_2866, %rem3A_2888 : vector<16xi32>
    %ne3A_2890 = arith.constant 0 : i32
    %ne3A_2891 = vector.broadcast %ne3A_2890 : i32 to vector<16xi32>
    %ne3A_2892 = arith.cmpi ne, %rem3A_2889, %ne3A_2891 : vector<16xi32>
    %and3A_2893 = arith.andi %ne3A_2887, %ne3A_2892 : vector<16xi1>
    %sub3A_2894 = arith.constant 1 : i32
    %sub3A_2895 = vector.broadcast %sub3A_2894 : i32 to vector<16xi32>
    %sub3A_2896 = arith.subi %div3A_2869, %sub3A_2895 : vector<16xi32>
    %select_n3A_2897 = arith.select %and3A_2893, %sub3A_2896, %div3A_2869 : vector<16xi1>, vector<16xi32>
    %swap3A_2898 = arith.constant 0 : index
    %swap3A_2899 = tpu.vector_load %arg14[%swap3A_2898] {strides = array<i32>} : memref<32xi32, #tpu.memory_space<vmem>>, vector<16xi32>,
    tpu.vector_store %arg14[%swap3A_2898], %select_n3A_2897 {strides = array<i32>} : memref<32xi32, #tpu.memory_space<vmem>>, vector<16xi32>,
    %add3A_2900 = arith.constant 32 : i32
    %add3A_2901 = arith.addi %mul3A_2, %add3A_2900 : i32
    %add3A_2902 = arith.constant 16 : i32
    %add3A_2903 = arith.addi %add3A_2901, %add3A_2902 : i32
    %add3A_2904 = vector.broadcast %add3A_2903 : i32 to vector<16xi32>
    %add3A_2905 = arith.addi %add3A_2904, %iota3A : vector<16xi32>
    %jit3A_2906 = arith.constant 2 : i32
    %div3A_2907 = vector.broadcast %jit3A_2906 : i32 to vector<16xi32>
    %div3A_2908 = arith.divsi %add3A_2905, %div3A_2907 : vector<16xi32>
    %sign3A_2909 = arith.constant 0 : i32
    %sign3A_2910 = vector.broadcast %sign3A_2909 : i32 to vector<16xi32>
    %sign3A_2911 = arith.cmpi sgt, %add3A_2905, %sign3A_2910 : vector<16xi32>
    %sign3A_2912 = arith.extui %sign3A_2911 : vector<16xi1> to vector<16xi32>
    %sign3A_2913 = arith.constant 0 : i32
    %sign3A_2914 = vector.broadcast %sign3A_2913 : i32 to vector<16xi32>
    %sign3A_2915 = arith.cmpi slt, %add3A_2905, %sign3A_2914 : vector<16xi32>
    %sign3A_2916 = arith.extui %sign3A_2915 : vector<16xi1> to vector<16xi32>
    %sign3A_2917 = arith.subi %sign3A_2912, %sign3A_2916 : vector<16xi32>
    %sign3A_2918 = arith.constant 0 : i32
    %sign3A_2919 = arith.cmpi sgt, %jit3A_2906, %sign3A_2918 : i32
    %sign3A_2920 = arith.extui %sign3A_2919 : i1 to i32
    %sign3A_2921 = arith.constant 0 : i32
    %sign3A_2922 = arith.cmpi slt, %jit3A_2906, %sign3A_2921 : i32
    %sign3A_2923 = arith.extui %sign3A_2922 : i1 to i32
    %sign3A_2924 = arith.subi %sign3A_2920, %sign3A_2923 : i32
    %ne3A_2925 = vector.broadcast %sign3A_2924 : i32 to vector<16xi32>
    %ne3A_2926 = arith.cmpi ne, %sign3A_2917, %ne3A_2925 : vector<16xi32>
    %rem3A_2927 = vector.broadcast %jit3A_2906 : i32 to vector<16xi32>
    %rem3A_2928 = arith.remsi %add3A_2905, %rem3A_2927 : vector<16xi32>
    %ne3A_2929 = arith.constant 0 : i32
    %ne3A_2930 = vector.broadcast %ne3A_2929 : i32 to vector<16xi32>
    %ne3A_2931 = arith.cmpi ne, %rem3A_2928, %ne3A_2930 : vector<16xi32>
    %and3A_2932 = arith.andi %ne3A_2926, %ne3A_2931 : vector<16xi1>
    %sub3A_2933 = arith.constant 1 : i32
    %sub3A_2934 = vector.broadcast %sub3A_2933 : i32 to vector<16xi32>
    %sub3A_2935 = arith.subi %div3A_2908, %sub3A_2934 : vector<16xi32>
    %select_n3A_2936 = arith.select %and3A_2932, %sub3A_2935, %div3A_2908 : vector<16xi1>, vector<16xi32>
    %swap3A_2937 = arith.constant 16 : index
    %swap3A_2938 = tpu.vector_load %arg14[%swap3A_2937] {strides = array<i32>} : memref<32xi32, #tpu.memory_space<vmem>>, vector<16xi32>,
    tpu.vector_store %arg14[%swap3A_2937], %select_n3A_2936 {strides = array<i32>} : memref<32xi32, #tpu.memory_space<vmem>>, vector<16xi32>,
    %dma_start3A_2939 = arith.constant 0 : i32
    %dma_start3A_2940 = arith.constant 0 : i32
    %dma_start3A_2941 = tpu.memref_slice %arg3[%dma_start3A_2939, %dma_start3A_2940] : memref<2048x2048xf32, #tpu.memory_space<hbm>> -> memref<2048x2048xf32, #tpu.memory_space<hbm>>
    tpu.enqueue_indirect_dma source(%dma_start3A_2941 : memref<2048x2048xf32, #tpu.memory_space<hbm>>) target(%arg15 : memref<32x2048xf32, #tpu.memory_space<vmem>>) offsets(%arg14 : memref<32xi32, #tpu.memory_space<vmem>>) semaphore(%arg17 : memref<!tpu.dma_semaphore, #tpu.memory_space<semaphore_mem>>)
    %dma_wait3A_2942 = arith.constant 0 : i32
    %dma_wait3A_2943 = arith.constant 0 : i32
    %dma_wait3A_2944 = tpu.memref_slice %arg3[%dma_wait3A_2942, %dma_wait3A_2943] : memref<2048x2048xf32, #tpu.memory_space<hbm>> -> memref<2048x2048xf32, #tpu.memory_space<hbm>>
    tpu.wait_indirect_dma semaphore(%arg17 : memref<!tpu.dma_semaphore, #tpu.memory_space<semaphore_mem>>) src(%dma_wait3A_2944 : memref<2048x2048xf32, #tpu.memory_space<hbm>>) dst(%arg15 : memref<32x2048xf32, #tpu.memory_space<vmem>>)
    %dma_start3A_2945 = arith.constant 0 : i32
    %dma_start3A_2946 = arith.constant 0 : i32
    %dma_start3A_2947 = tpu.memref_slice %arg4[%dma_start3A_2945, %dma_start3A_2946] : memref<6144x2048xf32, #tpu.memory_space<hbm>> -> memref<6144x2048xf32, #tpu.memory_space<hbm>>
    tpu.enqueue_indirect_dma source(%arg15 : memref<32x2048xf32, #tpu.memory_space<vmem>>) target(%dma_start3A_2947 : memref<6144x2048xf32, #tpu.memory_space<hbm>>) offsets(%arg11 : memref<32xi32, #tpu.memory_space<vmem>>) semaphore(%arg18 : memref<!tpu.dma_semaphore, #tpu.memory_space<semaphore_mem>>)
    %dma_wait3A_2948 = arith.constant 0 : i32
    %dma_wait3A_2949 = arith.constant 0 : i32
    %dma_wait3A_2950 = tpu.memref_slice %arg4[%dma_wait3A_2948, %dma_wait3A_2949] : memref<6144x2048xf32, #tpu.memory_space<hbm>> -> memref<6144x2048xf32, #tpu.memory_space<hbm>>
    tpu.wait_indirect_dma semaphore(%arg18 : memref<!tpu.dma_semaphore, #tpu.memory_space<semaphore_mem>>) src(%arg15 : memref<32x2048xf32, #tpu.memory_space<vmem>>) dst(%dma_wait3A_2950 : memref<6144x2048xf32, #tpu.memory_space<hbm>>)
    %add3A_2951 = arith.constant 64 : i32
    %add3A_2952 = arith.addi %mul3A_2, %add3A_2951 : i32
    %add3A_2953 = arith.constant 0 : i32
    %add3A_2954 = arith.addi %add3A_2952, %add3A_2953 : i32
    %add3A_2955 = vector.broadcast %add3A_2954 : i32 to vector<16xi32>
    %add3A_2956 = arith.addi %add3A_2955, %iota3A : vector<16xi32>
    %jit3A_2957 = arith.constant 2 : i32
    %div3A_2958 = vector.broadcast %jit3A_2957 : i32 to vector<16xi32>
    %div3A_2959 = arith.divsi %add3A_2956, %div3A_2958 : vector<16xi32>
    %sign3A_2960 = arith.constant 0 : i32
    %sign3A_2961 = vector.broadcast %sign3A_2960 : i32 to vector<16xi32>
    %sign3A_2962 = arith.cmpi sgt, %add3A_2956, %sign3A_2961 : vector<16xi32>
    %sign3A_2963 = arith.extui %sign3A_2962 : vector<16xi1> to vector<16xi32>
    %sign3A_2964 = arith.constant 0 : i32
    %sign3A_2965 = vector.broadcast %sign3A_2964 : i32 to vector<16xi32>
    %sign3A_2966 = arith.cmpi slt, %add3A_2956, %sign3A_2965 : vector<16xi32>
    %sign3A_2967 = arith.extui %sign3A_2966 : vector<16xi1> to vector<16xi32>
    %sign3A_2968 = arith.subi %sign3A_2963, %sign3A_2967 : vector<16xi32>
    %sign3A_2969 = arith.constant 0 : i32
    %sign3A_2970 = arith.cmpi sgt, %jit3A_2957, %sign3A_2969 : i32
    %sign3A_2971 = arith.extui %sign3A_2970 : i1 to i32
    %sign3A_2972 = arith.constant 0 : i32
    %sign3A_2973 = arith.cmpi slt, %jit3A_2957, %sign3A_2972 : i32
    %sign3A_2974 = arith.extui %sign3A_2973 : i1 to i32
    %sign3A_2975 = arith.subi %sign3A_2971, %sign3A_2974 : i32
    %ne3A_2976 = vector.broadcast %sign3A_2975 : i32 to vector<16xi32>
    %ne3A_2977 = arith.cmpi ne, %sign3A_2968, %ne3A_2976 : vector<16xi32>
    %rem3A_2978 = vector.broadcast %jit3A_2957 : i32 to vector<16xi32>
    %rem3A_2979 = arith.remsi %add3A_2956, %rem3A_2978 : vector<16xi32>
    %ne3A_2980 = arith.constant 0 : i32
    %ne3A_2981 = vector.broadcast %ne3A_2980 : i32 to vector<16xi32>
    %ne3A_2982 = arith.cmpi ne, %rem3A_2979, %ne3A_2981 : vector<16xi32>
    %and3A_2983 = arith.andi %ne3A_2977, %ne3A_2982 : vector<16xi1>
    %sub3A_2984 = arith.constant 1 : i32
    %sub3A_2985 = vector.broadcast %sub3A_2984 : i32 to vector<16xi32>
    %sub3A_2986 = arith.subi %div3A_2959, %sub3A_2985 : vector<16xi32>
    %select_n3A_2987 = arith.select %and3A_2983, %sub3A_2986, %div3A_2959 : vector<16xi1>, vector<16xi32>
    %swap3A_2988 = arith.constant 0 : index
    %swap3A_2989 = tpu.vector_load %arg14[%swap3A_2988] {strides = array<i32>} : memref<32xi32, #tpu.memory_space<vmem>>, vector<16xi32>,
    tpu.vector_store %arg14[%swap3A_2988], %select_n3A_2987 {strides = array<i32>} : memref<32xi32, #tpu.memory_space<vmem>>, vector<16xi32>,
    %add3A_2990 = arith.constant 64 : i32
    %add3A_2991 = arith.addi %mul3A_2, %add3A_2990 : i32
    %add3A_2992 = arith.constant 16 : i32
    %add3A_2993 = arith.addi %add3A_2991, %add3A_2992 : i32
    %add3A_2994 = vector.broadcast %add3A_2993 : i32 to vector<16xi32>
    %add3A_2995 = arith.addi %add3A_2994, %iota3A : vector<16xi32>
    %jit3A_2996 = arith.constant 2 : i32
    %div3A_2997 = vector.broadcast %jit3A_2996 : i32 to vector<16xi32>
    %div3A_2998 = arith.divsi %add3A_2995, %div3A_2997 : vector<16xi32>
    %sign3A_2999 = arith.constant 0 : i32
    %sign3A_3000 = vector.broadcast %sign3A_2999 : i32 to vector<16xi32>
    %sign3A_3001 = arith.cmpi sgt, %add3A_2995, %sign3A_3000 : vector<16xi32>
    %sign3A_3002 = arith.extui %sign3A_3001 : vector<16xi1> to vector<16xi32>
    %sign3A_3003 = arith.constant 0 : i32
    %sign3A_3004 = vector.broadcast %sign3A_3003 : i32 to vector<16xi32>
    %sign3A_3005 = arith.cmpi slt, %add3A_2995, %sign3A_3004 : vector<16xi32>
    %sign3A_3006 = arith.extui %sign3A_3005 : vector<16xi1> to vector<16xi32>
    %sign3A_3007 = arith.subi %sign3A_3002, %sign3A_3006 : vector<16xi32>
    %sign3A_3008 = arith.constant 0 : i32
    %sign3A_3009 = arith.cmpi sgt, %jit3A_2996, %sign3A_3008 : i32
    %sign3A_3010 = arith.extui %sign3A_3009 : i1 to i32
    %sign3A_3011 = arith.constant 0 : i32
    %sign3A_3012 = arith.cmpi slt, %jit3A_2996, %sign3A_3011 : i32
    %sign3A_3013 = arith.extui %sign3A_3012 : i1 to i32
    %sign3A_3014 = arith.subi %sign3A_3010, %sign3A_3013 : i32
    %ne3A_3015 = vector.broadcast %sign3A_3014 : i32 to vector<16xi32>
    %ne3A_3016 = arith.cmpi ne, %sign3A_3007, %ne3A_3015 : vector<16xi32>
    %rem3A_3017 = vector.broadcast %jit3A_2996 : i32 to vector<16xi32>
    %rem3A_3018 = arith.remsi %add3A_2995, %rem3A_3017 : vector<16xi32>
    %ne3A_3019 = arith.constant 0 : i32
    %ne3A_3020 = vector.broadcast %ne3A_3019 : i32 to vector<16xi32>
    %ne3A_3021 = arith.cmpi ne, %rem3A_3018, %ne3A_3020 : vector<16xi32>
    %and3A_3022 = arith.andi %ne3A_3016, %ne3A_3021 : vector<16xi1>
    %sub3A_3023 = arith.constant 1 : i32
    %sub3A_3024 = vector.broadcast %sub3A_3023 : i32 to vector<16xi32>
    %sub3A_3025 = arith.subi %div3A_2998, %sub3A_3024 : vector<16xi32>
    %select_n3A_3026 = arith.select %and3A_3022, %sub3A_3025, %div3A_2998 : vector<16xi1>, vector<16xi32>
    %swap3A_3027 = arith.constant 16 : index
    %swap3A_3028 = tpu.vector_load %arg14[%swap3A_3027] {strides = array<i32>} : memref<32xi32, #tpu.memory_space<vmem>>, vector<16xi32>,
    tpu.vector_store %arg14[%swap3A_3027], %select_n3A_3026 {strides = array<i32>} : memref<32xi32, #tpu.memory_space<vmem>>, vector<16xi32>,
    %dma_start3A_3029 = arith.constant 0 : i32
    %dma_start3A_3030 = arith.constant 0 : i32
    %dma_start3A_3031 = tpu.memref_slice %arg3[%dma_start3A_3029, %dma_start3A_3030] : memref<2048x2048xf32, #tpu.memory_space<hbm>> -> memref<2048x2048xf32, #tpu.memory_space<hbm>>
    tpu.enqueue_indirect_dma source(%dma_start3A_3031 : memref<2048x2048xf32, #tpu.memory_space<hbm>>) target(%arg15 : memref<32x2048xf32, #tpu.memory_space<vmem>>) offsets(%arg14 : memref<32xi32, #tpu.memory_space<vmem>>) semaphore(%arg17 : memref<!tpu.dma_semaphore, #tpu.memory_space<semaphore_mem>>)
    %dma_wait3A_3032 = arith.constant 0 : i32
    %dma_wait3A_3033 = arith.constant 0 : i32
    %dma_wait3A_3034 = tpu.memref_slice %arg3[%dma_wait3A_3032, %dma_wait3A_3033] : memref<2048x2048xf32, #tpu.memory_space<hbm>> -> memref<2048x2048xf32, #tpu.memory_space<hbm>>
    tpu.wait_indirect_dma semaphore(%arg17 : memref<!tpu.dma_semaphore, #tpu.memory_space<semaphore_mem>>) src(%dma_wait3A_3034 : memref<2048x2048xf32, #tpu.memory_space<hbm>>) dst(%arg15 : memref<32x2048xf32, #tpu.memory_space<vmem>>)
    %dma_start3A_3035 = arith.constant 0 : i32
    %dma_start3A_3036 = arith.constant 0 : i32
    %dma_start3A_3037 = tpu.memref_slice %arg4[%dma_start3A_3035, %dma_start3A_3036] : memref<6144x2048xf32, #tpu.memory_space<hbm>> -> memref<6144x2048xf32, #tpu.memory_space<hbm>>
    tpu.enqueue_indirect_dma source(%arg15 : memref<32x2048xf32, #tpu.memory_space<vmem>>) target(%dma_start3A_3037 : memref<6144x2048xf32, #tpu.memory_space<hbm>>) offsets(%arg12 : memref<32xi32, #tpu.memory_space<vmem>>) semaphore(%arg18 : memref<!tpu.dma_semaphore, #tpu.memory_space<semaphore_mem>>)
    %dma_wait3A_3038 = arith.constant 0 : i32
    %dma_wait3A_3039 = arith.constant 0 : i32
    %dma_wait3A_3040 = tpu.memref_slice %arg4[%dma_wait3A_3038, %dma_wait3A_3039] : memref<6144x2048xf32, #tpu.memory_space<hbm>> -> memref<6144x2048xf32, #tpu.memory_space<hbm>>
    tpu.wait_indirect_dma semaphore(%arg18 : memref<!tpu.dma_semaphore, #tpu.memory_space<semaphore_mem>>) src(%arg15 : memref<32x2048xf32, #tpu.memory_space<vmem>>) dst(%dma_wait3A_3040 : memref<6144x2048xf32, #tpu.memory_space<hbm>>)
    %add3A_3041 = arith.constant 96 : i32
    %add3A_3042 = arith.addi %mul3A_2, %add3A_3041 : i32
    %add3A_3043 = arith.constant 0 : i32
    %add3A_3044 = arith.addi %add3A_3042, %add3A_3043 : i32
    %add3A_3045 = vector.broadcast %add3A_3044 : i32 to vector<16xi32>
    %add3A_3046 = arith.addi %add3A_3045, %iota3A : vector<16xi32>
    %jit3A_3047 = arith.constant 2 : i32
    %div3A_3048 = vector.broadcast %jit3A_3047 : i32 to vector<16xi32>
    %div3A_3049 = arith.divsi %add3A_3046, %div3A_3048 : vector<16xi32>
    %sign3A_3050 = arith.constant 0 : i32
    %sign3A_3051 = vector.broadcast %sign3A_3050 : i32 to vector<16xi32>
    %sign3A_3052 = arith.cmpi sgt, %add3A_3046, %sign3A_3051 : vector<16xi32>
    %sign3A_3053 = arith.extui %sign3A_3052 : vector<16xi1> to vector<16xi32>
    %sign3A_3054 = arith.constant 0 : i32
    %sign3A_3055 = vector.broadcast %sign3A_3054 : i32 to vector<16xi32>
    %sign3A_3056 = arith.cmpi slt, %add3A_3046, %sign3A_3055 : vector<16xi32>
    %sign3A_3057 = arith.extui %sign3A_3056 : vector<16xi1> to vector<16xi32>
    %sign3A_3058 = arith.subi %sign3A_3053, %sign3A_3057 : vector<16xi32>
    %sign3A_3059 = arith.constant 0 : i32
    %sign3A_3060 = arith.cmpi sgt, %jit3A_3047, %sign3A_3059 : i32
    %sign3A_3061 = arith.extui %sign3A_3060 : i1 to i32
    %sign3A_3062 = arith.constant 0 : i32
    %sign3A_3063 = arith.cmpi slt, %jit3A_3047, %sign3A_3062 : i32
    %sign3A_3064 = arith.extui %sign3A_3063 : i1 to i32
    %sign3A_3065 = arith.subi %sign3A_3061, %sign3A_3064 : i32
    %ne3A_3066 = vector.broadcast %sign3A_3065 : i32 to vector<16xi32>
    %ne3A_3067 = arith.cmpi ne, %sign3A_3058, %ne3A_3066 : vector<16xi32>
    %rem3A_3068 = vector.broadcast %jit3A_3047 : i32 to vector<16xi32>
    %rem3A_3069 = arith.remsi %add3A_3046, %rem3A_3068 : vector<16xi32>
    %ne3A_3070 = arith.constant 0 : i32
    %ne3A_3071 = vector.broadcast %ne3A_3070 : i32 to vector<16xi32>
    %ne3A_3072 = arith.cmpi ne, %rem3A_3069, %ne3A_3071 : vector<16xi32>
    %and3A_3073 = arith.andi %ne3A_3067, %ne3A_3072 : vector<16xi1>
    %sub3A_3074 = arith.constant 1 : i32
    %sub3A_3075 = vector.broadcast %sub3A_3074 : i32 to vector<16xi32>
    %sub3A_3076 = arith.subi %div3A_3049, %sub3A_3075 : vector<16xi32>
    %select_n3A_3077 = arith.select %and3A_3073, %sub3A_3076, %div3A_3049 : vector<16xi1>, vector<16xi32>
    %swap3A_3078 = arith.constant 0 : index
    %swap3A_3079 = tpu.vector_load %arg14[%swap3A_3078] {strides = array<i32>} : memref<32xi32, #tpu.memory_space<vmem>>, vector<16xi32>,
    tpu.vector_store %arg14[%swap3A_3078], %select_n3A_3077 {strides = array<i32>} : memref<32xi32, #tpu.memory_space<vmem>>, vector<16xi32>,
    %add3A_3080 = arith.constant 96 : i32
    %add3A_3081 = arith.addi %mul3A_2, %add3A_3080 : i32
    %add3A_3082 = arith.constant 16 : i32
    %add3A_3083 = arith.addi %add3A_3081, %add3A_3082 : i32
    %add3A_3084 = vector.broadcast %add3A_3083 : i32 to vector<16xi32>
    %add3A_3085 = arith.addi %add3A_3084, %iota3A : vector<16xi32>
    %jit3A_3086 = arith.constant 2 : i32
    %div3A_3087 = vector.broadcast %jit3A_3086 : i32 to vector<16xi32>
    %div3A_3088 = arith.divsi %add3A_3085, %div3A_3087 : vector<16xi32>
    %sign3A_3089 = arith.constant 0 : i32
    %sign3A_3090 = vector.broadcast %sign3A_3089 : i32 to vector<16xi32>
    %sign3A_3091 = arith.cmpi sgt, %add3A_3085, %sign3A_3090 : vector<16xi32>
    %sign3A_3092 = arith.extui %sign3A_3091 : vector<16xi1> to vector<16xi32>
    %sign3A_3093 = arith.constant 0 : i32
    %sign3A_3094 = vector.broadcast %sign3A_3093 : i32 to vector<16xi32>
    %sign3A_3095 = arith.cmpi slt, %add3A_3085, %sign3A_3094 : vector<16xi32>
    %sign3A_3096 = arith.extui %sign3A_3095 : vector<16xi1> to vector<16xi32>
    %sign3A_3097 = arith.subi %sign3A_3092, %sign3A_3096 : vector<16xi32>
    %sign3A_3098 = arith.constant 0 : i32
    %sign3A_3099 = arith.cmpi sgt, %jit3A_3086, %sign3A_3098 : i32
    %sign3A_3100 = arith.extui %sign3A_3099 : i1 to i32
    %sign3A_3101 = arith.constant 0 : i32
    %sign3A_3102 = arith.cmpi slt, %jit3A_3086, %sign3A_3101 : i32
    %sign3A_3103 = arith.extui %sign3A_3102 : i1 to i32
    %sign3A_3104 = arith.subi %sign3A_3100, %sign3A_3103 : i32
    %ne3A_3105 = vector.broadcast %sign3A_3104 : i32 to vector<16xi32>
    %ne3A_3106 = arith.cmpi ne, %sign3A_3097, %ne3A_3105 : vector<16xi32>
    %rem3A_3107 = vector.broadcast %jit3A_3086 : i32 to vector<16xi32>
    %rem3A_3108 = arith.remsi %add3A_3085, %rem3A_3107 : vector<16xi32>
    %ne3A_3109 = arith.constant 0 : i32
    %ne3A_3110 = vector.broadcast %ne3A_3109 : i32 to vector<16xi32>
    %ne3A_3111 = arith.cmpi ne, %rem3A_3108, %ne3A_3110 : vector<16xi32>
    %and3A_3112 = arith.andi %ne3A_3106, %ne3A_3111 : vector<16xi1>
    %sub3A_3113 = arith.constant 1 : i32
    %sub3A_3114 = vector.broadcast %sub3A_3113 : i32 to vector<16xi32>
    %sub3A_3115 = arith.subi %div3A_3088, %sub3A_3114 : vector<16xi32>
    %select_n3A_3116 = arith.select %and3A_3112, %sub3A_3115, %div3A_3088 : vector<16xi1>, vector<16xi32>
    %swap3A_3117 = arith.constant 16 : index
    %swap3A_3118 = tpu.vector_load %arg14[%swap3A_3117] {strides = array<i32>} : memref<32xi32, #tpu.memory_space<vmem>>, vector<16xi32>,
    tpu.vector_store %arg14[%swap3A_3117], %select_n3A_3116 {strides = array<i32>} : memref<32xi32, #tpu.memory_space<vmem>>, vector<16xi32>,
    %dma_start3A_3119 = arith.constant 0 : i32
    %dma_start3A_3120 = arith.constant 0 : i32
    %dma_start3A_3121 = tpu.memref_slice %arg3[%dma_start3A_3119, %dma_start3A_3120] : memref<2048x2048xf32, #tpu.memory_space<hbm>> -> memref<2048x2048xf32, #tpu.memory_space<hbm>>
    tpu.enqueue_indirect_dma source(%dma_start3A_3121 : memref<2048x2048xf32, #tpu.memory_space<hbm>>) target(%arg15 : memref<32x2048xf32, #tpu.memory_space<vmem>>) offsets(%arg14 : memref<32xi32, #tpu.memory_space<vmem>>) semaphore(%arg17 : memref<!tpu.dma_semaphore, #tpu.memory_space<semaphore_mem>>)
    %dma_wait3A_3122 = arith.constant 0 : i32
    %dma_wait3A_3123 = arith.constant 0 : i32
    %dma_wait3A_3124 = tpu.memref_slice %arg3[%dma_wait3A_3122, %dma_wait3A_3123] : memref<2048x2048xf32, #tpu.memory_space<hbm>> -> memref<2048x2048xf32, #tpu.memory_space<hbm>>
    tpu.wait_indirect_dma semaphore(%arg17 : memref<!tpu.dma_semaphore, #tpu.memory_space<semaphore_mem>>) src(%dma_wait3A_3124 : memref<2048x2048xf32, #tpu.memory_space<hbm>>) dst(%arg15 : memref<32x2048xf32, #tpu.memory_space<vmem>>)
    %dma_start3A_3125 = arith.constant 0 : i32
    %dma_start3A_3126 = arith.constant 0 : i32
    %dma_start3A_3127 = tpu.memref_slice %arg4[%dma_start3A_3125, %dma_start3A_3126] : memref<6144x2048xf32, #tpu.memory_space<hbm>> -> memref<6144x2048xf32, #tpu.memory_space<hbm>>
    tpu.enqueue_indirect_dma source(%arg15 : memref<32x2048xf32, #tpu.memory_space<vmem>>) target(%dma_start3A_3127 : memref<6144x2048xf32, #tpu.memory_space<hbm>>) offsets(%arg13 : memref<32xi32, #tpu.memory_space<vmem>>) semaphore(%arg18 : memref<!tpu.dma_semaphore, #tpu.memory_space<semaphore_mem>>)
    %dma_wait3A_3128 = arith.constant 0 : i32
    %dma_wait3A_3129 = arith.constant 0 : i32
    %dma_wait3A_3130 = tpu.memref_slice %arg4[%dma_wait3A_3128, %dma_wait3A_3129] : memref<6144x2048xf32, #tpu.memory_space<hbm>> -> memref<6144x2048xf32, #tpu.memory_space<hbm>>
    tpu.wait_indirect_dma semaphore(%arg18 : memref<!tpu.dma_semaphore, #tpu.memory_space<semaphore_mem>>) src(%arg15 : memref<32x2048xf32, #tpu.memory_space<vmem>>) dst(%dma_wait3A_3130 : memref<6144x2048xf32, #tpu.memory_space<hbm>>)
    return
  }
}

module attributes {stable_mosaic.version = 14 : i64} {
  func.func @_ffn_body(%arg0: i32, %arg1: memref<32xi32, #tpu.memory_space<smem>>, %arg2: memref<16xi32, #tpu.memory_space<smem>>, %arg3: memref<256x2048xf32, #tpu.memory_space<vmem>>, %arg4: memref<1x1408x2048xbf16, #tpu.memory_space<vmem>>, %arg5: memref<1x1408x2048xbf16, #tpu.memory_space<vmem>>, %arg6: memref<1x2048x1408xf32, #tpu.memory_space<vmem>>, %arg7: memref<256x2048xf32, #tpu.memory_space<vmem>>, %arg8: memref<2048x1408xbf16, #tpu.memory_space<vmem>>) attributes {dimension_semantics = [#tpu.dimension_semantics<arbitrary>], iteration_bounds = array<i64: 24>, scalar_prefetch = 2 : i64, scratch_operands = 1 : i64, tpu.core_type = #tpu.core_type<tc>, window_params = [{transform_indices = @transform_0, window_bounds = array<i64: 256, 2048>}, {transform_indices = @transform_1, window_bounds = array<i64: 1, 1408, 2048>}, {transform_indices = @transform_2, window_bounds = array<i64: 1, 1408, 2048>}, {transform_indices = @transform_3, window_bounds = array<i64: 1, 2048, 1408>}, {transform_indices = @transform_4, window_bounds = array<i64: 256, 2048>}]} {
    %get3A = arith.constant 0 : index
    %get3A_0 = memref.load %arg2[%get3A] : memref<16xi32, #tpu.memory_space<smem>>
    %lt3A = arith.cmpi slt, %arg0, %get3A_0 : i32
    %convert_element_type3A = arith.extui %lt3A : i1 to i32
    %cond3A = arith.constant 0 : i32
    %cond3A_1 = arith.cmpi ne, %convert_element_type3A, %cond3A : i32
    scf.if %cond3A_1 {
      %eq3A = arith.constant 0 : i32
      %eq3A_2 = arith.cmpi eq, %arg0, %eq3A : i32
      %get3A_3 = arith.index_cast %arg0 : i32 to index
      %get3A_4 = memref.load %arg1[%get3A_3] : memref<32xi32, #tpu.memory_space<smem>>
      %sub3A = arith.constant 1 : i32
      %sub3A_5 = arith.subi %arg0, %sub3A : i32
      %max3A = arith.constant 0 : i32
      %max3A_6 = arith.maxsi %sub3A_5, %max3A : i32
      %get3A_7 = arith.index_cast %max3A_6 : i32 to index
      %get3A_8 = memref.load %arg1[%get3A_7] : memref<32xi32, #tpu.memory_space<smem>>
      %ne3A = arith.cmpi ne, %get3A_4, %get3A_8 : i32
      %or3A = arith.ori %eq3A_2, %ne3A : i1
      %convert_element_type3A_9 = arith.extui %or3A : i1 to i32
      %cond3A_10 = arith.constant 0 : i32
      %cond3A_11 = arith.cmpi ne, %convert_element_type3A_9, %cond3A_10 : i32
      scf.if %cond3A_11 {
        %get3A_43 = arith.constant 0 : index
        %get3A_44 = arith.constant 0 : index
        %get3A_45 = arith.constant 0 : index
        %get3A_46 = vector.load %arg6[%get3A_43, %get3A_44, %get3A_45] : memref<1x2048x1408xf32, #tpu.memory_space<vmem>>, vector<1x2048x1408xf32>
        %get3A_47 = vector.shape_cast %get3A_46 : vector<1x2048x1408xf32> to vector<2048x1408xf32>
        %convert_element_type3A_48 = arith.truncf %get3A_47 : vector<2048x1408xf32> to vector<2048x1408xbf16>
        %swap3A_49 = arith.constant 0 : index
        %swap3A_50 = arith.constant 0 : index
        %swap3A_51 = vector.load %arg8[%swap3A_49, %swap3A_50] : memref<2048x1408xbf16, #tpu.memory_space<vmem>>, vector<2048x1408xbf16>
        tpu.vector_store %arg8[%swap3A_49, %swap3A_50], %convert_element_type3A_48 {strides = array<i32>} : memref<2048x1408xbf16, #tpu.memory_space<vmem>>, vector<2048x1408xbf16>,
      } else {
      }
      %get3A_12 = arith.constant 0 : index
      %get3A_13 = arith.constant 0 : index
      %get3A_14 = vector.load %arg3[%get3A_12, %get3A_13] : memref<256x2048xf32, #tpu.memory_space<vmem>>, vector<256x2048xf32>
      %convert_element_type3A_15 = arith.truncf %get3A_14 : vector<256x2048xf32> to vector<256x2048xbf16>
      %get3A_16 = arith.constant 0 : index
      %get3A_17 = arith.constant 0 : index
      %get3A_18 = arith.constant 0 : index
      %get3A_19 = vector.load %arg4[%get3A_16, %get3A_17, %get3A_18] : memref<1x1408x2048xbf16, #tpu.memory_space<vmem>>, vector<1x1408x2048xbf16>
      %get3A_20 = vector.shape_cast %get3A_19 : vector<1x1408x2048xbf16> to vector<1408x2048xbf16>
      %get3A_21 = arith.constant 0 : index
      %get3A_22 = arith.constant 0 : index
      %get3A_23 = arith.constant 0 : index
      %get3A_24 = vector.load %arg5[%get3A_21, %get3A_22, %get3A_23] : memref<1x1408x2048xbf16, #tpu.memory_space<vmem>>, vector<1x1408x2048xbf16>
      %get3A_25 = vector.shape_cast %get3A_24 : vector<1x1408x2048xbf16> to vector<1408x2048xbf16>
      %get3A_26 = arith.constant 0 : index
      %get3A_27 = arith.constant 0 : index
      %get3A_28 = vector.load %arg8[%get3A_26, %get3A_27] : memref<2048x1408xbf16, #tpu.memory_space<vmem>>, vector<2048x1408xbf16>
      %dot_general3A = arith.constant dense<0.000000e+00> : vector<256x1408xf32>
      %dot_general3A_29 = tpu.matmul %convert_element_type3A_15, %get3A_20, %dot_general3A {dimension_numbers = #tpu.dot_dimension_numbers<[1], [1], [0], [0], [0, 0, 1, 0], [], []>, transpose_lhs_hint = false} : vector<256x2048xbf16>, vector<1408x2048xbf16>, vector<256x1408xf32> -> vector<256x1408xf32>
      %dot_general3A_30 = arith.constant dense<0.000000e+00> : vector<256x1408xf32>
      %dot_general3A_31 = tpu.matmul %convert_element_type3A_15, %get3A_25, %dot_general3A_30 {dimension_numbers = #tpu.dot_dimension_numbers<[1], [1], [0], [0], [0, 0, 1, 0], [], []>, transpose_lhs_hint = false} : vector<256x2048xbf16>, vector<1408x2048xbf16>, vector<256x1408xf32> -> vector<256x1408xf32>
      %logistic3A = arith.negf %dot_general3A_29 : vector<256x1408xf32>
      %logistic3A_32 = math.exp %logistic3A : vector<256x1408xf32>
      %logistic3A_33 = arith.constant 1.000000e+00 : f32
      %logistic3A_34 = vector.broadcast %logistic3A_33 : f32 to vector<256x1408xf32>
      %logistic3A_35 = arith.addf %logistic3A_34, %logistic3A_32 : vector<256x1408xf32>
      %logistic3A_36 = arith.divf %logistic3A_34, %logistic3A_35 : vector<256x1408xf32>
      %mul3A = arith.mulf %dot_general3A_29, %logistic3A_36 : vector<256x1408xf32>
      %mul3A_37 = arith.mulf %mul3A, %dot_general3A_31 : vector<256x1408xf32>
      %convert_element_type3A_38 = arith.truncf %mul3A_37 : vector<256x1408xf32> to vector<256x1408xbf16>
      %dot_general3A_39 = arith.constant dense<0.000000e+00> : vector<256x2048xf32>
      %dot_general3A_40 = tpu.matmul %convert_element_type3A_38, %get3A_28, %dot_general3A_39 {dimension_numbers = #tpu.dot_dimension_numbers<[1], [1], [0], [0], [0, 0, 1, 0], [], []>, transpose_lhs_hint = false} : vector<256x1408xbf16>, vector<2048x1408xbf16>, vector<256x2048xf32> -> vector<256x2048xf32>
      %swap3A = arith.constant 0 : index
      %swap3A_41 = arith.constant 0 : index
      %swap3A_42 = vector.load %arg7[%swap3A, %swap3A_41] : memref<256x2048xf32, #tpu.memory_space<vmem>>, vector<256x2048xf32>
      tpu.vector_store %arg7[%swap3A, %swap3A_41], %dot_general3A_40 {strides = array<i32>} : memref<256x2048xf32, #tpu.memory_space<vmem>>, vector<256x2048xf32>,
    } else {
    }
    return
  }
  func.func @transform_0(%arg0: i32, %arg1: memref<32xi32, #tpu.memory_space<smem>>, %arg2: memref<16xi32, #tpu.memory_space<smem>>) -> (i32, i32) {
    %get3A = arith.constant 0 : index
    %get3A_0 = memref.load %arg2[%get3A] : memref<16xi32, #tpu.memory_space<smem>>
    %sub3A = arith.constant 1 : i32
    %sub3A_1 = arith.subi %get3A_0, %sub3A : i32
    %min3A = arith.minsi %arg0, %sub3A_1 : i32
    %c0_i32 = arith.constant 0 : i32
    %c0_i32_2 = arith.constant 0 : i32
    return %min3A, %c0_i32 : i32, i32
  }
  func.func @transform_1(%arg0: i32, %arg1: memref<32xi32, #tpu.memory_space<smem>>, %arg2: memref<16xi32, #tpu.memory_space<smem>>) -> (i32, i32, i32) {
    %get3A = arith.index_cast %arg0 : i32 to index
    %get3A_0 = memref.load %arg1[%get3A] : memref<32xi32, #tpu.memory_space<smem>>
    %c0_i32 = arith.constant 0 : i32
    %c0_i32_1 = arith.constant 0 : i32
    %c0_i32_2 = arith.constant 0 : i32
    return %get3A_0, %c0_i32, %c0_i32_1 : i32, i32, i32
  }
  func.func @transform_2(%arg0: i32, %arg1: memref<32xi32, #tpu.memory_space<smem>>, %arg2: memref<16xi32, #tpu.memory_space<smem>>) -> (i32, i32, i32) {
    %get3A = arith.index_cast %arg0 : i32 to index
    %get3A_0 = memref.load %arg1[%get3A] : memref<32xi32, #tpu.memory_space<smem>>
    %c0_i32 = arith.constant 0 : i32
    %c0_i32_1 = arith.constant 0 : i32
    %c0_i32_2 = arith.constant 0 : i32
    return %get3A_0, %c0_i32, %c0_i32_1 : i32, i32, i32
  }
  func.func @transform_3(%arg0: i32, %arg1: memref<32xi32, #tpu.memory_space<smem>>, %arg2: memref<16xi32, #tpu.memory_space<smem>>) -> (i32, i32, i32) {
    %get3A = arith.index_cast %arg0 : i32 to index
    %get3A_0 = memref.load %arg1[%get3A] : memref<32xi32, #tpu.memory_space<smem>>
    %c0_i32 = arith.constant 0 : i32
    %c0_i32_1 = arith.constant 0 : i32
    %c0_i32_2 = arith.constant 0 : i32
    return %get3A_0, %c0_i32, %c0_i32_1 : i32, i32, i32
  }
  func.func @transform_4(%arg0: i32, %arg1: memref<32xi32, #tpu.memory_space<smem>>, %arg2: memref<16xi32, #tpu.memory_space<smem>>) -> (i32, i32) {
    %get3A = arith.constant 0 : index
    %get3A_0 = memref.load %arg2[%get3A] : memref<16xi32, #tpu.memory_space<smem>>
    %sub3A = arith.constant 1 : i32
    %sub3A_1 = arith.subi %get3A_0, %sub3A : i32
    %min3A = arith.minsi %arg0, %sub3A_1 : i32
    %c0_i32 = arith.constant 0 : i32
    %c0_i32_2 = arith.constant 0 : i32
    return %min3A, %c0_i32 : i32, i32
  }
}

module attributes {stable_mosaic.version = 14 : i64} {
  func.func @_combine_body(%arg0: i32, %arg1: memref<512x2xf32, #tpu.memory_space<vmem>>, %arg2: memref<1x512x2048xf32, #tpu.memory_space<vmem>>, %arg3: memref<1x512x2048xf32, #tpu.memory_space<vmem>>, %arg4: memref<512x2048xf32, #tpu.memory_space<vmem>>) attributes {dimension_semantics = [#tpu.dimension_semantics<arbitrary>], iteration_bounds = array<i64: 4>, scalar_prefetch = 0 : i64, scratch_operands = 0 : i64, tpu.core_type = #tpu.core_type<tc>, window_params = [{transform_indices = @transform_0, window_bounds = array<i64: 512, 2>}, {transform_indices = @transform_1, window_bounds = array<i64: 1, 512, 2048>}, {transform_indices = @transform_2, window_bounds = array<i64: 1, 512, 2048>}, {transform_indices = @transform_3, window_bounds = array<i64: 512, 2048>}]} {
    %get3A = arith.constant 0 : index
    %get3A_0 = arith.constant 0 : index
    %get3A_1 = vector.load %arg1[%get3A, %get3A_0] : memref<512x2xf32, #tpu.memory_space<vmem>>, vector<512x2xf32>
    %slice3A = vector.extract_strided_slice %get3A_1 {offsets = [0, 0], sizes = [512, 1], strides = [1, 1]} : vector<512x2xf32> to vector<512x1xf32>
    %get3A_2 = arith.constant 0 : index
    %get3A_3 = arith.constant 0 : index
    %get3A_4 = arith.constant 0 : index
    %get3A_5 = vector.load %arg2[%get3A_2, %get3A_3, %get3A_4] : memref<1x512x2048xf32, #tpu.memory_space<vmem>>, vector<1x512x2048xf32>
    %get3A_6 = vector.shape_cast %get3A_5 : vector<1x512x2048xf32> to vector<512x2048xf32>
    %mul3A = vector.broadcast %slice3A : vector<512x1xf32> to vector<512x2048xf32>
    %mul3A_7 = arith.mulf %mul3A, %get3A_6 : vector<512x2048xf32>
    %slice3A_8 = vector.extract_strided_slice %get3A_1 {offsets = [0, 1], sizes = [512, 1], strides = [1, 1]} : vector<512x2xf32> to vector<512x1xf32>
    %get3A_9 = arith.constant 0 : index
    %get3A_10 = arith.constant 0 : index
    %get3A_11 = arith.constant 0 : index
    %get3A_12 = vector.load %arg3[%get3A_9, %get3A_10, %get3A_11] : memref<1x512x2048xf32, #tpu.memory_space<vmem>>, vector<1x512x2048xf32>
    %get3A_13 = vector.shape_cast %get3A_12 : vector<1x512x2048xf32> to vector<512x2048xf32>
    %mul3A_14 = vector.broadcast %slice3A_8 : vector<512x1xf32> to vector<512x2048xf32>
    %mul3A_15 = arith.mulf %mul3A_14, %get3A_13 : vector<512x2048xf32>
    %add3A = arith.addf %mul3A_7, %mul3A_15 : vector<512x2048xf32>
    %swap3A = arith.constant 0 : index
    %swap3A_16 = arith.constant 0 : index
    %swap3A_17 = vector.load %arg4[%swap3A, %swap3A_16] : memref<512x2048xf32, #tpu.memory_space<vmem>>, vector<512x2048xf32>
    tpu.vector_store %arg4[%swap3A, %swap3A_16], %add3A {strides = array<i32>} : memref<512x2048xf32, #tpu.memory_space<vmem>>, vector<512x2048xf32>,
    return
  }
  func.func @transform_0(%arg0: i32) -> (i32, i32) {
    %c0_i32 = arith.constant 0 : i32
    %c0_i32_0 = arith.constant 0 : i32
    return %arg0, %c0_i32 : i32, i32
  }
  func.func @transform_1(%arg0: i32) -> (i32, i32, i32) {
    %c0_i32 = arith.constant 0 : i32
    %c0_i32_0 = arith.constant 0 : i32
    %c0_i32_1 = arith.constant 0 : i32
    return %c0_i32, %arg0, %c0_i32_0 : i32, i32, i32
  }
  func.func @transform_2(%arg0: i32) -> (i32, i32, i32) {
    %c1_i32 = arith.constant 1 : i32
    %c0_i32 = arith.constant 0 : i32
    %c0_i32_0 = arith.constant 0 : i32
    return %c1_i32, %arg0, %c0_i32 : i32, i32, i32
  }
  func.func @transform_3(%arg0: i32) -> (i32, i32) {
    %c0_i32 = arith.constant 0 : i32
    %c0_i32_0 = arith.constant 0 : i32
    return %arg0, %c0_i32 : i32, i32
  }
}

</mosaic_0001>

<sc_bundles>
// kernel: kernel.6.cloned.1.call-start
scs
__scs_entry_jumppad:
0x0: {  	(pc) =	sbr.rel $0x88, $3  }
0x1: {  	(tag) =	ssettag $0x0;
	lr =	simm.s32 $0x1  }
0x2: {  	[smem:$0x3F9B] =	sst lr;
	_ =	strace $0xD0000000  }
0x3: {  	_ = 	snop  }
0x4: {  	_ = 	snop  }
0x5: {  	_ = 	snop  }
0x6: {  	_ = 	snop  }
0x7: {  	_ = 	snop  }
__scs_overlays_trampoline_lowered:
0x8: {  	[smem:$0x3FAA] =	sst s0  }
0x9: {  	[smem:$0x3FAB] =	sst s1  }
0xa: {  	[smem:$0x3FAC] =	sst s2  }
0xb: {  	[smem:$0x3FAD] =	sst s3  }
0xc: {  	[smem:$0x3FAE] =	sst s4  }
0xd: {  	[smem:$0x3FAF] =	sst s5  }
0xe: {  	[smem:$0x3FB0] =	sst s6  }
0xf: {  	[smem:$0x3FB1] =	sst s7  }
0x10: {  	[smem:$0x3FB2] =	sst s8  }
0x11: {  	[smem:$0x3FB3] =	sst s9;
	s0 =	simm.s32 @!p0 $0x0  }
0x12: {  	s1 =	sld [smem:$0x3F99];
	s0 =	simm.s32 @p0 $0x1  }
0x13: {  	[smem:$0x3FB4] =	sst s0;
	s0 =	simm.s32 @!p1 $0x0  }
0x14: {  	s2 =	sld [smem:$0x3F98];
	s0 =	simm.s32 @p1 $0x1  }
0x15: {  	[smem:$0x3FB5] =	sst s0;
	s0 =	simm.s32 @!p2 $0x0  }
0x16: {  	s3 =	sld [smem:$0x3FDB];
	s0 =	simm.s32 @p2 $0x1  }
0x17: {  	s4 =	simm.s32 $0x1BF5;
	[smem:$0x3FB7] =	sst s0  }
0x18: {  	s0 =	sld [smem:$0x3F9A];
	_ =	swait.ge [sflag:s4], $0x0  }
0x19: {  	s7 =	sld [smem:$0x3F9B]  }
0x1a: {  	s8 =	sadd.s32 $0xFFFFE003, lr  }
0x1b: {  	s9 =	sadd.s32 $0xFFFFFEF7, lr;
	s5 =	simm.s32 $0xFFFFFFFF;
	p2 =	slt.u32 s8, $0xFFFFF086  }
0x1c: {  	p1 =	slt.u32 s9, $0xF7A;
	s5 =	simm.s32 @!p2 $0x0  }
0x1d: {  	s5 =	simm.s32 @p1 $0x1;
	p0 =	seq.s32 s7, s2  }
0x1e: {  	s7 =	smul.u32 @!p0 $0xF7A, s2;
	p2 =	seq.s32 @!p0 s5, $0x0  }
0x1f: {  	s9 =	smul.u32 $0xF7A, s1;
	s8 =	simm.s32 @!p0 $0x1BF5;
	p2 =	por !p2, p0  }
0x20: {  	[sflag:s8] =	ssyncset.s32 @!p0 $0xFFFFF086;
	s6 =	sadd.s32 @!p0 s3, s7;
	s7 =	simm.s32 @!p0 $0x108  }
0x21: {  	s3 =	sadd.s32 s3, s9;
	s6 =	sadd.s32 @!p0 $0x88, s6;
	s7 =	simm.s32 @p2 $0x1082  }
0x22: {  	[simem:s7], [sflag:s8] =	dma.local @!p0 [hbm:s6], $0xF7A  }
0x23: {  	s9 =	sor.u32 $0xD0000000, s2;
	s6 =	simm.s32 $0x108;
	_ =	swait.ge @!p0 [sflag:s8], $0x0  }
0x24: {  	s3 =	sadd.s32 $0x88, s3;
	s6 =	simm.s32 @!p1 $0x1082;
	[sflag:s4] =	ssyncset.s32 $0xFFFFF086  }
0x25: {  	[simem:s6], [sflag:s4] =	dma.local [hbm:s3], $0xF7A  }
0x26: {  	[smem:$0x3F9B] =	sst s1;
	(tag) =	ssettag s2;
	_ =	strace s9  }
0x27: {  	s1 =	sld [smem:$0x3FAB]  }
0x28: {  	s2 =	sld [smem:$0x3FAC]  }
0x29: {  	s4 =	sld [smem:$0x3FAE]  }
0x2a: {  	p0 =	seq.s32 s5, $0x0;
	s5 =	sld [smem:$0x3FAF]  }
0x2b: {  	s6 =	sld [smem:$0x3FB0]  }
0x2c: {  	s7 =	sld [smem:$0x3FB1]  }
0x2d: {  	s3 =	simm.s32 $0x108;
	s8 =	sld [smem:$0x3FB2]  }
0x2e: {  	s3 =	simm.s32 @!p0 $0x1082;
	s9 =	sld [smem:$0x3FB3]  }
0x2f: {  	lr =	sadd.s32 s0, s3;
	s0 =	sld [smem:$0x3FAA]  }
0x30: {  	s3 =	sld [smem:$0x3FAD]  }
0x31: {  	[smem:$0x3FB6] =	sst s10  }
0x32: {  	s10 =	sld [smem:$0x3FB4];
	_ =	sdelay $0x3  }
0x33: {  	p0 =	seq.s32 s10, $0x1;
	s10 =	sld [smem:$0x3FB6];
	_ =	sdelay $0x3  }
0x34: {  	[smem:$0x3FB6] =	sst s10  }
0x35: {  	s10 =	sld [smem:$0x3FB5];
	_ =	sdelay $0x3  }
0x36: {  	p1 =	seq.s32 s10, $0x1;
	s10 =	sld [smem:$0x3FB6];
	_ =	sdelay $0x3  }
0x37: {  	[smem:$0x3FB6] =	sst s10  }
0x38: {  	s10 =	sld [smem:$0x3FB7]  }
0x39: {  	_ = 	snop;
	(pc) =	sbr.ind lr, $3  }
0x3a: {  	_ = 	snop  }
0x3b: {  	_ = 	snop  }
0x3c: {  	p2 =	seq.s32 s10, $0x1;
	s10 =	sld [smem:$0x3FB6]  }
0x3d: {  	_ =	shalt  }
0x3e: {  	_ =	shalt  }
0x3f: {  	_ =	shalt  }
0x40: {  	_ =	shalt  }
0x41: {  	_ =	shalt  }
0x42: {  	_ =	shalt  }
0x43: {  	_ =	shalt  }
0x44: {  	_ =	shalt  }
0x45: {  	_ =	shalt  }
0x46: {  	_ =	shalt  }
0x47: {  	_ =	shalt  }
0x48: {  	_ =	shalt  }
0x49: {  	_ =	shalt  }
0x4a: {  	_ =	shalt  }
0x4b: {  	_ =	shalt  }
0x4c: {  	_ =	shalt  }
0x4d: {  	_ =	shalt  }
0x4e: {  	_ =	shalt  }
0x4f: {  	_ =	shalt  }
0x50: {  	_ =	shalt  }
0x51: {  	_ =	shalt  }
0x52: {  	_ =	shalt  }
0x53: {  	_ =	shalt  }
0x54: {  	_ =	shalt  }
0x55: {  	_ =	shalt  }
0x56: {  	_ =	shalt  }
0x57: {  	_ =	shalt  }
0x58: {  	_ =	shalt  }
0x59: {  	_ =	shalt  }
0x5a: {  	_ =	shalt  }
0x5b: {  	_ =	shalt  }
0x5c: {  	_ =	shalt  }
0x5d: {  	_ =	shalt  }
0x5e: {  	_ =	shalt  }
0x5f: {  	_ =	shalt  }
0x60: {  	_ =	shalt  }
0x61: {  	_ =	shalt  }
0x62: {  	_ =	shalt  }
0x63: {  	_ =	shalt  }
0x64: {  	_ =	shalt  }
0x65: {  	_ =	shalt  }
0x66: {  	_ =	shalt  }
0x67: {  	_ =	shalt  }
0x68: {  	_ =	shalt  }
0x69: {  	_ =	shalt  }
0x6a: {  	_ =	shalt  }
0x6b: {  	_ =	shalt  }
0x6c: {  	_ =	shalt  }
0x6d: {  	_ =	shalt  }
0x6e: {  	_ =	shalt  }
0x6f: {  	_ =	shalt  }
0x70: {  	_ =	shalt  }
0x71: {  	_ =	shalt  }
0x72: {  	_ =	shalt  }
0x73: {  	_ =	shalt  }
0x74: {  	_ =	shalt  }
0x75: {  	_ =	shalt  }
0x76: {  	_ =	shalt  }
0x77: {  	_ =	shalt  }
0x78: {  	_ =	shalt  }
0x79: {  	_ =	shalt  }
0x7a: {  	_ =	shalt  }
0x7b: {  	_ =	shalt  }
0x7c: {  	_ =	shalt  }
0x7d: {  	_ =	shalt  }
0x7e: {  	_ =	shalt  }
0x7f: {  	_ =	shalt  }
0x80: {  	_ =	shalt  }
0x81: {  	_ =	shalt  }
0x82: {  	_ =	shalt  }
0x83: {  	_ =	shalt  }
0x84: {  	_ =	shalt  }
0x85: {  	_ =	shalt  }
0x86: {  	_ =	shalt  }
0x87: {  	_ =	shalt  }
.Lfunc_end0:
.L_simem_size_0:
called_computation_lowered:
.L_overlay_start_0:
0x88: {  	s2 =	sld [smem:$0x3FD9]  }
0x89: {  	s3 =	sld [smem:$0x3FFE];
	_ =	sdelay $0x1  }
0x8a: {  	s1 =	srdreg.scid  }
0x8b: {  	s0 =	sand.u32 $0x1, s1  }
0x8c: {  	s17 =	sshll.u32 s0, $0xA;
	s2 =	sadd.s32 s3, s2  }
0x8d: {  	s2 =	sadd.s32 s2, s17  }
0x8e: {  	[smem:$0x3FC2] =	sst s2  }
0x8f: {  	_ = 	snop  }
0x90: {  	s2 =	sld [smem:$0x3FC9]  }
0x91: {  	s18 =	sld [smem:$0x3FD0];
	(tm) =	ssettm $0x1  }
0x92: {  	s4 =	sld [smem:$0x3FFB];
	_ =	sdelay $0x3  }
0x93: {  	_ =	strace s4  }
0x94: {  	s4 =	sld [smem:$0x3FFC];
	_ =	sdelay $0x3  }
0x95: {  	_ =	strace s4  }
0x96: {  	s4 =	sld [smem:$0x3FFD];
	_ =	sdelay $0x3  }
0x97: {  	_ =	strace s4  }
0x98: {  	_ =	strace $0x8FFFFFFF  }
0x99: {  	s19 =	sld [smem:$0x3FDB];
	_ =	sdelay $0x1  }
0x9a: {  	s5 =	simm.s32 $_scs_section_size  }
0x9b: {  	s6 =	simm.s32 $_size__tile_overlayer_lowered;
	s7 =	simm.s32 $_tile_overlayer_lowered  }
0x9c: {  	s22 =	simm.s32 $0x1BFF;
	s21 =	sshll.u32 s7, $0x1;
	s4 =	sadd.s32 s5, s19  }
0x9d: {  	s8 =	simm.s32 $0x0;
	s20 =	sshll.u32 s6, $0x1;
	s6 =	sadd.s32 s21, s4  }
0x9e: {  	[timem:s8], [sflag:s22] =	dma.local [hbm:s6], s20  }
0x9f: {  	_ =	swait.ge [sflag:s22], s20  }
0xa0: {  	s5 =	ssub.s32 $0x0, s20;
	[sflag:s22] =	ssyncset.done $0x0  }
0xa1: {  	[sflag:s22] =	ssyncadd.s32 s5;
	_ =	sdelay $0x1  }
0xa2: {  	s23 =	simm.s32 $0x1B8B  }
0xa3: {  	_ =	swait.ge [sflag:s23], $0x1  }
0xa4: {  	[sflag:s23] =	ssyncset.done $0x0  }
0xa5: {  	s25 =	simm.s32 $0x1B8E;
	s24 =	sld [smem:$0x3FFE];
	[sflag:s23] =	ssyncadd.s32 $0xFFFFFFFF  }
0xa6: {  	s26 =	simm.s32 $execute0_lowered;
	[smem:$0x3FD2] =	sst s25  }
0xa7: {  	s6 =	sshll.u32 s26, $0x1;
	_ =	strace $0x80000046;
	[dreg:$0x1] =	wrdreg $0xFFFFFFFF  }
0xa8: {  	s28 =	simm.s32 $_size_execute0_lowered;
	s4 =	sadd.s32 s4, s6;
	[dreg:$0x0] =	wrdreg $0x0  }
0xa9: {  	s6 =	sshll.u32 s28, $0x1;
	[dreg:$0x2] =	wrdreg s4  }
0xaa: {  	[dreg:$0x3] =	wrdreg s6  }
0xab: {  	[dreg:$0x4] =	wrdreg $0xC0  }
0xac: {  	_ =	task [dreg:s8], $0x5FFFF  }
0xad: {  	[dreg:$0x1] =	wrdreg $0xFFFFFFFF  }
0xae: {  	[dreg:$0x0] =	wrdreg $0x60  }
0xaf: {  	[dreg:$0x2] =	wrdreg s18  }
0xb0: {  	[dreg:$0x3] =	wrdreg s2  }
0xb1: {  	[dreg:$0x4] =	wrdreg s24  }
0xb2: {  	[dreg:$0x5] =	wrdreg $0x9  }
0xb3: {  	_ =	task.clear_ibuf [dreg:s8], $0x6FFFF;
	_ =	strace $0x90000046  }
0xb4: {  	s29 =	simm.s32 $0x9;
	_ =	strace $0x80000048  }
0xb5: {  	_ =	swait.ge [sflag:s29], $0x1  }
0xb6: {  	[sflag:s29] =	ssyncadd.s32 $0xFFFFFFFF  }
0xb7: {  	_ =	strace $0x90000048  }
0xb8: {  	_ =	sfence  }
0xb9: {  	s30 =	sld [smem:$0x0];
	_ =	sdelay $0x2  }
0xba: {  	s31 =	sshll.u32 s1, $0xD;
	s1 =	sshrl.u32 s1, $0x2  }
0xbb: {  	s3 =	sand.u32 $0x4000, s31;
	s1 =	sadd.s32 s1, s30  }
0xbc: {  	s0 =	sor.u32 s3, s0;
	s1 =	sshll.u32 s1, $0x11  }
0xbd: {  	s0 =	sor.u32 s1, s0  }
0xbe: {  	s0 =	sadd.s32 $0x8F2B, s0  }
0xbf: {  	[sflag:s0] =	ssyncadd.remote.s32 $0x1  }
0xc0: {  	_ =	sfence.sel $0xFFFF  }
0xc1: {  	[dreg:$0x0] =	wrdreg $0xFFFFFFFF;
	(pc) =	sbr.abs _section_cstart, $3  }
0xc2: {  	[dreg:$0x1] =	wrdreg $0xFFFFFFFF  }
0xc3: {  	_ =	task.clear_ibuf [dreg:s8], $0x2FFFF;
	_ =	strace $0x9FFFFFFF  }
0xc4: {  	(tm) =	ssettm $0x7FFFFFFF  }
0xc5: {  	_ =	shalt  }
tec
execute0_lowered:
.L_overlay_start_1:
0x0: {  	(tag) =	ssettag $0x1  }
0x1: {  	s2 =	rddreg [dreg:$0x1]  }
0x2: {  	s0 =	rddreg [dreg:$0x2]  }
0x3: {  	s3 =	simm.s32 $0x0;
	s28 =	srdreg.scid;
	s18 =	stileid.u32  }
0x4: {  	[smem:$0x7FF] =	sst s3;
	s1 =	sadd.s32 $0xE00, s0;
	s6 =	sadd.s32 $0x181200, s0  }
0x5: {  	vm0 =	vcmask $0xF0C;
	vm1 =	vcmask $0x704;
	vm2 =	vcmask $0x1714;
	s7 =	sand.u32 $0x1, s28;
	s29 =	sadd.s32 $0x180E00, s0;
	s4 =	sshll.u32 s18, $0x1  }
0x6: {  	vm5 =	vcmask $0x2724;
	v0 =	vlaneseq.u32;
	s8 =	sadd.s32 $0x181000, s0;
	vm3 =	vmor vm1, vm0;
	s14 =	sadd.s32 $0x300, s2;
	s15 =	sadd.s32 $0x400, s2  }
0x7: {  	v6 =	vand.u32 $0x1, v0;
	_ =	strace $0x80000047;
	[dreg:$0xb] =	wrdreg s1;
	s4 =	sor.u32 s7, s4;
	vm4 =	vmor vm3, vm2;
	vm3 =	vcmask $0x1F1C  }
0x8: {  	vm7 =	vcmask $0x1B18;
	s18 =	sshll.u32 s18, $0x4;
	[dreg:$0x4] =	wrdreg s29;
	v6 =	vmul.u32 $0x40, v6;
	s5 =	sshll.u32 s4, $0x7;
	vm4 =	vmor vm4, vm3  }
0x9: {  	s19 =	sadd.s32 $0x1000, s0;
	[dreg:$0x5] =	wrdreg s8;
	s9 =	sshll.u32 s4, $0x6;
	vm4 =	vmor vm4, vm5;
	vm5 =	vcmask $0x2F2C;
	v1 =	vmov s5  }
0xa: {  	s21 =	sadd.s32 $0x1100, s0;
	s23 =	sadd.s32 $0x1200, s0;
	[dreg:$0xe] =	wrdreg s14;
	v2 =	vor.u32 s5, v0;
	v3 =	vmov s9;
	vm4 =	vmor vm4, vm5  }
0xb: {  	s24 =	sadd.s32 $0x1300, s0;
	[dreg:$0xf] =	wrdreg s15;
	s10 =	sor.u32 $0x10, s5;
	vm5 =	vcmask $0x3734;
	vm6 =	veq.s32 v1, v0;
	v2 =	vshrl.u32 v2, $0x1  }
0xc: {  	[dreg:$0x11] =	wrdreg s19;
	s11 =	sor.u32 $0x20, s5;
	s16 =	sor.u32 $0x30, s5;
	v1 =	vimm.s32 $0x0;
	v3 =	vsub.s32 $0x0, v3;
	v4 =	vor.u32 s10, v0  }
0xd: {  	[dreg:$0x12] =	wrdreg s21;
	s17 =	sor.u32 $0x40, s5;
	s20 =	sor.u32 $0x50, s5;
	v19 =	vmov s11;
	v5 =	vor.u32 s11, v0;
	v8 =	vor.u32 s16, v0  }
0xe: {  	[dreg:$0x13] =	wrdreg s23;
	s22 =	sor.u32 $0x60, s5;
	s25 =	sor.u32 $0x70, s5;
	v20 =	vmov s17;
	v10 =	vor.u32 s17, v0;
	v11 =	vor.u32 s20, v0  }
0xf: {  	s26 =	sadd.s32 $0x1400, s0;
	s30 =	ssub.s32 $0x2, s7;
	[dreg:$0x14] =	wrdreg s24;
	v21 =	vmov s22;
	v14 =	vor.u32 s22, v0;
	v16 =	vor.u32 s25, v0  }
0x10: {  	s28 =	sadd.s32 $0x500, s2;
	[dreg:$0x15] =	wrdreg s26;
	s31 =	sshrl.u32 s30, $0x1;
	vm4 =	vmor vm4, vm5;
	vm5 =	vcmask $0x3F3C;
	v3 =	vbroadcast v3, $0x0  }
0x11: {  	[dreg:$0x17] =	wrdreg s28;
	s1 =	ssub.s32 s30, s31;
	s12 =	sand.u32 $0xF00, s5;
	v4 =	vshrl.u32 v4, $0x1;
	v5 =	vshrl.u32 v5, $0x1;
	v8 =	vshrl.u32 v8, $0x1  }
0x12: {  	s13 =	sand.u32 $0x40, s9;
	[dreg:$0xa] =	wrdreg s5;
	s30 =	sadd.s32 $0x600, s2;
	v10 =	vshrl.u32 v10, $0x1;
	v11 =	vshrl.u32 v11, $0x1;
	v14 =	vshrl.u32 v14, $0x1  }
0x13: {  	s31 =	sadd.s32 $0x700, s2;
	s12 =	sor.u32 s13, s12;
	[dreg:$0x18] =	wrdreg s30;
	v16 =	vshrl.u32 v16, $0x1;
	v19 =	vshll.u32 v19, $0x3;
	vm4 =	vmor vm4, vm5  }
0x14: {  	s13 =	sor.u32 s5, s13;
	s5 =	sadd.s32 $0x100, s2;
	[dreg:$0x19] =	wrdreg s31;
	v20 =	vshll.u32 v20, $0x3;
	v21 =	vshll.u32 v21, $0x3;
	vm4 =	vmand vm6, vm4  }
0x15: {  	s16 =	sadd.s32 $0xF00, s0;
	s29 =	smax.u32 s1, $0x1;
	[dreg:$0xc] =	wrdreg s5;
	vm5 =	vcmask $0xB08;
	v17 =	vadd.s32 v6, v3;
	v7 =	vsel vm4, $0xFFFFFFFF, v1  }
0x16: {  	s12 =	sshrl.u32 s12, $0x3;
	s13 =	sshrl.u32 s13, $0x3;
	[dreg:$0x10] =	wrdreg s16;
	vm6 =	vcmask $0x1310;
	v6 =	vadd.s32 v4, v17;
	v2 =	vadd.s32 v7, v2  }
0x17: {  	[dreg:$0x9] =	wrdreg s29;
	s12 =	sadd.s32 s6, s12;
	s8 =	sor.u32 $0x10, s13;
	v9 =	vadd.s32 v8, v17;
	v12 =	vadd.s32 v10, v17;
	v18 =	vshll.u32 v2, $0x4  }
.Ltmp0:
0x18: {  	s13 =	sadd.s32 $0x200, s2;
	[dreg:$0x6] =	wrdreg s12;
	v13 =	vadd.s32 v11, v17;
	v22 =	vand.u32 $0x7, v2;
	v18 =	vand.u32 $0xFFFFFF80, v18;
	(pc) =	sbr.rel .LBB2_1-.Ltmp0, $4  }
0x19: {  	s7 =	sshll.u32 s7, $0x3;
	s6 =	sadd.s32 s6, s8;
	[dreg:$0xd] =	wrdreg s13;
	v15 =	vadd.s32 v14, v17;
	v18 =	vor.u32 v22, v18;
	v22 =	vand.u32 $0x7, v5  }
0x1a: {  	s18 =	sor.u32 s7, s18;
	s12 =	sadd.s32 $0x180E02, s0;
	[dreg:$0x7] =	wrdreg s6;
	vm4 =	vmmov $0x1;
	v19 =	vor.u32 v22, v19;
	v22 =	vand.u32 $0x7, v10  }
0x1b: {  	p0 =	sne.s32 s4, $0x0;
	s0 =	sadd.s32 $0x1500, s0;
	[dreg:$0x8] =	wrdreg s12;
	v7 =	vadd.s32 v5, v17;
	v20 =	vor.u32 v22, v20;
	v22 =	vand.u32 $0x7, v14  }
0x1c: {  	s4 =	simm.s32 $0x0;
	s16 =	simm.s32 $0x3;
	[dreg:$0x16] =	wrdreg s0;
	v3 =	vadd.s32 v2, v17;
	v17 =	vadd.s32 v16, v17;
	v21 =	vor.u32 v22, v21  }
.LBB2_5:
0x1d: {  	v23 =	vand.u32 $0x7, v0;
	v22 =	vshrl.u32 v0, $0x3  }
0x1e: {  	v24 =	vperm.xlane v18, v23;
	v22 =	vmul.u32 $0x8, v22;
	_ =	sdelay $0x1  }
0x1f: {  	v25 =	vadd.s32 v22, v24;
	_ =	sdelay $0x2  }
0x20: {  	[tilespmem:$0x1280] =	vst v2  }
0x21: {  	[tilespmem:$0x1290] =	vst v4;
	vm15 =	vmmov $0xffff;
	s0 =	simm.s32 $0x1300;
	s8 =	rddreg [dreg:$0x1]  }
0x22: {  	[tilespmem:s0], [sflag:$0x1] =	stream.indirect_vreg.gather [hbm4b:s8+s3], $0x80, v25, vm15, $0xb8;
	[tilespmem:$0x11380] =	vst v63  }
0x23: {  	s6 =	simm.s32 $0x1B00;
	s13 =	rddreg [dreg:$0xc]  }
0x24: {  	[tilespmem:s6], [sflag:$0x1] =	stream.indirect_vreg.gather [hbm4b:s13+s3], $0x80, v25, vm15, $0xb8;
	[tilespmem:$0x11380] =	vst v63  }
0x25: {  	s7 =	simm.s32 $0x2300;
	s14 =	rddreg [dreg:$0xd]  }
0x26: {  	[tilespmem:s7], [sflag:$0x1] =	stream.indirect_vreg.gather [hbm4b:s14+s3], $0x80, v25, vm15, $0xb8;
	[tilespmem:$0x11380] =	vst v63  }
0x27: {  	s9 =	simm.s32 $0x2B00;
	s15 =	rddreg [dreg:$0xe]  }
0x28: {  	[tilespmem:s9], [sflag:$0x1] =	stream.indirect_vreg.gather [hbm4b:s15+s3], $0x80, v25, vm15, $0xb8;
	[tilespmem:$0x11380] =	vst v63  }
0x29: {  	s10 =	simm.s32 $0x3300;
	s16 =	rddreg [dreg:$0xf]  }
0x2a: {  	v38 =	vor.u32 $0x8, v0;
	[tilespmem:s10], [sflag:$0x1] =	stream.indirect_vreg.gather [hbm4b:s16+s3], $0x80, v25, vm15, $0xb8;
	[tilespmem:$0x11380] =	vst v63  }
0x2b: {  	s11 =	simm.s32 $0x3B00;
	s26 =	rddreg [dreg:$0x17];
	v26 =	vperm.xlane v18, v38  }
0x2c: {  	[tilespmem:s11], [sflag:$0x1] =	stream.indirect_vreg.gather [hbm4b:s26+s3], $0x80, v25, vm15, $0xb8;
	[tilespmem:$0x11380] =	vst v63  }
0x2d: {  	s12 =	simm.s32 $0x4300;
	s28 =	rddreg [dreg:$0x18];
	v26 =	vadd.s32 v22, v26  }
0x2e: {  	[tilespmem:s12], [sflag:$0x1] =	stream.indirect_vreg.gather [hbm4b:s28+s3], $0x80, v25, vm15, $0xb8;
	[tilespmem:$0x11380] =	vst v63  }
0x2f: {  	s1 =	simm.s32 $0x4B00;
	s2 =	rddreg [dreg:$0x19]  }
0x30: {  	[tilespmem:s1], [sflag:$0x1] =	stream.indirect_vreg.gather [hbm4b:s2+s3], $0x80, v25, vm15, $0xb8;
	[tilespmem:$0x11380] =	vst v63  }
0x31: {  	s23 =	simm.s32 $0x5300  }
0x32: {  	[tilespmem:s23], [sflag:$0x1] =	stream.indirect_vreg.gather [hbm4b:s8+s3], $0x80, v26, vm15, $0xb8;
	[tilespmem:$0x11380] =	vst v63  }
0x33: {  	s24 =	simm.s32 $0x5B00  }
0x34: {  	[tilespmem:s24], [sflag:$0x1] =	stream.indirect_vreg.gather [hbm4b:s13+s3], $0x80, v26, vm15, $0xb8;
	[tilespmem:$0x11380] =	vst v63  }
0x35: {  	s25 =	simm.s32 $0x6300  }
0x36: {  	[tilespmem:s25], [sflag:$0x1] =	stream.indirect_vreg.gather [hbm4b:s14+s3], $0x80, v26, vm15, $0xb8;
	[tilespmem:$0x11380] =	vst v63  }
0x37: {  	s29 =	simm.s32 $0x6B00  }
0x38: {  	[tilespmem:s29], [sflag:$0x1] =	stream.indirect_vreg.gather [hbm4b:s15+s3], $0x80, v26, vm15, $0xb8;
	[tilespmem:$0x11380] =	vst v63  }
0x39: {  	s30 =	simm.s32 $0x7300  }
0x3a: {  	[tilespmem:s30], [sflag:$0x1] =	stream.indirect_vreg.gather [hbm4b:s16+s3], $0x80, v26, vm15, $0xb8;
	[tilespmem:$0x11380] =	vst v63  }
0x3b: {  	s31 =	simm.s32 $0x7B00  }
0x3c: {  	[tilespmem:s31], [sflag:$0x1] =	stream.indirect_vreg.gather [hbm4b:s26+s3], $0x80, v26, vm15, $0xb8;
	[tilespmem:$0x11380] =	vst v63  }
0x3d: {  	s0 =	simm.s32 $0x8300  }
0x3e: {  	[tilespmem:s0], [sflag:$0x1] =	stream.indirect_vreg.gather [hbm4b:s28+s3], $0x80, v26, vm15, $0xb8;
	[tilespmem:$0x11380] =	vst v63  }
0x3f: {  	s10 =	simm.s32 $0x8B00  }
0x40: {  	[tilespmem:s10], [sflag:$0x1] =	stream.indirect_vreg.gather [hbm4b:s2+s3], $0x80, v26, vm15, $0xb8;
	[tilespmem:$0x11380] =	vst v63  }
0x41: {  	v25 =	vld [tilespmem:$0x1290];
	_ =	sdelay $0x4  }
0x42: {  	v39 =	vshll.u32 v25, $0x4  }
0x43: {  	v25 =	vand.u32 $0x7, v25;
	v26 =	vand.u32 $0xFFFFFF80, v39  }
0x44: {  	v25 =	vor.u32 v25, v26  }
0x45: {  	v26 =	vperm.xlane v25, v23;
	_ =	sdelay $0x1  }
0x46: {  	v26 =	vadd.s32 v22, v26;
	_ =	sdelay $0x3  }
0x47: {  	s11 =	simm.s32 $0x9300  }
0x48: {  	[tilespmem:s11], [sflag:$0x1] =	stream.indirect_vreg.gather [hbm4b:s8+s3], $0x80, v26, vm15, $0xb8;
	[tilespmem:$0x11380] =	vst v63  }
0x49: {  	s12 =	simm.s32 $0x9B00  }
0x4a: {  	[tilespmem:s12], [sflag:$0x1] =	stream.indirect_vreg.gather [hbm4b:s13+s3], $0x80, v26, vm15, $0xb8;
	[tilespmem:$0x11380] =	vst v63  }
0x4b: {  	s23 =	simm.s32 $0xA300  }
0x4c: {  	[tilespmem:s23], [sflag:$0x1] =	stream.indirect_vreg.gather [hbm4b:s14+s3], $0x80, v26, vm15, $0xb8;
	[tilespmem:$0x11380] =	vst v63  }
0x4d: {  	s24 =	simm.s32 $0xAB00  }
0x4e: {  	[tilespmem:s24], [sflag:$0x1] =	stream.indirect_vreg.gather [hbm4b:s15+s3], $0x80, v26, vm15, $0xb8;
	[tilespmem:$0x11380] =	vst v63  }
0x4f: {  	s30 =	simm.s32 $0xB300  }
0x50: {  	[tilespmem:s30], [sflag:$0x1] =	stream.indirect_vreg.gather [hbm4b:s16+s3], $0x80, v26, vm15, $0xb8;
	[tilespmem:$0x11380] =	vst v63  }
0x51: {  	s31 =	simm.s32 $0xBB00;
	v25 =	vperm.xlane v25, v38  }
0x52: {  	[tilespmem:s31], [sflag:$0x1] =	stream.indirect_vreg.gather [hbm4b:s26+s3], $0x80, v26, vm15, $0xb8;
	[tilespmem:$0x11380] =	vst v63  }
0x53: {  	s0 =	simm.s32 $0xC300;
	v25 =	vadd.s32 v22, v25  }
0x54: {  	[tilespmem:s0], [sflag:$0x1] =	stream.indirect_vreg.gather [hbm4b:s28+s3], $0x80, v26, vm15, $0xb8;
	[tilespmem:$0x11380] =	vst v63  }
0x55: {  	s12 =	simm.s32 $0xCB00  }
0x56: {  	[tilespmem:s12], [sflag:$0x1] =	stream.indirect_vreg.gather [hbm4b:s2+s3], $0x80, v26, vm15, $0xb8;
	[tilespmem:$0x11380] =	vst v63  }
0x57: {  	s23 =	simm.s32 $0xD300  }
0x58: {  	[tilespmem:s23], [sflag:$0x1] =	stream.indirect_vreg.gather [hbm4b:s8+s3], $0x80, v25, vm15, $0xb8;
	[tilespmem:$0x11380] =	vst v63  }
0x59: {  	s24 =	simm.s32 $0xDB00  }
0x5a: {  	[tilespmem:s24], [sflag:$0x1] =	stream.indirect_vreg.gather [hbm4b:s13+s3], $0x80, v25, vm15, $0xb8;
	[tilespmem:$0x11380] =	vst v63  }
0x5b: {  	s30 =	simm.s32 $0xE300  }
0x5c: {  	[tilespmem:s30], [sflag:$0x1] =	stream.indirect_vreg.gather [hbm4b:s14+s3], $0x80, v25, vm15, $0xb8;
	[tilespmem:$0x11380] =	vst v63  }
0x5d: {  	s31 =	simm.s32 $0xEB00  }
0x5e: {  	[tilespmem:s31], [sflag:$0x1] =	stream.indirect_vreg.gather [hbm4b:s15+s3], $0x80, v25, vm15, $0xb8;
	[tilespmem:$0x11380] =	vst v63  }
0x5f: {  	s12 =	simm.s32 $0xF300  }
0x60: {  	[tilespmem:s12], [sflag:$0x1] =	stream.indirect_vreg.gather [hbm4b:s16+s3], $0x80, v25, vm15, $0xb8;
	[tilespmem:$0x11380] =	vst v63  }
0x61: {  	s23 =	simm.s32 $0xFB00  }
0x62: {  	[tilespmem:s23], [sflag:$0x1] =	stream.indirect_vreg.gather [hbm4b:s26+s3], $0x80, v25, vm15, $0xb8;
	[tilespmem:$0x11380] =	vst v63  }
0x63: {  	s24 =	simm.s32 $0x10300  }
0x64: {  	[tilespmem:s24], [sflag:$0x1] =	stream.indirect_vreg.gather [hbm4b:s28+s3], $0x80, v25, vm15, $0xb8;
	[tilespmem:$0x11380] =	vst v63  }
0x65: {  	s30 =	simm.s32 $0x10B00;
	s31 =	simm.s32 $0x1  }
0x66: {  	[tilespmem:s30], [sflag:$0x1] =	stream.indirect_vreg.gather [hbm4b:s2+s3], $0x80, v25, vm15, $0xb8;
	[tilespmem:$0x11380] =	vst v63  }
0x67: {  	_ =	swait.ge [sflag:s31], $0x10000  }
0x68: {  	[sflag:s31] =	ssyncset.done $0x0  }
0x69: {  	[sflag:s31] =	ssyncadd.s32 $0xFFFF0000  }
0x6a: {  	v40 =	vld [tilespmem:$0x1080];
	_ =	sdelay $0x4  }
0x6b: {  	v41 =	vshll.u32 v40, $0x4  }
0x6c: {  	v25 =	vand.u32 $0x7, v40;
	v26 =	vand.u32 $0xFFFFFF80, v41  }
0x6d: {  	v25 =	vor.u32 v25, v26  }
0x6e: {  	v26 =	vperm.xlane v25, v23;
	_ =	sdelay $0x1  }
0x6f: {  	v26 =	vadd.s32 v22, v26;
	_ =	sdelay $0x3  }
0x70: {  	s17 =	simm.s32 $0x1300;
	s12 =	rddreg [dreg:$0xb]  }
0x71: {  	[hbm4b:s12+s3] =	stream.indirect_vreg.scatter [tilespmem:s17], [sflag:$0x2], $0x80, v26, vm15, $0xb8;
	[tilespmem:$0x11380] =	vst v63  }
0x72: {  	s19 =	simm.s32 $0x1B00;
	s17 =	rddreg [dreg:$0x10]  }
0x73: {  	[hbm4b:s17+s3] =	stream.indirect_vreg.scatter [tilespmem:s19], [sflag:$0x2], $0x80, v26, vm15, $0xb8;
	[tilespmem:$0x11380] =	vst v63  }
0x74: {  	s20 =	simm.s32 $0x2300;
	s19 =	rddreg [dreg:$0x11]  }
0x75: {  	[hbm4b:s19+s3] =	stream.indirect_vreg.scatter [tilespmem:s20], [sflag:$0x2], $0x80, v26, vm15, $0xb8;
	[tilespmem:$0x11380] =	vst v63  }
0x76: {  	s21 =	simm.s32 $0x2B00;
	s20 =	rddreg [dreg:$0x12]  }
0x77: {  	[hbm4b:s20+s3] =	stream.indirect_vreg.scatter [tilespmem:s21], [sflag:$0x2], $0x80, v26, vm15, $0xb8;
	[tilespmem:$0x11380] =	vst v63  }
0x78: {  	s22 =	simm.s32 $0x3300;
	s21 =	rddreg [dreg:$0x13]  }
0x79: {  	[hbm4b:s21+s3] =	stream.indirect_vreg.scatter [tilespmem:s22], [sflag:$0x2], $0x80, v26, vm15, $0xb8;
	[tilespmem:$0x11380] =	vst v63  }
0x7a: {  	s5 =	simm.s32 $0x3B00;
	v25 =	vperm.xlane v25, v38;
	s22 =	rddreg [dreg:$0x14]  }
0x7b: {  	[hbm4b:s22+s3] =	stream.indirect_vreg.scatter [tilespmem:s5], [sflag:$0x2], $0x80, v26, vm15, $0xb8;
	[tilespmem:$0x11380] =	vst v63  }
0x7c: {  	s9 =	simm.s32 $0x4300;
	s23 =	rddreg [dreg:$0x15];
	v25 =	vadd.s32 v22, v25  }
0x7d: {  	[hbm4b:s23+s3] =	stream.indirect_vreg.scatter [tilespmem:s9], [sflag:$0x2], $0x80, v26, vm15, $0xb8;
	[tilespmem:$0x11380] =	vst v63  }
0x7e: {  	s1 =	simm.s32 $0x4B00;
	s24 =	rddreg [dreg:$0x16]  }
0x7f: {  	[hbm4b:s24+s3] =	stream.indirect_vreg.scatter [tilespmem:s1], [sflag:$0x2], $0x80, v26, vm15, $0xb8;
	[tilespmem:$0x11380] =	vst v63  }
0x80: {  	s7 =	simm.s32 $0x5300  }
0x81: {  	[hbm4b:s12+s3] =	stream.indirect_vreg.scatter [tilespmem:s7], [sflag:$0x2], $0x80, v25, vm15, $0xb8;
	[tilespmem:$0x11380] =	vst v63  }
0x82: {  	s6 =	simm.s32 $0x5B00  }
0x83: {  	[hbm4b:s17+s3] =	stream.indirect_vreg.scatter [tilespmem:s6], [sflag:$0x2], $0x80, v25, vm15, $0xb8;
	[tilespmem:$0x11380] =	vst v63  }
0x84: {  	s5 =	simm.s32 $0x6300  }
0x85: {  	[hbm4b:s19+s3] =	stream.indirect_vreg.scatter [tilespmem:s5], [sflag:$0x2], $0x80, v25, vm15, $0xb8;
	[tilespmem:$0x11380] =	vst v63  }
0x86: {  	s29 =	simm.s32 $0x6B00  }
0x87: {  	[hbm4b:s20+s3] =	stream.indirect_vreg.scatter [tilespmem:s29], [sflag:$0x2], $0x80, v25, vm15, $0xb8;
	[tilespmem:$0x11380] =	vst v63  }
0x88: {  	s4 =	simm.s32 $0x7300  }
0x89: {  	[hbm4b:s21+s3] =	stream.indirect_vreg.scatter [tilespmem:s4], [sflag:$0x2], $0x80, v25, vm15, $0xb8;
	[tilespmem:$0x11380] =	vst v63  }
0x8a: {  	s9 =	simm.s32 $0x7B00  }
0x8b: {  	[hbm4b:s22+s3] =	stream.indirect_vreg.scatter [tilespmem:s9], [sflag:$0x2], $0x80, v25, vm15, $0xb8;
	[tilespmem:$0x11380] =	vst v63  }
0x8c: {  	s31 =	simm.s32 $0x8300  }
0x8d: {  	[hbm4b:s23+s3] =	stream.indirect_vreg.scatter [tilespmem:s31], [sflag:$0x2], $0x80, v25, vm15, $0xb8;
	[tilespmem:$0x11380] =	vst v63  }
0x8e: {  	s25 =	simm.s32 $0x8B00  }
0x8f: {  	[hbm4b:s24+s3] =	stream.indirect_vreg.scatter [tilespmem:s25], [sflag:$0x2], $0x80, v25, vm15, $0xb8;
	[tilespmem:$0x11380] =	vst v63  }
0x90: {  	v25 =	vld [tilespmem:$0x1090];
	_ =	sdelay $0x4  }
0x91: {  	v42 =	vshll.u32 v25, $0x4  }
0x92: {  	v25 =	vand.u32 $0x7, v25;
	v26 =	vand.u32 $0xFFFFFF80, v42  }
0x93: {  	v25 =	vor.u32 v25, v26  }
0x94: {  	v26 =	vperm.xlane v25, v23;
	_ =	sdelay $0x1  }
0x95: {  	v26 =	vadd.s32 v22, v26;
	_ =	sdelay $0x3  }
0x96: {  	s11 =	simm.s32 $0x9300  }
0x97: {  	[hbm4b:s12+s3] =	stream.indirect_vreg.scatter [tilespmem:s11], [sflag:$0x2], $0x80, v26, vm15, $0xb8;
	[tilespmem:$0x11380] =	vst v63  }
0x98: {  	s29 =	simm.s32 $0x9B00  }
0x99: {  	[hbm4b:s17+s3] =	stream.indirect_vreg.scatter [tilespmem:s29], [sflag:$0x2], $0x80, v26, vm15, $0xb8;
	[tilespmem:$0x11380] =	vst v63  }
0x9a: {  	s10 =	simm.s32 $0xA300  }
0x9b: {  	[hbm4b:s19+s3] =	stream.indirect_vreg.scatter [tilespmem:s10], [sflag:$0x2], $0x80, v26, vm15, $0xb8;
	[tilespmem:$0x11380] =	vst v63  }
0x9c: {  	s6 =	simm.s32 $0xAB00  }
0x9d: {  	[hbm4b:s20+s3] =	stream.indirect_vreg.scatter [tilespmem:s6], [sflag:$0x2], $0x80, v26, vm15, $0xb8;
	[tilespmem:$0x11380] =	vst v63  }
0x9e: {  	s11 =	simm.s32 $0xB300  }
0x9f: {  	[hbm4b:s21+s3] =	stream.indirect_vreg.scatter [tilespmem:s11], [sflag:$0x2], $0x80, v26, vm15, $0xb8;
	[tilespmem:$0x11380] =	vst v63  }
0xa0: {  	s25 =	simm.s32 $0xBB00;
	v25 =	vperm.xlane v25, v38  }
0xa1: {  	[hbm4b:s22+s3] =	stream.indirect_vreg.scatter [tilespmem:s25], [sflag:$0x2], $0x80, v26, vm15, $0xb8;
	[tilespmem:$0x11380] =	vst v63  }
0xa2: {  	s30 =	simm.s32 $0xC300;
	v25 =	vadd.s32 v22, v25  }
0xa3: {  	[hbm4b:s23+s3] =	stream.indirect_vreg.scatter [tilespmem:s30], [sflag:$0x2], $0x80, v26, vm15, $0xb8;
	[tilespmem:$0x11380] =	vst v63  }
0xa4: {  	s10 =	simm.s32 $0xCB00  }
0xa5: {  	[hbm4b:s24+s3] =	stream.indirect_vreg.scatter [tilespmem:s10], [sflag:$0x2], $0x80, v26, vm15, $0xb8;
	[tilespmem:$0x11380] =	vst v63  }
0xa6: {  	s0 =	simm.s32 $0xD300  }
0xa7: {  	[hbm4b:s12+s3] =	stream.indirect_vreg.scatter [tilespmem:s0], [sflag:$0x2], $0x80, v25, vm15, $0xb8;
	[tilespmem:$0x11380] =	vst v63  }
0xa8: {  	s7 =	simm.s32 $0xDB00  }
0xa9: {  	[hbm4b:s17+s3] =	stream.indirect_vreg.scatter [tilespmem:s7], [sflag:$0x2], $0x80, v25, vm15, $0xb8;
	[tilespmem:$0x11380] =	vst v63  }
0xaa: {  	s4 =	simm.s32 $0xE300  }
0xab: {  	[hbm4b:s19+s3] =	stream.indirect_vreg.scatter [tilespmem:s4], [sflag:$0x2], $0x80, v25, vm15, $0xb8;
	[tilespmem:$0x11380] =	vst v63  }
0xac: {  	s0 =	simm.s32 $0xEB00  }
0xad: {  	[hbm4b:s20+s3] =	stream.indirect_vreg.scatter [tilespmem:s0], [sflag:$0x2], $0x80, v25, vm15, $0xb8;
	[tilespmem:$0x11380] =	vst v63  }
0xae: {  	s0 =	simm.s32 $0xF300  }
0xaf: {  	[hbm4b:s21+s3] =	stream.indirect_vreg.scatter [tilespmem:s0], [sflag:$0x2], $0x80, v25, vm15, $0xb8;
	[tilespmem:$0x11380] =	vst v63  }
0xb0: {  	s0 =	simm.s32 $0xFB00  }
0xb1: {  	[hbm4b:s22+s3] =	stream.indirect_vreg.scatter [tilespmem:s0], [sflag:$0x2], $0x80, v25, vm15, $0xb8;
	[tilespmem:$0x11380] =	vst v63  }
0xb2: {  	s0 =	simm.s32 $0x10300  }
0xb3: {  	[hbm4b:s23+s3] =	stream.indirect_vreg.scatter [tilespmem:s0], [sflag:$0x2], $0x80, v25, vm15, $0xb8;
	[tilespmem:$0x11380] =	vst v63  }
0xb4: {  	s0 =	simm.s32 $0x10B00  }
0xb5: {  	v43 =	vperm.xlane v19, v23;
	[hbm4b:s24+s3] =	stream.indirect_vreg.scatter [tilespmem:s0], [sflag:$0x2], $0x80, v25, vm15, $0xb8;
	[tilespmem:$0x11380] =	vst v63  }
0xb6: {  	s0 =	simm.s32 $0x2  }
0xb7: {  	v44 =	vadd.s32 v22, v43;
	_ =	swait.ge [sflag:s0], $0x10000  }
0xb8: {  	[sflag:s0] =	ssyncset.done $0x0  }
0xb9: {  	[sflag:s0] =	ssyncadd.s32 $0xFFFF0000  }
0xba: {  	[tilespmem:$0x1280] =	vst v5  }
0xbb: {  	s0 =	simm.s32 $0x1300;
	[tilespmem:$0x1290] =	vst v8  }
0xbc: {  	[tilespmem:s0], [sflag:$0x1] =	stream.indirect_vreg.gather [hbm4b:s8+s3], $0x80, v44, vm15, $0xb8;
	[tilespmem:$0x11380] =	vst v63  }
0xbd: {  	s0 =	simm.s32 $0x1B00  }
0xbe: {  	[tilespmem:s0], [sflag:$0x1] =	stream.indirect_vreg.gather [hbm4b:s13+s3], $0x80, v44, vm15, $0xb8;
	[tilespmem:$0x11380] =	vst v63  }
0xbf: {  	s0 =	simm.s32 $0x2300  }
0xc0: {  	[tilespmem:s0], [sflag:$0x1] =	stream.indirect_vreg.gather [hbm4b:s14+s3], $0x80, v44, vm15, $0xb8;
	[tilespmem:$0x11380] =	vst v63  }
0xc1: {  	s0 =	simm.s32 $0x2B00  }
0xc2: {  	[tilespmem:s0], [sflag:$0x1] =	stream.indirect_vreg.gather [hbm4b:s15+s3], $0x80, v44, vm15, $0xb8;
	[tilespmem:$0x11380] =	vst v63  }
0xc3: {  	s0 =	simm.s32 $0x3300  }
0xc4: {  	[tilespmem:s0], [sflag:$0x1] =	stream.indirect_vreg.gather [hbm4b:s16+s3], $0x80, v44, vm15, $0xb8;
	[tilespmem:$0x11380] =	vst v63  }
0xc5: {  	v45 =	vperm.xlane v19, v38;
	s0 =	simm.s32 $0x3B00  }
0xc6: {  	[tilespmem:s0], [sflag:$0x1] =	stream.indirect_vreg.gather [hbm4b:s26+s3], $0x80, v44, vm15, $0xb8;
	[tilespmem:$0x11380] =	vst v63  }
0xc7: {  	v26 =	vadd.s32 v22, v45;
	s0 =	simm.s32 $0x4300  }
0xc8: {  	[tilespmem:s0], [sflag:$0x1] =	stream.indirect_vreg.gather [hbm4b:s28+s3], $0x80, v44, vm15, $0xb8;
	[tilespmem:$0x11380] =	vst v63  }
0xc9: {  	_ = 	snop  }
0xca: {  	[tilespmem:s1], [sflag:$0x1] =	stream.indirect_vreg.gather [hbm4b:s2+s3], $0x80, v44, vm15, $0xb8;
	[tilespmem:$0x11380] =	vst v63  }
0xcb: {  	s1 =	simm.s32 $0x5300  }
0xcc: {  	[tilespmem:s1], [sflag:$0x1] =	stream.indirect_vreg.gather [hbm4b:s8+s3], $0x80, v26, vm15, $0xb8;
	[tilespmem:$0x11380] =	vst v63  }
0xcd: {  	s1 =	simm.s32 $0x5B00  }
0xce: {  	[tilespmem:s1], [sflag:$0x1] =	stream.indirect_vreg.gather [hbm4b:s13+s3], $0x80, v26, vm15, $0xb8;
	[tilespmem:$0x11380] =	vst v63  }
0xcf: {  	_ = 	snop  }
0xd0: {  	[tilespmem:s5], [sflag:$0x1] =	stream.indirect_vreg.gather [hbm4b:s14+s3], $0x80, v26, vm15, $0xb8;
	[tilespmem:$0x11380] =	vst v63  }
0xd1: {  	s1 =	simm.s32 $0x6B00  }
0xd2: {  	[tilespmem:s1], [sflag:$0x1] =	stream.indirect_vreg.gather [hbm4b:s15+s3], $0x80, v26, vm15, $0xb8;
	[tilespmem:$0x11380] =	vst v63  }
0xd3: {  	s5 =	simm.s32 $0x7300  }
0xd4: {  	[tilespmem:s5], [sflag:$0x1] =	stream.indirect_vreg.gather [hbm4b:s16+s3], $0x80, v26, vm15, $0xb8;
	[tilespmem:$0x11380] =	vst v63  }
0xd5: {  	_ = 	snop  }
0xd6: {  	[tilespmem:s9], [sflag:$0x1] =	stream.indirect_vreg.gather [hbm4b:s26+s3], $0x80, v26, vm15, $0xb8;
	[tilespmem:$0x11380] =	vst v63  }
0xd7: {  	_ = 	snop  }
0xd8: {  	[tilespmem:s31], [sflag:$0x1] =	stream.indirect_vreg.gather [hbm4b:s28+s3], $0x80, v26, vm15, $0xb8;
	[tilespmem:$0x11380] =	vst v63  }
0xd9: {  	s31 =	simm.s32 $0x8B00  }
0xda: {  	[tilespmem:s31], [sflag:$0x1] =	stream.indirect_vreg.gather [hbm4b:s2+s3], $0x80, v26, vm15, $0xb8;
	[tilespmem:$0x11380] =	vst v63  }
0xdb: {  	v25 =	vld [tilespmem:$0x1290];
	_ =	sdelay $0x4  }
0xdc: {  	v46 =	vshll.u32 v25, $0x4  }
0xdd: {  	v25 =	vand.u32 $0x7, v25;
	v26 =	vand.u32 $0xFFFFFF80, v46  }
0xde: {  	v25 =	vor.u32 v25, v26  }
0xdf: {  	v26 =	vperm.xlane v25, v23;
	_ =	sdelay $0x1  }
0xe0: {  	v26 =	vadd.s32 v22, v26;
	_ =	sdelay $0x3  }
0xe1: {  	s0 =	simm.s32 $0x9300  }
0xe2: {  	[tilespmem:s0], [sflag:$0x1] =	stream.indirect_vreg.gather [hbm4b:s8+s3], $0x80, v26, vm15, $0xb8;
	[tilespmem:$0x11380] =	vst v63  }
0xe3: {  	_ = 	snop  }
0xe4: {  	[tilespmem:s29], [sflag:$0x1] =	stream.indirect_vreg.gather [hbm4b:s13+s3], $0x80, v26, vm15, $0xb8;
	[tilespmem:$0x11380] =	vst v63  }
0xe5: {  	s0 =	simm.s32 $0xA300  }
0xe6: {  	[tilespmem:s0], [sflag:$0x1] =	stream.indirect_vreg.gather [hbm4b:s14+s3], $0x80, v26, vm15, $0xb8;
	[tilespmem:$0x11380] =	vst v63  }
0xe7: {  	_ = 	snop  }
0xe8: {  	[tilespmem:s6], [sflag:$0x1] =	stream.indirect_vreg.gather [hbm4b:s15+s3], $0x80, v26, vm15, $0xb8;
	[tilespmem:$0x11380] =	vst v63  }
0xe9: {  	_ = 	snop  }
0xea: {  	[tilespmem:s11], [sflag:$0x1] =	stream.indirect_vreg.gather [hbm4b:s16+s3], $0x80, v26, vm15, $0xb8;
	[tilespmem:$0x11380] =	vst v63  }
0xeb: {  	v25 =	vperm.xlane v25, v38  }
0xec: {  	[tilespmem:s25], [sflag:$0x1] =	stream.indirect_vreg.gather [hbm4b:s26+s3], $0x80, v26, vm15, $0xb8;
	[tilespmem:$0x11380] =	vst v63  }
0xed: {  	v25 =	vadd.s32 v22, v25  }
0xee: {  	[tilespmem:s30], [sflag:$0x1] =	stream.indirect_vreg.gather [hbm4b:s28+s3], $0x80, v26, vm15, $0xb8;
	[tilespmem:$0x11380] =	vst v63  }
0xef: {  	_ = 	snop  }
0xf0: {  	[tilespmem:s10], [sflag:$0x1] =	stream.indirect_vreg.gather [hbm4b:s2+s3], $0x80, v26, vm15, $0xb8;
	[tilespmem:$0x11380] =	vst v63  }
0xf1: {  	s31 =	simm.s32 $0xD300  }
0xf2: {  	[tilespmem:s31], [sflag:$0x1] =	stream.indirect_vreg.gather [hbm4b:s8+s3], $0x80, v25, vm15, $0xb8;
	[tilespmem:$0x11380] =	vst v63  }
0xf3: {  	_ = 	snop  }
0xf4: {  	[tilespmem:s7], [sflag:$0x1] =	stream.indirect_vreg.gather [hbm4b:s13+s3], $0x80, v25, vm15, $0xb8;
	[tilespmem:$0x11380] =	vst v63  }
0xf5: {  	_ = 	snop  }
0xf6: {  	[tilespmem:s4], [sflag:$0x1] =	stream.indirect_vreg.gather [hbm4b:s14+s3], $0x80, v25, vm15, $0xb8;
	[tilespmem:$0x11380] =	vst v63  }
0xf7: {  	s0 =	simm.s32 $0xEB00  }
0xf8: {  	[tilespmem:s0], [sflag:$0x1] =	stream.indirect_vreg.gather [hbm4b:s15+s3], $0x80, v25, vm15, $0xb8;
	[tilespmem:$0x11380] =	vst v63  }
0xf9: {  	s6 =	simm.s32 $0xF300  }
0xfa: {  	[tilespmem:s6], [sflag:$0x1] =	stream.indirect_vreg.gather [hbm4b:s16+s3], $0x80, v25, vm15, $0xb8;
	[tilespmem:$0x11380] =	vst v63  }
0xfb: {  	s7 =	simm.s32 $0xFB00  }
0xfc: {  	[tilespmem:s7], [sflag:$0x1] =	stream.indirect_vreg.gather [hbm4b:s26+s3], $0x80, v25, vm15, $0xb8;
	[tilespmem:$0x11380] =	vst v63  }
0xfd: {  	s10 =	simm.s32 $0x10300  }
0xfe: {  	[tilespmem:s10], [sflag:$0x1] =	stream.indirect_vreg.gather [hbm4b:s28+s3], $0x80, v25, vm15, $0xb8;
	[tilespmem:$0x11380] =	vst v63  }
0xff: {  	s25 =	simm.s32 $0x10B00;
	s30 =	simm.s32 $0x1  }
0x100: {  	[tilespmem:s25], [sflag:$0x1] =	stream.indirect_vreg.gather [hbm4b:s2+s3], $0x80, v25, vm15, $0xb8;
	[tilespmem:$0x11380] =	vst v63  }
0x101: {  	_ =	swait.ge [sflag:s30], $0x10000  }
0x102: {  	[sflag:s30] =	ssyncset.done $0x0  }
0x103: {  	[sflag:s30] =	ssyncadd.s32 $0xFFFF0000  }
0x104: {  	v47 =	vld [tilespmem:$0x1100];
	_ =	sdelay $0x4  }
0x105: {  	v48 =	vshll.u32 v47, $0x4  }
0x106: {  	v25 =	vand.u32 $0x7, v47;
	v26 =	vand.u32 $0xFFFFFF80, v48  }
0x107: {  	v25 =	vor.u32 v25, v26  }
0x108: {  	v26 =	vperm.xlane v25, v23;
	_ =	sdelay $0x1  }
0x109: {  	v26 =	vadd.s32 v22, v26;
	_ =	sdelay $0x3  }
0x10a: {  	s31 =	simm.s32 $0x1300  }
0x10b: {  	[hbm4b:s12+s3] =	stream.indirect_vreg.scatter [tilespmem:s31], [sflag:$0x2], $0x80, v26, vm15, $0xb8;
	[tilespmem:$0x11380] =	vst v63  }
0x10c: {  	s6 =	simm.s32 $0x1B00  }
0x10d: {  	[hbm4b:s17+s3] =	stream.indirect_vreg.scatter [tilespmem:s6], [sflag:$0x2], $0x80, v26, vm15, $0xb8;
	[tilespmem:$0x11380] =	vst v63  }
0x10e: {  	s4 =	simm.s32 $0x2300  }
0x10f: {  	[hbm4b:s19+s3] =	stream.indirect_vreg.scatter [tilespmem:s4], [sflag:$0x2], $0x80, v26, vm15, $0xb8;
	[tilespmem:$0x11380] =	vst v63  }
0x110: {  	s7 =	simm.s32 $0x2B00  }
0x111: {  	[hbm4b:s20+s3] =	stream.indirect_vreg.scatter [tilespmem:s7], [sflag:$0x2], $0x80, v26, vm15, $0xb8;
	[tilespmem:$0x11380] =	vst v63  }
0x112: {  	s31 =	simm.s32 $0x3300  }
0x113: {  	[hbm4b:s21+s3] =	stream.indirect_vreg.scatter [tilespmem:s31], [sflag:$0x2], $0x80, v26, vm15, $0xb8;
	[tilespmem:$0x11380] =	vst v63  }
0x114: {  	s10 =	simm.s32 $0x3B00;
	v25 =	vperm.xlane v25, v38  }
0x115: {  	[hbm4b:s22+s3] =	stream.indirect_vreg.scatter [tilespmem:s10], [sflag:$0x2], $0x80, v26, vm15, $0xb8;
	[tilespmem:$0x11380] =	vst v63  }
0x116: {  	s25 =	simm.s32 $0x4300;
	v25 =	vadd.s32 v22, v25  }
0x117: {  	[hbm4b:s23+s3] =	stream.indirect_vreg.scatter [tilespmem:s25], [sflag:$0x2], $0x80, v26, vm15, $0xb8;
	[tilespmem:$0x11380] =	vst v63  }
0x118: {  	s30 =	simm.s32 $0x4B00  }
0x119: {  	[hbm4b:s24+s3] =	stream.indirect_vreg.scatter [tilespmem:s30], [sflag:$0x2], $0x80, v26, vm15, $0xb8;
	[tilespmem:$0x11380] =	vst v63  }
0x11a: {  	s4 =	simm.s32 $0x5300  }
0x11b: {  	[hbm4b:s12+s3] =	stream.indirect_vreg.scatter [tilespmem:s4], [sflag:$0x2], $0x80, v25, vm15, $0xb8;
	[tilespmem:$0x11380] =	vst v63  }
0x11c: {  	s7 =	simm.s32 $0x5B00  }
0x11d: {  	[hbm4b:s17+s3] =	stream.indirect_vreg.scatter [tilespmem:s7], [sflag:$0x2], $0x80, v25, vm15, $0xb8;
	[tilespmem:$0x11380] =	vst v63  }
0x11e: {  	s25 =	simm.s32 $0x6300  }
0x11f: {  	[hbm4b:s19+s3] =	stream.indirect_vreg.scatter [tilespmem:s25], [sflag:$0x2], $0x80, v25, vm15, $0xb8;
	[tilespmem:$0x11380] =	vst v63  }
0x120: {  	s1 =	simm.s32 $0x6B00  }
0x121: {  	[hbm4b:s20+s3] =	stream.indirect_vreg.scatter [tilespmem:s1], [sflag:$0x2], $0x80, v25, vm15, $0xb8;
	[tilespmem:$0x11380] =	vst v63  }
0x122: {  	s4 =	simm.s32 $0x7300  }
0x123: {  	[hbm4b:s21+s3] =	stream.indirect_vreg.scatter [tilespmem:s4], [sflag:$0x2], $0x80, v25, vm15, $0xb8;
	[tilespmem:$0x11380] =	vst v63  }
0x124: {  	s5 =	simm.s32 $0x7B00  }
0x125: {  	[hbm4b:s22+s3] =	stream.indirect_vreg.scatter [tilespmem:s5], [sflag:$0x2], $0x80, v25, vm15, $0xb8;
	[tilespmem:$0x11380] =	vst v63  }
0x126: {  	s9 =	simm.s32 $0x8300  }
0x127: {  	[hbm4b:s23+s3] =	stream.indirect_vreg.scatter [tilespmem:s9], [sflag:$0x2], $0x80, v25, vm15, $0xb8;
	[tilespmem:$0x11380] =	vst v63  }
0x128: {  	s5 =	simm.s32 $0x8B00  }
0x129: {  	[hbm4b:s24+s3] =	stream.indirect_vreg.scatter [tilespmem:s5], [sflag:$0x2], $0x80, v25, vm15, $0xb8;
	[tilespmem:$0x11380] =	vst v63  }
0x12a: {  	v25 =	vld [tilespmem:$0x1110];
	_ =	sdelay $0x4  }
0x12b: {  	v49 =	vshll.u32 v25, $0x4  }
0x12c: {  	v25 =	vand.u32 $0x7, v25;
	v26 =	vand.u32 $0xFFFFFF80, v49  }
0x12d: {  	v25 =	vor.u32 v25, v26  }
0x12e: {  	v26 =	vperm.xlane v25, v23;
	_ =	sdelay $0x1  }
0x12f: {  	v26 =	vadd.s32 v22, v26;
	_ =	sdelay $0x3  }
0x130: {  	s30 =	simm.s32 $0x9300  }
0x131: {  	[hbm4b:s12+s3] =	stream.indirect_vreg.scatter [tilespmem:s30], [sflag:$0x2], $0x80, v26, vm15, $0xb8;
	[tilespmem:$0x11380] =	vst v63  }
0x132: {  	s9 =	simm.s32 $0x9B00  }
0x133: {  	[hbm4b:s17+s3] =	stream.indirect_vreg.scatter [tilespmem:s9], [sflag:$0x2], $0x80, v26, vm15, $0xb8;
	[tilespmem:$0x11380] =	vst v63  }
0x134: {  	s10 =	simm.s32 $0xA300  }
0x135: {  	[hbm4b:s19+s3] =	stream.indirect_vreg.scatter [tilespmem:s10], [sflag:$0x2], $0x80, v26, vm15, $0xb8;
	[tilespmem:$0x11380] =	vst v63  }
0x136: {  	s9 =	simm.s32 $0xAB00  }
0x137: {  	[hbm4b:s20+s3] =	stream.indirect_vreg.scatter [tilespmem:s9], [sflag:$0x2], $0x80, v26, vm15, $0xb8;
	[tilespmem:$0x11380] =	vst v63  }
0x138: {  	s29 =	simm.s32 $0xB300  }
0x139: {  	[hbm4b:s21+s3] =	stream.indirect_vreg.scatter [tilespmem:s29], [sflag:$0x2], $0x80, v26, vm15, $0xb8;
	[tilespmem:$0x11380] =	vst v63  }
0x13a: {  	v25 =	vperm.xlane v25, v38;
	s29 =	simm.s32 $0xBB00  }
0x13b: {  	[hbm4b:s22+s3] =	stream.indirect_vreg.scatter [tilespmem:s29], [sflag:$0x2], $0x80, v26, vm15, $0xb8;
	[tilespmem:$0x11380] =	vst v63  }
0x13c: {  	v25 =	vadd.s32 v22, v25;
	s10 =	simm.s32 $0xC300  }
0x13d: {  	[hbm4b:s23+s3] =	stream.indirect_vreg.scatter [tilespmem:s10], [sflag:$0x2], $0x80, v26, vm15, $0xb8;
	[tilespmem:$0x11380] =	vst v63  }
0x13e: {  	s11 =	simm.s32 $0xCB00  }
0x13f: {  	[hbm4b:s24+s3] =	stream.indirect_vreg.scatter [tilespmem:s11], [sflag:$0x2], $0x80, v26, vm15, $0xb8;
	[tilespmem:$0x11380] =	vst v63  }
0x140: {  	s7 =	simm.s32 $0xD300  }
0x141: {  	[hbm4b:s12+s3] =	stream.indirect_vreg.scatter [tilespmem:s7], [sflag:$0x2], $0x80, v25, vm15, $0xb8;
	[tilespmem:$0x11380] =	vst v63  }
0x142: {  	s11 =	simm.s32 $0xDB00  }
0x143: {  	[hbm4b:s17+s3] =	stream.indirect_vreg.scatter [tilespmem:s11], [sflag:$0x2], $0x80, v25, vm15, $0xb8;
	[tilespmem:$0x11380] =	vst v63  }
0x144: {  	s1 =	simm.s32 $0xE300  }
0x145: {  	[hbm4b:s19+s3] =	stream.indirect_vreg.scatter [tilespmem:s1], [sflag:$0x2], $0x80, v25, vm15, $0xb8;
	[tilespmem:$0x11380] =	vst v63  }
0x146: {  	s1 =	simm.s32 $0xEB00  }
0x147: {  	[hbm4b:s20+s3] =	stream.indirect_vreg.scatter [tilespmem:s1], [sflag:$0x2], $0x80, v25, vm15, $0xb8;
	[tilespmem:$0x11380] =	vst v63  }
0x148: {  	s1 =	simm.s32 $0xF300  }
0x149: {  	[hbm4b:s21+s3] =	stream.indirect_vreg.scatter [tilespmem:s1], [sflag:$0x2], $0x80, v25, vm15, $0xb8;
	[tilespmem:$0x11380] =	vst v63  }
0x14a: {  	s1 =	simm.s32 $0xFB00  }
0x14b: {  	[hbm4b:s22+s3] =	stream.indirect_vreg.scatter [tilespmem:s1], [sflag:$0x2], $0x80, v25, vm15, $0xb8;
	[tilespmem:$0x11380] =	vst v63  }
0x14c: {  	s1 =	simm.s32 $0x10300  }
0x14d: {  	[hbm4b:s23+s3] =	stream.indirect_vreg.scatter [tilespmem:s1], [sflag:$0x2], $0x80, v25, vm15, $0xb8;
	[tilespmem:$0x11380] =	vst v63  }
0x14e: {  	v50 =	vperm.xlane v20, v23;
	s0 =	simm.s32 $0x2;
	s1 =	simm.s32 $0x10B00  }
0x14f: {  	[hbm4b:s24+s3] =	stream.indirect_vreg.scatter [tilespmem:s1], [sflag:$0x2], $0x80, v25, vm15, $0xb8;
	[tilespmem:$0x11380] =	vst v63  }
0x150: {  	v51 =	vadd.s32 v22, v50;
	_ =	swait.ge [sflag:s0], $0x10000  }
0x151: {  	[sflag:s0] =	ssyncset.done $0x0  }
0x152: {  	[sflag:s0] =	ssyncadd.s32 $0xFFFF0000  }
0x153: {  	[tilespmem:$0x1280] =	vst v10  }
0x154: {  	s0 =	simm.s32 $0x1300;
	[tilespmem:$0x1290] =	vst v11  }
0x155: {  	[tilespmem:s0], [sflag:$0x1] =	stream.indirect_vreg.gather [hbm4b:s8+s3], $0x80, v51, vm15, $0xb8;
	[tilespmem:$0x11380] =	vst v63  }
0x156: {  	_ = 	snop  }
0x157: {  	[tilespmem:s6], [sflag:$0x1] =	stream.indirect_vreg.gather [hbm4b:s13+s3], $0x80, v51, vm15, $0xb8;
	[tilespmem:$0x11380] =	vst v63  }
0x158: {  	s6 =	simm.s32 $0x2300  }
0x159: {  	[tilespmem:s6], [sflag:$0x1] =	stream.indirect_vreg.gather [hbm4b:s14+s3], $0x80, v51, vm15, $0xb8;
	[tilespmem:$0x11380] =	vst v63  }
0x15a: {  	s6 =	simm.s32 $0x2B00  }
0x15b: {  	[tilespmem:s6], [sflag:$0x1] =	stream.indirect_vreg.gather [hbm4b:s15+s3], $0x80, v51, vm15, $0xb8;
	[tilespmem:$0x11380] =	vst v63  }
0x15c: {  	_ = 	snop  }
0x15d: {  	[tilespmem:s31], [sflag:$0x1] =	stream.indirect_vreg.gather [hbm4b:s16+s3], $0x80, v51, vm15, $0xb8;
	[tilespmem:$0x11380] =	vst v63  }
0x15e: {  	v52 =	vperm.xlane v20, v38;
	s31 =	simm.s32 $0x3B00  }
0x15f: {  	[tilespmem:s31], [sflag:$0x1] =	stream.indirect_vreg.gather [hbm4b:s26+s3], $0x80, v51, vm15, $0xb8;
	[tilespmem:$0x11380] =	vst v63  }
0x160: {  	v26 =	vadd.s32 v22, v52;
	s6 =	simm.s32 $0x4300  }
0x161: {  	[tilespmem:s6], [sflag:$0x1] =	stream.indirect_vreg.gather [hbm4b:s28+s3], $0x80, v51, vm15, $0xb8;
	[tilespmem:$0x11380] =	vst v63  }
0x162: {  	s31 =	simm.s32 $0x4B00  }
0x163: {  	[tilespmem:s31], [sflag:$0x1] =	stream.indirect_vreg.gather [hbm4b:s2+s3], $0x80, v51, vm15, $0xb8;
	[tilespmem:$0x11380] =	vst v63  }
0x164: {  	s6 =	simm.s32 $0x5300  }
0x165: {  	[tilespmem:s6], [sflag:$0x1] =	stream.indirect_vreg.gather [hbm4b:s8+s3], $0x80, v26, vm15, $0xb8;
	[tilespmem:$0x11380] =	vst v63  }
0x166: {  	s31 =	simm.s32 $0x5B00  }
0x167: {  	[tilespmem:s31], [sflag:$0x1] =	stream.indirect_vreg.gather [hbm4b:s13+s3], $0x80, v26, vm15, $0xb8;
	[tilespmem:$0x11380] =	vst v63  }
0x168: {  	_ = 	snop  }
0x169: {  	[tilespmem:s25], [sflag:$0x1] =	stream.indirect_vreg.gather [hbm4b:s14+s3], $0x80, v26, vm15, $0xb8;
	[tilespmem:$0x11380] =	vst v63  }
0x16a: {  	s6 =	simm.s32 $0x6B00  }
0x16b: {  	[tilespmem:s6], [sflag:$0x1] =	stream.indirect_vreg.gather [hbm4b:s15+s3], $0x80, v26, vm15, $0xb8;
	[tilespmem:$0x11380] =	vst v63  }
0x16c: {  	_ = 	snop  }
0x16d: {  	[tilespmem:s4], [sflag:$0x1] =	stream.indirect_vreg.gather [hbm4b:s16+s3], $0x80, v26, vm15, $0xb8;
	[tilespmem:$0x11380] =	vst v63  }
0x16e: {  	s0 =	simm.s32 $0x7B00  }
0x16f: {  	[tilespmem:s0], [sflag:$0x1] =	stream.indirect_vreg.gather [hbm4b:s26+s3], $0x80, v26, vm15, $0xb8;
	[tilespmem:$0x11380] =	vst v63  }
0x170: {  	s6 =	simm.s32 $0x8300  }
0x171: {  	[tilespmem:s6], [sflag:$0x1] =	stream.indirect_vreg.gather [hbm4b:s28+s3], $0x80, v26, vm15, $0xb8;
	[tilespmem:$0x11380] =	vst v63  }
0x172: {  	_ = 	snop  }
0x173: {  	[tilespmem:s5], [sflag:$0x1] =	stream.indirect_vreg.gather [hbm4b:s2+s3], $0x80, v26, vm15, $0xb8;
	[tilespmem:$0x11380] =	vst v63  }
0x174: {  	v25 =	vld [tilespmem:$0x1290];
	_ =	sdelay $0x4  }
0x175: {  	v53 =	vshll.u32 v25, $0x4  }
0x176: {  	v25 =	vand.u32 $0x7, v25;
	v26 =	vand.u32 $0xFFFFFF80, v53  }
0x177: {  	v25 =	vor.u32 v25, v26  }
0x178: {  	v26 =	vperm.xlane v25, v23;
	_ =	sdelay $0x1  }
0x179: {  	v26 =	vadd.s32 v22, v26;
	_ =	sdelay $0x4  }
0x17a: {  	[tilespmem:s30], [sflag:$0x1] =	stream.indirect_vreg.gather [hbm4b:s8+s3], $0x80, v26, vm15, $0xb8;
	[tilespmem:$0x11380] =	vst v63  }
0x17b: {  	s25 =	simm.s32 $0x9B00  }
0x17c: {  	[tilespmem:s25], [sflag:$0x1] =	stream.indirect_vreg.gather [hbm4b:s13+s3], $0x80, v26, vm15, $0xb8;
	[tilespmem:$0x11380] =	vst v63  }
0x17d: {  	s30 =	simm.s32 $0xA300  }
0x17e: {  	[tilespmem:s30], [sflag:$0x1] =	stream.indirect_vreg.gather [hbm4b:s14+s3], $0x80, v26, vm15, $0xb8;
	[tilespmem:$0x11380] =	vst v63  }
0x17f: {  	_ = 	snop  }
0x180: {  	[tilespmem:s9], [sflag:$0x1] =	stream.indirect_vreg.gather [hbm4b:s15+s3], $0x80, v26, vm15, $0xb8;
	[tilespmem:$0x11380] =	vst v63  }
0x181: {  	s25 =	simm.s32 $0xB300  }
0x182: {  	[tilespmem:s25], [sflag:$0x1] =	stream.indirect_vreg.gather [hbm4b:s16+s3], $0x80, v26, vm15, $0xb8;
	[tilespmem:$0x11380] =	vst v63  }
0x183: {  	v25 =	vperm.xlane v25, v38  }
0x184: {  	[tilespmem:s29], [sflag:$0x1] =	stream.indirect_vreg.gather [hbm4b:s26+s3], $0x80, v26, vm15, $0xb8;
	[tilespmem:$0x11380] =	vst v63  }
0x185: {  	v25 =	vadd.s32 v22, v25  }
0x186: {  	[tilespmem:s10], [sflag:$0x1] =	stream.indirect_vreg.gather [hbm4b:s28+s3], $0x80, v26, vm15, $0xb8;
	[tilespmem:$0x11380] =	vst v63  }
0x187: {  	s9 =	simm.s32 $0xCB00  }
0x188: {  	[tilespmem:s9], [sflag:$0x1] =	stream.indirect_vreg.gather [hbm4b:s2+s3], $0x80, v26, vm15, $0xb8;
	[tilespmem:$0x11380] =	vst v63  }
0x189: {  	_ = 	snop  }
0x18a: {  	[tilespmem:s7], [sflag:$0x1] =	stream.indirect_vreg.gather [hbm4b:s8+s3], $0x80, v25, vm15, $0xb8;
	[tilespmem:$0x11380] =	vst v63  }
0x18b: {  	_ = 	snop  }
0x18c: {  	[tilespmem:s11], [sflag:$0x1] =	stream.indirect_vreg.gather [hbm4b:s13+s3], $0x80, v25, vm15, $0xb8;
	[tilespmem:$0x11380] =	vst v63  }
0x18d: {  	s30 =	simm.s32 $0xE300  }
0x18e: {  	[tilespmem:s30], [sflag:$0x1] =	stream.indirect_vreg.gather [hbm4b:s14+s3], $0x80, v25, vm15, $0xb8;
	[tilespmem:$0x11380] =	vst v63  }
0x18f: {  	s7 =	simm.s32 $0xEB00  }
0x190: {  	[tilespmem:s7], [sflag:$0x1] =	stream.indirect_vreg.gather [hbm4b:s15+s3], $0x80, v25, vm15, $0xb8;
	[tilespmem:$0x11380] =	vst v63  }
0x191: {  	s10 =	simm.s32 $0xF300  }
0x192: {  	[tilespmem:s10], [sflag:$0x1] =	stream.indirect_vreg.gather [hbm4b:s16+s3], $0x80, v25, vm15, $0xb8;
	[tilespmem:$0x11380] =	vst v63  }
0x193: {  	s11 =	simm.s32 $0xFB00  }
0x194: {  	[tilespmem:s11], [sflag:$0x1] =	stream.indirect_vreg.gather [hbm4b:s26+s3], $0x80, v25, vm15, $0xb8;
	[tilespmem:$0x11380] =	vst v63  }
0x195: {  	s25 =	simm.s32 $0x10300  }
0x196: {  	[tilespmem:s25], [sflag:$0x1] =	stream.indirect_vreg.gather [hbm4b:s28+s3], $0x80, v25, vm15, $0xb8;
	[tilespmem:$0x11380] =	vst v63  }
0x197: {  	s29 =	simm.s32 $0x1  }
0x198: {  	[tilespmem:s1], [sflag:$0x1] =	stream.indirect_vreg.gather [hbm4b:s2+s3], $0x80, v25, vm15, $0xb8;
	[tilespmem:$0x11380] =	vst v63  }
0x199: {  	_ =	swait.ge [sflag:s29], $0x10000  }
0x19a: {  	[sflag:s29] =	ssyncset.done $0x0  }
0x19b: {  	[sflag:s29] =	ssyncadd.s32 $0xFFFF0000  }
0x19c: {  	v54 =	vld [tilespmem:$0x1180];
	_ =	sdelay $0x4  }
0x19d: {  	v55 =	vshll.u32 v54, $0x4  }
0x19e: {  	v25 =	vand.u32 $0x7, v54;
	v26 =	vand.u32 $0xFFFFFF80, v55  }
0x19f: {  	v25 =	vor.u32 v25, v26  }
0x1a0: {  	v26 =	vperm.xlane v25, v23;
	_ =	sdelay $0x1  }
0x1a1: {  	v26 =	vadd.s32 v22, v26;
	_ =	sdelay $0x3  }
0x1a2: {  	s30 =	simm.s32 $0x1300  }
0x1a3: {  	[hbm4b:s12+s3] =	stream.indirect_vreg.scatter [tilespmem:s30], [sflag:$0x2], $0x80, v26, vm15, $0xb8;
	[tilespmem:$0x11380] =	vst v63  }
0x1a4: {  	s11 =	simm.s32 $0x1B00  }
0x1a5: {  	[hbm4b:s17+s3] =	stream.indirect_vreg.scatter [tilespmem:s11], [sflag:$0x2], $0x80, v26, vm15, $0xb8;
	[tilespmem:$0x11380] =	vst v63  }
0x1a6: {  	s25 =	simm.s32 $0x2300  }
0x1a7: {  	[hbm4b:s19+s3] =	stream.indirect_vreg.scatter [tilespmem:s25], [sflag:$0x2], $0x80, v26, vm15, $0xb8;
	[tilespmem:$0x11380] =	vst v63  }
0x1a8: {  	s29 =	simm.s32 $0x2B00  }
0x1a9: {  	[hbm4b:s20+s3] =	stream.indirect_vreg.scatter [tilespmem:s29], [sflag:$0x2], $0x80, v26, vm15, $0xb8;
	[tilespmem:$0x11380] =	vst v63  }
0x1aa: {  	s30 =	simm.s32 $0x3300  }
0x1ab: {  	[hbm4b:s21+s3] =	stream.indirect_vreg.scatter [tilespmem:s30], [sflag:$0x2], $0x80, v26, vm15, $0xb8;
	[tilespmem:$0x11380] =	vst v63  }
0x1ac: {  	s1 =	simm.s32 $0x3B00;
	v25 =	vperm.xlane v25, v38  }
0x1ad: {  	[hbm4b:s22+s3] =	stream.indirect_vreg.scatter [tilespmem:s1], [sflag:$0x2], $0x80, v26, vm15, $0xb8;
	[tilespmem:$0x11380] =	vst v63  }
0x1ae: {  	s4 =	simm.s32 $0x4300;
	v25 =	vadd.s32 v22, v25  }
0x1af: {  	[hbm4b:s23+s3] =	stream.indirect_vreg.scatter [tilespmem:s4], [sflag:$0x2], $0x80, v26, vm15, $0xb8;
	[tilespmem:$0x11380] =	vst v63  }
0x1b0: {  	s10 =	simm.s32 $0x4B00  }
0x1b1: {  	[hbm4b:s24+s3] =	stream.indirect_vreg.scatter [tilespmem:s10], [sflag:$0x2], $0x80, v26, vm15, $0xb8;
	[tilespmem:$0x11380] =	vst v63  }
0x1b2: {  	s7 =	simm.s32 $0x5300  }
0x1b3: {  	[hbm4b:s12+s3] =	stream.indirect_vreg.scatter [tilespmem:s7], [sflag:$0x2], $0x80, v25, vm15, $0xb8;
	[tilespmem:$0x11380] =	vst v63  }
0x1b4: {  	s1 =	simm.s32 $0x5B00  }
0x1b5: {  	[hbm4b:s17+s3] =	stream.indirect_vreg.scatter [tilespmem:s1], [sflag:$0x2], $0x80, v25, vm15, $0xb8;
	[tilespmem:$0x11380] =	vst v63  }
0x1b6: {  	s4 =	simm.s32 $0x6300  }
0x1b7: {  	[hbm4b:s19+s3] =	stream.indirect_vreg.scatter [tilespmem:s4], [sflag:$0x2], $0x80, v25, vm15, $0xb8;
	[tilespmem:$0x11380] =	vst v63  }
0x1b8: {  	s7 =	simm.s32 $0x6B00  }
0x1b9: {  	[hbm4b:s20+s3] =	stream.indirect_vreg.scatter [tilespmem:s7], [sflag:$0x2], $0x80, v25, vm15, $0xb8;
	[tilespmem:$0x11380] =	vst v63  }
0x1ba: {  	s31 =	simm.s32 $0x7300  }
0x1bb: {  	[hbm4b:s21+s3] =	stream.indirect_vreg.scatter [tilespmem:s31], [sflag:$0x2], $0x80, v25, vm15, $0xb8;
	[tilespmem:$0x11380] =	vst v63  }
0x1bc: {  	_ = 	snop  }
0x1bd: {  	[hbm4b:s22+s3] =	stream.indirect_vreg.scatter [tilespmem:s0], [sflag:$0x2], $0x80, v25, vm15, $0xb8;
	[tilespmem:$0x11380] =	vst v63  }
0x1be: {  	_ = 	snop  }
0x1bf: {  	[hbm4b:s23+s3] =	stream.indirect_vreg.scatter [tilespmem:s6], [sflag:$0x2], $0x80, v25, vm15, $0xb8;
	[tilespmem:$0x11380] =	vst v63  }
0x1c0: {  	s1 =	simm.s32 $0x8B00  }
0x1c1: {  	[hbm4b:s24+s3] =	stream.indirect_vreg.scatter [tilespmem:s1], [sflag:$0x2], $0x80, v25, vm15, $0xb8;
	[tilespmem:$0x11380] =	vst v63  }
0x1c2: {  	v25 =	vld [tilespmem:$0x1190];
	_ =	sdelay $0x4  }
0x1c3: {  	v56 =	vshll.u32 v25, $0x4  }
0x1c4: {  	v25 =	vand.u32 $0x7, v25;
	v26 =	vand.u32 $0xFFFFFF80, v56  }
0x1c5: {  	v25 =	vor.u32 v25, v26  }
0x1c6: {  	v26 =	vperm.xlane v25, v23;
	_ =	sdelay $0x1  }
0x1c7: {  	v26 =	vadd.s32 v22, v26;
	_ =	sdelay $0x3  }
0x1c8: {  	s5 =	simm.s32 $0x9300  }
0x1c9: {  	[hbm4b:s12+s3] =	stream.indirect_vreg.scatter [tilespmem:s5], [sflag:$0x2], $0x80, v26, vm15, $0xb8;
	[tilespmem:$0x11380] =	vst v63  }
0x1ca: {  	s6 =	simm.s32 $0x9B00  }
0x1cb: {  	[hbm4b:s17+s3] =	stream.indirect_vreg.scatter [tilespmem:s6], [sflag:$0x2], $0x80, v26, vm15, $0xb8;
	[tilespmem:$0x11380] =	vst v63  }
0x1cc: {  	s31 =	simm.s32 $0xA300  }
0x1cd: {  	[hbm4b:s19+s3] =	stream.indirect_vreg.scatter [tilespmem:s31], [sflag:$0x2], $0x80, v26, vm15, $0xb8;
	[tilespmem:$0x11380] =	vst v63  }
0x1ce: {  	s5 =	simm.s32 $0xAB00  }
0x1cf: {  	[hbm4b:s20+s3] =	stream.indirect_vreg.scatter [tilespmem:s5], [sflag:$0x2], $0x80, v26, vm15, $0xb8;
	[tilespmem:$0x11380] =	vst v63  }
0x1d0: {  	s4 =	simm.s32 $0xB300  }
0x1d1: {  	[hbm4b:s21+s3] =	stream.indirect_vreg.scatter [tilespmem:s4], [sflag:$0x2], $0x80, v26, vm15, $0xb8;
	[tilespmem:$0x11380] =	vst v63  }
0x1d2: {  	s7 =	simm.s32 $0xBB00;
	v25 =	vperm.xlane v25, v38  }
0x1d3: {  	[hbm4b:s22+s3] =	stream.indirect_vreg.scatter [tilespmem:s7], [sflag:$0x2], $0x80, v26, vm15, $0xb8;
	[tilespmem:$0x11380] =	vst v63  }
0x1d4: {  	v25 =	vadd.s32 v22, v25;
	s7 =	simm.s32 $0xC300  }
0x1d5: {  	[hbm4b:s23+s3] =	stream.indirect_vreg.scatter [tilespmem:s7], [sflag:$0x2], $0x80, v26, vm15, $0xb8;
	[tilespmem:$0x11380] =	vst v63  }
0x1d6: {  	_ = 	snop  }
0x1d7: {  	[hbm4b:s24+s3] =	stream.indirect_vreg.scatter [tilespmem:s9], [sflag:$0x2], $0x80, v26, vm15, $0xb8;
	[tilespmem:$0x11380] =	vst v63  }
0x1d8: {  	s4 =	simm.s32 $0xD300  }
0x1d9: {  	[hbm4b:s12+s3] =	stream.indirect_vreg.scatter [tilespmem:s4], [sflag:$0x2], $0x80, v25, vm15, $0xb8;
	[tilespmem:$0x11380] =	vst v63  }
0x1da: {  	s9 =	simm.s32 $0xDB00  }
0x1db: {  	[hbm4b:s17+s3] =	stream.indirect_vreg.scatter [tilespmem:s9], [sflag:$0x2], $0x80, v25, vm15, $0xb8;
	[tilespmem:$0x11380] =	vst v63  }
0x1dc: {  	s0 =	simm.s32 $0xE300  }
0x1dd: {  	[hbm4b:s19+s3] =	stream.indirect_vreg.scatter [tilespmem:s0], [sflag:$0x2], $0x80, v25, vm15, $0xb8;
	[tilespmem:$0x11380] =	vst v63  }
0x1de: {  	s0 =	simm.s32 $0xEB00  }
0x1df: {  	[hbm4b:s20+s3] =	stream.indirect_vreg.scatter [tilespmem:s0], [sflag:$0x2], $0x80, v25, vm15, $0xb8;
	[tilespmem:$0x11380] =	vst v63  }
0x1e0: {  	s0 =	simm.s32 $0xF300  }
0x1e1: {  	[hbm4b:s21+s3] =	stream.indirect_vreg.scatter [tilespmem:s0], [sflag:$0x2], $0x80, v25, vm15, $0xb8;
	[tilespmem:$0x11380] =	vst v63  }
0x1e2: {  	s0 =	simm.s32 $0xFB00  }
0x1e3: {  	[hbm4b:s22+s3] =	stream.indirect_vreg.scatter [tilespmem:s0], [sflag:$0x2], $0x80, v25, vm15, $0xb8;
	[tilespmem:$0x11380] =	vst v63  }
0x1e4: {  	s0 =	simm.s32 $0x10300  }
0x1e5: {  	[hbm4b:s23+s3] =	stream.indirect_vreg.scatter [tilespmem:s0], [sflag:$0x2], $0x80, v25, vm15, $0xb8;
	[tilespmem:$0x11380] =	vst v63  }
0x1e6: {  	s0 =	simm.s32 $0x10B00  }
0x1e7: {  	v57 =	vperm.xlane v21, v23;
	[hbm4b:s24+s3] =	stream.indirect_vreg.scatter [tilespmem:s0], [sflag:$0x2], $0x80, v25, vm15, $0xb8;
	[tilespmem:$0x11380] =	vst v63  }
0x1e8: {  	s0 =	simm.s32 $0x2  }
0x1e9: {  	v58 =	vadd.s32 v22, v57;
	_ =	swait.ge [sflag:s0], $0x10000  }
0x1ea: {  	[sflag:s0] =	ssyncset.done $0x0  }
0x1eb: {  	[sflag:s0] =	ssyncadd.s32 $0xFFFF0000  }
0x1ec: {  	[tilespmem:$0x1280] =	vst v14  }
0x1ed: {  	s0 =	simm.s32 $0x1300;
	[tilespmem:$0x1290] =	vst v16  }
0x1ee: {  	[tilespmem:s0], [sflag:$0x1] =	stream.indirect_vreg.gather [hbm4b:s8+s3], $0x80, v58, vm15, $0xb8;
	[tilespmem:$0x11380] =	vst v63  }
0x1ef: {  	_ = 	snop  }
0x1f0: {  	[tilespmem:s11], [sflag:$0x1] =	stream.indirect_vreg.gather [hbm4b:s13+s3], $0x80, v58, vm15, $0xb8;
	[tilespmem:$0x11380] =	vst v63  }
0x1f1: {  	_ = 	snop  }
0x1f2: {  	[tilespmem:s25], [sflag:$0x1] =	stream.indirect_vreg.gather [hbm4b:s14+s3], $0x80, v58, vm15, $0xb8;
	[tilespmem:$0x11380] =	vst v63  }
0x1f3: {  	_ = 	snop  }
0x1f4: {  	[tilespmem:s29], [sflag:$0x1] =	stream.indirect_vreg.gather [hbm4b:s15+s3], $0x80, v58, vm15, $0xb8;
	[tilespmem:$0x11380] =	vst v63  }
0x1f5: {  	_ = 	snop  }
0x1f6: {  	[tilespmem:s30], [sflag:$0x1] =	stream.indirect_vreg.gather [hbm4b:s16+s3], $0x80, v58, vm15, $0xb8;
	[tilespmem:$0x11380] =	vst v63  }
0x1f7: {  	v59 =	vperm.xlane v21, v38;
	s0 =	simm.s32 $0x3B00  }
0x1f8: {  	[tilespmem:s0], [sflag:$0x1] =	stream.indirect_vreg.gather [hbm4b:s26+s3], $0x80, v58, vm15, $0xb8;
	[tilespmem:$0x11380] =	vst v63  }
0x1f9: {  	v26 =	vadd.s32 v22, v59;
	s11 =	simm.s32 $0x4300  }
0x1fa: {  	[tilespmem:s11], [sflag:$0x1] =	stream.indirect_vreg.gather [hbm4b:s28+s3], $0x80, v58, vm15, $0xb8;
	[tilespmem:$0x11380] =	vst v63  }
0x1fb: {  	_ = 	snop  }
0x1fc: {  	[tilespmem:s10], [sflag:$0x1] =	stream.indirect_vreg.gather [hbm4b:s2+s3], $0x80, v58, vm15, $0xb8;
	[tilespmem:$0x11380] =	vst v63  }
0x1fd: {  	s25 =	simm.s32 $0x5300  }
0x1fe: {  	[tilespmem:s25], [sflag:$0x1] =	stream.indirect_vreg.gather [hbm4b:s8+s3], $0x80, v26, vm15, $0xb8;
	[tilespmem:$0x11380] =	vst v63  }
0x1ff: {  	s29 =	simm.s32 $0x5B00  }
0x200: {  	[tilespmem:s29], [sflag:$0x1] =	stream.indirect_vreg.gather [hbm4b:s13+s3], $0x80, v26, vm15, $0xb8;
	[tilespmem:$0x11380] =	vst v63  }
0x201: {  	s10 =	simm.s32 $0x6300  }
0x202: {  	[tilespmem:s10], [sflag:$0x1] =	stream.indirect_vreg.gather [hbm4b:s14+s3], $0x80, v26, vm15, $0xb8;
	[tilespmem:$0x11380] =	vst v63  }
0x203: {  	s30 =	simm.s32 $0x6B00  }
0x204: {  	[tilespmem:s30], [sflag:$0x1] =	stream.indirect_vreg.gather [hbm4b:s15+s3], $0x80, v26, vm15, $0xb8;
	[tilespmem:$0x11380] =	vst v63  }
0x205: {  	s11 =	simm.s32 $0x7300  }
0x206: {  	[tilespmem:s11], [sflag:$0x1] =	stream.indirect_vreg.gather [hbm4b:s16+s3], $0x80, v26, vm15, $0xb8;
	[tilespmem:$0x11380] =	vst v63  }
0x207: {  	s29 =	simm.s32 $0x7B00  }
0x208: {  	[tilespmem:s29], [sflag:$0x1] =	stream.indirect_vreg.gather [hbm4b:s26+s3], $0x80, v26, vm15, $0xb8;
	[tilespmem:$0x11380] =	vst v63  }
0x209: {  	s25 =	simm.s32 $0x8300  }
0x20a: {  	[tilespmem:s25], [sflag:$0x1] =	stream.indirect_vreg.gather [hbm4b:s28+s3], $0x80, v26, vm15, $0xb8;
	[tilespmem:$0x11380] =	vst v63  }
0x20b: {  	_ = 	snop  }
0x20c: {  	[tilespmem:s1], [sflag:$0x1] =	stream.indirect_vreg.gather [hbm4b:s2+s3], $0x80, v26, vm15, $0xb8;
	[tilespmem:$0x11380] =	vst v63  }
0x20d: {  	v25 =	vld [tilespmem:$0x1290];
	_ =	sdelay $0x4  }
0x20e: {  	v60 =	vshll.u32 v25, $0x4  }
0x20f: {  	v25 =	vand.u32 $0x7, v25;
	v26 =	vand.u32 $0xFFFFFF80, v60  }
0x210: {  	v25 =	vor.u32 v25, v26  }
0x211: {  	v26 =	vperm.xlane v25, v23;
	_ =	sdelay $0x1  }
0x212: {  	v26 =	vadd.s32 v22, v26;
	_ =	sdelay $0x3  }
0x213: {  	s1 =	simm.s32 $0x9300  }
0x214: {  	[tilespmem:s1], [sflag:$0x1] =	stream.indirect_vreg.gather [hbm4b:s8+s3], $0x80, v26, vm15, $0xb8;
	[tilespmem:$0x11380] =	vst v63  }
0x215: {  	_ = 	snop  }
0x216: {  	[tilespmem:s6], [sflag:$0x1] =	stream.indirect_vreg.gather [hbm4b:s13+s3], $0x80, v26, vm15, $0xb8;
	[tilespmem:$0x11380] =	vst v63  }
0x217: {  	_ = 	snop  }
0x218: {  	[tilespmem:s31], [sflag:$0x1] =	stream.indirect_vreg.gather [hbm4b:s14+s3], $0x80, v26, vm15, $0xb8;
	[tilespmem:$0x11380] =	vst v63  }
0x219: {  	_ = 	snop  }
0x21a: {  	[tilespmem:s5], [sflag:$0x1] =	stream.indirect_vreg.gather [hbm4b:s15+s3], $0x80, v26, vm15, $0xb8;
	[tilespmem:$0x11380] =	vst v63  }
0x21b: {  	s6 =	simm.s32 $0xB300  }
0x21c: {  	[tilespmem:s6], [sflag:$0x1] =	stream.indirect_vreg.gather [hbm4b:s16+s3], $0x80, v26, vm15, $0xb8;
	[tilespmem:$0x11380] =	vst v63  }
0x21d: {  	v25 =	vperm.xlane v25, v38;
	s5 =	simm.s32 $0xBB00  }
0x21e: {  	[tilespmem:s5], [sflag:$0x1] =	stream.indirect_vreg.gather [hbm4b:s26+s3], $0x80, v26, vm15, $0xb8;
	[tilespmem:$0x11380] =	vst v63  }
0x21f: {  	v25 =	vadd.s32 v22, v25  }
0x220: {  	[tilespmem:s7], [sflag:$0x1] =	stream.indirect_vreg.gather [hbm4b:s28+s3], $0x80, v26, vm15, $0xb8;
	[tilespmem:$0x11380] =	vst v63  }
0x221: {  	s0 =	simm.s32 $0xCB00  }
0x222: {  	[tilespmem:s0], [sflag:$0x1] =	stream.indirect_vreg.gather [hbm4b:s2+s3], $0x80, v26, vm15, $0xb8;
	[tilespmem:$0x11380] =	vst v63  }
0x223: {  	_ = 	snop  }
0x224: {  	[tilespmem:s4], [sflag:$0x1] =	stream.indirect_vreg.gather [hbm4b:s8+s3], $0x80, v25, vm15, $0xb8;
	[tilespmem:$0x11380] =	vst v63  }
0x225: {  	_ = 	snop  }
0x226: {  	[tilespmem:s9], [sflag:$0x1] =	stream.indirect_vreg.gather [hbm4b:s13+s3], $0x80, v25, vm15, $0xb8;
	[tilespmem:$0x11380] =	vst v63  }
0x227: {  	s4 =	simm.s32 $0xE300  }
0x228: {  	[tilespmem:s4], [sflag:$0x1] =	stream.indirect_vreg.gather [hbm4b:s14+s3], $0x80, v25, vm15, $0xb8;
	[tilespmem:$0x11380] =	vst v63  }
0x229: {  	s6 =	simm.s32 $0xEB00  }
0x22a: {  	[tilespmem:s6], [sflag:$0x1] =	stream.indirect_vreg.gather [hbm4b:s15+s3], $0x80, v25, vm15, $0xb8;
	[tilespmem:$0x11380] =	vst v63  }
0x22b: {  	s8 =	simm.s32 $0xF300  }
0x22c: {  	[tilespmem:s8], [sflag:$0x1] =	stream.indirect_vreg.gather [hbm4b:s16+s3], $0x80, v25, vm15, $0xb8;
	[tilespmem:$0x11380] =	vst v63  }
0x22d: {  	s13 =	simm.s32 $0xFB00  }
0x22e: {  	[tilespmem:s13], [sflag:$0x1] =	stream.indirect_vreg.gather [hbm4b:s26+s3], $0x80, v25, vm15, $0xb8;
	[tilespmem:$0x11380] =	vst v63  }
0x22f: {  	s14 =	simm.s32 $0x10300  }
0x230: {  	[tilespmem:s14], [sflag:$0x1] =	stream.indirect_vreg.gather [hbm4b:s28+s3], $0x80, v25, vm15, $0xb8;
	[tilespmem:$0x11380] =	vst v63  }
0x231: {  	s15 =	simm.s32 $0x10B00;
	s16 =	simm.s32 $0x1  }
0x232: {  	[tilespmem:s15], [sflag:$0x1] =	stream.indirect_vreg.gather [hbm4b:s2+s3], $0x80, v25, vm15, $0xb8;
	[tilespmem:$0x11380] =	vst v63  }
0x233: {  	_ =	swait.ge [sflag:s16], $0x10000  }
0x234: {  	[sflag:s16] =	ssyncset.done $0x0  }
0x235: {  	[sflag:s16] =	ssyncadd.s32 $0xFFFF0000  }
0x236: {  	v61 =	vld [tilespmem:$0x1200];
	_ =	sdelay $0x4  }
0x237: {  	v62 =	vshll.u32 v61, $0x4  }
0x238: {  	v25 =	vand.u32 $0x7, v61;
	v26 =	vand.u32 $0xFFFFFF80, v62  }
0x239: {  	v25 =	vor.u32 v25, v26  }
0x23a: {  	v26 =	vperm.xlane v25, v23;
	_ =	sdelay $0x1  }
0x23b: {  	v26 =	vadd.s32 v22, v26;
	_ =	sdelay $0x3  }
0x23c: {  	s26 =	simm.s32 $0x1300  }
0x23d: {  	[hbm4b:s12+s3] =	stream.indirect_vreg.scatter [tilespmem:s26], [sflag:$0x2], $0x80, v26, vm15, $0xb8;
	[tilespmem:$0x11380] =	vst v63  }
0x23e: {  	s28 =	simm.s32 $0x1B00  }
0x23f: {  	[hbm4b:s17+s3] =	stream.indirect_vreg.scatter [tilespmem:s28], [sflag:$0x2], $0x80, v26, vm15, $0xb8;
	[tilespmem:$0x11380] =	vst v63  }
0x240: {  	s16 =	simm.s32 $0x2300  }
0x241: {  	[hbm4b:s19+s3] =	stream.indirect_vreg.scatter [tilespmem:s16], [sflag:$0x2], $0x80, v26, vm15, $0xb8;
	[tilespmem:$0x11380] =	vst v63  }
0x242: {  	s26 =	simm.s32 $0x2B00  }
0x243: {  	[hbm4b:s20+s3] =	stream.indirect_vreg.scatter [tilespmem:s26], [sflag:$0x2], $0x80, v26, vm15, $0xb8;
	[tilespmem:$0x11380] =	vst v63  }
0x244: {  	s28 =	simm.s32 $0x3300  }
0x245: {  	[hbm4b:s21+s3] =	stream.indirect_vreg.scatter [tilespmem:s28], [sflag:$0x2], $0x80, v26, vm15, $0xb8;
	[tilespmem:$0x11380] =	vst v63  }
0x246: {  	v25 =	vperm.xlane v25, v38;
	s16 =	simm.s32 $0x3B00  }
0x247: {  	[hbm4b:s22+s3] =	stream.indirect_vreg.scatter [tilespmem:s16], [sflag:$0x2], $0x80, v26, vm15, $0xb8;
	[tilespmem:$0x11380] =	vst v63  }
0x248: {  	v25 =	vadd.s32 v22, v25;
	s26 =	simm.s32 $0x4300  }
0x249: {  	[hbm4b:s23+s3] =	stream.indirect_vreg.scatter [tilespmem:s26], [sflag:$0x2], $0x80, v26, vm15, $0xb8;
	[tilespmem:$0x11380] =	vst v63  }
0x24a: {  	s28 =	simm.s32 $0x4B00  }
0x24b: {  	[hbm4b:s24+s3] =	stream.indirect_vreg.scatter [tilespmem:s28], [sflag:$0x2], $0x80, v26, vm15, $0xb8;
	[tilespmem:$0x11380] =	vst v63  }
0x24c: {  	s16 =	simm.s32 $0x5300  }
0x24d: {  	[hbm4b:s12+s3] =	stream.indirect_vreg.scatter [tilespmem:s16], [sflag:$0x2], $0x80, v25, vm15, $0xb8;
	[tilespmem:$0x11380] =	vst v63  }
0x24e: {  	s26 =	simm.s32 $0x5B00  }
0x24f: {  	[hbm4b:s17+s3] =	stream.indirect_vreg.scatter [tilespmem:s26], [sflag:$0x2], $0x80, v25, vm15, $0xb8;
	[tilespmem:$0x11380] =	vst v63  }
0x250: {  	_ = 	snop  }
0x251: {  	[hbm4b:s19+s3] =	stream.indirect_vreg.scatter [tilespmem:s10], [sflag:$0x2], $0x80, v25, vm15, $0xb8;
	[tilespmem:$0x11380] =	vst v63  }
0x252: {  	s28 =	simm.s32 $0x6B00  }
0x253: {  	[hbm4b:s20+s3] =	stream.indirect_vreg.scatter [tilespmem:s28], [sflag:$0x2], $0x80, v25, vm15, $0xb8;
	[tilespmem:$0x11380] =	vst v63  }
0x254: {  	_ = 	snop  }
0x255: {  	[hbm4b:s21+s3] =	stream.indirect_vreg.scatter [tilespmem:s11], [sflag:$0x2], $0x80, v25, vm15, $0xb8;
	[tilespmem:$0x11380] =	vst v63  }
0x256: {  	_ = 	snop  }
0x257: {  	[hbm4b:s22+s3] =	stream.indirect_vreg.scatter [tilespmem:s29], [sflag:$0x2], $0x80, v25, vm15, $0xb8;
	[tilespmem:$0x11380] =	vst v63  }
0x258: {  	_ = 	snop  }
0x259: {  	[hbm4b:s23+s3] =	stream.indirect_vreg.scatter [tilespmem:s25], [sflag:$0x2], $0x80, v25, vm15, $0xb8;
	[tilespmem:$0x11380] =	vst v63  }
0x25a: {  	s10 =	simm.s32 $0x8B00  }
0x25b: {  	[hbm4b:s24+s3] =	stream.indirect_vreg.scatter [tilespmem:s10], [sflag:$0x2], $0x80, v25, vm15, $0xb8;
	[tilespmem:$0x11380] =	vst v63  }
0x25c: {  	v25 =	vld [tilespmem:$0x1210];
	_ =	sdelay $0x4  }
0x25d: {  	v63 =	vshll.u32 v25, $0x4  }
0x25e: {  	v25 =	vand.u32 $0x7, v25;
	v26 =	vand.u32 $0xFFFFFF80, v63  }
0x25f: {  	v25 =	vor.u32 v25, v26  }
0x260: {  	v23 =	vperm.xlane v25, v23;
	_ =	sdelay $0x1  }
0x261: {  	v23 =	vadd.s32 v22, v23;
	_ =	sdelay $0x4  }
0x262: {  	[hbm4b:s12+s3] =	stream.indirect_vreg.scatter [tilespmem:s1], [sflag:$0x2], $0x80, v23, vm15, $0xb8;
	[tilespmem:$0x11380] =	vst v63  }
0x263: {  	s30 =	simm.s32 $0x9B00  }
0x264: {  	[hbm4b:s17+s3] =	stream.indirect_vreg.scatter [tilespmem:s30], [sflag:$0x2], $0x80, v23, vm15, $0xb8;
	[tilespmem:$0x11380] =	vst v63  }
0x265: {  	s31 =	simm.s32 $0xA300  }
0x266: {  	[hbm4b:s19+s3] =	stream.indirect_vreg.scatter [tilespmem:s31], [sflag:$0x2], $0x80, v23, vm15, $0xb8;
	[tilespmem:$0x11380] =	vst v63  }
0x267: {  	s11 =	simm.s32 $0xAB00  }
0x268: {  	[hbm4b:s20+s3] =	stream.indirect_vreg.scatter [tilespmem:s11], [sflag:$0x2], $0x80, v23, vm15, $0xb8;
	[tilespmem:$0x11380] =	vst v63  }
0x269: {  	s25 =	simm.s32 $0xB300  }
0x26a: {  	[hbm4b:s21+s3] =	stream.indirect_vreg.scatter [tilespmem:s25], [sflag:$0x2], $0x80, v23, vm15, $0xb8;
	[tilespmem:$0x11380] =	vst v63  }
0x26b: {  	v24 =	vperm.xlane v25, v38  }
0x26c: {  	[hbm4b:s22+s3] =	stream.indirect_vreg.scatter [tilespmem:s5], [sflag:$0x2], $0x80, v23, vm15, $0xb8;
	[tilespmem:$0x11380] =	vst v63  }
0x26d: {  	s7 =	simm.s32 $0xC300;
	v22 =	vadd.s32 v22, v24  }
0x26e: {  	[hbm4b:s23+s3] =	stream.indirect_vreg.scatter [tilespmem:s7], [sflag:$0x2], $0x80, v23, vm15, $0xb8;
	[tilespmem:$0x11380] =	vst v63  }
0x26f: {  	_ = 	snop  }
0x270: {  	[hbm4b:s24+s3] =	stream.indirect_vreg.scatter [tilespmem:s0], [sflag:$0x2], $0x80, v23, vm15, $0xb8;
	[tilespmem:$0x11380] =	vst v63  }
0x271: {  	s26 =	simm.s32 $0xD300  }
0x272: {  	[hbm4b:s12+s3] =	stream.indirect_vreg.scatter [tilespmem:s26], [sflag:$0x2], $0x80, v22, vm15, $0xb8;
	[tilespmem:$0x11380] =	vst v63  }
0x273: {  	s9 =	simm.s32 $0xDB00  }
0x274: {  	[hbm4b:s17+s3] =	stream.indirect_vreg.scatter [tilespmem:s9], [sflag:$0x2], $0x80, v22, vm15, $0xb8;
	[tilespmem:$0x11380] =	vst v63  }
0x275: {  	_ = 	snop  }
0x276: {  	[hbm4b:s19+s3] =	stream.indirect_vreg.scatter [tilespmem:s4], [sflag:$0x2], $0x80, v22, vm15, $0xb8;
	[tilespmem:$0x11380] =	vst v63  }
0x277: {  	_ = 	snop  }
0x278: {  	[hbm4b:s20+s3] =	stream.indirect_vreg.scatter [tilespmem:s6], [sflag:$0x2], $0x80, v22, vm15, $0xb8;
	[tilespmem:$0x11380] =	vst v63  }
0x279: {  	_ = 	snop  }
0x27a: {  	[hbm4b:s21+s3] =	stream.indirect_vreg.scatter [tilespmem:s8], [sflag:$0x2], $0x80, v22, vm15, $0xb8;
	[tilespmem:$0x11380] =	vst v63  }
0x27b: {  	_ = 	snop  }
0x27c: {  	[hbm4b:s22+s3] =	stream.indirect_vreg.scatter [tilespmem:s13], [sflag:$0x2], $0x80, v22, vm15, $0xb8;
	[tilespmem:$0x11380] =	vst v63  }
0x27d: {  	_ = 	snop  }
0x27e: {  	[hbm4b:s23+s3] =	stream.indirect_vreg.scatter [tilespmem:s14], [sflag:$0x2], $0x80, v22, vm15, $0xb8;
	[tilespmem:$0x11380] =	vst v63  }
0x27f: {  	s28 =	simm.s32 $0x2  }
0x280: {  	[hbm4b:s24+s3] =	stream.indirect_vreg.scatter [tilespmem:s15], [sflag:$0x2], $0x80, v22, vm15, $0xb8;
	[tilespmem:$0x11380] =	vst v63  }
0x281: {  	_ =	swait.ge [sflag:s28], $0x10000  }
0x282: {  	s29 =	rddreg [dreg:$0x1a]  }
0x283: {  	s31 =	rddreg [dreg:$0x9];
	s4 =	sadd.s32 $0x1, s29  }
0x284: {  	p1 =	sne.s32 s4, s31  }
.Ltmp1:
0x285: {  	_ = 	snop;
	(pc) =	sbr.rel @!p1 .LBB2_6-.Ltmp1, $3  }
0x286: {  	_ =	sdelay $0x1  }
0x287: {  	s30 =	simm.s32 $0x2;
	[sflag:s28] =	ssyncset.done $0x0  }
0x288: {  	s16 =	simm.s32 $0x3;
	[sflag:s30] =	ssyncadd.s32 $0xFFFF0000  }
.LBB2_1:
0x289: {  	s6 =	rddreg [dreg:$0x0]  }
0x28a: {  	[tilespmem:s3], [sflag:$0x3] =	stream.linear.gather [hbm4b:s6+s3], $0x1000, $0x38;
	[tilespmem:$0x11380] =	vst v63  }
0x28b: {  	_ =	swait.ge [sflag:s16], $0x1000  }
0x28c: {  	[sflag:s16] =	ssyncset.done $0x0  }
0x28d: {  	[sflag:s16] =	ssyncadd.s32 $0xFFFFF000  }
0x28e: {  	v24 =	vld [tilespmem:s3+$0x0];
	_ =	sdelay $0x4  }
0x28f: {  	vm8 =	veq.s32 v24, $0x0  }
0x290: {  	vm9 =	veq.s32 v24, $0x1;
	v22 =	vsel vm8, $0x1, v1  }
0x291: {  	s25 =	simm.s32 $0x10;
	vm8 =	veq.s32 v24, $0x2;
	v23 =	vsel vm9, $0x1, v1;
	(xrf0) =	vadd.scan.msk.s32 $0xffff, v22  }
0x292: {  	vm9 =	veq.s32 v24, $0x3;
	v22 =	vld [tilespmem:s25+$0x0];
	v25 =	vsel vm8, $0x1, v1;
	vm8 =	veq.s32 v24, $0x4;
	(xrf0) =	vadd.scan.msk.s32 $0xffff, v23  }
0x293: {  	v23 =	vsel vm9, $0x1, v1;
	(xrf0) =	vadd.scan.msk.s32 $0xffff, v25;
	v25 =	vsel vm8, $0x1, v1;
	vm8 =	veq.s32 v24, $0x5  }
0x294: {  	(xrf0) =	vadd.scan.msk.s32 $0xffff, v23;
	v26 =	vsel vm8, $0x1, v1  }
0x295: {  	p1 =	seq.s32 s18, $0x0;
	vm9 =	veq.s32 v24, $0x7;
	vm8 =	veq.s32 v24, $0x6;
	(xrf0) =	vadd.scan.msk.s32 $0xffff, v25  }
0x296: {  	v23 =	vpsel p1, v1, v1;
	v24 =	vsel vm9, $0x1, v1;
	v25 =	vsel vm8, $0x1, v1;
	(xrf0) =	vadd.scan.msk.s32 $0xffff, v26  }
0x297: {  	vm8 =	veq.s32 v22, $0x3;
	vm15 =	veq.s32 v22, $0x4;
	vm10 =	veq.s32 v22, $0x1;
	v26, _, _ =	vpop (xrf0);
	(xrf0) =	vadd.scan.msk.s32 $0xffff, v25  }
0x298: {  	s10 =	simm.s32 $0x1;
	s6 =	simm.s32 $0x2;
	vm9 =	veq.s32 v22, $0x2;
	v25 =	vbroadcast v26, $0xF;
	v26, _, _ =	vpop (xrf0);
	(xrf0) =	vadd.scan.msk.s32 $0xffff, v24;
	v24 =	vimm.s32 $0x0  }
.LBB2_2:
0x299: {  	p1 =	sne.s32 s6, $0xFF;
	vm11 =	veq.s32 v22, $0x0;
	v27 =	vsel vm10, $0x1, v1;
	v26 =	vbroadcast v26, $0xF;
	v28, _, _ =	vpop (xrf0)  }
0x29a: {  	v29 =	vsel vm11, $0x1, v1;
	v25 =	vnsel vm4, $0x0, v25;
	v28 =	vbroadcast v28, $0xF;
	v30, _, _ =	vpop (xrf0)  }
0x29b: {  	v24 =	vadd.s32 v24, v25;
	v25 =	vnsel vm1, $0x0, v26;
	v26 =	vbroadcast v30, $0xF;
	v30, _, _ =	vpop (xrf0)  }
0x29c: {  	v24 =	vadd.s32 v25, v24;
	v25 =	vnsel vm5, $0x0, v28;
	v28 =	vbroadcast v30, $0xF;
	v30, _, _ =	vpop (xrf0)  }
0x29d: {  	v24 =	vadd.s32 v25, v24;
	v25 =	vnsel vm0, $0x0, v26;
	v26 =	vbroadcast v30, $0xF;
	v30, _, _ =	vpop (xrf0)  }
0x29e: {  	v24 =	vadd.s32 v25, v24;
	v25 =	vnsel vm6, $0x0, v28;
	v28 =	vbroadcast v30, $0xF;
	v30, _, _ =	vpop (xrf0)  }
0x29f: {  	s25 =	sadd.s32 $0x10, s25;
	(xrf0) =	vadd.scan.msk.s32 $0xffff, v29;
	v24 =	vadd.s32 v25, v24;
	v25 =	vnsel vm2, $0x0, v26;
	v26 =	vbroadcast v30, $0xF;
	v29 =	vmovc v22  }
0x2a0: {  	v30 =	vsel vm9, $0x1, v1;
	v22 =	vld [tilespmem:s25+$0x0];
	(xrf0) =	vadd.scan.msk.s32 $0xffff, v27;
	v24 =	vadd.s32 v25, v24;
	v25 =	vnsel vm7, $0x0, v28  }
0x2a1: {  	v27 =	vsel vm8, $0x1, v1;
	(xrf0) =	vadd.scan.msk.s32 $0xffff, v30;
	v24 =	vadd.s32 v25, v24;
	v25 =	vnsel vm3, $0x0, v26  }
.Ltmp2:
0x2a2: {  	p2 =	seq.s32 s18, s10;
	s10 =	smov.u32 s6;
	vm8 =	veq.s32 v29, $0x5;
	v26 =	vsel vm15, $0x1, v1;
	(xrf0) =	vadd.scan.msk.s32 $0xffff, v27;
	v24 =	vadd.s32 v25, v24;
	(pc) =	sbr.rel @p1 .LBB2_2-.Ltmp2, $4  }
0x2a3: {  	v28 =	vsel vm8, $0x1, v1;
	vm8 =	veq.s32 v29, $0x6;
	v23 =	vpsel p2, v24, v23;
	(xrf0) =	vadd.scan.msk.s32 $0xffff, v26  }
0x2a4: {  	vm9 =	veq.s32 v29, $0x7;
	v30 =	vsel vm8, $0x1, v1;
	(xrf0) =	vadd.scan.msk.s32 $0xffff, v28  }
0x2a5: {  	v27 =	vsel vm9, $0x1, v1;
	vm8 =	veq.s32 v22, $0x3;
	vm15 =	veq.s32 v22, $0x4;
	v25, _, _ =	vpop (xrf0);
	(xrf0) =	vadd.scan.msk.s32 $0xffff, v30  }
0x2a6: {  	s6 =	sadd.s32 $0x1, s6;
	vm10 =	veq.s32 v22, $0x1;
	vm9 =	veq.s32 v22, $0x2;
	v25 =	vbroadcast v25, $0xF;
	v26, _, _ =	vpop (xrf0);
	(xrf0) =	vadd.scan.msk.s32 $0xffff, v27  }
0x2a7: {  	vm11 =	veq.s32 v22, $0x0;
	v27 =	vsel vm10, $0x1, v1;
	v26 =	vbroadcast v26, $0xF  }
0x2a8: {  	v28, _, _ =	vpop (xrf0);
	v51 =	vsel vm9, $0x1, v1;
	v53 =	vsel vm8, $0x1, v1;
	v55 =	vsel vm15, $0x1, v1  }
0x2a9: {  	vm8 =	veq.s32 v22, $0x5;
	v29 =	vsel vm11, $0x1, v1;
	v25 =	vnsel vm4, $0x0, v25;
	v30, _, _ =	vpop (xrf0)  }
0x2aa: {  	v28 =	vbroadcast v28, $0xF;
	v57 =	vsel vm8, $0x1, v1;
	vm8 =	veq.s32 v22, $0x6;
	v46, _, _ =	vpop (xrf0);
	(xrf0) =	vadd.scan.msk.s32 $0xffff, v29  }
0x2ab: {  	v24 =	vadd.s32 v24, v25;
	v44 =	vnsel vm1, $0x0, v26;
	v45 =	vbroadcast v30, $0xF;
	v49, _, _ =	vpop (xrf0);
	(xrf0) =	vadd.scan.msk.s32 $0xffff, v27  }
0x2ac: {  	v59 =	vsel vm8, $0x1, v1;
	vm8 =	veq.s32 v22, $0x7;
	v24 =	vadd.s32 v44, v24;
	(xrf0) =	vadd.scan.msk.s32 $0xffff, v51  }
0x2ad: {  	v47 =	vnsel vm5, $0x0, v28;
	v48 =	vbroadcast v46, $0xF;
	v61 =	vsel vm8, $0x1, v1;
	v54, _, _ =	vpop (xrf0);
	(xrf0) =	vadd.scan.msk.s32 $0xffff, v53  }
0x2ae: {  	v24 =	vadd.s32 v47, v24;
	v50 =	vnsel vm0, $0x0, v45;
	v52 =	vbroadcast v49, $0xF;
	(xrf0) =	vadd.scan.msk.s32 $0xffff, v55  }
0x2af: {  	v24 =	vadd.s32 v50, v24;
	v28 =	vnsel vm6, $0x0, v48;
	v56 =	vbroadcast v54, $0xF;
	v58, _, _ =	vpop (xrf0);
	(xrf0) =	vadd.scan.msk.s32 $0xffff, v57  }
0x2b0: {  	v24 =	vadd.s32 v28, v24;
	v22 =	vnsel vm2, $0x0, v52;
	v60 =	vbroadcast v58, $0xF;
	v62, _, _ =	vpop (xrf0);
	(xrf0) =	vadd.scan.msk.s32 $0xffff, v59  }
0x2b1: {  	v22 =	vadd.s32 v22, v24;
	v63 =	vnsel vm7, $0x0, v56;
	v32 =	vbroadcast v62, $0xF;
	v33, _, _ =	vpop (xrf0);
	(xrf0) =	vadd.scan.msk.s32 $0xffff, v61  }
0x2b2: {  	v22 =	vadd.s32 v63, v22;
	v34 =	vnsel vm3, $0x0, v60;
	v35 =	vbroadcast v33, $0xF;
	v36, _, _ =	vpop (xrf0)  }
0x2b3: {  	v24 =	vadd.s32 v34, v22;
	v22 =	vnsel vm4, $0x0, v32;
	v37 =	vbroadcast v36, $0xF;
	v38, _, _ =	vpop (xrf0)  }
0x2b4: {  	v22 =	vadd.s32 v24, v22;
	v26 =	vnsel vm1, $0x0, v35;
	v27 =	vbroadcast v38, $0xF;
	v39, _, _ =	vpop (xrf0)  }
0x2b5: {  	v22 =	vadd.s32 v26, v22;
	v25 =	vnsel vm5, $0x0, v37;
	v40 =	vbroadcast v39, $0xF;
	v41, _, _ =	vpop (xrf0)  }
0x2b6: {  	v22 =	vadd.s32 v25, v22;
	v42 =	vnsel vm0, $0x0, v27;
	v43 =	vbroadcast v41, $0xF;
	v44, _, _ =	vpop (xrf0)  }
0x2b7: {  	v22 =	vadd.s32 v42, v22;
	v45 =	vnsel vm6, $0x0, v40;
	v46 =	vbroadcast v44, $0xF;
	v47, _, _ =	vpop (xrf0)  }
0x2b8: {  	v22 =	vadd.s32 v45, v22;
	v48 =	vnsel vm2, $0x0, v43;
	v49 =	vbroadcast v47, $0xF  }
0x2b9: {  	v22 =	vadd.s32 v48, v22;
	v50 =	vnsel vm7, $0x0, v46  }
0x2ba: {  	v22 =	vadd.s32 v50, v22;
	v51 =	vnsel vm3, $0x0, v49  }
0x2bb: {  	v22 =	vadd.s32 v51, v22  }
0x2bc: {  	s2 =	rddreg [dreg:$0xa];
	v22 =	vadd.s32 $0xFF, v22  }
0x2bd: {  	v27 =	vld [tilespmem:s2+$0x0];
	v52 =	vshra.s32 v22, $0x1F;
	v53 =	vand.u32 $0xFF, v22  }
0x2be: {  	vm8 =	vlt.s32 v22, $0x1;
	v25 =	vshrl.u32 v52, $0x18;
	vm15 =	vne.s32 v53, $0x0  }
0x2bf: {  	v22 =	vadd.s32 v25, v22;
	vm8 =	vmand vm8, vm15  }
0x2c0: {  	v22 =	vshrl.u32 v22, $0x8;
	v54 =	vsel vm8, $0xFFFFFFFF, v1  }
0x2c1: {  	v22 =	vadd.s32 v54, v22  }
0x2c2: {  	vm9 =	veq.s32 v27, $0x0;
	v25 =	vshll.u32 v22, $0x8  }
0x2c3: {  	v22 =	vsel vm9, $0x1, v1;
	(xrf0) =	vadd.scan.msk.s32 $0xffff, v25  }
0x2c4: {  	(xrf0) =	vadd.scan.msk.s32 $0xffff, v22;
	_ =	sdelay $0x4  }
0x2c5: {  	v22, _, _ =	vpop (xrf0)  }
0x2c6: {  	p1 =	seq.s32 s18, s10;
	v55, _, _ =	vpop (xrf0)  }
0x2c7: {  	v23 =	vpsel p1, v24, v23;
	v56 =	vsub.s32 v22, v25;
	v57 =	vbroadcast v55, $0xF  }
0x2c8: {  	v23 =	vadd.s32 v23, v56  }
0x2c9: {  	vm15 =	veq.s32 v27, $0x1;
	v24 =	vnsel vm4, $0x0, v23;
	v25 =	vnsel vm4, $0x0, v57  }
0x2ca: {  	vm14 =	vcmask $0x308;
	v58 =	vsel vm15, $0x1, v1;
	(xrf0) =	vadd.scan.msk.s32 $0xffff, v24;
	v23 =	vadd.s32 v23, v25  }
0x2cb: {  	vm8 =	veq.s32 v27, $0x2;
	(xrf0) =	vadd.scan.msk.s32 $0xffff, v58;
	v59 =	vsel vm14, $0x0, v23  }
0x2cc: {  	v60 =	vsel vm8, $0x1, v1;
	(xrf0) =	vadd.scan.msk.s32 $0xffff, v59  }
0x2cd: {  	(xrf0) =	vadd.scan.msk.s32 $0xffff, v60;
	_ =	sdelay $0x2  }
0x2ce: {  	v61, _, _ =	vpop (xrf0)  }
0x2cf: {  	v62, _, _ =	vpop (xrf0)  }
0x2d0: {  	v40 =	vbroadcast v62, $0xF;
	v63, _, _ =	vpop (xrf0)  }
0x2d1: {  	v41, _, _ =	vpop (xrf0)  }
0x2d2: {  	v29 =	vnsel vm1, $0x0, v40;
	v31 =	vbroadcast v41, $0xF  }
0x2d3: {  	vm11 =	vcmask $0x70C;
	v23 =	vadd.s32 v29, v23  }
0x2d4: {  	vm10 =	veq.s32 v27, $0x3;
	v29 =	vsel vm11, $0x0, v23;
	v31 =	vnsel vm5, $0x0, v31  }
0x2d5: {  	v42 =	vsel vm10, $0x1, v1;
	vm14 =	vcmask $0xB10;
	(xrf0) =	vadd.scan.msk.s32 $0xffff, v29;
	v23 =	vadd.s32 v31, v23  }
0x2d6: {  	vm11 =	veq.s32 v27, $0x4;
	(xrf0) =	vadd.scan.msk.s32 $0xffff, v42;
	v43 =	vsel vm14, $0x0, v23  }
0x2d7: {  	v44 =	vsel vm11, $0x1, v1;
	(xrf0) =	vadd.scan.msk.s32 $0xffff, v43  }
0x2d8: {  	(xrf0) =	vadd.scan.msk.s32 $0xffff, v44;
	_ =	sdelay $0x2  }
0x2d9: {  	v45, _, _ =	vpop (xrf0)  }
0x2da: {  	v46, _, _ =	vpop (xrf0)  }
0x2db: {  	v33 =	vbroadcast v46, $0xF;
	v32, _, _ =	vpop (xrf0)  }
0x2dc: {  	v34, _, _ =	vpop (xrf0)  }
0x2dd: {  	v33 =	vnsel vm0, $0x0, v33;
	v35 =	vbroadcast v34, $0xF  }
0x2de: {  	vm12 =	vcmask $0xF14;
	v23 =	vadd.s32 v33, v23  }
0x2df: {  	v33 =	vsel vm12, $0x0, v23;
	vm12 =	veq.s32 v27, $0x5;
	v35 =	vnsel vm6, $0x0, v35  }
0x2e0: {  	vm13 =	vcmask $0x1318;
	(xrf0) =	vadd.scan.msk.s32 $0xffff, v33;
	v47 =	vsel vm12, $0x1, v1;
	v23 =	vadd.s32 v35, v23  }
0x2e1: {  	(xrf0) =	vadd.scan.msk.s32 $0xffff, v47;
	v48 =	vsel vm13, $0x0, v23;
	vm13 =	veq.s32 v27, $0x6  }
0x2e2: {  	(xrf0) =	vadd.scan.msk.s32 $0xffff, v48;
	v49 =	vsel vm13, $0x1, v1  }
0x2e3: {  	(xrf0) =	vadd.scan.msk.s32 $0xffff, v49;
	_ =	sdelay $0x2  }
0x2e4: {  	v24 =	vbroadcast v61, $0xF;
	v51, _, _ =	vpop (xrf0)  }
0x2e5: {  	v50 =	vsel vm9, $0xFFFFFFFF, v1;
	v52, _, _ =	vpop (xrf0)  }
0x2e6: {  	v37 =	vsel vm15, $0xFFFFFFFF, v1;
	v24 =	vadd.s32 v50, v24;
	v36 =	vbroadcast v52, $0xF;
	v53, _, _ =	vpop (xrf0)  }
0x2e7: {  	v25 =	vadd.s32 v37, v62;
	v24 =	vadd.s32 v55, v24;
	v38, _, _ =	vpop (xrf0)  }
0x2e8: {  	v28 =	vbroadcast v63, $0xF;
	v36 =	vnsel vm2, $0x0, v36;
	v54 =	vbroadcast v38, $0xF  }
0x2e9: {  	v24 =	vnsel vm9, $0x0, v24;
	vm9 =	vcmask $0x171C;
	v23 =	vadd.s32 v36, v23  }
0x2ea: {  	v36 =	vsel vm9, $0x0, v23;
	vm9 =	veq.s32 v27, $0x7;
	v37 =	vnsel vm7, $0x0, v54  }
0x2eb: {  	vm14 =	vcmask $0x1B20;
	(xrf0) =	vadd.scan.msk.s32 $0xffff, v36;
	v57 =	vsel vm9, $0x1, v1;
	v23 =	vadd.s32 v37, v23  }
0x2ec: {  	v60 =	vsel vm10, $0xFFFFFFFF, v1;
	v55 =	vsel vm8, $0xFFFFFFFF, v1;
	(xrf0) =	vadd.scan.msk.s32 $0xffff, v57;
	v59 =	vsel vm14, $0x0, v23  }
0x2ed: {  	v58 =	vadd.s32 v55, v41;
	v25 =	vadd.s32 v28, v25;
	v56 =	vbroadcast v45, $0xF;
	(xrf0) =	vadd.scan.msk.s32 $0xffff, v59  }
0x2ee: {  	v24 =	vsel vm15, v25, v24;
	v63 =	vsel vm11, $0xFFFFFFFF, v1;
	v61 =	vbroadcast v32, $0xF  }
0x2ef: {  	v62 =	vadd.s32 v60, v46;
	v25 =	vadd.s32 v56, v58;
	v32 =	vbroadcast v51, $0xF  }
0x2f0: {  	v24 =	vsel vm8, v25, v24;
	v25 =	vadd.s32 v61, v62;
	v35 =	vadd.s32 v63, v34  }
0x2f1: {  	v24 =	vsel vm10, v25, v24;
	v41 =	vsel vm13, $0xFFFFFFFF, v1;
	v25 =	vadd.s32 v32, v35;
	v37, _, _ =	vpop (xrf0)  }
0x2f2: {  	v26 =	vbroadcast v53, $0xF;
	v24 =	vsel vm11, v25, v24;
	v36 =	vsel vm12, $0xFFFFFFFF, v1;
	v40, _, _ =	vpop (xrf0)  }
0x2f3: {  	v43 =	vsel vm9, $0xFFFFFFFF, v1;
	v39 =	vadd.s32 v36, v52;
	v28 =	vbroadcast v37, $0xF;
	v42, _, _ =	vpop (xrf0)  }
0x2f4: {  	v25 =	vadd.s32 v26, v39;
	v26 =	vadd.s32 v41, v38;
	v29 =	vbroadcast v42, $0xF  }
0x2f5: {  	v24 =	vsel vm12, v25, v24;
	v45 =	vadd.s32 v43, v40;
	v44 =	vadd.s32 v28, v26  }
0x2f6: {  	v24 =	vsel vm13, v44, v24;
	v46 =	vadd.s32 v29, v45  }
0x2f7: {  	s1 =	simm.s32 $0x1000;
	v24 =	vsel vm9, v46, v24  }
0x2f8: {  	[tilespmem:v3+s1+$0x0] =	vst.idx.msk $0xffff, v24  }
0x2f9: {  	[tilespmem:$0x1080] =	vst v24  }
0x2fa: {  	v24 =	vld [tilespmem:s2+$0x10];
	_ =	sdelay $0x4  }
0x2fb: {  	vm9 =	veq.s32 v24, $0x0  }
0x2fc: {  	v47 =	vsel vm9, $0x1, v1  }
0x2fd: {  	(xrf0) =	vadd.scan.msk.s32 $0xffff, v47;
	_ =	sdelay $0x4  }
0x2fe: {  	v48 =	vbroadcast v40, $0xF  }
0x2ff: {  	v49, _, _ =	vpop (xrf0)  }
0x300: {  	v25 =	vnsel vm3, $0x0, v48;
	v50 =	vbroadcast v49, $0xF  }
0x301: {  	v23 =	vadd.s32 v25, v23  }
0x302: {  	v25 =	vnsel vm4, $0x0, v23;
	vm15 =	veq.s32 v24, $0x1;
	v27 =	vnsel vm4, $0x0, v50  }
0x303: {  	vm8 =	vcmask $0x308;
	v51 =	vsel vm15, $0x1, v1;
	(xrf0) =	vadd.scan.msk.s32 $0xffff, v25;
	v23 =	vadd.s32 v27, v23  }
0x304: {  	(xrf0) =	vadd.scan.msk.s32 $0xffff, v51;
	v52 =	vsel vm8, $0x0, v23;
	vm8 =	veq.s32 v24, $0x2  }
0x305: {  	(xrf0) =	vadd.scan.msk.s32 $0xffff, v52;
	v53 =	vsel vm8, $0x1, v1  }
0x306: {  	(xrf0) =	vadd.scan.msk.s32 $0xffff, v53;
	_ =	sdelay $0x2  }
0x307: {  	v54, _, _ =	vpop (xrf0)  }
0x308: {  	v55, _, _ =	vpop (xrf0)  }
0x309: {  	v57 =	vbroadcast v55, $0xF;
	v56, _, _ =	vpop (xrf0)  }
0x30a: {  	v30, _, _ =	vpop (xrf0)  }
0x30b: {  	v29 =	vnsel vm1, $0x0, v57;
	v58 =	vbroadcast v30, $0xF  }
0x30c: {  	vm13 =	vcmask $0x70C;
	v23 =	vadd.s32 v29, v23  }
0x30d: {  	vm10 =	veq.s32 v24, $0x3;
	v29 =	vsel vm13, $0x0, v23;
	v31 =	vnsel vm5, $0x0, v58  }
0x30e: {  	vm14 =	vcmask $0xB10;
	v59 =	vsel vm10, $0x1, v1;
	(xrf0) =	vadd.scan.msk.s32 $0xffff, v29;
	v23 =	vadd.s32 v31, v23  }
0x30f: {  	vm11 =	veq.s32 v24, $0x4;
	(xrf0) =	vadd.scan.msk.s32 $0xffff, v59;
	v60 =	vsel vm14, $0x0, v23  }
0x310: {  	v61 =	vsel vm11, $0x1, v1;
	(xrf0) =	vadd.scan.msk.s32 $0xffff, v60  }
0x311: {  	(xrf0) =	vadd.scan.msk.s32 $0xffff, v61;
	_ =	sdelay $0x2  }
0x312: {  	v62, _, _ =	vpop (xrf0)  }
0x313: {  	v63, _, _ =	vpop (xrf0)  }
0x314: {  	v41 =	vbroadcast v63, $0xF;
	v40, _, _ =	vpop (xrf0)  }
0x315: {  	v42, _, _ =	vpop (xrf0)  }
0x316: {  	v33 =	vnsel vm0, $0x0, v41;
	v43 =	vbroadcast v42, $0xF  }
0x317: {  	vm12 =	vcmask $0xF14;
	v23 =	vadd.s32 v33, v23  }
0x318: {  	v33 =	vsel vm12, $0x0, v23;
	vm12 =	veq.s32 v24, $0x5;
	v35 =	vnsel vm6, $0x0, v43  }
0x319: {  	vm14 =	vcmask $0x1318;
	(xrf0) =	vadd.scan.msk.s32 $0xffff, v33;
	v44 =	vsel vm12, $0x1, v1;
	v23 =	vadd.s32 v35, v23  }
0x31a: {  	vm13 =	veq.s32 v24, $0x6;
	(xrf0) =	vadd.scan.msk.s32 $0xffff, v44;
	v45 =	vsel vm14, $0x0, v23  }
0x31b: {  	v46 =	vsel vm13, $0x1, v1;
	(xrf0) =	vadd.scan.msk.s32 $0xffff, v45  }
0x31c: {  	(xrf0) =	vadd.scan.msk.s32 $0xffff, v46;
	_ =	sdelay $0x1  }
0x31d: {  	v47 =	vsel vm9, $0xFFFFFFFF, v1;
	v25 =	vbroadcast v54, $0xF  }
0x31e: {  	v26 =	vadd.s32 v47, v49;
	v48, _, _ =	vpop (xrf0)  }
0x31f: {  	v25 =	vadd.s32 v25, v26;
	v49, _, _ =	vpop (xrf0)  }
0x320: {  	v52 =	vsel vm15, $0xFFFFFFFF, v1;
	v28 =	vbroadcast v56, $0xF;
	v51 =	vbroadcast v49, $0xF;
	v50, _, _ =	vpop (xrf0)  }
0x321: {  	v25 =	vnsel vm9, $0x0, v25;
	v27 =	vadd.s32 v52, v55;
	v53, _, _ =	vpop (xrf0)  }
0x322: {  	v27 =	vadd.s32 v28, v27;
	v36 =	vnsel vm2, $0x0, v51;
	v54 =	vbroadcast v53, $0xF  }
0x323: {  	vm9 =	vcmask $0x171C;
	v25 =	vsel vm15, v27, v25;
	v23 =	vadd.s32 v36, v23  }
0x324: {  	v36 =	vsel vm9, $0x0, v23;
	vm9 =	veq.s32 v24, $0x7;
	v37 =	vnsel vm7, $0x0, v54  }
0x325: {  	vm15 =	vcmask $0x1B20;
	(xrf0) =	vadd.scan.msk.s32 $0xffff, v36;
	v57 =	vsel vm9, $0x1, v1;
	v23 =	vadd.s32 v37, v23  }
0x326: {  	(xrf0) =	vadd.scan.msk.s32 $0xffff, v57;
	v59 =	vsel vm15, $0x0, v23  }
0x327: {  	v55 =	vsel vm8, $0xFFFFFFFF, v1;
	v56 =	vbroadcast v62, $0xF;
	v60 =	vsel vm10, $0xFFFFFFFF, v1;
	(xrf0) =	vadd.scan.msk.s32 $0xffff, v59  }
0x328: {  	v58 =	vadd.s32 v55, v30;
	v41 =	vsel vm13, $0xFFFFFFFF, v1;
	v62 =	vadd.s32 v60, v63  }
0x329: {  	v63 =	vsel vm11, $0xFFFFFFFF, v1;
	v61 =	vbroadcast v40, $0xF;
	v24 =	vadd.s32 v56, v58  }
0x32a: {  	v32 =	vbroadcast v48, $0xF;
	v35 =	vadd.s32 v63, v42;
	v24 =	vsel vm8, v24, v25  }
0x32b: {  	v25 =	vadd.s32 v61, v62;
	v36 =	vsel vm12, $0xFFFFFFFF, v1;
	v43 =	vsel vm9, $0xFFFFFFFF, v1;
	v37, _, _ =	vpop (xrf0)  }
0x32c: {  	v24 =	vsel vm10, v25, v24;
	v25 =	vadd.s32 v32, v35;
	v26 =	vbroadcast v50, $0xF;
	v40, _, _ =	vpop (xrf0)  }
0x32d: {  	v39 =	vadd.s32 v36, v49;
	v24 =	vsel vm11, v25, v24;
	v28 =	vbroadcast v37, $0xF;
	v42, _, _ =	vpop (xrf0)  }
0x32e: {  	v25 =	vadd.s32 v26, v39;
	v26 =	vadd.s32 v41, v53;
	v29 =	vbroadcast v42, $0xF  }
0x32f: {  	v24 =	vsel vm12, v25, v24;
	v45 =	vadd.s32 v43, v40;
	v44 =	vadd.s32 v28, v26  }
0x330: {  	v24 =	vsel vm13, v44, v24;
	v46 =	vadd.s32 v29, v45  }
0x331: {  	v24 =	vsel vm9, v46, v24  }
0x332: {  	[tilespmem:v6+s1+$0x0] =	vst.idx.msk $0xffff, v24  }
0x333: {  	[tilespmem:$0x1090] =	vst v24  }
0x334: {  	v24 =	vld [tilespmem:s2+$0x20];
	_ =	sdelay $0x4  }
0x335: {  	vm9 =	veq.s32 v24, $0x0  }
0x336: {  	v47 =	vsel vm9, $0x1, v1  }
0x337: {  	(xrf0) =	vadd.scan.msk.s32 $0xffff, v47;
	_ =	sdelay $0x4  }
0x338: {  	v48 =	vbroadcast v40, $0xF  }
0x339: {  	v49, _, _ =	vpop (xrf0)  }
0x33a: {  	v25 =	vnsel vm3, $0x0, v48;
	v50 =	vbroadcast v49, $0xF  }
0x33b: {  	v23 =	vadd.s32 v25, v23  }
0x33c: {  	v25 =	vnsel vm4, $0x0, v23;
	vm15 =	veq.s32 v24, $0x1;
	v27 =	vnsel vm4, $0x0, v50  }
0x33d: {  	vm8 =	vcmask $0x308;
	v51 =	vsel vm15, $0x1, v1;
	(xrf0) =	vadd.scan.msk.s32 $0xffff, v25;
	v23 =	vadd.s32 v27, v23  }
0x33e: {  	(xrf0) =	vadd.scan.msk.s32 $0xffff, v51;
	v52 =	vsel vm8, $0x0, v23;
	vm8 =	veq.s32 v24, $0x2  }
0x33f: {  	(xrf0) =	vadd.scan.msk.s32 $0xffff, v52;
	v53 =	vsel vm8, $0x1, v1  }
0x340: {  	(xrf0) =	vadd.scan.msk.s32 $0xffff, v53;
	_ =	sdelay $0x2  }
0x341: {  	v54, _, _ =	vpop (xrf0)  }
0x342: {  	v55, _, _ =	vpop (xrf0)  }
0x343: {  	v57 =	vbroadcast v55, $0xF;
	v56, _, _ =	vpop (xrf0)  }
0x344: {  	v30, _, _ =	vpop (xrf0)  }
0x345: {  	v29 =	vnsel vm1, $0x0, v57;
	v58 =	vbroadcast v30, $0xF  }
0x346: {  	vm12 =	vcmask $0x70C;
	v23 =	vadd.s32 v29, v23  }
0x347: {  	vm10 =	veq.s32 v24, $0x3;
	v29 =	vsel vm12, $0x0, v23;
	v31 =	vnsel vm5, $0x0, v58  }
0x348: {  	vm13 =	vcmask $0xB10;
	v59 =	vsel vm10, $0x1, v1;
	(xrf0) =	vadd.scan.msk.s32 $0xffff, v29;
	v23 =	vadd.s32 v31, v23  }
0x349: {  	vm11 =	veq.s32 v24, $0x4;
	(xrf0) =	vadd.scan.msk.s32 $0xffff, v59;
	v60 =	vsel vm13, $0x0, v23  }
0x34a: {  	v61 =	vsel vm11, $0x1, v1;
	(xrf0) =	vadd.scan.msk.s32 $0xffff, v60  }
0x34b: {  	(xrf0) =	vadd.scan.msk.s32 $0xffff, v61;
	_ =	sdelay $0x2  }
0x34c: {  	v62, _, _ =	vpop (xrf0)  }
0x34d: {  	v63, _, _ =	vpop (xrf0)  }
0x34e: {  	v41 =	vbroadcast v63, $0xF;
	v40, _, _ =	vpop (xrf0)  }
0x34f: {  	v42, _, _ =	vpop (xrf0)  }
0x350: {  	v33 =	vnsel vm0, $0x0, v41;
	v43 =	vbroadcast v42, $0xF  }
0x351: {  	vm12 =	vcmask $0xF14;
	v23 =	vadd.s32 v33, v23  }
0x352: {  	v33 =	vsel vm12, $0x0, v23;
	vm12 =	veq.s32 v24, $0x5;
	v35 =	vnsel vm6, $0x0, v43  }
0x353: {  	(xrf0) =	vadd.scan.msk.s32 $0xffff, v33;
	v44 =	vsel vm12, $0x1, v1;
	v23 =	vadd.s32 v35, v23  }
0x354: {  	vm13 =	veq.s32 v24, $0x6;
	(xrf0) =	vadd.scan.msk.s32 $0xffff, v44;
	v45 =	vsel vm14, $0x0, v23  }
0x355: {  	v46 =	vsel vm13, $0x1, v1;
	(xrf0) =	vadd.scan.msk.s32 $0xffff, v45  }
0x356: {  	(xrf0) =	vadd.scan.msk.s32 $0xffff, v46;
	_ =	sdelay $0x1  }
0x357: {  	v47 =	vsel vm9, $0xFFFFFFFF, v1;
	v25 =	vbroadcast v54, $0xF  }
0x358: {  	v26 =	vadd.s32 v47, v49;
	v48, _, _ =	vpop (xrf0)  }
0x359: {  	v25 =	vadd.s32 v25, v26;
	v49, _, _ =	vpop (xrf0)  }
0x35a: {  	v52 =	vsel vm15, $0xFFFFFFFF, v1;
	v28 =	vbroadcast v56, $0xF;
	v51 =	vbroadcast v49, $0xF;
	v50, _, _ =	vpop (xrf0)  }
0x35b: {  	v25 =	vnsel vm9, $0x0, v25;
	v27 =	vadd.s32 v52, v55;
	v53, _, _ =	vpop (xrf0)  }
0x35c: {  	v27 =	vadd.s32 v28, v27;
	v36 =	vnsel vm2, $0x0, v51;
	v54 =	vbroadcast v53, $0xF  }
0x35d: {  	vm9 =	vcmask $0x171C;
	v25 =	vsel vm15, v27, v25;
	v23 =	vadd.s32 v36, v23  }
0x35e: {  	v36 =	vsel vm9, $0x0, v23;
	vm9 =	veq.s32 v24, $0x7;
	v37 =	vnsel vm7, $0x0, v54  }
0x35f: {  	vm15 =	vcmask $0x1B20;
	(xrf0) =	vadd.scan.msk.s32 $0xffff, v36;
	v57 =	vsel vm9, $0x1, v1;
	v23 =	vadd.s32 v37, v23  }
0x360: {  	(xrf0) =	vadd.scan.msk.s32 $0xffff, v57;
	v59 =	vsel vm15, $0x0, v23  }
0x361: {  	v55 =	vsel vm8, $0xFFFFFFFF, v1;
	v56 =	vbroadcast v62, $0xF;
	v60 =	vsel vm10, $0xFFFFFFFF, v1;
	(xrf0) =	vadd.scan.msk.s32 $0xffff, v59  }
0x362: {  	v58 =	vadd.s32 v55, v30;
	v62 =	vadd.s32 v60, v63;
	v63 =	vsel vm11, $0xFFFFFFFF, v1  }
0x363: {  	v61 =	vbroadcast v40, $0xF;
	v40 =	vsel vm13, $0xFFFFFFFF, v1;
	v34 =	vadd.s32 v63, v42  }
0x364: {  	v32 =	vbroadcast v48, $0xF;
	v35 =	vsel vm12, $0xFFFFFFFF, v1;
	v24 =	vadd.s32 v56, v58  }
0x365: {  	v24 =	vsel vm8, v24, v25;
	v25 =	vadd.s32 v61, v62;
	v42 =	vsel vm9, $0xFFFFFFFF, v1;
	v36, _, _ =	vpop (xrf0)  }
0x366: {  	v24 =	vsel vm10, v25, v24;
	v25 =	vadd.s32 v32, v34;
	v26 =	vbroadcast v50, $0xF;
	v39, _, _ =	vpop (xrf0)  }
0x367: {  	v24 =	vsel vm11, v25, v24;
	v28 =	vbroadcast v36, $0xF;
	v37 =	vadd.s32 v35, v49;
	v41, _, _ =	vpop (xrf0)  }
0x368: {  	v25 =	vadd.s32 v26, v37;
	v26 =	vadd.s32 v40, v53;
	v29 =	vbroadcast v41, $0xF  }
0x369: {  	v44 =	vadd.s32 v42, v39;
	v24 =	vsel vm12, v25, v24;
	v43 =	vadd.s32 v28, v26  }
0x36a: {  	v24 =	vsel vm13, v43, v24;
	v45 =	vadd.s32 v29, v44  }
0x36b: {  	v24 =	vsel vm9, v45, v24  }
0x36c: {  	[tilespmem:v7+s1+$0x0] =	vst.idx.msk $0xffff, v24  }
0x36d: {  	[tilespmem:$0x1100] =	vst v24  }
0x36e: {  	v24 =	vld [tilespmem:s2+$0x30];
	_ =	sdelay $0x4  }
0x36f: {  	vm9 =	veq.s32 v24, $0x0  }
0x370: {  	v46 =	vsel vm9, $0x1, v1  }
0x371: {  	(xrf0) =	vadd.scan.msk.s32 $0xffff, v46;
	_ =	sdelay $0x4  }
0x372: {  	v47 =	vbroadcast v39, $0xF  }
0x373: {  	v48, _, _ =	vpop (xrf0)  }
0x374: {  	v25 =	vnsel vm3, $0x0, v47;
	v49 =	vbroadcast v48, $0xF  }
0x375: {  	v23 =	vadd.s32 v25, v23  }
0x376: {  	v25 =	vnsel vm4, $0x0, v23;
	vm15 =	veq.s32 v24, $0x1;
	v27 =	vnsel vm4, $0x0, v49  }
0x377: {  	vm8 =	vcmask $0x308;
	v50 =	vsel vm15, $0x1, v1;
	(xrf0) =	vadd.scan.msk.s32 $0xffff, v25;
	v23 =	vadd.s32 v27, v23  }
0x378: {  	(xrf0) =	vadd.scan.msk.s32 $0xffff, v50;
	v51 =	vsel vm8, $0x0, v23;
	vm8 =	veq.s32 v24, $0x2  }
0x379: {  	(xrf0) =	vadd.scan.msk.s32 $0xffff, v51;
	v52 =	vsel vm8, $0x1, v1  }
0x37a: {  	(xrf0) =	vadd.scan.msk.s32 $0xffff, v52;
	_ =	sdelay $0x2  }
0x37b: {  	v53, _, _ =	vpop (xrf0)  }
0x37c: {  	v54, _, _ =	vpop (xrf0)  }
0x37d: {  	v56 =	vbroadcast v54, $0xF;
	v55, _, _ =	vpop (xrf0)  }
0x37e: {  	v30, _, _ =	vpop (xrf0)  }
0x37f: {  	v29 =	vnsel vm1, $0x0, v56;
	v57 =	vbroadcast v30, $0xF  }
0x380: {  	vm12 =	vcmask $0x70C;
	v23 =	vadd.s32 v29, v23  }
0x381: {  	vm10 =	veq.s32 v24, $0x3;
	v29 =	vsel vm12, $0x0, v23;
	v31 =	vnsel vm5, $0x0, v57  }
0x382: {  	vm13 =	vcmask $0xB10;
	v58 =	vsel vm10, $0x1, v1;
	(xrf0) =	vadd.scan.msk.s32 $0xffff, v29;
	v23 =	vadd.s32 v31, v23  }
0x383: {  	vm11 =	veq.s32 v24, $0x4;
	(xrf0) =	vadd.scan.msk.s32 $0xffff, v58;
	v59 =	vsel vm13, $0x0, v23  }
0x384: {  	v60 =	vsel vm11, $0x1, v1;
	(xrf0) =	vadd.scan.msk.s32 $0xffff, v59  }
0x385: {  	(xrf0) =	vadd.scan.msk.s32 $0xffff, v60;
	_ =	sdelay $0x2  }
0x386: {  	v61, _, _ =	vpop (xrf0)  }
0x387: {  	v62, _, _ =	vpop (xrf0)  }
0x388: {  	v40 =	vbroadcast v62, $0xF;
	v63, _, _ =	vpop (xrf0)  }
0x389: {  	v41, _, _ =	vpop (xrf0)  }
0x38a: {  	v33 =	vnsel vm0, $0x0, v40;
	v42 =	vbroadcast v41, $0xF  }
0x38b: {  	vm12 =	vcmask $0xF14;
	v23 =	vadd.s32 v33, v23  }
0x38c: {  	v33 =	vsel vm12, $0x0, v23;
	vm12 =	veq.s32 v24, $0x5;
	v35 =	vnsel vm6, $0x0, v42  }
0x38d: {  	(xrf0) =	vadd.scan.msk.s32 $0xffff, v33;
	v43 =	vsel vm12, $0x1, v1;
	v23 =	vadd.s32 v35, v23  }
0x38e: {  	vm13 =	veq.s32 v24, $0x6;
	(xrf0) =	vadd.scan.msk.s32 $0xffff, v43;
	v44 =	vsel vm14, $0x0, v23  }
0x38f: {  	v45 =	vsel vm13, $0x1, v1;
	(xrf0) =	vadd.scan.msk.s32 $0xffff, v44  }
0x390: {  	(xrf0) =	vadd.scan.msk.s32 $0xffff, v45;
	_ =	sdelay $0x1  }
0x391: {  	v46 =	vsel vm9, $0xFFFFFFFF, v1;
	v25 =	vbroadcast v53, $0xF  }
0x392: {  	v26 =	vadd.s32 v46, v48;
	v47, _, _ =	vpop (xrf0)  }
0x393: {  	v25 =	vadd.s32 v25, v26;
	v48, _, _ =	vpop (xrf0)  }
0x394: {  	v51 =	vsel vm15, $0xFFFFFFFF, v1;
	v28 =	vbroadcast v55, $0xF;
	v50 =	vbroadcast v48, $0xF;
	v49, _, _ =	vpop (xrf0)  }
0x395: {  	v25 =	vnsel vm9, $0x0, v25;
	v27 =	vadd.s32 v51, v54;
	v52, _, _ =	vpop (xrf0)  }
0x396: {  	v27 =	vadd.s32 v28, v27;
	v36 =	vnsel vm2, $0x0, v50;
	v53 =	vbroadcast v52, $0xF  }
0x397: {  	vm9 =	vcmask $0x171C;
	v25 =	vsel vm15, v27, v25;
	v23 =	vadd.s32 v36, v23  }
0x398: {  	v36 =	vsel vm9, $0x0, v23;
	vm9 =	veq.s32 v24, $0x7;
	v37 =	vnsel vm7, $0x0, v53  }
0x399: {  	vm15 =	vcmask $0x1B20;
	(xrf0) =	vadd.scan.msk.s32 $0xffff, v36;
	v56 =	vsel vm9, $0x1, v1;
	v23 =	vadd.s32 v37, v23  }
0x39a: {  	(xrf0) =	vadd.scan.msk.s32 $0xffff, v56;
	v58 =	vsel vm15, $0x0, v23  }
0x39b: {  	v54 =	vsel vm8, $0xFFFFFFFF, v1;
	v55 =	vbroadcast v61, $0xF;
	v59 =	vsel vm10, $0xFFFFFFFF, v1;
	(xrf0) =	vadd.scan.msk.s32 $0xffff, v58  }
0x39c: {  	v57 =	vadd.s32 v54, v30;
	v61 =	vadd.s32 v59, v62;
	v62 =	vsel vm11, $0xFFFFFFFF, v1  }
0x39d: {  	v32 =	vsel vm12, $0xFFFFFFFF, v1;
	v60 =	vbroadcast v63, $0xF;
	v31 =	vadd.s32 v62, v41  }
0x39e: {  	v63 =	vbroadcast v47, $0xF;
	v35 =	vadd.s32 v32, v48;
	v24 =	vadd.s32 v55, v57  }
0x39f: {  	v24 =	vsel vm8, v24, v25;
	v25 =	vadd.s32 v60, v61;
	v40 =	vsel vm9, $0xFFFFFFFF, v1;
	v34, _, _ =	vpop (xrf0)  }
0x3a0: {  	v24 =	vsel vm10, v25, v24;
	v25 =	vadd.s32 v63, v31;
	v26 =	vbroadcast v49, $0xF;
	v36, _, _ =	vpop (xrf0)  }
0x3a1: {  	v24 =	vsel vm11, v25, v24;
	v28 =	vbroadcast v34, $0xF;
	v37 =	vsel vm13, $0xFFFFFFFF, v1;
	v39, _, _ =	vpop (xrf0)  }
0x3a2: {  	v25 =	vadd.s32 v26, v35;
	v26 =	vadd.s32 v37, v52;
	v29 =	vbroadcast v39, $0xF  }
0x3a3: {  	v24 =	vsel vm12, v25, v24;
	v42 =	vadd.s32 v40, v36;
	v41 =	vadd.s32 v28, v26  }
0x3a4: {  	v24 =	vsel vm13, v41, v24;
	v43 =	vadd.s32 v29, v42  }
0x3a5: {  	v24 =	vsel vm9, v43, v24  }
0x3a6: {  	[tilespmem:v9+s1+$0x0] =	vst.idx.msk $0xffff, v24  }
0x3a7: {  	[tilespmem:$0x1110] =	vst v24  }
0x3a8: {  	v24 =	vld [tilespmem:s2+$0x40];
	_ =	sdelay $0x4  }
0x3a9: {  	vm9 =	veq.s32 v24, $0x0  }
0x3aa: {  	v44 =	vsel vm9, $0x1, v1  }
0x3ab: {  	(xrf0) =	vadd.scan.msk.s32 $0xffff, v44;
	_ =	sdelay $0x4  }
0x3ac: {  	v45 =	vbroadcast v36, $0xF  }
0x3ad: {  	v46, _, _ =	vpop (xrf0)  }
0x3ae: {  	v25 =	vnsel vm3, $0x0, v45;
	v47 =	vbroadcast v46, $0xF  }
0x3af: {  	v23 =	vadd.s32 v25, v23  }
0x3b0: {  	v25 =	vnsel vm4, $0x0, v23;
	vm15 =	veq.s32 v24, $0x1;
	v27 =	vnsel vm4, $0x0, v47  }
0x3b1: {  	vm8 =	vcmask $0x308;
	v48 =	vsel vm15, $0x1, v1;
	(xrf0) =	vadd.scan.msk.s32 $0xffff, v25;
	v23 =	vadd.s32 v27, v23  }
0x3b2: {  	(xrf0) =	vadd.scan.msk.s32 $0xffff, v48;
	v49 =	vsel vm8, $0x0, v23;
	vm8 =	veq.s32 v24, $0x2  }
0x3b3: {  	(xrf0) =	vadd.scan.msk.s32 $0xffff, v49;
	v50 =	vsel vm8, $0x1, v1  }
0x3b4: {  	(xrf0) =	vadd.scan.msk.s32 $0xffff, v50;
	_ =	sdelay $0x2  }
0x3b5: {  	v51, _, _ =	vpop (xrf0)  }
0x3b6: {  	v52, _, _ =	vpop (xrf0)  }
0x3b7: {  	v54 =	vbroadcast v52, $0xF;
	v53, _, _ =	vpop (xrf0)  }
0x3b8: {  	v30, _, _ =	vpop (xrf0)  }
0x3b9: {  	v29 =	vnsel vm1, $0x0, v54;
	v55 =	vbroadcast v30, $0xF  }
0x3ba: {  	vm12 =	vcmask $0x70C;
	v23 =	vadd.s32 v29, v23  }
0x3bb: {  	vm10 =	veq.s32 v24, $0x3;
	v29 =	vsel vm12, $0x0, v23;
	v31 =	vnsel vm5, $0x0, v55  }
0x3bc: {  	vm13 =	vcmask $0xB10;
	v56 =	vsel vm10, $0x1, v1;
	(xrf0) =	vadd.scan.msk.s32 $0xffff, v29;
	v23 =	vadd.s32 v31, v23  }
0x3bd: {  	vm11 =	veq.s32 v24, $0x4;
	(xrf0) =	vadd.scan.msk.s32 $0xffff, v56;
	v57 =	vsel vm13, $0x0, v23  }
0x3be: {  	v58 =	vsel vm11, $0x1, v1;
	(xrf0) =	vadd.scan.msk.s32 $0xffff, v57  }
0x3bf: {  	(xrf0) =	vadd.scan.msk.s32 $0xffff, v58;
	_ =	sdelay $0x2  }
0x3c0: {  	v59, _, _ =	vpop (xrf0)  }
0x3c1: {  	v60, _, _ =	vpop (xrf0)  }
0x3c2: {  	v62 =	vbroadcast v60, $0xF;
	v61, _, _ =	vpop (xrf0)  }
0x3c3: {  	v63, _, _ =	vpop (xrf0)  }
0x3c4: {  	v33 =	vnsel vm0, $0x0, v62;
	v40 =	vbroadcast v63, $0xF  }
0x3c5: {  	vm12 =	vcmask $0xF14;
	v23 =	vadd.s32 v33, v23  }
0x3c6: {  	v33 =	vsel vm12, $0x0, v23;
	vm12 =	veq.s32 v24, $0x5;
	v35 =	vnsel vm6, $0x0, v40  }
0x3c7: {  	(xrf0) =	vadd.scan.msk.s32 $0xffff, v33;
	v41 =	vsel vm12, $0x1, v1;
	v23 =	vadd.s32 v35, v23  }
0x3c8: {  	vm13 =	veq.s32 v24, $0x6;
	(xrf0) =	vadd.scan.msk.s32 $0xffff, v41;
	v42 =	vsel vm14, $0x0, v23  }
0x3c9: {  	v43 =	vsel vm13, $0x1, v1;
	(xrf0) =	vadd.scan.msk.s32 $0xffff, v42  }
0x3ca: {  	(xrf0) =	vadd.scan.msk.s32 $0xffff, v43;
	_ =	sdelay $0x1  }
0x3cb: {  	v44 =	vsel vm9, $0xFFFFFFFF, v1;
	v25 =	vbroadcast v51, $0xF  }
0x3cc: {  	v26 =	vadd.s32 v44, v46;
	v45, _, _ =	vpop (xrf0)  }
0x3cd: {  	v25 =	vadd.s32 v25, v26;
	v46, _, _ =	vpop (xrf0)  }
0x3ce: {  	v49 =	vsel vm15, $0xFFFFFFFF, v1;
	v28 =	vbroadcast v53, $0xF;
	v48 =	vbroadcast v46, $0xF;
	v47, _, _ =	vpop (xrf0)  }
0x3cf: {  	v25 =	vnsel vm9, $0x0, v25;
	v27 =	vadd.s32 v49, v52;
	v50, _, _ =	vpop (xrf0)  }
0x3d0: {  	v27 =	vadd.s32 v28, v27;
	v36 =	vnsel vm2, $0x0, v48;
	v51 =	vbroadcast v50, $0xF  }
0x3d1: {  	vm9 =	vcmask $0x171C;
	v25 =	vsel vm15, v27, v25;
	v23 =	vadd.s32 v36, v23  }
0x3d2: {  	v36 =	vsel vm9, $0x0, v23;
	vm9 =	veq.s32 v24, $0x7;
	v37 =	vnsel vm7, $0x0, v51  }
0x3d3: {  	vm15 =	vcmask $0x1B20;
	(xrf0) =	vadd.scan.msk.s32 $0xffff, v36;
	v54 =	vsel vm9, $0x1, v1;
	v23 =	vadd.s32 v37, v23  }
0x3d4: {  	(xrf0) =	vadd.scan.msk.s32 $0xffff, v54;
	v56 =	vsel vm15, $0x0, v23  }
0x3d5: {  	v52 =	vsel vm8, $0xFFFFFFFF, v1;
	v53 =	vbroadcast v59, $0xF;
	v57 =	vsel vm10, $0xFFFFFFFF, v1;
	(xrf0) =	vadd.scan.msk.s32 $0xffff, v56  }
0x3d6: {  	v55 =	vadd.s32 v52, v30;
	v59 =	vadd.s32 v57, v60;
	v60 =	vsel vm11, $0xFFFFFFFF, v1  }
0x3d7: {  	v58 =	vbroadcast v61, $0xF;
	v62 =	vadd.s32 v60, v63;
	v63 =	vsel vm12, $0xFFFFFFFF, v1  }
0x3d8: {  	v61 =	vbroadcast v45, $0xF;
	v34 =	vadd.s32 v63, v46;
	v24 =	vadd.s32 v53, v55  }
0x3d9: {  	v24 =	vsel vm8, v24, v25;
	v25 =	vadd.s32 v58, v59;
	v36 =	vsel vm13, $0xFFFFFFFF, v1;
	v32, _, _ =	vpop (xrf0)  }
0x3da: {  	v24 =	vsel vm10, v25, v24;
	v25 =	vadd.s32 v61, v62;
	v26 =	vbroadcast v47, $0xF;
	v35, _, _ =	vpop (xrf0)  }
0x3db: {  	v38 =	vsel vm9, $0xFFFFFFFF, v1;
	v24 =	vsel vm11, v25, v24;
	v28 =	vbroadcast v32, $0xF;
	v37, _, _ =	vpop (xrf0)  }
0x3dc: {  	v25 =	vadd.s32 v26, v34;
	v26 =	vadd.s32 v36, v50;
	v29 =	vbroadcast v37, $0xF  }
0x3dd: {  	v24 =	vsel vm12, v25, v24;
	v40 =	vadd.s32 v38, v35;
	v39 =	vadd.s32 v28, v26  }
0x3de: {  	v24 =	vsel vm13, v39, v24;
	v41 =	vadd.s32 v29, v40  }
0x3df: {  	v24 =	vsel vm9, v41, v24  }
0x3e0: {  	[tilespmem:v12+s1+$0x0] =	vst.idx.msk $0xffff, v24  }
0x3e1: {  	[tilespmem:$0x1180] =	vst v24  }
0x3e2: {  	v24 =	vld [tilespmem:s2+$0x50];
	_ =	sdelay $0x4  }
0x3e3: {  	vm9 =	veq.s32 v24, $0x0  }
0x3e4: {  	v42 =	vsel vm9, $0x1, v1  }
0x3e5: {  	(xrf0) =	vadd.scan.msk.s32 $0xffff, v42;
	_ =	sdelay $0x4  }
0x3e6: {  	v43 =	vbroadcast v35, $0xF  }
0x3e7: {  	v44, _, _ =	vpop (xrf0)  }
0x3e8: {  	v25 =	vnsel vm3, $0x0, v43;
	v45 =	vbroadcast v44, $0xF  }
0x3e9: {  	v23 =	vadd.s32 v25, v23  }
0x3ea: {  	v25 =	vnsel vm4, $0x0, v23;
	vm15 =	veq.s32 v24, $0x1;
	v27 =	vnsel vm4, $0x0, v45  }
0x3eb: {  	vm8 =	vcmask $0x308;
	v46 =	vsel vm15, $0x1, v1;
	(xrf0) =	vadd.scan.msk.s32 $0xffff, v25;
	v23 =	vadd.s32 v27, v23  }
0x3ec: {  	(xrf0) =	vadd.scan.msk.s32 $0xffff, v46;
	v47 =	vsel vm8, $0x0, v23;
	vm8 =	veq.s32 v24, $0x2  }
0x3ed: {  	(xrf0) =	vadd.scan.msk.s32 $0xffff, v47;
	v48 =	vsel vm8, $0x1, v1  }
0x3ee: {  	(xrf0) =	vadd.scan.msk.s32 $0xffff, v48;
	_ =	sdelay $0x2  }
0x3ef: {  	v49, _, _ =	vpop (xrf0)  }
0x3f0: {  	v50, _, _ =	vpop (xrf0)  }
0x3f1: {  	v52 =	vbroadcast v50, $0xF;
	v51, _, _ =	vpop (xrf0)  }
0x3f2: {  	v53, _, _ =	vpop (xrf0)  }
0x3f3: {  	v29 =	vnsel vm1, $0x0, v52;
	v54 =	vbroadcast v53, $0xF  }
0x3f4: {  	vm12 =	vcmask $0x70C;
	v23 =	vadd.s32 v29, v23  }
0x3f5: {  	vm10 =	veq.s32 v24, $0x3;
	v29 =	vsel vm12, $0x0, v23;
	v31 =	vnsel vm5, $0x0, v54  }
0x3f6: {  	vm13 =	vcmask $0xB10;
	v55 =	vsel vm10, $0x1, v1;
	(xrf0) =	vadd.scan.msk.s32 $0xffff, v29;
	v23 =	vadd.s32 v31, v23  }
0x3f7: {  	vm11 =	veq.s32 v24, $0x4;
	(xrf0) =	vadd.scan.msk.s32 $0xffff, v55;
	v56 =	vsel vm13, $0x0, v23  }
0x3f8: {  	v57 =	vsel vm11, $0x1, v1;
	(xrf0) =	vadd.scan.msk.s32 $0xffff, v56  }
0x3f9: {  	(xrf0) =	vadd.scan.msk.s32 $0xffff, v57;
	_ =	sdelay $0x2  }
0x3fa: {  	v58, _, _ =	vpop (xrf0)  }
0x3fb: {  	v59, _, _ =	vpop (xrf0)  }
0x3fc: {  	v61 =	vbroadcast v59, $0xF;
	v60, _, _ =	vpop (xrf0)  }
0x3fd: {  	v62, _, _ =	vpop (xrf0)  }
0x3fe: {  	v33 =	vnsel vm0, $0x0, v61;
	v63 =	vbroadcast v62, $0xF  }
0x3ff: {  	vm12 =	vcmask $0xF14;
	v23 =	vadd.s32 v33, v23  }
0x400: {  	v33 =	vsel vm12, $0x0, v23;
	vm12 =	veq.s32 v24, $0x5;
	v35 =	vnsel vm6, $0x0, v63  }
0x401: {  	(xrf0) =	vadd.scan.msk.s32 $0xffff, v33;
	v36 =	vsel vm12, $0x1, v1;
	v23 =	vadd.s32 v35, v23  }
0x402: {  	vm13 =	veq.s32 v24, $0x6;
	(xrf0) =	vadd.scan.msk.s32 $0xffff, v36;
	v37 =	vsel vm14, $0x0, v23  }
0x403: {  	v38 =	vsel vm13, $0x1, v1;
	(xrf0) =	vadd.scan.msk.s32 $0xffff, v37  }
0x404: {  	(xrf0) =	vadd.scan.msk.s32 $0xffff, v38;
	_ =	sdelay $0x2  }
0x405: {  	v40, _, _ =	vpop (xrf0)  }
0x406: {  	v39 =	vsel vm9, $0xFFFFFFFF, v1;
	v25 =	vbroadcast v49, $0xF;
	v41, _, _ =	vpop (xrf0)  }
0x407: {  	v26 =	vadd.s32 v39, v44;
	v44 =	vsel vm15, $0xFFFFFFFF, v1;
	v43 =	vbroadcast v41, $0xF;
	v42, _, _ =	vpop (xrf0)  }
0x408: {  	v25 =	vadd.s32 v25, v26;
	v27 =	vadd.s32 v44, v50;
	v45, _, _ =	vpop (xrf0)  }
0x409: {  	v25 =	vnsel vm9, $0x0, v25;
	v36 =	vnsel vm2, $0x0, v43;
	v46 =	vbroadcast v45, $0xF  }
0x40a: {  	vm9 =	veq.s32 v24, $0x7;
	vm14 =	vcmask $0x171C;
	v23 =	vadd.s32 v36, v23  }
0x40b: {  	v49 =	vsel vm9, $0x1, v1;
	v36 =	vsel vm14, $0x0, v23;
	v37 =	vnsel vm7, $0x0, v46  }
0x40c: {  	v28 =	vbroadcast v51, $0xF;
	vm14 =	vcmask $0x1B20;
	(xrf0) =	vadd.scan.msk.s32 $0xffff, v36;
	v23 =	vadd.s32 v37, v23  }
0x40d: {  	v47 =	vsel vm8, $0xFFFFFFFF, v1;
	v48 =	vbroadcast v58, $0xF;
	(xrf0) =	vadd.scan.msk.s32 $0xffff, v49;
	v51 =	vsel vm14, $0x0, v23  }
0x40e: {  	v52 =	vsel vm10, $0xFFFFFFFF, v1;
	v50 =	vadd.s32 v47, v53;
	v27 =	vadd.s32 v28, v27;
	(xrf0) =	vadd.scan.msk.s32 $0xffff, v51  }
0x40f: {  	v55 =	vsel vm11, $0xFFFFFFFF, v1;
	v25 =	vsel vm15, v27, v25;
	v24 =	vadd.s32 v48, v50  }
0x410: {  	v54 =	vadd.s32 v52, v59;
	v24 =	vsel vm8, v24, v25;
	v53 =	vbroadcast v60, $0xF  }
0x411: {  	v58 =	vsel vm12, $0xFFFFFFFF, v1;
	v33 =	vsel vm9, $0xFFFFFFFF, v1;
	v56 =	vbroadcast v40, $0xF  }
0x412: {  	v57 =	vadd.s32 v55, v62;
	v62 =	vsel vm13, $0xFFFFFFFF, v1;
	v25 =	vadd.s32 v53, v54;
	v59, _, _ =	vpop (xrf0)  }
0x413: {  	v24 =	vsel vm10, v25, v24;
	v25 =	vadd.s32 v56, v57;
	v26 =	vbroadcast v42, $0xF;
	v61, _, _ =	vpop (xrf0)  }
0x414: {  	v60 =	vadd.s32 v58, v41;
	v24 =	vsel vm11, v25, v24;
	v28 =	vbroadcast v59, $0xF;
	v63, _, _ =	vpop (xrf0)  }
0x415: {  	v25 =	vadd.s32 v26, v60;
	v26 =	vadd.s32 v62, v45;
	v29 =	vbroadcast v63, $0xF  }
0x416: {  	v24 =	vsel vm12, v25, v24;
	v35 =	vadd.s32 v33, v61;
	v34 =	vadd.s32 v28, v26  }
0x417: {  	v24 =	vsel vm13, v34, v24;
	v36 =	vadd.s32 v29, v35  }
0x418: {  	v24 =	vsel vm9, v36, v24  }
0x419: {  	[tilespmem:v13+s1+$0x0] =	vst.idx.msk $0xffff, v24  }
0x41a: {  	[tilespmem:$0x1190] =	vst v24  }
0x41b: {  	v24 =	vld [tilespmem:s2+$0x60];
	_ =	sdelay $0x4  }
0x41c: {  	vm15 =	veq.s32 v24, $0x0  }
0x41d: {  	v37 =	vsel vm15, $0x1, v1  }
0x41e: {  	(xrf0) =	vadd.scan.msk.s32 $0xffff, v37;
	_ =	sdelay $0x4  }
0x41f: {  	v38 =	vbroadcast v61, $0xF  }
0x420: {  	v39, _, _ =	vpop (xrf0)  }
0x421: {  	v25 =	vnsel vm3, $0x0, v38;
	v40 =	vbroadcast v39, $0xF  }
0x422: {  	v23 =	vadd.s32 v25, v23  }
0x423: {  	v25 =	vnsel vm4, $0x0, v23;
	vm9 =	veq.s32 v24, $0x1;
	v27 =	vnsel vm4, $0x0, v40  }
0x424: {  	vm8 =	vcmask $0x308;
	v41 =	vsel vm9, $0x1, v1;
	(xrf0) =	vadd.scan.msk.s32 $0xffff, v25;
	v23 =	vadd.s32 v27, v23  }
0x425: {  	(xrf0) =	vadd.scan.msk.s32 $0xffff, v41;
	v42 =	vsel vm8, $0x0, v23;
	vm8 =	veq.s32 v24, $0x2  }
0x426: {  	(xrf0) =	vadd.scan.msk.s32 $0xffff, v42;
	v43 =	vsel vm8, $0x1, v1  }
0x427: {  	(xrf0) =	vadd.scan.msk.s32 $0xffff, v43;
	_ =	sdelay $0x2  }
0x428: {  	v44, _, _ =	vpop (xrf0)  }
0x429: {  	v45, _, _ =	vpop (xrf0)  }
0x42a: {  	v47 =	vbroadcast v45, $0xF;
	v46, _, _ =	vpop (xrf0)  }
0x42b: {  	v30, _, _ =	vpop (xrf0)  }
0x42c: {  	v29 =	vnsel vm1, $0x0, v47;
	v48 =	vbroadcast v30, $0xF  }
0x42d: {  	vm13 =	vcmask $0x70C;
	v23 =	vadd.s32 v29, v23  }
0x42e: {  	vm10 =	veq.s32 v24, $0x3;
	v29 =	vsel vm13, $0x0, v23;
	v31 =	vnsel vm5, $0x0, v48  }
0x42f: {  	vm14 =	vcmask $0xB10;
	v49 =	vsel vm10, $0x1, v1;
	(xrf0) =	vadd.scan.msk.s32 $0xffff, v29;
	v23 =	vadd.s32 v31, v23  }
0x430: {  	vm11 =	veq.s32 v24, $0x4;
	(xrf0) =	vadd.scan.msk.s32 $0xffff, v49;
	v50 =	vsel vm14, $0x0, v23  }
0x431: {  	v51 =	vsel vm11, $0x1, v1;
	(xrf0) =	vadd.scan.msk.s32 $0xffff, v50  }
0x432: {  	(xrf0) =	vadd.scan.msk.s32 $0xffff, v51;
	_ =	sdelay $0x2  }
0x433: {  	v52, _, _ =	vpop (xrf0)  }
0x434: {  	v31, _, _ =	vpop (xrf0)  }
0x435: {  	v54 =	vbroadcast v31, $0xF;
	v53, _, _ =	vpop (xrf0)  }
0x436: {  	v34, _, _ =	vpop (xrf0)  }
0x437: {  	v33 =	vnsel vm0, $0x0, v54;
	v55 =	vbroadcast v34, $0xF  }
0x438: {  	vm12 =	vcmask $0xF14;
	v23 =	vadd.s32 v33, v23  }
0x439: {  	v33 =	vsel vm12, $0x0, v23;
	vm12 =	veq.s32 v24, $0x5;
	v35 =	vnsel vm6, $0x0, v55  }
0x43a: {  	vm13 =	vcmask $0x1318;
	(xrf0) =	vadd.scan.msk.s32 $0xffff, v33;
	v56 =	vsel vm12, $0x1, v1;
	v23 =	vadd.s32 v35, v23  }
0x43b: {  	(xrf0) =	vadd.scan.msk.s32 $0xffff, v56;
	v57 =	vsel vm13, $0x0, v23;
	vm13 =	veq.s32 v24, $0x6  }
0x43c: {  	(xrf0) =	vadd.scan.msk.s32 $0xffff, v57;
	v58 =	vsel vm13, $0x1, v1  }
0x43d: {  	(xrf0) =	vadd.scan.msk.s32 $0xffff, v58;
	_ =	sdelay $0x2  }
0x43e: {  	v59 =	vsel vm15, $0xFFFFFFFF, v1;
	v25 =	vbroadcast v44, $0xF;
	v60, _, _ =	vpop (xrf0)  }
0x43f: {  	v26 =	vadd.s32 v59, v39;
	v61, _, _ =	vpop (xrf0)  }
0x440: {  	v62 =	vsel vm9, $0xFFFFFFFF, v1;
	v25 =	vadd.s32 v25, v26;
	v40 =	vbroadcast v61, $0xF;
	v63, _, _ =	vpop (xrf0)  }
0x441: {  	v41 =	vadd.s32 v62, v45;
	v25 =	vnsel vm15, $0x0, v25;
	v28 =	vbroadcast v46, $0xF;
	v42, _, _ =	vpop (xrf0)  }
0x442: {  	vm15 =	veq.s32 v24, $0x7;
	v43 =	vnsel vm2, $0x0, v40;
	v44 =	vbroadcast v42, $0xF  }
0x443: {  	v26 =	vadd.s32 v28, v41;
	vm14 =	vcmask $0x171C;
	v23 =	vadd.s32 v43, v23  }
0x444: {  	v48 =	vsel vm15, $0x1, v1;
	v46 =	vsel vm14, $0x0, v23;
	v36 =	vnsel vm7, $0x0, v44  }
0x445: {  	v25 =	vsel vm9, v26, v25;
	vm9 =	vcmask $0x1B20;
	(xrf0) =	vadd.scan.msk.s32 $0xffff, v46;
	v23 =	vadd.s32 v36, v23  }
0x446: {  	v45 =	vsel vm8, $0xFFFFFFFF, v1;
	(xrf0) =	vadd.scan.msk.s32 $0xffff, v48;
	v50 =	vsel vm9, $0x0, v23  }
0x447: {  	v49 =	vadd.s32 v45, v30;
	v47 =	vbroadcast v52, $0xF;
	(xrf0) =	vadd.scan.msk.s32 $0xffff, v50  }
0x448: {  	v51 =	vsel vm10, $0xFFFFFFFF, v1;
	v54 =	vsel vm11, $0xFFFFFFFF, v1;
	v52 =	vbroadcast v53, $0xF  }
0x449: {  	v33 =	vsel vm15, $0xFFFFFFFF, v1;
	v53 =	vadd.s32 v51, v31;
	v24 =	vadd.s32 v47, v49  }
0x44a: {  	v24 =	vsel vm8, v24, v25;
	v25 =	vadd.s32 v52, v53;
	v55 =	vbroadcast v60, $0xF  }
0x44b: {  	v56 =	vadd.s32 v54, v34;
	v57 =	vsel vm12, $0xFFFFFFFF, v1;
	v24 =	vsel vm10, v25, v24;
	v59, _, _ =	vpop (xrf0)  }
0x44c: {  	v60 =	vadd.s32 v57, v61;
	v25 =	vadd.s32 v55, v56;
	v58 =	vbroadcast v63, $0xF;
	v61, _, _ =	vpop (xrf0)  }
0x44d: {  	v62 =	vsel vm13, $0xFFFFFFFF, v1;
	v24 =	vsel vm11, v25, v24;
	v29 =	vbroadcast v59, $0xF;
	v63, _, _ =	vpop (xrf0)  }
0x44e: {  	v27 =	vadd.s32 v62, v42;
	v25 =	vadd.s32 v58, v60;
	v30 =	vbroadcast v63, $0xF  }
0x44f: {  	v24 =	vsel vm12, v25, v24;
	v35 =	vadd.s32 v33, v61;
	v34 =	vadd.s32 v29, v27  }
0x450: {  	v24 =	vsel vm13, v34, v24;
	v36 =	vadd.s32 v30, v35  }
0x451: {  	v24 =	vsel vm15, v36, v24  }
0x452: {  	[tilespmem:v15+s1+$0x0] =	vst.idx.msk $0xffff, v24  }
0x453: {  	[tilespmem:$0x1200] =	vst v24  }
0x454: {  	v24 =	vld [tilespmem:s2+$0x70];
	_ =	sdelay $0x2  }
0x455: {  	v37 =	vbroadcast v61, $0xF;
	_ =	sdelay $0x1  }
0x456: {  	v25 =	vnsel vm3, $0x0, v37;
	vm9 =	veq.s32 v24, $0x0  }
0x457: {  	v23 =	vadd.s32 v25, v23;
	v38 =	vsel vm9, $0x1, v1  }
0x458: {  	v39 =	vnsel vm4, $0x0, v23;
	vm8 =	veq.s32 v24, $0x1;
	(xrf0) =	vadd.scan.msk.s32 $0xffff, v38  }
0x459: {  	v40 =	vsel vm8, $0x1, v1;
	(xrf0) =	vadd.scan.msk.s32 $0xffff, v39  }
0x45a: {  	(xrf0) =	vadd.scan.msk.s32 $0xffff, v40;
	_ =	sdelay $0x3  }
0x45b: {  	v41, _, _ =	vpop (xrf0)  }
0x45c: {  	v42, _, _ =	vpop (xrf0);
	v43 =	vbroadcast v41, $0xF  }
0x45d: {  	v44, _, _ =	vpop (xrf0)  }
0x45e: {  	v27 =	vnsel vm4, $0x0, v43;
	v45 =	vbroadcast v44, $0xF  }
0x45f: {  	vm12 =	vcmask $0x308;
	v23 =	vadd.s32 v27, v23  }
0x460: {  	vm10 =	veq.s32 v24, $0x2;
	v27 =	vsel vm12, $0x0, v23;
	v29 =	vnsel vm1, $0x0, v45  }
0x461: {  	vm13 =	vcmask $0x70C;
	v46 =	vsel vm10, $0x1, v1;
	(xrf0) =	vadd.scan.msk.s32 $0xffff, v27;
	v23 =	vadd.s32 v29, v23  }
0x462: {  	vm11 =	veq.s32 v24, $0x3;
	(xrf0) =	vadd.scan.msk.s32 $0xffff, v46;
	v47 =	vsel vm13, $0x0, v23  }
0x463: {  	v48 =	vsel vm11, $0x1, v1;
	(xrf0) =	vadd.scan.msk.s32 $0xffff, v47  }
0x464: {  	(xrf0) =	vadd.scan.msk.s32 $0xffff, v48;
	_ =	sdelay $0x2  }
0x465: {  	v49, _, _ =	vpop (xrf0)  }
0x466: {  	v50, _, _ =	vpop (xrf0)  }
0x467: {  	v51, _, _ =	vpop (xrf0);
	v52 =	vbroadcast v50, $0xF  }
0x468: {  	v53, _, _ =	vpop (xrf0)  }
0x469: {  	v31 =	vnsel vm5, $0x0, v52;
	v54 =	vbroadcast v53, $0xF  }
0x46a: {  	vm12 =	vcmask $0xB10;
	v23 =	vadd.s32 v31, v23  }
0x46b: {  	v31 =	vsel vm12, $0x0, v23;
	v33 =	vnsel vm0, $0x0, v54;
	vm12 =	veq.s32 v24, $0x4  }
0x46c: {  	vm13 =	vcmask $0xF14;
	(xrf0) =	vadd.scan.msk.s32 $0xffff, v31;
	v23 =	vadd.s32 v33, v23;
	v55 =	vsel vm12, $0x1, v1  }
0x46d: {  	vm15 =	veq.s32 v24, $0x5;
	(xrf0) =	vadd.scan.msk.s32 $0xffff, v55;
	v56 =	vsel vm13, $0x0, v23  }
0x46e: {  	v57 =	vsel vm15, $0x1, v1;
	(xrf0) =	vadd.scan.msk.s32 $0xffff, v56  }
0x46f: {  	(xrf0) =	vadd.scan.msk.s32 $0xffff, v57;
	_ =	sdelay $0x2  }
0x470: {  	v58, _, _ =	vpop (xrf0)  }
0x471: {  	v59 =	vsel vm9, $0xFFFFFFFF, v1;
	v60, _, _ =	vpop (xrf0)  }
0x472: {  	v40 =	vsel vm8, $0xFFFFFFFF, v1;
	v26 =	vbroadcast v42, $0xF;
	v61, _, _ =	vpop (xrf0);
	v62 =	vbroadcast v60, $0xF  }
0x473: {  	v25 =	vadd.s32 v59, v41;
	v28 =	vadd.s32 v40, v44;
	v63, _, _ =	vpop (xrf0)  }
0x474: {  	v25 =	vadd.s32 v26, v25;
	v35 =	vnsel vm6, $0x0, v62;
	v41 =	vbroadcast v63, $0xF  }
0x475: {  	v27 =	vbroadcast v49, $0xF;
	vm13 =	vcmask $0x1318;
	v23 =	vadd.s32 v35, v23  }
0x476: {  	v35 =	vsel vm13, $0x0, v23;
	v42 =	vnsel vm2, $0x0, v41;
	vm13 =	veq.s32 v24, $0x6  }
0x477: {  	v25 =	vnsel vm9, $0x0, v25;
	(xrf0) =	vadd.scan.msk.s32 $0xffff, v35;
	v23 =	vadd.s32 v42, v23;
	v43 =	vsel vm13, $0x1, v1  }
0x478: {  	v27 =	vadd.s32 v27, v28;
	(xrf0) =	vadd.scan.msk.s32 $0xffff, v43;
	v44 =	vsel vm14, $0x0, v23;
	vm14 =	veq.s32 v24, $0x7  }
0x479: {  	v25 =	vsel vm8, v27, v25;
	vm8 =	vcmask $0x1B20;
	(xrf0) =	vadd.scan.msk.s32 $0xffff, v44;
	v46 =	vsel vm14, $0x1, v1  }
0x47a: {  	v23 =	vsel vm8, $0x0, v23;
	(xrf0) =	vadd.scan.msk.s32 $0xffff, v46  }
0x47b: {  	v45 =	vsel vm10, $0xFFFFFFFF, v1;
	v30 =	vbroadcast v51, $0xF;
	v48 =	vsel vm12, $0xFFFFFFFF, v1;
	(xrf0) =	vadd.scan.msk.s32 $0xffff, v23  }
0x47c: {  	v47 =	vbroadcast v58, $0xF;
	v51 =	vadd.s32 v48, v60;
	v49 =	vbroadcast v61, $0xF  }
0x47d: {  	v57 =	vsel vm13, $0xFFFFFFFF, v1;
	v24 =	vadd.s32 v45, v50;
	v23 =	vsel vm11, $0xFFFFFFFF, v1;
	v50, _, _ =	vpop (xrf0)  }
0x47e: {  	v24 =	vadd.s32 v30, v24;
	v60 =	vsel vm14, $0xFFFFFFFF, v1;
	v23 =	vadd.s32 v23, v53;
	v52, _, _ =	vpop (xrf0)  }
0x47f: {  	v24 =	vsel vm10, v24, v25;
	v53 =	vsel vm15, $0xFFFFFFFF, v1;
	v23 =	vadd.s32 v47, v23;
	v54, _, _ =	vpop (xrf0)  }
0x480: {  	v23 =	vsel vm11, v23, v24;
	v24 =	vadd.s32 v49, v51;
	v28 =	vbroadcast v50, $0xF;
	v56, _, _ =	vpop (xrf0)  }
0x481: {  	v55 =	vadd.s32 v53, v63;
	v23 =	vsel vm12, v24, v23;
	v58 =	vbroadcast v54, $0xF;
	v59, _, _ =	vpop (xrf0)  }
0x482: {  	v25 =	vadd.s32 v57, v52;
	v24 =	vadd.s32 v28, v55;
	v29 =	vbroadcast v59, $0xF  }
0x483: {  	v23 =	vsel vm15, v24, v23;
	v62 =	vadd.s32 v60, v56;
	v61 =	vadd.s32 v58, v25  }
0x484: {  	v23 =	vsel vm13, v61, v23;
	v63 =	vadd.s32 v29, v62  }
0x485: {  	v23 =	vsel vm14, v63, v23  }
0x486: {  	[tilespmem:v17+s1+$0x0] =	vst.idx.msk $0xffff, v23  }
0x487: {  	s6 =	rddreg [dreg:$0x6];
	[tilespmem:$0x1210] =	vst v23  }
0x488: {  	[hbm4b:s6+s3] =	stream.linear.scatter [tilespmem:s1], [sflag:$0x3], $0x40, $0x38;
	[tilespmem:$0x11380] =	vst v63  }
0x489: {  	_ =	swait.ge [sflag:s16], $0x40  }
0x48a: {  	s31 =	simm.s32 $0x1040;
	[sflag:s16] =	ssyncset.done $0x0  }
.Ltmp3:
0x48b: {  	s30 =	rddreg [dreg:$0x7];
	[sflag:s16] =	ssyncadd.s32 $0xFFFFFFC0;
	(pc) =	sbr.rel @p0 .LBB2_5-.Ltmp3, $4  }
0x48c: {  	[hbm4b:s30+s3] =	stream.linear.scatter [tilespmem:s31], [sflag:$0x3], $0x40, $0x38;
	[tilespmem:$0x11380] =	vst v63  }
0x48d: {  	_ =	swait.ge [sflag:s16], $0x40  }
0x48e: {  	[sflag:s16] =	ssyncset.done $0x0  }
0x48f: {  	[dreg:$0x1a] =	wrdreg s4;
	[sflag:s16] =	ssyncadd.s32 $0xFFFFFFC0  }
0x490: {  	vm8 =	vcmask $0x1B20  }
0x491: {  	v23 =	vsel vm8, $0x0, v22  }
0x492: {  	(xrf0) =	vadd.scan.msk.s32 $0xffff, v23;
	_ =	sdelay $0x5  }
0x493: {  	v23, _, _ =	vpop (xrf0)  }
0x494: {  	(v2sf) =	vpush v23, $0xF;
	_ =	sdelay $0xe  }
0x495: {  	s6 =	spop (v2sf)  }
0x496: {  	s10 =	sand.u32 $0xFF, s6  }
0x497: {  	s26 =	sshra.s32 s6, $0x1F;
	p2 =	slt.s32 s6, $0x1;
	p1 =	sne.s32 s10, $0x0  }
0x498: {  	s10 =	sshrl.u32 s26, $0x18;
	p1 =	por !p2, !p1  }
0x499: {  	s6 =	sadd.s32 s10, s6;
	s10 =	simm.s32 $0x1;
	p1 =	por !p1, !p1  }
0x49a: {  	s6 =	sshra.s32 s6, $0x8;
	s10 =	simm.s32 @!p1 $0x0  }
0x49b: {  	s6 =	ssub.s32 s6, s10  }
0x49c: {  	v24 =	vmov s6  }
0x49d: {  	s28 =	rddreg [dreg:$0x5];
	s29 =	simm.s32 $0x11300;
	[tilespmem:$0x11300] =	vst v24  }
0x49e: {  	[hbm4b:s28+s3] =	stream.linear.scatter [tilespmem:s29], [sflag:$0x3], $0x80, $0x38;
	[tilespmem:$0x11380] =	vst v63  }
0x49f: {  	v41 =	vnsel vm4, $0x0, v22;
	vm8 =	vcmask $0x308;
	_ =	swait.ge [sflag:s16], $0x80  }
0x4a0: {  	v42 =	vsel vm8, $0x0, v22;
	vm8 =	vcmask $0x70C;
	(xrf0) =	vadd.scan.msk.s32 $0xffff, v41  }
0x4a1: {  	v43 =	vsel vm8, $0x0, v22;
	(xrf0) =	vadd.scan.msk.s32 $0xffff, v42  }
0x4a2: {  	(xrf0) =	vadd.scan.msk.s32 $0xffff, v43  }
0x4a3: {  	vm8 =	vcmask $0xB10  }
0x4a4: {  	v44 =	vsel vm8, $0x0, v22;
	vm8 =	vcmask $0xF14  }
0x4a5: {  	v45 =	vsel vm8, $0x0, v22;
	vm8 =	vcmask $0x1318;
	(xrf0) =	vadd.scan.msk.s32 $0xffff, v44  }
0x4a6: {  	v46 =	vsel vm8, $0x0, v22;
	vm8 =	vcmask $0x171C;
	v25, _, _ =	vpop (xrf0);
	(xrf0) =	vadd.scan.msk.s32 $0xffff, v45  }
0x4a7: {  	v26 =	vmul.u32 $0x100, v0;
	v22 =	vsel vm8, $0x0, v22;
	v27, _, _ =	vpop (xrf0);
	(xrf0) =	vadd.scan.msk.s32 $0xffff, v46  }
0x4a8: {  	v47 =	vbroadcast v25, $0xF;
	v28, _, _ =	vpop (xrf0);
	(xrf0) =	vadd.scan.msk.s32 $0xffff, v22  }
0x4a9: {  	v49 =	vor.u32 $0x1, v26;
	v48 =	vbroadcast v27, $0xF  }
0x4aa: {  	v26 =	vor.u32 $0x1001, v26;
	vm8 =	vlt.s32 v47, v49;
	v28 =	vbroadcast v28, $0xF  }
0x4ab: {  	v23 =	vbroadcast v23, $0xF;
	v22, _, _ =	vpop (xrf0);
	vm9 =	vlt.s32 v48, v49;
	v29 =	vsel vm8, $0x1, v1  }
0x4ac: {  	v22 =	vbroadcast v22, $0xF;
	v30 =	vsel vm9, $0x1, v1;
	vm8 =	vlt.s32 v28, v49;
	v31, _, _ =	vpop (xrf0)  }
0x4ad: {  	v29 =	vadd.s32 v30, v29;
	v32 =	vsel vm8, $0x1, v1;
	v50, _, _ =	vpop (xrf0);
	v31 =	vbroadcast v31, $0xF  }
0x4ae: {  	vm8 =	vlt.s32 v22, v49;
	v29 =	vadd.s32 v32, v29;
	v30 =	vbroadcast v50, $0xF;
	v52, _, _ =	vpop (xrf0)  }
0x4af: {  	v51 =	vsel vm8, $0x1, v1;
	vm8 =	vlt.s32 v31, v49;
	v32 =	vbroadcast v52, $0xF  }
0x4b0: {  	v29 =	vadd.s32 v51, v29;
	v33 =	vsel vm8, $0x1, v1;
	vm8 =	vlt.s32 v30, v49  }
0x4b1: {  	v29 =	vadd.s32 v33, v29;
	v53 =	vsel vm8, $0x1, v1;
	vm8 =	vlt.s32 v32, v49  }
0x4b2: {  	v29 =	vadd.s32 v53, v29;
	v54 =	vsel vm8, $0x1, v1;
	vm8 =	vlt.s32 v23, v49  }
0x4b3: {  	v55 =	vadd.s32 v54, v29;
	v56 =	vsel vm8, $0x1, v1;
	vm8 =	vlt.s32 v47, v26  }
0x4b4: {  	v57 =	vadd.s32 v56, v55;
	v58 =	vsel vm8, $0x1, v1;
	vm8 =	vlt.s32 v48, v26  }
0x4b5: {  	v24 =	vmin.u32 v57, $0x7;
	v25 =	vsel vm8, $0x1, v1;
	vm8 =	vlt.s32 v28, v26  }
0x4b6: {  	v25 =	vadd.s32 v25, v58;
	v59 =	vsel vm8, $0x1, v1;
	vm8 =	vlt.s32 v22, v26  }
0x4b7: {  	[sflag:s16] =	ssyncset.done $0x0;
	v22 =	vadd.s32 v59, v25;
	v60 =	vsel vm8, $0x1, v1;
	vm8 =	vlt.s32 v31, v26  }
0x4b8: {  	[sflag:s16] =	ssyncadd.s32 $0xFFFFFF80;
	v22 =	vadd.s32 v60, v22;
	v61 =	vsel vm8, $0x1, v1;
	vm8 =	vlt.s32 v30, v26  }
0x4b9: {  	s30 =	rddreg [dreg:$0x4];
	[tilespmem:$0x11300] =	vst v24;
	v22 =	vadd.s32 v61, v22;
	v62 =	vsel vm8, $0x1, v1;
	vm8 =	vlt.s32 v32, v26  }
0x4ba: {  	[hbm4b:s30+s3] =	stream.linear.scatter [tilespmem:s29], [sflag:$0x3], $0x10, $0x38;
	v22 =	vadd.s32 v62, v22;
	v63 =	vsel vm8, $0x1, v1;
	vm8 =	vlt.s32 v23, v26;
	[tilespmem:$0x11380] =	vst v63  }
0x4bb: {  	_ =	swait.ge [sflag:s16], $0x10;
	v22 =	vadd.s32 v63, v22;
	v23 =	vsel vm8, $0x1, v1  }
0x4bc: {  	[sflag:s16] =	ssyncset.done $0x0;
	v22 =	vadd.s32 v23, v22  }
0x4bd: {  	[sflag:s16] =	ssyncadd.s32 $0xFFFFFFF0;
	v22 =	vmin.u32 v22, $0x7  }
.Ltmp4:
0x4be: {  	s31 =	rddreg [dreg:$0x8];
	[tilespmem:$0x11300] =	vst v22;
	(pc) =	sbr.rel .LBB2_5-.Ltmp4, $4  }
0x4bf: {  	[hbm4b:s31+s3] =	stream.linear.scatter [tilespmem:s29], [sflag:$0x3], $0x10, $0x38;
	[tilespmem:$0x11380] =	vst v63  }
0x4c0: {  	_ =	swait.ge [sflag:s16], $0x10  }
0x4c1: {  	[sflag:s16] =	ssyncset.done $0x0  }
0x4c2: {  	[sflag:s16] =	ssyncadd.s32 $0xFFFFFFF0  }
.LBB2_6:
0x4c3: {  	_ =	sfence.sel $0x180000  }
0x4c4: {  	[bflag:$0x0] =	sbarrier.arrive $0xFFFF  }
0x4c5: {  	_ =	strace $0x90000047  }
0x4c6: {  	s0 =	stileid.u32;
	[bflag:$0x2] =	sbarrier.arrive $0xFFFF  }
0x4c7: {  	p0 =	sne.s32 s0, $0x0;
	s0 =	rddreg [dreg:$0x3]  }
0x4c8: {  	s0 =	sadd.s32 @!p0 $0x100000, s0  }
0x4c9: {  	[sflag:s0] =	ssyncadd.tile.s32 @!p0 $0x1;
	_ =	shalt  }
.Lfunc_end2:
_tile_overlayer_lowered:
.L_overlay_start_2:
0x4ca: {  	(tag) =	ssettag $0x2  }
0x4cb: {  	s0 =	rddreg [dreg:$0x0];
	s2 =	stileid.u32  }
0x4cc: {  	s1 =	rddreg [dreg:$0x1];
	p0 =	sne.s32 s2, $0x0  }
0x4cd: {  	s3 =	rddreg [dreg:$0x2];
	[bflag:$0x3] =	sbarrier.arrive $0xFFFF;
	s2 =	simm.s32 @!p0 $0x1C03  }
0x4ce: {  	[timem:s3], [sflag:s2] =	dma.local @!p0 [hbm:s0], s1  }
0x4cf: {  	s0 =	simm.s32 @!p0 $0x3  }
0x4d0: {  	_ =	swait.ge @!p0 [sflag:s0], s1  }
0x4d1: {  	s1 =	ssub.s32 @!p0 $0x0, s1;
	[sflag:s0] =	ssyncset.done @!p0 $0x0  }
0x4d2: {  	[sflag:s0] =	ssyncadd.s32 @!p0 s1  }
0x4d3: {  	[bflag:$0x3] =	sbarrier.arrive $0xFFFF  }
0x4d4: {  	_ =	shalt  }

// kernel: kernel.9.cloned.1.call-start
scs
__scs_entry_jumppad:
0x0: {  	(pc) =	sbr.rel $0x88, $3  }
0x1: {  	(tag) =	ssettag $0x0;
	lr =	simm.s32 $0x1  }
0x2: {  	[smem:$0x3F9B] =	sst lr;
	_ =	strace $0xD0000000  }
0x3: {  	_ = 	snop  }
0x4: {  	_ = 	snop  }
0x5: {  	_ = 	snop  }
0x6: {  	_ = 	snop  }
0x7: {  	_ = 	snop  }
__scs_overlays_trampoline_lowered:
0x8: {  	[smem:$0x3FAA] =	sst s0  }
0x9: {  	[smem:$0x3FAB] =	sst s1  }
0xa: {  	[smem:$0x3FAC] =	sst s2  }
0xb: {  	[smem:$0x3FAD] =	sst s3  }
0xc: {  	[smem:$0x3FAE] =	sst s4  }
0xd: {  	[smem:$0x3FAF] =	sst s5  }
0xe: {  	[smem:$0x3FB0] =	sst s6  }
0xf: {  	[smem:$0x3FB1] =	sst s7  }
0x10: {  	[smem:$0x3FB2] =	sst s8  }
0x11: {  	[smem:$0x3FB3] =	sst s9;
	s0 =	simm.s32 @!p0 $0x0  }
0x12: {  	s1 =	sld [smem:$0x3F99];
	s0 =	simm.s32 @p0 $0x1  }
0x13: {  	[smem:$0x3FB4] =	sst s0;
	s0 =	simm.s32 @!p1 $0x0  }
0x14: {  	s2 =	sld [smem:$0x3F98];
	s0 =	simm.s32 @p1 $0x1  }
0x15: {  	[smem:$0x3FB5] =	sst s0;
	s0 =	simm.s32 @!p2 $0x0  }
0x16: {  	s3 =	sld [smem:$0x3FDB];
	s0 =	simm.s32 @p2 $0x1  }
0x17: {  	s4 =	simm.s32 $0x1BF5;
	[smem:$0x3FB7] =	sst s0  }
0x18: {  	s0 =	sld [smem:$0x3F9A];
	_ =	swait.ge [sflag:s4], $0x0  }
0x19: {  	s7 =	sld [smem:$0x3F9B]  }
0x1a: {  	s8 =	sadd.s32 $0xFFFFE003, lr  }
0x1b: {  	s9 =	sadd.s32 $0xFFFFFEF7, lr;
	s5 =	simm.s32 $0xFFFFFFFF;
	p2 =	slt.u32 s8, $0xFFFFF086  }
0x1c: {  	p1 =	slt.u32 s9, $0xF7A;
	s5 =	simm.s32 @!p2 $0x0  }
0x1d: {  	s5 =	simm.s32 @p1 $0x1;
	p0 =	seq.s32 s7, s2  }
0x1e: {  	s7 =	smul.u32 @!p0 $0xF7A, s2;
	p2 =	seq.s32 @!p0 s5, $0x0  }
0x1f: {  	s9 =	smul.u32 $0xF7A, s1;
	s8 =	simm.s32 @!p0 $0x1BF5;
	p2 =	por !p2, p0  }
0x20: {  	[sflag:s8] =	ssyncset.s32 @!p0 $0xFFFFF086;
	s6 =	sadd.s32 @!p0 s3, s7;
	s7 =	simm.s32 @!p0 $0x108  }
0x21: {  	s3 =	sadd.s32 s3, s9;
	s6 =	sadd.s32 @!p0 $0x88, s6;
	s7 =	simm.s32 @p2 $0x1082  }
0x22: {  	[simem:s7], [sflag:s8] =	dma.local @!p0 [hbm:s6], $0xF7A  }
0x23: {  	s9 =	sor.u32 $0xD0000000, s2;
	s6 =	simm.s32 $0x108;
	_ =	swait.ge @!p0 [sflag:s8], $0x0  }
0x24: {  	s3 =	sadd.s32 $0x88, s3;
	s6 =	simm.s32 @!p1 $0x1082;
	[sflag:s4] =	ssyncset.s32 $0xFFFFF086  }
0x25: {  	[simem:s6], [sflag:s4] =	dma.local [hbm:s3], $0xF7A  }
0x26: {  	[smem:$0x3F9B] =	sst s1;
	(tag) =	ssettag s2;
	_ =	strace s9  }
0x27: {  	s1 =	sld [smem:$0x3FAB]  }
0x28: {  	s2 =	sld [smem:$0x3FAC]  }
0x29: {  	s4 =	sld [smem:$0x3FAE]  }
0x2a: {  	p0 =	seq.s32 s5, $0x0;
	s5 =	sld [smem:$0x3FAF]  }
0x2b: {  	s6 =	sld [smem:$0x3FB0]  }
0x2c: {  	s7 =	sld [smem:$0x3FB1]  }
0x2d: {  	s3 =	simm.s32 $0x108;
	s8 =	sld [smem:$0x3FB2]  }
0x2e: {  	s3 =	simm.s32 @!p0 $0x1082;
	s9 =	sld [smem:$0x3FB3]  }
0x2f: {  	lr =	sadd.s32 s0, s3;
	s0 =	sld [smem:$0x3FAA]  }
0x30: {  	s3 =	sld [smem:$0x3FAD]  }
0x31: {  	[smem:$0x3FB6] =	sst s10  }
0x32: {  	s10 =	sld [smem:$0x3FB4];
	_ =	sdelay $0x3  }
0x33: {  	p0 =	seq.s32 s10, $0x1;
	s10 =	sld [smem:$0x3FB6];
	_ =	sdelay $0x3  }
0x34: {  	[smem:$0x3FB6] =	sst s10  }
0x35: {  	s10 =	sld [smem:$0x3FB5];
	_ =	sdelay $0x3  }
0x36: {  	p1 =	seq.s32 s10, $0x1;
	s10 =	sld [smem:$0x3FB6];
	_ =	sdelay $0x3  }
0x37: {  	[smem:$0x3FB6] =	sst s10  }
0x38: {  	s10 =	sld [smem:$0x3FB7]  }
0x39: {  	_ = 	snop;
	(pc) =	sbr.ind lr, $3  }
0x3a: {  	_ = 	snop  }
0x3b: {  	_ = 	snop  }
0x3c: {  	p2 =	seq.s32 s10, $0x1;
	s10 =	sld [smem:$0x3FB6]  }
0x3d: {  	_ =	shalt  }
0x3e: {  	_ =	shalt  }
0x3f: {  	_ =	shalt  }
0x40: {  	_ =	shalt  }
0x41: {  	_ =	shalt  }
0x42: {  	_ =	shalt  }
0x43: {  	_ =	shalt  }
0x44: {  	_ =	shalt  }
0x45: {  	_ =	shalt  }
0x46: {  	_ =	shalt  }
0x47: {  	_ =	shalt  }
0x48: {  	_ =	shalt  }
0x49: {  	_ =	shalt  }
0x4a: {  	_ =	shalt  }
0x4b: {  	_ =	shalt  }
0x4c: {  	_ =	shalt  }
0x4d: {  	_ =	shalt  }
0x4e: {  	_ =	shalt  }
0x4f: {  	_ =	shalt  }
0x50: {  	_ =	shalt  }
0x51: {  	_ =	shalt  }
0x52: {  	_ =	shalt  }
0x53: {  	_ =	shalt  }
0x54: {  	_ =	shalt  }
0x55: {  	_ =	shalt  }
0x56: {  	_ =	shalt  }
0x57: {  	_ =	shalt  }
0x58: {  	_ =	shalt  }
0x59: {  	_ =	shalt  }
0x5a: {  	_ =	shalt  }
0x5b: {  	_ =	shalt  }
0x5c: {  	_ =	shalt  }
0x5d: {  	_ =	shalt  }
0x5e: {  	_ =	shalt  }
0x5f: {  	_ =	shalt  }
0x60: {  	_ =	shalt  }
0x61: {  	_ =	shalt  }
0x62: {  	_ =	shalt  }
0x63: {  	_ =	shalt  }
0x64: {  	_ =	shalt  }
0x65: {  	_ =	shalt  }
0x66: {  	_ =	shalt  }
0x67: {  	_ =	shalt  }
0x68: {  	_ =	shalt  }
0x69: {  	_ =	shalt  }
0x6a: {  	_ =	shalt  }
0x6b: {  	_ =	shalt  }
0x6c: {  	_ =	shalt  }
0x6d: {  	_ =	shalt  }
0x6e: {  	_ =	shalt  }
0x6f: {  	_ =	shalt  }
0x70: {  	_ =	shalt  }
0x71: {  	_ =	shalt  }
0x72: {  	_ =	shalt  }
0x73: {  	_ =	shalt  }
0x74: {  	_ =	shalt  }
0x75: {  	_ =	shalt  }
0x76: {  	_ =	shalt  }
0x77: {  	_ =	shalt  }
0x78: {  	_ =	shalt  }
0x79: {  	_ =	shalt  }
0x7a: {  	_ =	shalt  }
0x7b: {  	_ =	shalt  }
0x7c: {  	_ =	shalt  }
0x7d: {  	_ =	shalt  }
0x7e: {  	_ =	shalt  }
0x7f: {  	_ =	shalt  }
0x80: {  	_ =	shalt  }
0x81: {  	_ =	shalt  }
0x82: {  	_ =	shalt  }
0x83: {  	_ =	shalt  }
0x84: {  	_ =	shalt  }
0x85: {  	_ =	shalt  }
0x86: {  	_ =	shalt  }
0x87: {  	_ =	shalt  }
.Lfunc_end0:
.L_simem_size_0:
called_computation.1_lowered:
.L_overlay_start_0:
0x88: {  	s2 =	sld [smem:$0x3FD9]  }
0x89: {  	s3 =	sld [smem:$0x3FFE];
	_ =	sdelay $0x1  }
0x8a: {  	s1 =	srdreg.scid  }
0x8b: {  	s0 =	sand.u32 $0x1, s1  }
0x8c: {  	s16 =	sshll.u32 s0, $0xA;
	s2 =	sadd.s32 s3, s2  }
0x8d: {  	s2 =	sadd.s32 s2, s16  }
0x8e: {  	[smem:$0x3FC2] =	sst s2  }
0x8f: {  	_ = 	snop  }
0x90: {  	(tm) =	ssettm $0x1  }
0x91: {  	s17 =	sld [smem:$0x3FFB];
	_ =	sdelay $0x3  }
0x92: {  	_ =	strace s17  }
0x93: {  	s2 =	sld [smem:$0x3FFC];
	_ =	sdelay $0x3  }
0x94: {  	_ =	strace s2  }
0x95: {  	s2 =	sld [smem:$0x3FFD];
	_ =	sdelay $0x3  }
0x96: {  	_ =	strace s2  }
0x97: {  	_ =	strace $0x8FFFFFFF  }
0x98: {  	s18 =	sld [smem:$0x3FDB];
	_ =	sdelay $0x1  }
0x99: {  	s19 =	simm.s32 $_scs_section_size  }
0x9a: {  	s4 =	simm.s32 $_size__tile_overlayer_lowered;
	s5 =	simm.s32 $_tile_overlayer_lowered  }
0x9b: {  	s22 =	simm.s32 $0x1BFF;
	s21 =	sshll.u32 s5, $0x1;
	s2 =	sadd.s32 s19, s18  }
0x9c: {  	s6 =	simm.s32 $0x0;
	s20 =	sshll.u32 s4, $0x1;
	s4 =	sadd.s32 s21, s2  }
0x9d: {  	[timem:s6], [sflag:s22] =	dma.local [hbm:s4], s20  }
0x9e: {  	_ =	swait.ge [sflag:s22], s20  }
0x9f: {  	s3 =	ssub.s32 $0x0, s20;
	[sflag:s22] =	ssyncset.done $0x0  }
0xa0: {  	[sflag:s22] =	ssyncadd.s32 s3;
	_ =	sdelay $0x1  }
0xa1: {  	s23 =	simm.s32 $0x1B8B  }
0xa2: {  	_ =	swait.ge [sflag:s23], $0x1  }
0xa3: {  	[sflag:s23] =	ssyncset.done $0x0  }
0xa4: {  	s25 =	simm.s32 $0x1B8E;
	s24 =	sld [smem:$0x3FFE];
	[sflag:s23] =	ssyncadd.s32 $0xFFFFFFFF  }
0xa5: {  	s26 =	simm.s32 $execute0_lowered;
	[smem:$0x3FD2] =	sst s25  }
0xa6: {  	s4 =	sshll.u32 s26, $0x1;
	_ =	strace $0x80000049;
	[dreg:$0x1] =	wrdreg $0xFFFFFFFF  }
0xa7: {  	s28 =	simm.s32 $_size_execute0_lowered;
	s2 =	sadd.s32 s2, s4;
	[dreg:$0x0] =	wrdreg $0x0  }
0xa8: {  	s4 =	sshll.u32 s28, $0x1;
	[dreg:$0x2] =	wrdreg s2  }
0xa9: {  	[dreg:$0x3] =	wrdreg s4  }
0xaa: {  	[dreg:$0x4] =	wrdreg $0xC0  }
0xab: {  	_ =	task [dreg:s6], $0x5FFFF  }
0xac: {  	[dreg:$0x1] =	wrdreg $0xFFFFFFFF  }
0xad: {  	[dreg:$0x0] =	wrdreg $0x60  }
0xae: {  	[dreg:$0x2] =	wrdreg s24  }
0xaf: {  	[dreg:$0x3] =	wrdreg $0x9  }
0xb0: {  	_ =	task.clear_ibuf [dreg:s6], $0x4FFFF;
	_ =	strace $0x90000049  }
0xb1: {  	s29 =	simm.s32 $0x9;
	_ =	strace $0x8000004B  }
0xb2: {  	_ =	swait.ge [sflag:s29], $0x1  }
0xb3: {  	[sflag:s29] =	ssyncadd.s32 $0xFFFFFFFF  }
0xb4: {  	_ =	strace $0x9000004B  }
0xb5: {  	_ =	sfence  }
0xb6: {  	s30 =	sld [smem:$0x0];
	_ =	sdelay $0x2  }
0xb7: {  	s31 =	sshll.u32 s1, $0xD;
	s1 =	sshrl.u32 s1, $0x2  }
0xb8: {  	s3 =	sand.u32 $0x4000, s31;
	s1 =	sadd.s32 s1, s30  }
0xb9: {  	s0 =	sor.u32 s3, s0;
	s1 =	sshll.u32 s1, $0x11  }
0xba: {  	s0 =	sor.u32 s1, s0  }
0xbb: {  	s0 =	sadd.s32 $0x8F2B, s0  }
0xbc: {  	[sflag:s0] =	ssyncadd.remote.s32 $0x1  }
0xbd: {  	_ =	sfence.sel $0xFFFF  }
0xbe: {  	[dreg:$0x0] =	wrdreg $0xFFFFFFFF;
	(pc) =	sbr.abs _section_cstart, $3  }
0xbf: {  	[dreg:$0x1] =	wrdreg $0xFFFFFFFF  }
0xc0: {  	_ =	task.clear_ibuf [dreg:s6], $0x2FFFF;
	_ =	strace $0x9FFFFFFF  }
0xc1: {  	(tm) =	ssettm $0x7FFFFFFF  }
tec
execute0_lowered:
.L_overlay_start_1:
0x0: {  	(tag) =	ssettag $0x1  }
0x1: {  	s2 =	stileid.u32  }
0x2: {  	s0 =	srdreg.scid;
	s10 =	rddreg [dreg:$0x0]  }
0x3: {  	s13 =	simm.s32 $0x80;
	s29 =	simm.s32 $0x880;
	s30 =	simm.s32 $0x1080  }
0x4: {  	s31 =	simm.s32 $0x1880;
	s14 =	simm.s32 $0x3080;
	s15 =	simm.s32 $0x3880  }
0x5: {  	s16 =	simm.s32 $0x4080;
	s17 =	simm.s32 $0x4880;
	s18 =	simm.s32 $0x5080  }
0x6: {  	s19 =	simm.s32 $0x5880;
	s20 =	simm.s32 $0x6080;
	s21 =	simm.s32 $0x6880  }
0x7: {  	s22 =	simm.s32 $0x7080;
	s23 =	simm.s32 $0x7880;
	s24 =	simm.s32 $0x8080  }
0x8: {  	s1 =	sshll.u32 s2, $0x1;
	s0 =	sand.u32 $0x1, s0;
	s3 =	sshrl.u32 s2, $0x3  }
0x9: {  	s2 =	simm.s32 $0x0;
	s1 =	sand.u32 $0xE, s1;
	s4 =	sshll.u32 s3, $0x4  }
0xa: {  	[smem:$0x7FF] =	sst s2;
	s25 =	sshll.u32 s3, $0x13;
	s1 =	sor.u32 s0, s1  }
0xb: {  	s3 =	sadd.s32 $0x441400, s10;
	_ =	strace $0x8000004A;
	s5 =	sshll.u32 s1, $0x5  }
0xc: {  	s0 =	ssub.s32 $0x2, s0;
	s1 =	sshll.u32 s1, $0xF;
	s4 =	sor.u32 s4, s5  }
0xd: {  	s26 =	sshrl.u32 s0, $0x1;
	s1 =	sor.u32 s25, s1;
	s11 =	sadd.s32 s4, s10  }
0xe: {  	s0 =	ssub.s32 s0, s26;
	s1 =	sadd.s32 s1, s10;
	s28 =	sadd.s32 $0x181200, s11  }
0xf: {  	s5 =	sadd.s32 $0x441600, s10;
	s6 =	sadd.s32 $0xE00, s1;
	[dreg:$0x2] =	wrdreg s28  }
0x10: {  	s26 =	simm.s32 $0x1;
	s7 =	sadd.s32 $0x181204, s11;
	[dreg:$0x3] =	wrdreg s6  }
0x11: {  	s25 =	simm.s32 $0x8880;
	s8 =	sadd.s32 $0x2E00, s1;
	[dreg:$0x4] =	wrdreg s7  }
0x12: {  	s4 =	sadd.s32 $0x441500, s10;
	s9 =	sadd.s32 $0x181208, s11;
	[dreg:$0x5] =	wrdreg s8  }
0x13: {  	s12 =	sadd.s32 $0x4E00, s1;
	s11 =	sadd.s32 $0x18120C, s11;
	[dreg:$0x6] =	wrdreg s9  }
0x14: {  	s1 =	sadd.s32 $0x6E00, s1;
	s6 =	sadd.s32 $0x441700, s10;
	[dreg:$0x7] =	wrdreg s12  }
0x15: {  	v2 =	vlaneseq.u32;
	s7 =	sadd.s32 $0x441800, s10;
	s8 =	sadd.s32 $0x441900, s10;
	[dreg:$0x8] =	wrdreg s11  }
0x16: {  	vm0 =	vmmov $0xffff;
	v1 =	vshrl.u32 v2, $0x3;
	s9 =	sadd.s32 $0x441A00, s10;
	s10 =	sadd.s32 $0x441B00, s10;
	[dreg:$0x9] =	wrdreg s1  }
0x17: {  	v0 =	vand.u32 $0x7, v2;
	v2 =	vor.u32 $0x8, v2;
	v1 =	vmul.u32 $0x8, v1;
	s11 =	smax.u32 s0, $0x1;
	s12 =	simm.s32 $0x2;
	s1 =	simm.s32 $0x2080  }
.LBB2_1:
0x18: {  	s28 =	rddreg [dreg:$0x2]  }
0x19: {  	[tilespmem:s2], [sflag:$0x2] =	stream.linear.gather [hbm4b:s28+s2], $0x20, $0x38;
	[tilespmem:$0x10080] =	vst v63  }
0x1a: {  	_ =	swait.ge [sflag:s12], $0x20  }
0x1b: {  	[sflag:s12] =	ssyncset.done $0x0  }
0x1c: {  	[sflag:s12] =	ssyncadd.s32 $0xFFFFFFE0  }
0x1d: {  	v3 =	vld [tilespmem:$0x0];
	_ =	sdelay $0x4  }
0x1e: {  	v4 =	vshll.u32 v3, $0x4  }
0x1f: {  	v3 =	vand.u32 $0x7, v3;
	v4 =	vand.u32 $0xFFFFFF80, v4  }
0x20: {  	v3 =	vor.u32 v3, v4  }
0x21: {  	v4 =	vperm.xlane v3, v0;
	_ =	sdelay $0x1  }
0x22: {  	v4 =	vadd.s32 v1, v4;
	_ =	sdelay $0x4  }
0x23: {  	[tilespmem:s13], [sflag:$0x1] =	stream.indirect_vreg.gather [hbm4b:s3+s2], $0x80, v4, vm0, $0xb8;
	[tilespmem:$0x10080] =	vst v63  }
0x24: {  	_ = 	snop  }
0x25: {  	[tilespmem:s29], [sflag:$0x1] =	stream.indirect_vreg.gather [hbm4b:s4+s2], $0x80, v4, vm0, $0xb8;
	[tilespmem:$0x10080] =	vst v63  }
0x26: {  	_ = 	snop  }
0x27: {  	[tilespmem:s30], [sflag:$0x1] =	stream.indirect_vreg.gather [hbm4b:s5+s2], $0x80, v4, vm0, $0xb8;
	[tilespmem:$0x10080] =	vst v63  }
0x28: {  	_ = 	snop  }
0x29: {  	[tilespmem:s31], [sflag:$0x1] =	stream.indirect_vreg.gather [hbm4b:s6+s2], $0x80, v4, vm0, $0xb8;
	[tilespmem:$0x10080] =	vst v63  }
0x2a: {  	_ = 	snop  }
0x2b: {  	[tilespmem:s1], [sflag:$0x1] =	stream.indirect_vreg.gather [hbm4b:s7+s2], $0x80, v4, vm0, $0xb8;
	[tilespmem:$0x10080] =	vst v63  }
0x2c: {  	s0 =	simm.s32 $0x2880;
	v3 =	vperm.xlane v3, v2  }
0x2d: {  	[tilespmem:s0], [sflag:$0x1] =	stream.indirect_vreg.gather [hbm4b:s8+s2], $0x80, v4, vm0, $0xb8;
	[tilespmem:$0x10080] =	vst v63  }
0x2e: {  	v3 =	vadd.s32 v1, v3  }
0x2f: {  	[tilespmem:s14], [sflag:$0x1] =	stream.indirect_vreg.gather [hbm4b:s9+s2], $0x80, v4, vm0, $0xb8;
	[tilespmem:$0x10080] =	vst v63  }
0x30: {  	_ = 	snop  }
0x31: {  	[tilespmem:s15], [sflag:$0x1] =	stream.indirect_vreg.gather [hbm4b:s10+s2], $0x80, v4, vm0, $0xb8;
	[tilespmem:$0x10080] =	vst v63  }
0x32: {  	_ = 	snop  }
0x33: {  	[tilespmem:s16], [sflag:$0x1] =	stream.indirect_vreg.gather [hbm4b:s3+s2], $0x80, v3, vm0, $0xb8;
	[tilespmem:$0x10080] =	vst v63  }
0x34: {  	_ = 	snop  }
0x35: {  	[tilespmem:s17], [sflag:$0x1] =	stream.indirect_vreg.gather [hbm4b:s4+s2], $0x80, v3, vm0, $0xb8;
	[tilespmem:$0x10080] =	vst v63  }
0x36: {  	_ = 	snop  }
0x37: {  	[tilespmem:s18], [sflag:$0x1] =	stream.indirect_vreg.gather [hbm4b:s5+s2], $0x80, v3, vm0, $0xb8;
	[tilespmem:$0x10080] =	vst v63  }
0x38: {  	_ = 	snop  }
0x39: {  	[tilespmem:s19], [sflag:$0x1] =	stream.indirect_vreg.gather [hbm4b:s6+s2], $0x80, v3, vm0, $0xb8;
	[tilespmem:$0x10080] =	vst v63  }
0x3a: {  	_ = 	snop  }
0x3b: {  	[tilespmem:s20], [sflag:$0x1] =	stream.indirect_vreg.gather [hbm4b:s7+s2], $0x80, v3, vm0, $0xb8;
	[tilespmem:$0x10080] =	vst v63  }
0x3c: {  	_ = 	snop  }
0x3d: {  	[tilespmem:s21], [sflag:$0x1] =	stream.indirect_vreg.gather [hbm4b:s8+s2], $0x80, v3, vm0, $0xb8;
	[tilespmem:$0x10080] =	vst v63  }
0x3e: {  	_ = 	snop  }
0x3f: {  	[tilespmem:s22], [sflag:$0x1] =	stream.indirect_vreg.gather [hbm4b:s9+s2], $0x80, v3, vm0, $0xb8;
	[tilespmem:$0x10080] =	vst v63  }
0x40: {  	_ = 	snop  }
0x41: {  	[tilespmem:s23], [sflag:$0x1] =	stream.indirect_vreg.gather [hbm4b:s10+s2], $0x80, v3, vm0, $0xb8;
	[tilespmem:$0x10080] =	vst v63  }
0x42: {  	v3 =	vld [tilespmem:$0x10];
	_ =	sdelay $0x4  }
0x43: {  	v57 =	vshll.u32 v3, $0x4  }
0x44: {  	v3 =	vand.u32 $0x7, v3;
	v4 =	vand.u32 $0xFFFFFF80, v57  }
0x45: {  	v3 =	vor.u32 v3, v4  }
0x46: {  	v4 =	vperm.xlane v3, v0;
	_ =	sdelay $0x1  }
0x47: {  	v4 =	vadd.s32 v1, v4;
	_ =	sdelay $0x4  }
0x48: {  	[tilespmem:s24], [sflag:$0x1] =	stream.indirect_vreg.gather [hbm4b:s3+s2], $0x80, v4, vm0, $0xb8;
	[tilespmem:$0x10080] =	vst v63  }
0x49: {  	_ = 	snop  }
0x4a: {  	[tilespmem:s25], [sflag:$0x1] =	stream.indirect_vreg.gather [hbm4b:s4+s2], $0x80, v4, vm0, $0xb8;
	[tilespmem:$0x10080] =	vst v63  }
0x4b: {  	s28 =	simm.s32 $0x9080  }
0x4c: {  	[tilespmem:s28], [sflag:$0x1] =	stream.indirect_vreg.gather [hbm4b:s5+s2], $0x80, v4, vm0, $0xb8;
	[tilespmem:$0x10080] =	vst v63  }
0x4d: {  	s28 =	simm.s32 $0x9880  }
0x4e: {  	[tilespmem:s28], [sflag:$0x1] =	stream.indirect_vreg.gather [hbm4b:s6+s2], $0x80, v4, vm0, $0xb8;
	[tilespmem:$0x10080] =	vst v63  }
0x4f: {  	s28 =	simm.s32 $0xA080  }
0x50: {  	[tilespmem:s28], [sflag:$0x1] =	stream.indirect_vreg.gather [hbm4b:s7+s2], $0x80, v4, vm0, $0xb8;
	[tilespmem:$0x10080] =	vst v63  }
0x51: {  	v3 =	vperm.xlane v3, v2;
	s28 =	simm.s32 $0xA880  }
0x52: {  	[tilespmem:s28], [sflag:$0x1] =	stream.indirect_vreg.gather [hbm4b:s8+s2], $0x80, v4, vm0, $0xb8;
	[tilespmem:$0x10080] =	vst v63  }
0x53: {  	v3 =	vadd.s32 v1, v3;
	s28 =	simm.s32 $0xB080  }
0x54: {  	[tilespmem:s28], [sflag:$0x1] =	stream.indirect_vreg.gather [hbm4b:s9+s2], $0x80, v4, vm0, $0xb8;
	[tilespmem:$0x10080] =	vst v63  }
0x55: {  	s28 =	simm.s32 $0xB880  }
0x56: {  	[tilespmem:s28], [sflag:$0x1] =	stream.indirect_vreg.gather [hbm4b:s10+s2], $0x80, v4, vm0, $0xb8;
	[tilespmem:$0x10080] =	vst v63  }
0x57: {  	s28 =	simm.s32 $0xC080  }
0x58: {  	[tilespmem:s28], [sflag:$0x1] =	stream.indirect_vreg.gather [hbm4b:s3+s2], $0x80, v3, vm0, $0xb8;
	[tilespmem:$0x10080] =	vst v63  }
0x59: {  	s28 =	simm.s32 $0xC880  }
0x5a: {  	[tilespmem:s28], [sflag:$0x1] =	stream.indirect_vreg.gather [hbm4b:s4+s2], $0x80, v3, vm0, $0xb8;
	[tilespmem:$0x10080] =	vst v63  }
0x5b: {  	s28 =	simm.s32 $0xD080  }
0x5c: {  	[tilespmem:s28], [sflag:$0x1] =	stream.indirect_vreg.gather [hbm4b:s5+s2], $0x80, v3, vm0, $0xb8;
	[tilespmem:$0x10080] =	vst v63  }
0x5d: {  	s28 =	simm.s32 $0xD880  }
0x5e: {  	[tilespmem:s28], [sflag:$0x1] =	stream.indirect_vreg.gather [hbm4b:s6+s2], $0x80, v3, vm0, $0xb8;
	[tilespmem:$0x10080] =	vst v63  }
0x5f: {  	s28 =	simm.s32 $0xE080  }
0x60: {  	[tilespmem:s28], [sflag:$0x1] =	stream.indirect_vreg.gather [hbm4b:s7+s2], $0x80, v3, vm0, $0xb8;
	[tilespmem:$0x10080] =	vst v63  }
0x61: {  	s28 =	simm.s32 $0xE880  }
0x62: {  	[tilespmem:s28], [sflag:$0x1] =	stream.indirect_vreg.gather [hbm4b:s8+s2], $0x80, v3, vm0, $0xb8;
	[tilespmem:$0x10080] =	vst v63  }
0x63: {  	s28 =	simm.s32 $0xF080  }
0x64: {  	[tilespmem:s28], [sflag:$0x1] =	stream.indirect_vreg.gather [hbm4b:s9+s2], $0x80, v3, vm0, $0xb8;
	[tilespmem:$0x10080] =	vst v63  }
0x65: {  	s28 =	simm.s32 $0xF880  }
0x66: {  	[tilespmem:s28], [sflag:$0x1] =	stream.indirect_vreg.gather [hbm4b:s10+s2], $0x80, v3, vm0, $0xb8;
	[tilespmem:$0x10080] =	vst v63  }
0x67: {  	_ =	swait.ge [sflag:s26], $0x10000  }
0x68: {  	[sflag:s26] =	ssyncset.done $0x0  }
0x69: {  	s28 =	rddreg [dreg:$0x3];
	[sflag:s26] =	ssyncadd.s32 $0xFFFF0000  }
0x6a: {  	[hbm4b:s28+s2] =	stream.linear.scatter [tilespmem:s13], [sflag:$0x2], $0x10000, $0x38;
	[tilespmem:$0x10080] =	vst v63  }
0x6b: {  	_ =	swait.ge [sflag:s12], $0x10000  }
0x6c: {  	[sflag:s12] =	ssyncset.done $0x0  }
0x6d: {  	s28 =	rddreg [dreg:$0x4];
	[sflag:s12] =	ssyncadd.s32 $0xFFFF0000  }
0x6e: {  	[tilespmem:s2], [sflag:$0x2] =	stream.linear.gather [hbm4b:s28+s2], $0x20, $0x38;
	[tilespmem:$0x10080] =	vst v63  }
0x6f: {  	_ =	swait.ge [sflag:s12], $0x20  }
0x70: {  	[sflag:s12] =	ssyncset.done $0x0  }
0x71: {  	[sflag:s12] =	ssyncadd.s32 $0xFFFFFFE0  }
0x72: {  	v3 =	vld [tilespmem:$0x0];
	_ =	sdelay $0x4  }
0x73: {  	v58 =	vshll.u32 v3, $0x4  }
0x74: {  	v3 =	vand.u32 $0x7, v3;
	v4 =	vand.u32 $0xFFFFFF80, v58  }
0x75: {  	v3 =	vor.u32 v3, v4  }
0x76: {  	v4 =	vperm.xlane v3, v0;
	_ =	sdelay $0x1  }
0x77: {  	v4 =	vadd.s32 v1, v4;
	_ =	sdelay $0x4  }
0x78: {  	[tilespmem:s13], [sflag:$0x1] =	stream.indirect_vreg.gather [hbm4b:s3+s2], $0x80, v4, vm0, $0xb8;
	[tilespmem:$0x10080] =	vst v63  }
0x79: {  	_ = 	snop  }
0x7a: {  	[tilespmem:s29], [sflag:$0x1] =	stream.indirect_vreg.gather [hbm4b:s4+s2], $0x80, v4, vm0, $0xb8;
	[tilespmem:$0x10080] =	vst v63  }
0x7b: {  	_ = 	snop  }
0x7c: {  	[tilespmem:s30], [sflag:$0x1] =	stream.indirect_vreg.gather [hbm4b:s5+s2], $0x80, v4, vm0, $0xb8;
	[tilespmem:$0x10080] =	vst v63  }
0x7d: {  	_ = 	snop  }
0x7e: {  	[tilespmem:s31], [sflag:$0x1] =	stream.indirect_vreg.gather [hbm4b:s6+s2], $0x80, v4, vm0, $0xb8;
	[tilespmem:$0x10080] =	vst v63  }
0x7f: {  	_ = 	snop  }
0x80: {  	[tilespmem:s1], [sflag:$0x1] =	stream.indirect_vreg.gather [hbm4b:s7+s2], $0x80, v4, vm0, $0xb8;
	[tilespmem:$0x10080] =	vst v63  }
0x81: {  	v3 =	vperm.xlane v3, v2  }
0x82: {  	[tilespmem:s0], [sflag:$0x1] =	stream.indirect_vreg.gather [hbm4b:s8+s2], $0x80, v4, vm0, $0xb8;
	[tilespmem:$0x10080] =	vst v63  }
0x83: {  	v3 =	vadd.s32 v1, v3  }
0x84: {  	[tilespmem:s14], [sflag:$0x1] =	stream.indirect_vreg.gather [hbm4b:s9+s2], $0x80, v4, vm0, $0xb8;
	[tilespmem:$0x10080] =	vst v63  }
0x85: {  	_ = 	snop  }
0x86: {  	[tilespmem:s15], [sflag:$0x1] =	stream.indirect_vreg.gather [hbm4b:s10+s2], $0x80, v4, vm0, $0xb8;
	[tilespmem:$0x10080] =	vst v63  }
0x87: {  	_ = 	snop  }
0x88: {  	[tilespmem:s16], [sflag:$0x1] =	stream.indirect_vreg.gather [hbm4b:s3+s2], $0x80, v3, vm0, $0xb8;
	[tilespmem:$0x10080] =	vst v63  }
0x89: {  	_ = 	snop  }
0x8a: {  	[tilespmem:s17], [sflag:$0x1] =	stream.indirect_vreg.gather [hbm4b:s4+s2], $0x80, v3, vm0, $0xb8;
	[tilespmem:$0x10080] =	vst v63  }
0x8b: {  	_ = 	snop  }
0x8c: {  	[tilespmem:s18], [sflag:$0x1] =	stream.indirect_vreg.gather [hbm4b:s5+s2], $0x80, v3, vm0, $0xb8;
	[tilespmem:$0x10080] =	vst v63  }
0x8d: {  	_ = 	snop  }
0x8e: {  	[tilespmem:s19], [sflag:$0x1] =	stream.indirect_vreg.gather [hbm4b:s6+s2], $0x80, v3, vm0, $0xb8;
	[tilespmem:$0x10080] =	vst v63  }
0x8f: {  	_ = 	snop  }
0x90: {  	[tilespmem:s20], [sflag:$0x1] =	stream.indirect_vreg.gather [hbm4b:s7+s2], $0x80, v3, vm0, $0xb8;
	[tilespmem:$0x10080] =	vst v63  }
0x91: {  	_ = 	snop  }
0x92: {  	[tilespmem:s21], [sflag:$0x1] =	stream.indirect_vreg.gather [hbm4b:s8+s2], $0x80, v3, vm0, $0xb8;
	[tilespmem:$0x10080] =	vst v63  }
0x93: {  	_ = 	snop  }
0x94: {  	[tilespmem:s22], [sflag:$0x1] =	stream.indirect_vreg.gather [hbm4b:s9+s2], $0x80, v3, vm0, $0xb8;
	[tilespmem:$0x10080] =	vst v63  }
0x95: {  	_ = 	snop  }
0x96: {  	[tilespmem:s23], [sflag:$0x1] =	stream.indirect_vreg.gather [hbm4b:s10+s2], $0x80, v3, vm0, $0xb8;
	[tilespmem:$0x10080] =	vst v63  }
0x97: {  	v3 =	vld [tilespmem:$0x10];
	_ =	sdelay $0x4  }
0x98: {  	v59 =	vshll.u32 v3, $0x4  }
0x99: {  	v3 =	vand.u32 $0x7, v3;
	v4 =	vand.u32 $0xFFFFFF80, v59  }
0x9a: {  	v3 =	vor.u32 v3, v4  }
0x9b: {  	v4 =	vperm.xlane v3, v0;
	_ =	sdelay $0x1  }
0x9c: {  	v4 =	vadd.s32 v1, v4;
	_ =	sdelay $0x4  }
0x9d: {  	[tilespmem:s24], [sflag:$0x1] =	stream.indirect_vreg.gather [hbm4b:s3+s2], $0x80, v4, vm0, $0xb8;
	[tilespmem:$0x10080] =	vst v63  }
0x9e: {  	_ = 	snop  }
0x9f: {  	[tilespmem:s25], [sflag:$0x1] =	stream.indirect_vreg.gather [hbm4b:s4+s2], $0x80, v4, vm0, $0xb8;
	[tilespmem:$0x10080] =	vst v63  }
0xa0: {  	s28 =	simm.s32 $0x9080  }
0xa1: {  	[tilespmem:s28], [sflag:$0x1] =	stream.indirect_vreg.gather [hbm4b:s5+s2], $0x80, v4, vm0, $0xb8;
	[tilespmem:$0x10080] =	vst v63  }
0xa2: {  	s28 =	simm.s32 $0x9880  }
0xa3: {  	[tilespmem:s28], [sflag:$0x1] =	stream.indirect_vreg.gather [hbm4b:s6+s2], $0x80, v4, vm0, $0xb8;
	[tilespmem:$0x10080] =	vst v63  }
0xa4: {  	s28 =	simm.s32 $0xA080  }
0xa5: {  	[tilespmem:s28], [sflag:$0x1] =	stream.indirect_vreg.gather [hbm4b:s7+s2], $0x80, v4, vm0, $0xb8;
	[tilespmem:$0x10080] =	vst v63  }
0xa6: {  	v3 =	vperm.xlane v3, v2;
	s28 =	simm.s32 $0xA880  }
0xa7: {  	[tilespmem:s28], [sflag:$0x1] =	stream.indirect_vreg.gather [hbm4b:s8+s2], $0x80, v4, vm0, $0xb8;
	[tilespmem:$0x10080] =	vst v63  }
0xa8: {  	v3 =	vadd.s32 v1, v3;
	s28 =	simm.s32 $0xB080  }
0xa9: {  	[tilespmem:s28], [sflag:$0x1] =	stream.indirect_vreg.gather [hbm4b:s9+s2], $0x80, v4, vm0, $0xb8;
	[tilespmem:$0x10080] =	vst v63  }
0xaa: {  	s28 =	simm.s32 $0xB880  }
0xab: {  	[tilespmem:s28], [sflag:$0x1] =	stream.indirect_vreg.gather [hbm4b:s10+s2], $0x80, v4, vm0, $0xb8;
	[tilespmem:$0x10080] =	vst v63  }
0xac: {  	s28 =	simm.s32 $0xC080  }
0xad: {  	[tilespmem:s28], [sflag:$0x1] =	stream.indirect_vreg.gather [hbm4b:s3+s2], $0x80, v3, vm0, $0xb8;
	[tilespmem:$0x10080] =	vst v63  }
0xae: {  	s28 =	simm.s32 $0xC880  }
0xaf: {  	[tilespmem:s28], [sflag:$0x1] =	stream.indirect_vreg.gather [hbm4b:s4+s2], $0x80, v3, vm0, $0xb8;
	[tilespmem:$0x10080] =	vst v63  }
0xb0: {  	s28 =	simm.s32 $0xD080  }
0xb1: {  	[tilespmem:s28], [sflag:$0x1] =	stream.indirect_vreg.gather [hbm4b:s5+s2], $0x80, v3, vm0, $0xb8;
	[tilespmem:$0x10080] =	vst v63  }
0xb2: {  	s28 =	simm.s32 $0xD880  }
0xb3: {  	[tilespmem:s28], [sflag:$0x1] =	stream.indirect_vreg.gather [hbm4b:s6+s2], $0x80, v3, vm0, $0xb8;
	[tilespmem:$0x10080] =	vst v63  }
0xb4: {  	s28 =	simm.s32 $0xE080  }
0xb5: {  	[tilespmem:s28], [sflag:$0x1] =	stream.indirect_vreg.gather [hbm4b:s7+s2], $0x80, v3, vm0, $0xb8;
	[tilespmem:$0x10080] =	vst v63  }
0xb6: {  	s28 =	simm.s32 $0xE880  }
0xb7: {  	[tilespmem:s28], [sflag:$0x1] =	stream.indirect_vreg.gather [hbm4b:s8+s2], $0x80, v3, vm0, $0xb8;
	[tilespmem:$0x10080] =	vst v63  }
0xb8: {  	s28 =	simm.s32 $0xF080  }
0xb9: {  	[tilespmem:s28], [sflag:$0x1] =	stream.indirect_vreg.gather [hbm4b:s9+s2], $0x80, v3, vm0, $0xb8;
	[tilespmem:$0x10080] =	vst v63  }
0xba: {  	s28 =	simm.s32 $0xF880  }
0xbb: {  	[tilespmem:s28], [sflag:$0x1] =	stream.indirect_vreg.gather [hbm4b:s10+s2], $0x80, v3, vm0, $0xb8;
	[tilespmem:$0x10080] =	vst v63  }
0xbc: {  	_ =	swait.ge [sflag:s26], $0x10000  }
0xbd: {  	[sflag:s26] =	ssyncset.done $0x0  }
0xbe: {  	s28 =	rddreg [dreg:$0x5];
	[sflag:s26] =	ssyncadd.s32 $0xFFFF0000  }
0xbf: {  	[hbm4b:s28+s2] =	stream.linear.scatter [tilespmem:s13], [sflag:$0x2], $0x10000, $0x38;
	[tilespmem:$0x10080] =	vst v63  }
0xc0: {  	_ =	swait.ge [sflag:s12], $0x10000  }
0xc1: {  	[sflag:s12] =	ssyncset.done $0x0  }
0xc2: {  	s28 =	rddreg [dreg:$0x6];
	[sflag:s12] =	ssyncadd.s32 $0xFFFF0000  }
0xc3: {  	[tilespmem:s2], [sflag:$0x2] =	stream.linear.gather [hbm4b:s28+s2], $0x20, $0x38;
	[tilespmem:$0x10080] =	vst v63  }
0xc4: {  	_ =	swait.ge [sflag:s12], $0x20  }
0xc5: {  	[sflag:s12] =	ssyncset.done $0x0  }
0xc6: {  	[sflag:s12] =	ssyncadd.s32 $0xFFFFFFE0  }
0xc7: {  	v3 =	vld [tilespmem:$0x0];
	_ =	sdelay $0x4  }
0xc8: {  	v60 =	vshll.u32 v3, $0x4  }
0xc9: {  	v3 =	vand.u32 $0x7, v3;
	v4 =	vand.u32 $0xFFFFFF80, v60  }
0xca: {  	v3 =	vor.u32 v3, v4  }
0xcb: {  	v4 =	vperm.xlane v3, v0;
	_ =	sdelay $0x1  }
0xcc: {  	v4 =	vadd.s32 v1, v4;
	_ =	sdelay $0x4  }
0xcd: {  	[tilespmem:s13], [sflag:$0x1] =	stream.indirect_vreg.gather [hbm4b:s3+s2], $0x80, v4, vm0, $0xb8;
	[tilespmem:$0x10080] =	vst v63  }
0xce: {  	_ = 	snop  }
0xcf: {  	[tilespmem:s29], [sflag:$0x1] =	stream.indirect_vreg.gather [hbm4b:s4+s2], $0x80, v4, vm0, $0xb8;
	[tilespmem:$0x10080] =	vst v63  }
0xd0: {  	_ = 	snop  }
0xd1: {  	[tilespmem:s30], [sflag:$0x1] =	stream.indirect_vreg.gather [hbm4b:s5+s2], $0x80, v4, vm0, $0xb8;
	[tilespmem:$0x10080] =	vst v63  }
0xd2: {  	_ = 	snop  }
0xd3: {  	[tilespmem:s31], [sflag:$0x1] =	stream.indirect_vreg.gather [hbm4b:s6+s2], $0x80, v4, vm0, $0xb8;
	[tilespmem:$0x10080] =	vst v63  }
0xd4: {  	_ = 	snop  }
0xd5: {  	[tilespmem:s1], [sflag:$0x1] =	stream.indirect_vreg.gather [hbm4b:s7+s2], $0x80, v4, vm0, $0xb8;
	[tilespmem:$0x10080] =	vst v63  }
0xd6: {  	v3 =	vperm.xlane v3, v2  }
0xd7: {  	[tilespmem:s0], [sflag:$0x1] =	stream.indirect_vreg.gather [hbm4b:s8+s2], $0x80, v4, vm0, $0xb8;
	[tilespmem:$0x10080] =	vst v63  }
0xd8: {  	v3 =	vadd.s32 v1, v3  }
0xd9: {  	[tilespmem:s14], [sflag:$0x1] =	stream.indirect_vreg.gather [hbm4b:s9+s2], $0x80, v4, vm0, $0xb8;
	[tilespmem:$0x10080] =	vst v63  }
0xda: {  	_ = 	snop  }
0xdb: {  	[tilespmem:s15], [sflag:$0x1] =	stream.indirect_vreg.gather [hbm4b:s10+s2], $0x80, v4, vm0, $0xb8;
	[tilespmem:$0x10080] =	vst v63  }
0xdc: {  	_ = 	snop  }
0xdd: {  	[tilespmem:s16], [sflag:$0x1] =	stream.indirect_vreg.gather [hbm4b:s3+s2], $0x80, v3, vm0, $0xb8;
	[tilespmem:$0x10080] =	vst v63  }
0xde: {  	_ = 	snop  }
0xdf: {  	[tilespmem:s17], [sflag:$0x1] =	stream.indirect_vreg.gather [hbm4b:s4+s2], $0x80, v3, vm0, $0xb8;
	[tilespmem:$0x10080] =	vst v63  }
0xe0: {  	_ = 	snop  }
0xe1: {  	[tilespmem:s18], [sflag:$0x1] =	stream.indirect_vreg.gather [hbm4b:s5+s2], $0x80, v3, vm0, $0xb8;
	[tilespmem:$0x10080] =	vst v63  }
0xe2: {  	_ = 	snop  }
0xe3: {  	[tilespmem:s19], [sflag:$0x1] =	stream.indirect_vreg.gather [hbm4b:s6+s2], $0x80, v3, vm0, $0xb8;
	[tilespmem:$0x10080] =	vst v63  }
0xe4: {  	_ = 	snop  }
0xe5: {  	[tilespmem:s20], [sflag:$0x1] =	stream.indirect_vreg.gather [hbm4b:s7+s2], $0x80, v3, vm0, $0xb8;
	[tilespmem:$0x10080] =	vst v63  }
0xe6: {  	_ = 	snop  }
0xe7: {  	[tilespmem:s21], [sflag:$0x1] =	stream.indirect_vreg.gather [hbm4b:s8+s2], $0x80, v3, vm0, $0xb8;
	[tilespmem:$0x10080] =	vst v63  }
0xe8: {  	_ = 	snop  }
0xe9: {  	[tilespmem:s22], [sflag:$0x1] =	stream.indirect_vreg.gather [hbm4b:s9+s2], $0x80, v3, vm0, $0xb8;
	[tilespmem:$0x10080] =	vst v63  }
0xea: {  	_ = 	snop  }
0xeb: {  	[tilespmem:s23], [sflag:$0x1] =	stream.indirect_vreg.gather [hbm4b:s10+s2], $0x80, v3, vm0, $0xb8;
	[tilespmem:$0x10080] =	vst v63  }
0xec: {  	v3 =	vld [tilespmem:$0x10];
	_ =	sdelay $0x4  }
0xed: {  	v61 =	vshll.u32 v3, $0x4  }
0xee: {  	v3 =	vand.u32 $0x7, v3;
	v4 =	vand.u32 $0xFFFFFF80, v61  }
0xef: {  	v3 =	vor.u32 v3, v4  }
0xf0: {  	v4 =	vperm.xlane v3, v0;
	_ =	sdelay $0x1  }
0xf1: {  	v4 =	vadd.s32 v1, v4;
	_ =	sdelay $0x4  }
0xf2: {  	[tilespmem:s24], [sflag:$0x1] =	stream.indirect_vreg.gather [hbm4b:s3+s2], $0x80, v4, vm0, $0xb8;
	[tilespmem:$0x10080] =	vst v63  }
0xf3: {  	_ = 	snop  }
0xf4: {  	[tilespmem:s25], [sflag:$0x1] =	stream.indirect_vreg.gather [hbm4b:s4+s2], $0x80, v4, vm0, $0xb8;
	[tilespmem:$0x10080] =	vst v63  }
0xf5: {  	s28 =	simm.s32 $0x9080  }
0xf6: {  	[tilespmem:s28], [sflag:$0x1] =	stream.indirect_vreg.gather [hbm4b:s5+s2], $0x80, v4, vm0, $0xb8;
	[tilespmem:$0x10080] =	vst v63  }
0xf7: {  	s28 =	simm.s32 $0x9880  }
0xf8: {  	[tilespmem:s28], [sflag:$0x1] =	stream.indirect_vreg.gather [hbm4b:s6+s2], $0x80, v4, vm0, $0xb8;
	[tilespmem:$0x10080] =	vst v63  }
0xf9: {  	s28 =	simm.s32 $0xA080  }
0xfa: {  	[tilespmem:s28], [sflag:$0x1] =	stream.indirect_vreg.gather [hbm4b:s7+s2], $0x80, v4, vm0, $0xb8;
	[tilespmem:$0x10080] =	vst v63  }
0xfb: {  	v3 =	vperm.xlane v3, v2;
	s28 =	simm.s32 $0xA880  }
0xfc: {  	[tilespmem:s28], [sflag:$0x1] =	stream.indirect_vreg.gather [hbm4b:s8+s2], $0x80, v4, vm0, $0xb8;
	[tilespmem:$0x10080] =	vst v63  }
0xfd: {  	v3 =	vadd.s32 v1, v3;
	s28 =	simm.s32 $0xB080  }
0xfe: {  	[tilespmem:s28], [sflag:$0x1] =	stream.indirect_vreg.gather [hbm4b:s9+s2], $0x80, v4, vm0, $0xb8;
	[tilespmem:$0x10080] =	vst v63  }
0xff: {  	s28 =	simm.s32 $0xB880  }
0x100: {  	[tilespmem:s28], [sflag:$0x1] =	stream.indirect_vreg.gather [hbm4b:s10+s2], $0x80, v4, vm0, $0xb8;
	[tilespmem:$0x10080] =	vst v63  }
0x101: {  	s28 =	simm.s32 $0xC080  }
0x102: {  	[tilespmem:s28], [sflag:$0x1] =	stream.indirect_vreg.gather [hbm4b:s3+s2], $0x80, v3, vm0, $0xb8;
	[tilespmem:$0x10080] =	vst v63  }
0x103: {  	s28 =	simm.s32 $0xC880  }
0x104: {  	[tilespmem:s28], [sflag:$0x1] =	stream.indirect_vreg.gather [hbm4b:s4+s2], $0x80, v3, vm0, $0xb8;
	[tilespmem:$0x10080] =	vst v63  }
0x105: {  	s28 =	simm.s32 $0xD080  }
0x106: {  	[tilespmem:s28], [sflag:$0x1] =	stream.indirect_vreg.gather [hbm4b:s5+s2], $0x80, v3, vm0, $0xb8;
	[tilespmem:$0x10080] =	vst v63  }
0x107: {  	s28 =	simm.s32 $0xD880  }
0x108: {  	[tilespmem:s28], [sflag:$0x1] =	stream.indirect_vreg.gather [hbm4b:s6+s2], $0x80, v3, vm0, $0xb8;
	[tilespmem:$0x10080] =	vst v63  }
0x109: {  	s28 =	simm.s32 $0xE080  }
0x10a: {  	[tilespmem:s28], [sflag:$0x1] =	stream.indirect_vreg.gather [hbm4b:s7+s2], $0x80, v3, vm0, $0xb8;
	[tilespmem:$0x10080] =	vst v63  }
0x10b: {  	s28 =	simm.s32 $0xE880  }
0x10c: {  	[tilespmem:s28], [sflag:$0x1] =	stream.indirect_vreg.gather [hbm4b:s8+s2], $0x80, v3, vm0, $0xb8;
	[tilespmem:$0x10080] =	vst v63  }
0x10d: {  	s28 =	simm.s32 $0xF080  }
0x10e: {  	[tilespmem:s28], [sflag:$0x1] =	stream.indirect_vreg.gather [hbm4b:s9+s2], $0x80, v3, vm0, $0xb8;
	[tilespmem:$0x10080] =	vst v63  }
0x10f: {  	s28 =	simm.s32 $0xF880  }
0x110: {  	[tilespmem:s28], [sflag:$0x1] =	stream.indirect_vreg.gather [hbm4b:s10+s2], $0x80, v3, vm0, $0xb8;
	[tilespmem:$0x10080] =	vst v63  }
0x111: {  	_ =	swait.ge [sflag:s26], $0x10000  }
0x112: {  	[sflag:s26] =	ssyncset.done $0x0  }
0x113: {  	s28 =	rddreg [dreg:$0x7];
	[sflag:s26] =	ssyncadd.s32 $0xFFFF0000  }
0x114: {  	[hbm4b:s28+s2] =	stream.linear.scatter [tilespmem:s13], [sflag:$0x2], $0x10000, $0x38;
	[tilespmem:$0x10080] =	vst v63  }
0x115: {  	_ =	swait.ge [sflag:s12], $0x10000  }
0x116: {  	[sflag:s12] =	ssyncset.done $0x0  }
0x117: {  	s28 =	rddreg [dreg:$0x8];
	[sflag:s12] =	ssyncadd.s32 $0xFFFF0000  }
0x118: {  	[tilespmem:s2], [sflag:$0x2] =	stream.linear.gather [hbm4b:s28+s2], $0x20, $0x38;
	[tilespmem:$0x10080] =	vst v63  }
0x119: {  	_ =	swait.ge [sflag:s12], $0x20  }
0x11a: {  	[sflag:s12] =	ssyncset.done $0x0  }
0x11b: {  	[sflag:s12] =	ssyncadd.s32 $0xFFFFFFE0  }
0x11c: {  	v3 =	vld [tilespmem:$0x0];
	_ =	sdelay $0x4  }
0x11d: {  	v62 =	vshll.u32 v3, $0x4  }
0x11e: {  	v3 =	vand.u32 $0x7, v3;
	v4 =	vand.u32 $0xFFFFFF80, v62  }
0x11f: {  	v3 =	vor.u32 v3, v4  }
0x120: {  	v4 =	vperm.xlane v3, v0;
	_ =	sdelay $0x1  }
0x121: {  	v4 =	vadd.s32 v1, v4;
	_ =	sdelay $0x4  }
0x122: {  	[tilespmem:s13], [sflag:$0x1] =	stream.indirect_vreg.gather [hbm4b:s3+s2], $0x80, v4, vm0, $0xb8;
	[tilespmem:$0x10080] =	vst v63  }
0x123: {  	_ = 	snop  }
0x124: {  	[tilespmem:s29], [sflag:$0x1] =	stream.indirect_vreg.gather [hbm4b:s4+s2], $0x80, v4, vm0, $0xb8;
	[tilespmem:$0x10080] =	vst v63  }
0x125: {  	_ = 	snop  }
0x126: {  	[tilespmem:s30], [sflag:$0x1] =	stream.indirect_vreg.gather [hbm4b:s5+s2], $0x80, v4, vm0, $0xb8;
	[tilespmem:$0x10080] =	vst v63  }
0x127: {  	_ = 	snop  }
0x128: {  	[tilespmem:s31], [sflag:$0x1] =	stream.indirect_vreg.gather [hbm4b:s6+s2], $0x80, v4, vm0, $0xb8;
	[tilespmem:$0x10080] =	vst v63  }
0x129: {  	_ = 	snop  }
0x12a: {  	[tilespmem:s1], [sflag:$0x1] =	stream.indirect_vreg.gather [hbm4b:s7+s2], $0x80, v4, vm0, $0xb8;
	[tilespmem:$0x10080] =	vst v63  }
0x12b: {  	v3 =	vperm.xlane v3, v2  }
0x12c: {  	[tilespmem:s0], [sflag:$0x1] =	stream.indirect_vreg.gather [hbm4b:s8+s2], $0x80, v4, vm0, $0xb8;
	[tilespmem:$0x10080] =	vst v63  }
0x12d: {  	v3 =	vadd.s32 v1, v3  }
0x12e: {  	[tilespmem:s14], [sflag:$0x1] =	stream.indirect_vreg.gather [hbm4b:s9+s2], $0x80, v4, vm0, $0xb8;
	[tilespmem:$0x10080] =	vst v63  }
0x12f: {  	_ = 	snop  }
0x130: {  	[tilespmem:s15], [sflag:$0x1] =	stream.indirect_vreg.gather [hbm4b:s10+s2], $0x80, v4, vm0, $0xb8;
	[tilespmem:$0x10080] =	vst v63  }
0x131: {  	_ = 	snop  }
0x132: {  	[tilespmem:s16], [sflag:$0x1] =	stream.indirect_vreg.gather [hbm4b:s3+s2], $0x80, v3, vm0, $0xb8;
	[tilespmem:$0x10080] =	vst v63  }
0x133: {  	_ = 	snop  }
0x134: {  	[tilespmem:s17], [sflag:$0x1] =	stream.indirect_vreg.gather [hbm4b:s4+s2], $0x80, v3, vm0, $0xb8;
	[tilespmem:$0x10080] =	vst v63  }
0x135: {  	_ = 	snop  }
0x136: {  	[tilespmem:s18], [sflag:$0x1] =	stream.indirect_vreg.gather [hbm4b:s5+s2], $0x80, v3, vm0, $0xb8;
	[tilespmem:$0x10080] =	vst v63  }
0x137: {  	_ = 	snop  }
0x138: {  	[tilespmem:s19], [sflag:$0x1] =	stream.indirect_vreg.gather [hbm4b:s6+s2], $0x80, v3, vm0, $0xb8;
	[tilespmem:$0x10080] =	vst v63  }
0x139: {  	_ = 	snop  }
0x13a: {  	[tilespmem:s20], [sflag:$0x1] =	stream.indirect_vreg.gather [hbm4b:s7+s2], $0x80, v3, vm0, $0xb8;
	[tilespmem:$0x10080] =	vst v63  }
0x13b: {  	_ = 	snop  }
0x13c: {  	[tilespmem:s21], [sflag:$0x1] =	stream.indirect_vreg.gather [hbm4b:s8+s2], $0x80, v3, vm0, $0xb8;
	[tilespmem:$0x10080] =	vst v63  }
0x13d: {  	_ = 	snop  }
0x13e: {  	[tilespmem:s22], [sflag:$0x1] =	stream.indirect_vreg.gather [hbm4b:s9+s2], $0x80, v3, vm0, $0xb8;
	[tilespmem:$0x10080] =	vst v63  }
0x13f: {  	_ = 	snop  }
0x140: {  	[tilespmem:s23], [sflag:$0x1] =	stream.indirect_vreg.gather [hbm4b:s10+s2], $0x80, v3, vm0, $0xb8;
	[tilespmem:$0x10080] =	vst v63  }
0x141: {  	v3 =	vld [tilespmem:$0x10];
	_ =	sdelay $0x4  }
0x142: {  	v63 =	vshll.u32 v3, $0x4  }
0x143: {  	v3 =	vand.u32 $0x7, v3;
	v4 =	vand.u32 $0xFFFFFF80, v63  }
0x144: {  	v3 =	vor.u32 v3, v4  }
0x145: {  	v4 =	vperm.xlane v3, v0;
	_ =	sdelay $0x1  }
0x146: {  	v4 =	vadd.s32 v1, v4;
	_ =	sdelay $0x4  }
0x147: {  	[tilespmem:s24], [sflag:$0x1] =	stream.indirect_vreg.gather [hbm4b:s3+s2], $0x80, v4, vm0, $0xb8;
	[tilespmem:$0x10080] =	vst v63  }
0x148: {  	_ = 	snop  }
0x149: {  	[tilespmem:s25], [sflag:$0x1] =	stream.indirect_vreg.gather [hbm4b:s4+s2], $0x80, v4, vm0, $0xb8;
	[tilespmem:$0x10080] =	vst v63  }
0x14a: {  	s28 =	simm.s32 $0x9080  }
0x14b: {  	[tilespmem:s28], [sflag:$0x1] =	stream.indirect_vreg.gather [hbm4b:s5+s2], $0x80, v4, vm0, $0xb8;
	[tilespmem:$0x10080] =	vst v63  }
0x14c: {  	s28 =	simm.s32 $0x9880  }
0x14d: {  	[tilespmem:s28], [sflag:$0x1] =	stream.indirect_vreg.gather [hbm4b:s6+s2], $0x80, v4, vm0, $0xb8;
	[tilespmem:$0x10080] =	vst v63  }
0x14e: {  	s28 =	simm.s32 $0xA080  }
0x14f: {  	[tilespmem:s28], [sflag:$0x1] =	stream.indirect_vreg.gather [hbm4b:s7+s2], $0x80, v4, vm0, $0xb8;
	[tilespmem:$0x10080] =	vst v63  }
0x150: {  	v3 =	vperm.xlane v3, v2;
	s28 =	simm.s32 $0xA880  }
0x151: {  	[tilespmem:s28], [sflag:$0x1] =	stream.indirect_vreg.gather [hbm4b:s8+s2], $0x80, v4, vm0, $0xb8;
	[tilespmem:$0x10080] =	vst v63  }
0x152: {  	v3 =	vadd.s32 v1, v3;
	s28 =	simm.s32 $0xB080  }
0x153: {  	[tilespmem:s28], [sflag:$0x1] =	stream.indirect_vreg.gather [hbm4b:s9+s2], $0x80, v4, vm0, $0xb8;
	[tilespmem:$0x10080] =	vst v63  }
0x154: {  	s28 =	simm.s32 $0xB880  }
0x155: {  	[tilespmem:s28], [sflag:$0x1] =	stream.indirect_vreg.gather [hbm4b:s10+s2], $0x80, v4, vm0, $0xb8;
	[tilespmem:$0x10080] =	vst v63  }
0x156: {  	s28 =	simm.s32 $0xC080  }
0x157: {  	[tilespmem:s28], [sflag:$0x1] =	stream.indirect_vreg.gather [hbm4b:s3+s2], $0x80, v3, vm0, $0xb8;
	[tilespmem:$0x10080] =	vst v63  }
0x158: {  	s28 =	simm.s32 $0xC880  }
0x159: {  	[tilespmem:s28], [sflag:$0x1] =	stream.indirect_vreg.gather [hbm4b:s4+s2], $0x80, v3, vm0, $0xb8;
	[tilespmem:$0x10080] =	vst v63  }
0x15a: {  	s28 =	simm.s32 $0xD080  }
0x15b: {  	[tilespmem:s28], [sflag:$0x1] =	stream.indirect_vreg.gather [hbm4b:s5+s2], $0x80, v3, vm0, $0xb8;
	[tilespmem:$0x10080] =	vst v63  }
0x15c: {  	s28 =	simm.s32 $0xD880  }
0x15d: {  	[tilespmem:s28], [sflag:$0x1] =	stream.indirect_vreg.gather [hbm4b:s6+s2], $0x80, v3, vm0, $0xb8;
	[tilespmem:$0x10080] =	vst v63  }
0x15e: {  	s28 =	simm.s32 $0xE080  }
0x15f: {  	[tilespmem:s28], [sflag:$0x1] =	stream.indirect_vreg.gather [hbm4b:s7+s2], $0x80, v3, vm0, $0xb8;
	[tilespmem:$0x10080] =	vst v63  }
0x160: {  	s28 =	simm.s32 $0xE880  }
0x161: {  	[tilespmem:s28], [sflag:$0x1] =	stream.indirect_vreg.gather [hbm4b:s8+s2], $0x80, v3, vm0, $0xb8;
	[tilespmem:$0x10080] =	vst v63  }
0x162: {  	s28 =	simm.s32 $0xF080  }
0x163: {  	[tilespmem:s28], [sflag:$0x1] =	stream.indirect_vreg.gather [hbm4b:s9+s2], $0x80, v3, vm0, $0xb8;
	[tilespmem:$0x10080] =	vst v63  }
0x164: {  	s28 =	simm.s32 $0xF880  }
0x165: {  	[tilespmem:s28], [sflag:$0x1] =	stream.indirect_vreg.gather [hbm4b:s10+s2], $0x80, v3, vm0, $0xb8;
	[tilespmem:$0x10080] =	vst v63  }
0x166: {  	_ =	swait.ge [sflag:s26], $0x10000  }
0x167: {  	p0 =	sne.s32 s11, $0x1;
	[sflag:s26] =	ssyncset.done $0x0  }
.Ltmp0:
0x168: {  	s0 =	rddreg [dreg:$0x9];
	[sflag:s26] =	ssyncadd.s32 $0xFFFF0000;
	(pc) =	sbr.rel @p0 .LBB2_1-.Ltmp0, $4  }
0x169: {  	[hbm4b:s0+s2] =	stream.linear.scatter [tilespmem:s13], [sflag:$0x2], $0x10000, $0x38;
	[tilespmem:$0x10080] =	vst v63  }
0x16a: {  	_ =	swait.ge [sflag:s12], $0x10000  }
0x16b: {  	[sflag:s12] =	ssyncset.done $0x0  }
0x16c: {  	s11 =	sadd.s32 $0xFFFFFFFF, s11;
	[sflag:s12] =	ssyncadd.s32 $0xFFFF0000  }
0x16d: {  	_ =	sfence.sel $0x180000  }
0x16e: {  	[bflag:$0x0] =	sbarrier.arrive $0xFFFF  }
0x16f: {  	_ =	strace $0x9000004A  }
0x170: {  	s0 =	stileid.u32;
	[bflag:$0x2] =	sbarrier.arrive $0xFFFF  }
0x171: {  	p0 =	sne.s32 s0, $0x0;
	s0 =	rddreg [dreg:$0x1]  }
0x172: {  	s0 =	sadd.s32 @!p0 $0x100000, s0  }
0x173: {  	[sflag:s0] =	ssyncadd.tile.s32 @!p0 $0x1;
	_ =	shalt  }
.Lfunc_end2:
_tile_overlayer_lowered:
.L_overlay_start_2:
0x174: {  	(tag) =	ssettag $0x2  }
0x175: {  	s0 =	rddreg [dreg:$0x0];
	s2 =	stileid.u32  }
0x176: {  	s1 =	rddreg [dreg:$0x1];
	p0 =	sne.s32 s2, $0x0  }
0x177: {  	s3 =	rddreg [dreg:$0x2];
	[bflag:$0x3] =	sbarrier.arrive $0xFFFF;
	s2 =	simm.s32 @!p0 $0x1C02  }
0x178: {  	[timem:s3], [sflag:s2] =	dma.local @!p0 [hbm:s0], s1  }
0x179: {  	s0 =	simm.s32 @!p0 $0x2  }
0x17a: {  	_ =	swait.ge @!p0 [sflag:s0], s1  }
0x17b: {  	s1 =	ssub.s32 @!p0 $0x0, s1;
	[sflag:s0] =	ssyncset.done @!p0 $0x0  }
0x17c: {  	[sflag:s0] =	ssyncadd.s32 @!p0 s1  }
0x17d: {  	[bflag:$0x3] =	sbarrier.arrive $0xFFFF  }
0x17e: {  	_ =	shalt  }

</sc_bundles>
